<compile_context>
chip_gen: v7x
topology: tpu7x:2x2x1
jax: 0.10.2.dev20260603
libtpu: 0.0.44.dev20260713+nightly
codegen_flags: <defaults>
</compile_context>

<pallas_src>
import functools

import jax
import jax.numpy as jnp
from jax import lax
from jax.experimental import pallas as pl
from jax.experimental.pallas import tpu as pltpu
from jax.experimental.pallas import tpu_sc as plsc

N = 10000
E = 160000
D_IN = 256
HID = 128
LAT = 64

NC = 2
NS = 16
L = 16
NW = NC * NS

N_PAD = 10240
E_PAD = 163840
CHUNK = 128
EPW = E_PAD // NW
ROWS_PW = N_PAD // NS

_MESH = plsc.VectorSubcoreMesh(
    core_axis_name="c", subcore_axis_name="s", num_cores=NC, num_subcores=NS)



def _stage_flat(eif_hbm, wid, v, which, want_src):
    iota = lax.iota(jnp.int32, L)
    epw_real = E - (NW - 1) * EPW

    @pl.when(wid < NW - 1)
    def _():
        pltpu.sync_copy(eif_hbm.at[which, pl.ds(wid * EPW, EPW)], v)

    @pl.when(wid == NW - 1)
    def _():
        pltpu.sync_copy(eif_hbm.at[which, pl.ds((NW - 1) * EPW, epw_real)],
                        v.at[pl.ds(0, epw_real)])

        def pbody(i, carry):
            vals = i * L + iota
            if not want_src:
                vals = N + (vals & 127)
            v[pl.ds(i * L, L)] = vals
            return carry
        lax.fori_loop(epw_real // L, EPW // L, pbody, 0)


def _deg_body(ei_hbm, out0, out1, dst_v, hist_v, acc_v, tmp_v, shared):
    cid = lax.axis_index("c")
    sid = lax.axis_index("s")
    wid = cid * NS + sid
    _stage_flat(ei_hbm, wid, dst_v, 1, False)

    zero = jnp.zeros((L,), jnp.float32)
    ones = jnp.ones((L,), jnp.float32)

    def zbody(i, carry):
        hist_v[pl.ds(i * L, L)] = zero
        return carry
    lax.fori_loop(0, N_PAD // L, zbody, 0)

    def hbody(i, carry):
        idx = dst_v[pl.ds(i * L, L)]
        plsc.addupdate_scatter(hist_v, [idx], ones)
        return carry
    lax.fori_loop(0, EPW // L, hbody, 0)

    pltpu.sync_copy(hist_v, shared.at[sid])
    plsc.subcore_barrier()

    base = sid * ROWS_PW
    pltpu.sync_copy(shared.at[:, pl.ds(base, ROWS_PW)], tmp_v)

    def abody(i, carry):
        s = tmp_v[0, pl.ds(i * L, L)]
        for t in range(1, NS):
            s = s + tmp_v[t, pl.ds(i * L, L)]
        acc_v[pl.ds(i * L, L)] = s
        return carry
    lax.fori_loop(0, ROWS_PW // L, abody, 0)

    @pl.when(cid == 0)
    def _():
        pltpu.sync_copy(acc_v, out0.at[pl.ds(base, ROWS_PW)])

    @pl.when(cid == 1)
    def _():
        pltpu.sync_copy(acc_v, out1.at[pl.ds(base, ROWS_PW)])


_deg_kernel = functools.partial(
    pl.kernel, mesh=_MESH,
    compiler_params=pltpu.CompilerParams(needs_layout_passes=False),
    out_type=(jax.ShapeDtypeStruct((N_PAD,), jnp.float32),
              jax.ShapeDtypeStruct((N_PAD,), jnp.float32)),
    scratch_types=[
        pltpu.VMEM((EPW,), jnp.int32),
        pltpu.VMEM((N_PAD,), jnp.float32),
        pltpu.VMEM((ROWS_PW,), jnp.float32),
        pltpu.VMEM((NS, ROWS_PW), jnp.float32),
        pltpu.VMEM_SHARED((NS, N_PAD), jnp.float32),
    ])(_deg_body)


def _make_scatter(D, nbuf, chunk=CHUNK):
    DL = D // L
    nchunk = EPW // chunk

    def body(g_hbm, eif_hbm, out0, out1, src_v, dst_v, *rest):
        gbufs = rest[:nbuf]
        sems = rest[nbuf:2 * nbuf]
        acc = rest[2 * nbuf]
        cid = lax.axis_index("c")
        sid = lax.axis_index("s")
        wid = cid * NS + sid
        _stage_flat(eif_hbm, wid, src_v, 0, True)
        _stage_flat(eif_hbm, wid, dst_v, 1, False)

        zero = jnp.zeros((L,), jnp.float32)
        gb0 = gbufs[0]

        def zbody(i, carry):
            gb0[i // DL, pl.ds((i % DL) * L, L)] = zero
            return carry
        lax.fori_loop(0, chunk * DL, zbody, 0)

        base = sid * ROWS_PW
        for h in range(ROWS_PW // chunk):
            pltpu.sync_copy(gb0, acc.at[pl.ds(base + h * chunk, chunk)])
        plsc.subcore_barrier()

        for b in range(nbuf):
            pltpu.async_copy(g_hbm.at[src_v.at[pl.ds(chunk * b, chunk)]],
                             gbufs[b], sems[b])

        def step(j, carry):
            for b in range(nbuf):
                t = nbuf * j + b
                pltpu.make_async_copy(
                    g_hbm.at[src_v.at[pl.ds(chunk * t, chunk)]],
                    gbufs[b], sems[b]).wait()
                pltpu.sync_copy(gbufs[b],
                                acc.at[dst_v.at[pl.ds(chunk * t, chunk)]],
                                add=True)

                @pl.when(t + nbuf < nchunk)
                def _():
                    pltpu.async_copy(
                        g_hbm.at[src_v.at[pl.ds(chunk * (t + nbuf), chunk)]],
                        gbufs[b], sems[b])
            return carry
        lax.fori_loop(0, nchunk // nbuf, step, 0)

        plsc.subcore_barrier()
        for h in range(ROWS_PW // chunk):
            pltpu.sync_copy(acc.at[pl.ds(base + h * chunk, chunk)], gb0)

            @pl.when(cid == 0)
            def _():
                pltpu.sync_copy(gb0, out0.at[pl.ds(base + h * chunk, chunk)])

            @pl.when(cid == 1)
            def _():
                pltpu.sync_copy(gb0, out1.at[pl.ds(base + h * chunk, chunk)])

    return functools.partial(
        pl.kernel, mesh=_MESH,
        compiler_params=pltpu.CompilerParams(use_tc_tiling_on_sc=False),
        out_type=(jax.ShapeDtypeStruct((N_PAD, D), jnp.float32),
                  jax.ShapeDtypeStruct((N_PAD, D), jnp.float32)),
        scratch_types=[
            pltpu.VMEM((EPW,), jnp.int32),
            pltpu.VMEM((EPW,), jnp.int32),
        ] + [pltpu.VMEM((chunk, D), jnp.float32)] * nbuf
          + [pltpu.SemaphoreType.DMA] * nbuf
          + [pltpu.VMEM_SHARED((N_PAD, D), jnp.float32)],
    )(body)


_scatter_hid = _make_scatter(HID, nbuf=4, chunk=64)
_scatter_lat = _make_scatter(LAT, nbuf=8)



RB = 1024
_GRID = (N_PAD // RB,)


def _rows(d):
    return pl.BlockSpec((RB, d), lambda i: (i, 0))


def _vec():
    return pl.BlockSpec((RB,), lambda i: (i,))


def _full(*shape):
    return pl.BlockSpec(shape, lambda i: tuple(0 for _ in shape))


def _mm1_body(x_ref, w_ref, d0_ref, d1_ref, g_ref, dinv_ref):
    dinv = lax.rsqrt(d0_ref[:] + d1_ref[:] + 1.0)
    h = jnp.dot(x_ref[:], w_ref[:], preferred_element_type=jnp.float32)
    g_ref[:] = h * dinv[:, None]
    dinv_ref[:] = dinv


_mm1 = pl.pallas_call(
    _mm1_body,
    grid=_GRID,
    in_specs=[_rows(D_IN), _full(D_IN, HID), _vec(), _vec()],
    out_specs=(_rows(HID), _vec()),
    out_shape=(jax.ShapeDtypeStruct((N_PAD, HID), jnp.float32),
               jax.ShapeDtypeStruct((N_PAD,), jnp.float32)),
)


def _mid_body(s0_ref, s1_ref, g1_ref, dinv_ref, b1_ref, w2_ref, g2_ref):
    dinv = dinv_ref[:]
    out1 = (s0_ref[:] + s1_ref[:] + g1_ref[:]) * dinv[:, None] + b1_ref[:]
    x2 = jnp.maximum(out1, 0.0)
    h2 = jnp.dot(x2, w2_ref[:], preferred_element_type=jnp.float32)
    g2_ref[:] = h2 * dinv[:, None]


_mid = pl.pallas_call(
    _mid_body,
    grid=_GRID,
    in_specs=[_rows(HID), _rows(HID), _rows(HID), _vec(),
              _full(1, HID), _full(HID, LAT)],
    out_specs=_rows(LAT),
    out_shape=jax.ShapeDtypeStruct((N_PAD, LAT), jnp.float32),
)


def _fin_body(s0_ref, s1_ref, g2_ref, dinv_ref, b2_ref, mean_ref, logvar_ref):
    dinv = dinv_ref[:]
    out = (s0_ref[:] + s1_ref[:] + g2_ref[:]) * dinv[:, None] + b2_ref[:]
    mean_ref[:] = out[:, : LAT // 2]
    logvar_ref[:] = out[:, LAT // 2:]


_fin = pl.pallas_call(
    _fin_body,
    grid=_GRID,
    in_specs=[_rows(LAT), _rows(LAT), _rows(LAT), _vec(), _full(1, LAT)],
    out_specs=(pl.BlockSpec((RB, LAT // 2), lambda i: (i, 0)),
               pl.BlockSpec((RB, LAT // 2), lambda i: (i, 0))),
    out_shape=(jax.ShapeDtypeStruct((N, LAT // 2), jnp.float32),
               jax.ShapeDtypeStruct((N, LAT // 2), jnp.float32)),
)



def kernel(x, edge_index, W1, b1, W2, b2):
    ei = edge_index.astype(jnp.int32)

    deg0, deg1 = _deg_kernel(ei)
    g1, dinv = _mm1(x, W1, deg0, deg1)
    s1a, s1b = _scatter_hid(g1, ei)
    g2 = _mid(s1a, s1b, g1, dinv, b1.reshape(1, HID), W2)
    s2a, s2b = _scatter_lat(g2, ei)
    return _fin(s2a, s2b, g2, dinv, b2.reshape(1, LAT))

# --- scband reference (transcript-rebuilt; emitter-appended) ---
"""Pipeline reference for scband-graph-encoder-53420803228322 (READ-ONLY COPY).

The authoritative reference and input builder live on the scoring server;
editing this copy changes nothing except your own understanding.
"""

import jax, jax.numpy as jnp
import numpy as np

N = 10000
E = 160000
D_IN = 256
HID = 128
LAT = 64


def setup_inputs(seed: int = 0) -> dict:
    key = jax.random.key(seed)
    k1, k2, k3, k4 = jax.random.split(key, 4)
    x = jax.random.normal(k1, (N, D_IN), dtype=jnp.float32)
    edge_index = jax.random.randint(k2, (2, E), 0, N)
    # Kaiming-normal initialized weights (fan_in mode, relu gain), zero bias
    W1 = jax.random.normal(k3, (D_IN, HID), dtype=jnp.float32) * jnp.sqrt(2.0 / D_IN)
    b1 = jnp.zeros((HID,), dtype=jnp.float32)
    W2 = jax.random.normal(k4, (HID, LAT), dtype=jnp.float32) * jnp.sqrt(2.0 / HID)
    b2 = jnp.zeros((LAT,), dtype=jnp.float32)
    return {"x": x, "edge_index": edge_index, "W1": W1, "b1": b1, "W2": W2, "b2": b2}


def _gcn_conv(x, edge_index, W, b):
    # PyG-style GCNConv: add self-loops, symmetric normalization D^-1/2 A D^-1/2, then linear.
    n = x.shape[0]
    src = edge_index[0]
    dst = edge_index[1]
    loop = jnp.arange(n, dtype=src.dtype)
    src = jnp.concatenate([src, loop])
    dst = jnp.concatenate([dst, loop])
    deg = jnp.zeros((n,), dtype=x.dtype).at[dst].add(1.0)
    dinv = jax.lax.rsqrt(deg)  # deg >= 1 thanks to self-loops
    norm = dinv[src] * dinv[dst]
    h = x @ W
    msg = jnp.take(h, src, axis=0) * norm[:, None]
    out = jnp.zeros((n, W.shape[1]), dtype=x.dtype).at[dst].add(msg)
    return out + b


def reference(x, edge_index, W1, b1, W2, b2):
    h = jax.nn.relu(_gcn_conv(x, edge_index, W1, b1))
    h = _gcn_conv(h, edge_index, W2, b2)
    mean, logvar = jnp.split(h, 2, axis=-1)
    return (mean, logvar)

if __name__ == "__main__":
    import jax
    _d = setup_inputs()
    print(jax.jit(kernel)(*tuple(_d.values())))

</pallas_src>

<mosaic_0001>
#map = affine_map<(d0, d1) -> (0, 0)>
module attributes {stable_mosaic.version = 14 : i64} {
  func.func @body(%arg0: i32, %arg1: i32, %arg2: memref<10240x64xf32, #tpu.memory_space<hbm>>, %arg3: memref<2x160000xi32, #tpu.memory_space<hbm>>, %arg4: memref<10240x64xf32, #tpu.memory_space<hbm>>, %arg5: memref<10240x64xf32, #tpu.memory_space<hbm>>, %arg6: memref<5120xi32, #tpu.memory_space<vmem>>, %arg7: memref<5120xi32, #tpu.memory_space<vmem>>, %arg8: memref<128x64xf32, #tpu.memory_space<vmem>>, %arg9: memref<128x64xf32, #tpu.memory_space<vmem>>, %arg10: memref<128x64xf32, #tpu.memory_space<vmem>>, %arg11: memref<128x64xf32, #tpu.memory_space<vmem>>, %arg12: memref<128x64xf32, #tpu.memory_space<vmem>>, %arg13: memref<128x64xf32, #tpu.memory_space<vmem>>, %arg14: memref<128x64xf32, #tpu.memory_space<vmem>>, %arg15: memref<128x64xf32, #tpu.memory_space<vmem>>, %arg16: memref<!tpu.dma_semaphore, #tpu.memory_space<semaphore_mem>>, %arg17: memref<!tpu.dma_semaphore, #tpu.memory_space<semaphore_mem>>, %arg18: memref<!tpu.dma_semaphore, #tpu.memory_space<semaphore_mem>>, %arg19: memref<!tpu.dma_semaphore, #tpu.memory_space<semaphore_mem>>, %arg20: memref<!tpu.dma_semaphore, #tpu.memory_space<semaphore_mem>>, %arg21: memref<!tpu.dma_semaphore, #tpu.memory_space<semaphore_mem>>, %arg22: memref<!tpu.dma_semaphore, #tpu.memory_space<semaphore_mem>>, %arg23: memref<!tpu.dma_semaphore, #tpu.memory_space<semaphore_mem>>, %arg24: memref<10240x64xf32, #tpu.memory_space<vmem_shared>>) attributes {dimension_semantics = [#tpu.dimension_semantics<core_parallel>, #tpu.dimension_semantics<subcore_parallel>], iteration_bounds = array<i64: 2, 16>, scalar_prefetch = 0 : i64, scratch_operands = 19 : i64, tpu.core_type = #tpu.core_type<sc_vector_subcore>, window_params = [{transform_indices = #map}, {transform_indices = #map}, {transform_indices = #map}, {transform_indices = #map}]} {
    %mul3A = arith.constant 16 : i32
    %mul3A_0 = arith.muli %arg0, %mul3A : i32
    %add3A = arith.addi %mul3A_0, %arg1 : i32
    %iota3A = tpu.iota {dimensions = array<i32: 0>} : vector<16xi32>
    %lt3A = arith.constant 31 : i32
    %lt3A_1 = arith.cmpi slt, %add3A, %lt3A : i32
    %convert_element_type3A = arith.extui %lt3A_1 : i1 to i32
    %cond3A = arith.constant 0 : i32
    %cond3A_2 = arith.cmpi ne, %convert_element_type3A, %cond3A : i32
    scf.if %cond3A_2 {
      %mul3A_142 = arith.constant 5120 : i32
      %mul3A_143 = arith.muli %add3A, %mul3A_142 : i32
      %run_scoped3A = arith.constant 0 : i32
      "tpu.region"() ({
        %run_scoped3A_144 = tpu.sem_alloc : memref<!tpu.dma_semaphore, #tpu.memory_space<semaphore_mem>>
        %dma_start3A_145 = tpu.memref_slice %arg3[%run_scoped3A, %mul3A_143] : memref<2x160000xi32, #tpu.memory_space<hbm>> -> memref<1x5120xi32, #tpu.memory_space<hbm>>
        %dma_start3A_146 = tpu.memref_squeeze %dma_start3A_145 : memref<1x5120xi32, #tpu.memory_space<hbm>> -> memref<5120xi32, #tpu.memory_space<hbm>>
        %dma_start3A_147 = tpu.memref_slice %arg3[%run_scoped3A, %mul3A_143] : memref<2x160000xi32, #tpu.memory_space<hbm>> -> memref<1x5120xi32, #tpu.memory_space<hbm>>
        %dma_start3A_148 = tpu.memref_squeeze %dma_start3A_147 : memref<1x5120xi32, #tpu.memory_space<hbm>> -> memref<5120xi32, #tpu.memory_space<hbm>>
        tpu.enqueue_dma source(%dma_start3A_148 : memref<5120xi32, #tpu.memory_space<hbm>>) target(%arg6 : memref<5120xi32, #tpu.memory_space<vmem>>) target_semaphore(%run_scoped3A_144 : memref<!tpu.dma_semaphore, #tpu.memory_space<semaphore_mem>>)
        %dma_wait3A = tpu.memref_slice %arg3[%run_scoped3A, %mul3A_143] : memref<2x160000xi32, #tpu.memory_space<hbm>> -> memref<1x5120xi32, #tpu.memory_space<hbm>>
        %dma_wait3A_149 = tpu.memref_squeeze %dma_wait3A : memref<1x5120xi32, #tpu.memory_space<hbm>> -> memref<5120xi32, #tpu.memory_space<hbm>>
        %dma_wait3A_150 = tpu.memref_slice %arg3[%run_scoped3A, %mul3A_143] : memref<2x160000xi32, #tpu.memory_space<hbm>> -> memref<1x5120xi32, #tpu.memory_space<hbm>>
        %dma_wait3A_151 = tpu.memref_squeeze %dma_wait3A_150 : memref<1x5120xi32, #tpu.memory_space<hbm>> -> memref<5120xi32, #tpu.memory_space<hbm>>
        tpu.wait_dma2 semaphore(%run_scoped3A_144 : memref<!tpu.dma_semaphore, #tpu.memory_space<semaphore_mem>>) src(%dma_wait3A_151 : memref<5120xi32, #tpu.memory_space<hbm>>) dst(%arg6 : memref<5120xi32, #tpu.memory_space<vmem>>)
        tpu.yield
      }) : () -> ()
    } else {
    }
    %eq3A = arith.constant 31 : i32
    %eq3A_3 = arith.cmpi eq, %add3A, %eq3A : i32
    %convert_element_type3A_4 = arith.extui %eq3A_3 : i1 to i32
    %cond3A_5 = arith.constant 0 : i32
    %cond3A_6 = arith.cmpi ne, %convert_element_type3A_4, %cond3A_5 : i32
    scf.if %cond3A_6 {
      %run_scoped3A = arith.constant 0 : i32
      "tpu.region"() ({
        %run_scoped3A_148 = tpu.sem_alloc : memref<!tpu.dma_semaphore, #tpu.memory_space<semaphore_mem>>
        %dma_start3A_149 = arith.constant 0 : i32
        %dma_start3A_150 = tpu.memref_slice %arg6[%dma_start3A_149] : memref<5120xi32, #tpu.memory_space<vmem>> -> memref<1280xi32, #tpu.memory_space<vmem>>
        %dma_start3A_151 = arith.constant 158720 : i32
        %dma_start3A_152 = tpu.memref_slice %arg3[%run_scoped3A, %dma_start3A_151] : memref<2x160000xi32, #tpu.memory_space<hbm>> -> memref<1x1280xi32, #tpu.memory_space<hbm>>
        %dma_start3A_153 = tpu.memref_squeeze %dma_start3A_152 : memref<1x1280xi32, #tpu.memory_space<hbm>> -> memref<1280xi32, #tpu.memory_space<hbm>>
        %dma_start3A_154 = arith.constant 0 : i32
        %dma_start3A_155 = tpu.memref_slice %arg6[%dma_start3A_154] : memref<5120xi32, #tpu.memory_space<vmem>> -> memref<1280xi32, #tpu.memory_space<vmem>>
        %dma_start3A_156 = arith.constant 158720 : i32
        %dma_start3A_157 = tpu.memref_slice %arg3[%run_scoped3A, %dma_start3A_156] : memref<2x160000xi32, #tpu.memory_space<hbm>> -> memref<1x1280xi32, #tpu.memory_space<hbm>>
        %dma_start3A_158 = tpu.memref_squeeze %dma_start3A_157 : memref<1x1280xi32, #tpu.memory_space<hbm>> -> memref<1280xi32, #tpu.memory_space<hbm>>
        tpu.enqueue_dma source(%dma_start3A_158 : memref<1280xi32, #tpu.memory_space<hbm>>) target(%dma_start3A_155 : memref<1280xi32, #tpu.memory_space<vmem>>) target_semaphore(%run_scoped3A_148 : memref<!tpu.dma_semaphore, #tpu.memory_space<semaphore_mem>>)
        %dma_wait3A = arith.constant 0 : i32
        %dma_wait3A_159 = tpu.memref_slice %arg6[%dma_wait3A] : memref<5120xi32, #tpu.memory_space<vmem>> -> memref<1280xi32, #tpu.memory_space<vmem>>
        %dma_wait3A_160 = arith.constant 158720 : i32
        %dma_wait3A_161 = tpu.memref_slice %arg3[%run_scoped3A, %dma_wait3A_160] : memref<2x160000xi32, #tpu.memory_space<hbm>> -> memref<1x1280xi32, #tpu.memory_space<hbm>>
        %dma_wait3A_162 = tpu.memref_squeeze %dma_wait3A_161 : memref<1x1280xi32, #tpu.memory_space<hbm>> -> memref<1280xi32, #tpu.memory_space<hbm>>
        %dma_wait3A_163 = arith.constant 0 : i32
        %dma_wait3A_164 = tpu.memref_slice %arg6[%dma_wait3A_163] : memref<5120xi32, #tpu.memory_space<vmem>> -> memref<1280xi32, #tpu.memory_space<vmem>>
        %dma_wait3A_165 = arith.constant 158720 : i32
        %dma_wait3A_166 = tpu.memref_slice %arg3[%run_scoped3A, %dma_wait3A_165] : memref<2x160000xi32, #tpu.memory_space<hbm>> -> memref<1x1280xi32, #tpu.memory_space<hbm>>
        %dma_wait3A_167 = tpu.memref_squeeze %dma_wait3A_166 : memref<1x1280xi32, #tpu.memory_space<hbm>> -> memref<1280xi32, #tpu.memory_space<hbm>>
        tpu.wait_dma2 semaphore(%run_scoped3A_148 : memref<!tpu.dma_semaphore, #tpu.memory_space<semaphore_mem>>) src(%dma_wait3A_167 : memref<1280xi32, #tpu.memory_space<hbm>>) dst(%dma_wait3A_164 : memref<1280xi32, #tpu.memory_space<vmem>>)
        tpu.yield
      }) : () -> ()
      %scan3A_142 = arith.constant 0 : i32
      %scan3A_143 = arith.constant 80 : i32
      %scan3A_144 = arith.constant 240 : i32
      %scan3A_145 = arith.addi %scan3A_143, %scan3A_144 : i32
      %scan3A_146 = arith.constant 1 : i32
      scf.for %scan3A_148 = %scan3A_143 to %scan3A_145 step %scan3A_146  : i32 {
        %mul3A_149 = arith.constant 16 : i32
        %mul3A_150 = arith.muli %scan3A_148, %mul3A_149 : i32
        %add3A_151 = vector.broadcast %mul3A_150 : i32 to vector<16xi32>
        %add3A_152 = arith.addi %add3A_151, %iota3A : vector<16xi32>
        %mul3A_153 = arith.constant 16 : i32
        %mul3A_154 = arith.muli %scan3A_148, %mul3A_153 : i32
        %swap3A = arith.index_cast %mul3A_154 : i32 to index
        %swap3A_155 = tpu.vector_load %arg6[%swap3A] {strides = array<i32>} : memref<5120xi32, #tpu.memory_space<vmem>>, vector<16xi32>,
        tpu.vector_store %arg6[%swap3A], %add3A_152 {strides = array<i32>} : memref<5120xi32, #tpu.memory_space<vmem>>, vector<16xi32>,
      }
      %scan3A_147 = arith.constant 240 : i32
    } else {
    }
    %iota3A_7 = tpu.iota {dimensions = array<i32: 0>} : vector<16xi32>
    %lt3A_8 = arith.constant 31 : i32
    %lt3A_9 = arith.cmpi slt, %add3A, %lt3A_8 : i32
    %convert_element_type3A_10 = arith.extui %lt3A_9 : i1 to i32
    %cond3A_11 = arith.constant 0 : i32
    %cond3A_12 = arith.cmpi ne, %convert_element_type3A_10, %cond3A_11 : i32
    scf.if %cond3A_12 {
      %mul3A_142 = arith.constant 5120 : i32
      %mul3A_143 = arith.muli %add3A, %mul3A_142 : i32
      %run_scoped3A = arith.constant 1 : i32
      "tpu.region"() ({
        %run_scoped3A_144 = tpu.sem_alloc : memref<!tpu.dma_semaphore, #tpu.memory_space<semaphore_mem>>
        %dma_start3A_145 = tpu.memref_slice %arg3[%run_scoped3A, %mul3A_143] : memref<2x160000xi32, #tpu.memory_space<hbm>> -> memref<1x5120xi32, #tpu.memory_space<hbm>>
        %dma_start3A_146 = tpu.memref_squeeze %dma_start3A_145 : memref<1x5120xi32, #tpu.memory_space<hbm>> -> memref<5120xi32, #tpu.memory_space<hbm>>
        %dma_start3A_147 = tpu.memref_slice %arg3[%run_scoped3A, %mul3A_143] : memref<2x160000xi32, #tpu.memory_space<hbm>> -> memref<1x5120xi32, #tpu.memory_space<hbm>>
        %dma_start3A_148 = tpu.memref_squeeze %dma_start3A_147 : memref<1x5120xi32, #tpu.memory_space<hbm>> -> memref<5120xi32, #tpu.memory_space<hbm>>
        tpu.enqueue_dma source(%dma_start3A_148 : memref<5120xi32, #tpu.memory_space<hbm>>) target(%arg7 : memref<5120xi32, #tpu.memory_space<vmem>>) target_semaphore(%run_scoped3A_144 : memref<!tpu.dma_semaphore, #tpu.memory_space<semaphore_mem>>)
        %dma_wait3A = tpu.memref_slice %arg3[%run_scoped3A, %mul3A_143] : memref<2x160000xi32, #tpu.memory_space<hbm>> -> memref<1x5120xi32, #tpu.memory_space<hbm>>
        %dma_wait3A_149 = tpu.memref_squeeze %dma_wait3A : memref<1x5120xi32, #tpu.memory_space<hbm>> -> memref<5120xi32, #tpu.memory_space<hbm>>
        %dma_wait3A_150 = tpu.memref_slice %arg3[%run_scoped3A, %mul3A_143] : memref<2x160000xi32, #tpu.memory_space<hbm>> -> memref<1x5120xi32, #tpu.memory_space<hbm>>
        %dma_wait3A_151 = tpu.memref_squeeze %dma_wait3A_150 : memref<1x5120xi32, #tpu.memory_space<hbm>> -> memref<5120xi32, #tpu.memory_space<hbm>>
        tpu.wait_dma2 semaphore(%run_scoped3A_144 : memref<!tpu.dma_semaphore, #tpu.memory_space<semaphore_mem>>) src(%dma_wait3A_151 : memref<5120xi32, #tpu.memory_space<hbm>>) dst(%arg7 : memref<5120xi32, #tpu.memory_space<vmem>>)
        tpu.yield
      }) : () -> ()
    } else {
    }
    %eq3A_13 = arith.constant 31 : i32
    %eq3A_14 = arith.cmpi eq, %add3A, %eq3A_13 : i32
    %convert_element_type3A_15 = arith.extui %eq3A_14 : i1 to i32
    %cond3A_16 = arith.constant 0 : i32
    %cond3A_17 = arith.cmpi ne, %convert_element_type3A_15, %cond3A_16 : i32
    scf.if %cond3A_17 {
      %run_scoped3A = arith.constant 1 : i32
      "tpu.region"() ({
        %run_scoped3A_148 = tpu.sem_alloc : memref<!tpu.dma_semaphore, #tpu.memory_space<semaphore_mem>>
        %dma_start3A_149 = arith.constant 0 : i32
        %dma_start3A_150 = tpu.memref_slice %arg7[%dma_start3A_149] : memref<5120xi32, #tpu.memory_space<vmem>> -> memref<1280xi32, #tpu.memory_space<vmem>>
        %dma_start3A_151 = arith.constant 158720 : i32
        %dma_start3A_152 = tpu.memref_slice %arg3[%run_scoped3A, %dma_start3A_151] : memref<2x160000xi32, #tpu.memory_space<hbm>> -> memref<1x1280xi32, #tpu.memory_space<hbm>>
        %dma_start3A_153 = tpu.memref_squeeze %dma_start3A_152 : memref<1x1280xi32, #tpu.memory_space<hbm>> -> memref<1280xi32, #tpu.memory_space<hbm>>
        %dma_start3A_154 = arith.constant 0 : i32
        %dma_start3A_155 = tpu.memref_slice %arg7[%dma_start3A_154] : memref<5120xi32, #tpu.memory_space<vmem>> -> memref<1280xi32, #tpu.memory_space<vmem>>
        %dma_start3A_156 = arith.constant 158720 : i32
        %dma_start3A_157 = tpu.memref_slice %arg3[%run_scoped3A, %dma_start3A_156] : memref<2x160000xi32, #tpu.memory_space<hbm>> -> memref<1x1280xi32, #tpu.memory_space<hbm>>
        %dma_start3A_158 = tpu.memref_squeeze %dma_start3A_157 : memref<1x1280xi32, #tpu.memory_space<hbm>> -> memref<1280xi32, #tpu.memory_space<hbm>>
        tpu.enqueue_dma source(%dma_start3A_158 : memref<1280xi32, #tpu.memory_space<hbm>>) target(%dma_start3A_155 : memref<1280xi32, #tpu.memory_space<vmem>>) target_semaphore(%run_scoped3A_148 : memref<!tpu.dma_semaphore, #tpu.memory_space<semaphore_mem>>)
        %dma_wait3A = arith.constant 0 : i32
        %dma_wait3A_159 = tpu.memref_slice %arg7[%dma_wait3A] : memref<5120xi32, #tpu.memory_space<vmem>> -> memref<1280xi32, #tpu.memory_space<vmem>>
        %dma_wait3A_160 = arith.constant 158720 : i32
        %dma_wait3A_161 = tpu.memref_slice %arg3[%run_scoped3A, %dma_wait3A_160] : memref<2x160000xi32, #tpu.memory_space<hbm>> -> memref<1x1280xi32, #tpu.memory_space<hbm>>
        %dma_wait3A_162 = tpu.memref_squeeze %dma_wait3A_161 : memref<1x1280xi32, #tpu.memory_space<hbm>> -> memref<1280xi32, #tpu.memory_space<hbm>>
        %dma_wait3A_163 = arith.constant 0 : i32
        %dma_wait3A_164 = tpu.memref_slice %arg7[%dma_wait3A_163] : memref<5120xi32, #tpu.memory_space<vmem>> -> memref<1280xi32, #tpu.memory_space<vmem>>
        %dma_wait3A_165 = arith.constant 158720 : i32
        %dma_wait3A_166 = tpu.memref_slice %arg3[%run_scoped3A, %dma_wait3A_165] : memref<2x160000xi32, #tpu.memory_space<hbm>> -> memref<1x1280xi32, #tpu.memory_space<hbm>>
        %dma_wait3A_167 = tpu.memref_squeeze %dma_wait3A_166 : memref<1x1280xi32, #tpu.memory_space<hbm>> -> memref<1280xi32, #tpu.memory_space<hbm>>
        tpu.wait_dma2 semaphore(%run_scoped3A_148 : memref<!tpu.dma_semaphore, #tpu.memory_space<semaphore_mem>>) src(%dma_wait3A_167 : memref<1280xi32, #tpu.memory_space<hbm>>) dst(%dma_wait3A_164 : memref<1280xi32, #tpu.memory_space<vmem>>)
        tpu.yield
      }) : () -> ()
      %scan3A_142 = arith.constant 0 : i32
      %scan3A_143 = arith.constant 80 : i32
      %scan3A_144 = arith.constant 240 : i32
      %scan3A_145 = arith.addi %scan3A_143, %scan3A_144 : i32
      %scan3A_146 = arith.constant 1 : i32
      scf.for %scan3A_148 = %scan3A_143 to %scan3A_145 step %scan3A_146  : i32 {
        %mul3A_149 = arith.constant 16 : i32
        %mul3A_150 = arith.muli %scan3A_148, %mul3A_149 : i32
        %add3A_151 = vector.broadcast %mul3A_150 : i32 to vector<16xi32>
        %add3A_152 = arith.addi %add3A_151, %iota3A_7 : vector<16xi32>
        %and3A = arith.constant 127 : i32
        %and3A_153 = vector.broadcast %and3A : i32 to vector<16xi32>
        %and3A_154 = arith.andi %add3A_152, %and3A_153 : vector<16xi32>
        %add3A_155 = arith.constant 10000 : i32
        %add3A_156 = vector.broadcast %add3A_155 : i32 to vector<16xi32>
        %add3A_157 = arith.addi %add3A_156, %and3A_154 : vector<16xi32>
        %mul3A_158 = arith.constant 16 : i32
        %mul3A_159 = arith.muli %scan3A_148, %mul3A_158 : i32
        %swap3A = arith.index_cast %mul3A_159 : i32 to index
        %swap3A_160 = tpu.vector_load %arg7[%swap3A] {strides = array<i32>} : memref<5120xi32, #tpu.memory_space<vmem>>, vector<16xi32>,
        tpu.vector_store %arg7[%swap3A], %add3A_157 {strides = array<i32>} : memref<5120xi32, #tpu.memory_space<vmem>>, vector<16xi32>,
      }
      %scan3A_147 = arith.constant 240 : i32
    } else {
    }
    %broadcast_in_dim3A = arith.constant 0.000000e+00 : f32
    %broadcast_in_dim3A_18 = vector.broadcast %broadcast_in_dim3A : f32 to vector<16xf32>
    %scan3A = arith.constant 0 : i32
    %scan3A_19 = arith.constant 0 : i32
    %scan3A_20 = arith.constant 512 : i32
    %scan3A_21 = arith.addi %scan3A_19, %scan3A_20 : i32
    %scan3A_22 = arith.constant 1 : i32
    scf.for %scan3A_142 = %scan3A_19 to %scan3A_21 step %scan3A_22  : i32 {
      %jit3A = arith.constant 4 : i32
      %div3A = arith.divsi %scan3A_142, %jit3A : i32
      %sign3A = arith.constant 0 : i32
      %sign3A_143 = arith.cmpi sgt, %scan3A_142, %sign3A : i32
      %sign3A_144 = arith.extui %sign3A_143 : i1 to i32
      %sign3A_145 = arith.constant 0 : i32
      %sign3A_146 = arith.cmpi slt, %scan3A_142, %sign3A_145 : i32
      %sign3A_147 = arith.extui %sign3A_146 : i1 to i32
      %sign3A_148 = arith.subi %sign3A_144, %sign3A_147 : i32
      %sign3A_149 = arith.constant 0 : i32
      %sign3A_150 = arith.cmpi sgt, %jit3A, %sign3A_149 : i32
      %sign3A_151 = arith.extui %sign3A_150 : i1 to i32
      %sign3A_152 = arith.constant 0 : i32
      %sign3A_153 = arith.cmpi slt, %jit3A, %sign3A_152 : i32
      %sign3A_154 = arith.extui %sign3A_153 : i1 to i32
      %sign3A_155 = arith.subi %sign3A_151, %sign3A_154 : i32
      %ne3A = arith.cmpi ne, %sign3A_148, %sign3A_155 : i32
      %rem3A = arith.remsi %scan3A_142, %jit3A : i32
      %ne3A_156 = arith.constant 0 : i32
      %ne3A_157 = arith.cmpi ne, %rem3A, %ne3A_156 : i32
      %and3A = arith.andi %ne3A, %ne3A_157 : i1
      %sub3A = arith.constant 1 : i32
      %sub3A_158 = arith.subi %div3A, %sub3A : i32
      %select_n3A = arith.select %and3A, %sub3A_158, %div3A : i32
      %jit3A_159 = arith.constant 4 : i32
      %eq3A_160 = arith.constant 0 : i32
      %eq3A_161 = arith.cmpi eq, %jit3A_159, %eq3A_160 : i32
      %jit3A_162 = arith.constant 1 : i32
      %select_n3A_163 = arith.select %eq3A_161, %jit3A_162, %jit3A_159 : i32
      %rem3A_164 = arith.remsi %scan3A_142, %select_n3A_163 : i32
      %ne3A_165 = arith.constant 0 : i32
      %ne3A_166 = arith.cmpi ne, %rem3A_164, %ne3A_165 : i32
      %lt3A_167 = arith.constant 0 : i32
      %lt3A_168 = arith.cmpi slt, %rem3A_164, %lt3A_167 : i32
      %lt3A_169 = arith.constant 0 : i32
      %lt3A_170 = arith.cmpi slt, %select_n3A_163, %lt3A_169 : i32
      %ne3A_171 = arith.xori %lt3A_168, %lt3A_170 : i1
      %and3A_172 = arith.andi %ne3A_171, %ne3A_166 : i1
      %add3A_173 = arith.addi %rem3A_164, %select_n3A_163 : i32
      %select_n3A_174 = arith.select %and3A_172, %add3A_173, %rem3A_164 : i32
      %mul3A_175 = arith.constant 16 : i32
      %mul3A_176 = arith.muli %select_n3A_174, %mul3A_175 : i32
      %swap3A = arith.index_cast %select_n3A : i32 to index
      %swap3A_177 = arith.index_cast %mul3A_176 : i32 to index
      %swap3A_178 = tpu.vector_load %arg8[%swap3A, %swap3A_177] {strides = array<i32>} : memref<128x64xf32, #tpu.memory_space<vmem>>, vector<1x16xf32>,
      %swap3A_179 = vector.shape_cast %swap3A_178 : vector<1x16xf32> to vector<16xf32>
      %swap3A_180 = vector.shape_cast %broadcast_in_dim3A_18 : vector<16xf32> to vector<1x16xf32>
      tpu.vector_store %arg8[%swap3A, %swap3A_177], %swap3A_180 {strides = array<i32>} : memref<128x64xf32, #tpu.memory_space<vmem>>, vector<1x16xf32>,
    }
    %scan3A_23 = arith.constant 512 : i32
    %mul3A_24 = arith.constant 640 : i32
    %mul3A_25 = arith.muli %arg1, %mul3A_24 : i32
    %add3A_26 = arith.constant 0 : i32
    %add3A_27 = arith.addi %mul3A_25, %add3A_26 : i32
    "tpu.region"() ({
      %run_scoped3A = tpu.sem_alloc : memref<!tpu.dma_semaphore, #tpu.memory_space<semaphore_mem>>
      %dma_start3A_142 = arith.constant 0 : i32
      %dma_start3A_143 = tpu.memref_slice %arg24[%add3A_27, %dma_start3A_142] : memref<10240x64xf32, #tpu.memory_space<vmem_shared>> -> memref<128x64xf32, #tpu.memory_space<vmem_shared>>
      %dma_start3A_144 = arith.constant 0 : i32
      %dma_start3A_145 = tpu.memref_slice %arg24[%add3A_27, %dma_start3A_144] : memref<10240x64xf32, #tpu.memory_space<vmem_shared>> -> memref<128x64xf32, #tpu.memory_space<vmem_shared>>
      tpu.enqueue_dma source(%arg8 : memref<128x64xf32, #tpu.memory_space<vmem>>) target(%dma_start3A_145 : memref<128x64xf32, #tpu.memory_space<vmem_shared>>) target_semaphore(%run_scoped3A : memref<!tpu.dma_semaphore, #tpu.memory_space<semaphore_mem>>)
      %dma_wait3A = arith.constant 0 : i32
      %dma_wait3A_146 = tpu.memref_slice %arg24[%add3A_27, %dma_wait3A] : memref<10240x64xf32, #tpu.memory_space<vmem_shared>> -> memref<128x64xf32, #tpu.memory_space<vmem_shared>>
      %dma_wait3A_147 = arith.constant 0 : i32
      %dma_wait3A_148 = tpu.memref_slice %arg24[%add3A_27, %dma_wait3A_147] : memref<10240x64xf32, #tpu.memory_space<vmem_shared>> -> memref<128x64xf32, #tpu.memory_space<vmem_shared>>
      tpu.wait_dma2 semaphore(%run_scoped3A : memref<!tpu.dma_semaphore, #tpu.memory_space<semaphore_mem>>) src(%arg8 : memref<128x64xf32, #tpu.memory_space<vmem>>) dst(%dma_wait3A_148 : memref<128x64xf32, #tpu.memory_space<vmem_shared>>)
      tpu.yield
    }) : () -> ()
    %add3A_28 = arith.constant 128 : i32
    %add3A_29 = arith.addi %mul3A_25, %add3A_28 : i32
    "tpu.region"() ({
      %run_scoped3A = tpu.sem_alloc : memref<!tpu.dma_semaphore, #tpu.memory_space<semaphore_mem>>
      %dma_start3A_142 = arith.constant 0 : i32
      %dma_start3A_143 = tpu.memref_slice %arg24[%add3A_29, %dma_start3A_142] : memref<10240x64xf32, #tpu.memory_space<vmem_shared>> -> memref<128x64xf32, #tpu.memory_space<vmem_shared>>
      %dma_start3A_144 = arith.constant 0 : i32
      %dma_start3A_145 = tpu.memref_slice %arg24[%add3A_29, %dma_start3A_144] : memref<10240x64xf32, #tpu.memory_space<vmem_shared>> -> memref<128x64xf32, #tpu.memory_space<vmem_shared>>
      tpu.enqueue_dma source(%arg8 : memref<128x64xf32, #tpu.memory_space<vmem>>) target(%dma_start3A_145 : memref<128x64xf32, #tpu.memory_space<vmem_shared>>) target_semaphore(%run_scoped3A : memref<!tpu.dma_semaphore, #tpu.memory_space<semaphore_mem>>)
      %dma_wait3A = arith.constant 0 : i32
      %dma_wait3A_146 = tpu.memref_slice %arg24[%add3A_29, %dma_wait3A] : memref<10240x64xf32, #tpu.memory_space<vmem_shared>> -> memref<128x64xf32, #tpu.memory_space<vmem_shared>>
      %dma_wait3A_147 = arith.constant 0 : i32
      %dma_wait3A_148 = tpu.memref_slice %arg24[%add3A_29, %dma_wait3A_147] : memref<10240x64xf32, #tpu.memory_space<vmem_shared>> -> memref<128x64xf32, #tpu.memory_space<vmem_shared>>
      tpu.wait_dma2 semaphore(%run_scoped3A : memref<!tpu.dma_semaphore, #tpu.memory_space<semaphore_mem>>) src(%arg8 : memref<128x64xf32, #tpu.memory_space<vmem>>) dst(%dma_wait3A_148 : memref<128x64xf32, #tpu.memory_space<vmem_shared>>)
      tpu.yield
    }) : () -> ()
    %add3A_30 = arith.constant 256 : i32
    %add3A_31 = arith.addi %mul3A_25, %add3A_30 : i32
    "tpu.region"() ({
      %run_scoped3A = tpu.sem_alloc : memref<!tpu.dma_semaphore, #tpu.memory_space<semaphore_mem>>
      %dma_start3A_142 = arith.constant 0 : i32
      %dma_start3A_143 = tpu.memref_slice %arg24[%add3A_31, %dma_start3A_142] : memref<10240x64xf32, #tpu.memory_space<vmem_shared>> -> memref<128x64xf32, #tpu.memory_space<vmem_shared>>
      %dma_start3A_144 = arith.constant 0 : i32
      %dma_start3A_145 = tpu.memref_slice %arg24[%add3A_31, %dma_start3A_144] : memref<10240x64xf32, #tpu.memory_space<vmem_shared>> -> memref<128x64xf32, #tpu.memory_space<vmem_shared>>
      tpu.enqueue_dma source(%arg8 : memref<128x64xf32, #tpu.memory_space<vmem>>) target(%dma_start3A_145 : memref<128x64xf32, #tpu.memory_space<vmem_shared>>) target_semaphore(%run_scoped3A : memref<!tpu.dma_semaphore, #tpu.memory_space<semaphore_mem>>)
      %dma_wait3A = arith.constant 0 : i32
      %dma_wait3A_146 = tpu.memref_slice %arg24[%add3A_31, %dma_wait3A] : memref<10240x64xf32, #tpu.memory_space<vmem_shared>> -> memref<128x64xf32, #tpu.memory_space<vmem_shared>>
      %dma_wait3A_147 = arith.constant 0 : i32
      %dma_wait3A_148 = tpu.memref_slice %arg24[%add3A_31, %dma_wait3A_147] : memref<10240x64xf32, #tpu.memory_space<vmem_shared>> -> memref<128x64xf32, #tpu.memory_space<vmem_shared>>
      tpu.wait_dma2 semaphore(%run_scoped3A : memref<!tpu.dma_semaphore, #tpu.memory_space<semaphore_mem>>) src(%arg8 : memref<128x64xf32, #tpu.memory_space<vmem>>) dst(%dma_wait3A_148 : memref<128x64xf32, #tpu.memory_space<vmem_shared>>)
      tpu.yield
    }) : () -> ()
    %add3A_32 = arith.constant 384 : i32
    %add3A_33 = arith.addi %mul3A_25, %add3A_32 : i32
    "tpu.region"() ({
      %run_scoped3A = tpu.sem_alloc : memref<!tpu.dma_semaphore, #tpu.memory_space<semaphore_mem>>
      %dma_start3A_142 = arith.constant 0 : i32
      %dma_start3A_143 = tpu.memref_slice %arg24[%add3A_33, %dma_start3A_142] : memref<10240x64xf32, #tpu.memory_space<vmem_shared>> -> memref<128x64xf32, #tpu.memory_space<vmem_shared>>
      %dma_start3A_144 = arith.constant 0 : i32
      %dma_start3A_145 = tpu.memref_slice %arg24[%add3A_33, %dma_start3A_144] : memref<10240x64xf32, #tpu.memory_space<vmem_shared>> -> memref<128x64xf32, #tpu.memory_space<vmem_shared>>
      tpu.enqueue_dma source(%arg8 : memref<128x64xf32, #tpu.memory_space<vmem>>) target(%dma_start3A_145 : memref<128x64xf32, #tpu.memory_space<vmem_shared>>) target_semaphore(%run_scoped3A : memref<!tpu.dma_semaphore, #tpu.memory_space<semaphore_mem>>)
      %dma_wait3A = arith.constant 0 : i32
      %dma_wait3A_146 = tpu.memref_slice %arg24[%add3A_33, %dma_wait3A] : memref<10240x64xf32, #tpu.memory_space<vmem_shared>> -> memref<128x64xf32, #tpu.memory_space<vmem_shared>>
      %dma_wait3A_147 = arith.constant 0 : i32
      %dma_wait3A_148 = tpu.memref_slice %arg24[%add3A_33, %dma_wait3A_147] : memref<10240x64xf32, #tpu.memory_space<vmem_shared>> -> memref<128x64xf32, #tpu.memory_space<vmem_shared>>
      tpu.wait_dma2 semaphore(%run_scoped3A : memref<!tpu.dma_semaphore, #tpu.memory_space<semaphore_mem>>) src(%arg8 : memref<128x64xf32, #tpu.memory_space<vmem>>) dst(%dma_wait3A_148 : memref<128x64xf32, #tpu.memory_space<vmem_shared>>)
      tpu.yield
    }) : () -> ()
    %add3A_34 = arith.constant 512 : i32
    %add3A_35 = arith.addi %mul3A_25, %add3A_34 : i32
    "tpu.region"() ({
      %run_scoped3A = tpu.sem_alloc : memref<!tpu.dma_semaphore, #tpu.memory_space<semaphore_mem>>
      %dma_start3A_142 = arith.constant 0 : i32
      %dma_start3A_143 = tpu.memref_slice %arg24[%add3A_35, %dma_start3A_142] : memref<10240x64xf32, #tpu.memory_space<vmem_shared>> -> memref<128x64xf32, #tpu.memory_space<vmem_shared>>
      %dma_start3A_144 = arith.constant 0 : i32
      %dma_start3A_145 = tpu.memref_slice %arg24[%add3A_35, %dma_start3A_144] : memref<10240x64xf32, #tpu.memory_space<vmem_shared>> -> memref<128x64xf32, #tpu.memory_space<vmem_shared>>
      tpu.enqueue_dma source(%arg8 : memref<128x64xf32, #tpu.memory_space<vmem>>) target(%dma_start3A_145 : memref<128x64xf32, #tpu.memory_space<vmem_shared>>) target_semaphore(%run_scoped3A : memref<!tpu.dma_semaphore, #tpu.memory_space<semaphore_mem>>)
      %dma_wait3A = arith.constant 0 : i32
      %dma_wait3A_146 = tpu.memref_slice %arg24[%add3A_35, %dma_wait3A] : memref<10240x64xf32, #tpu.memory_space<vmem_shared>> -> memref<128x64xf32, #tpu.memory_space<vmem_shared>>
      %dma_wait3A_147 = arith.constant 0 : i32
      %dma_wait3A_148 = tpu.memref_slice %arg24[%add3A_35, %dma_wait3A_147] : memref<10240x64xf32, #tpu.memory_space<vmem_shared>> -> memref<128x64xf32, #tpu.memory_space<vmem_shared>>
      tpu.wait_dma2 semaphore(%run_scoped3A : memref<!tpu.dma_semaphore, #tpu.memory_space<semaphore_mem>>) src(%arg8 : memref<128x64xf32, #tpu.memory_space<vmem>>) dst(%dma_wait3A_148 : memref<128x64xf32, #tpu.memory_space<vmem_shared>>)
      tpu.yield
    }) : () -> ()
    %barrier3A = arith.constant 0 : index
    tpu.barrier barrier_id(%barrier3A)
    %dma_start3A = arith.constant 0 : i32
    %dma_start3A_36 = tpu.memref_slice %arg6[%dma_start3A] : memref<5120xi32, #tpu.memory_space<vmem>> -> memref<128xi32, #tpu.memory_space<vmem>>
    %dma_start3A_37 = arith.constant 0 : i32
    %dma_start3A_38 = arith.constant 0 : i32
    %dma_start3A_39 = tpu.memref_slice %arg2[%dma_start3A_37, %dma_start3A_38] : memref<10240x64xf32, #tpu.memory_space<hbm>> -> memref<10240x64xf32, #tpu.memory_space<hbm>>
    tpu.enqueue_indirect_dma source(%dma_start3A_39 : memref<10240x64xf32, #tpu.memory_space<hbm>>) target(%arg8 : memref<128x64xf32, #tpu.memory_space<vmem>>) offsets(%dma_start3A_36 : memref<128xi32, #tpu.memory_space<vmem>>) semaphore(%arg16 : memref<!tpu.dma_semaphore, #tpu.memory_space<semaphore_mem>>)
    %dma_start3A_40 = arith.constant 128 : i32
    %dma_start3A_41 = tpu.memref_slice %arg6[%dma_start3A_40] : memref<5120xi32, #tpu.memory_space<vmem>> -> memref<128xi32, #tpu.memory_space<vmem>>
    %dma_start3A_42 = arith.constant 0 : i32
    %dma_start3A_43 = arith.constant 0 : i32
    %dma_start3A_44 = tpu.memref_slice %arg2[%dma_start3A_42, %dma_start3A_43] : memref<10240x64xf32, #tpu.memory_space<hbm>> -> memref<10240x64xf32, #tpu.memory_space<hbm>>
    tpu.enqueue_indirect_dma source(%dma_start3A_44 : memref<10240x64xf32, #tpu.memory_space<hbm>>) target(%arg9 : memref<128x64xf32, #tpu.memory_space<vmem>>) offsets(%dma_start3A_41 : memref<128xi32, #tpu.memory_space<vmem>>) semaphore(%arg17 : memref<!tpu.dma_semaphore, #tpu.memory_space<semaphore_mem>>)
    %dma_start3A_45 = arith.constant 256 : i32
    %dma_start3A_46 = tpu.memref_slice %arg6[%dma_start3A_45] : memref<5120xi32, #tpu.memory_space<vmem>> -> memref<128xi32, #tpu.memory_space<vmem>>
    %dma_start3A_47 = arith.constant 0 : i32
    %dma_start3A_48 = arith.constant 0 : i32
    %dma_start3A_49 = tpu.memref_slice %arg2[%dma_start3A_47, %dma_start3A_48] : memref<10240x64xf32, #tpu.memory_space<hbm>> -> memref<10240x64xf32, #tpu.memory_space<hbm>>
    tpu.enqueue_indirect_dma source(%dma_start3A_49 : memref<10240x64xf32, #tpu.memory_space<hbm>>) target(%arg10 : memref<128x64xf32, #tpu.memory_space<vmem>>) offsets(%dma_start3A_46 : memref<128xi32, #tpu.memory_space<vmem>>) semaphore(%arg18 : memref<!tpu.dma_semaphore, #tpu.memory_space<semaphore_mem>>)
    %dma_start3A_50 = arith.constant 384 : i32
    %dma_start3A_51 = tpu.memref_slice %arg6[%dma_start3A_50] : memref<5120xi32, #tpu.memory_space<vmem>> -> memref<128xi32, #tpu.memory_space<vmem>>
    %dma_start3A_52 = arith.constant 0 : i32
    %dma_start3A_53 = arith.constant 0 : i32
    %dma_start3A_54 = tpu.memref_slice %arg2[%dma_start3A_52, %dma_start3A_53] : memref<10240x64xf32, #tpu.memory_space<hbm>> -> memref<10240x64xf32, #tpu.memory_space<hbm>>
    tpu.enqueue_indirect_dma source(%dma_start3A_54 : memref<10240x64xf32, #tpu.memory_space<hbm>>) target(%arg11 : memref<128x64xf32, #tpu.memory_space<vmem>>) offsets(%dma_start3A_51 : memref<128xi32, #tpu.memory_space<vmem>>) semaphore(%arg19 : memref<!tpu.dma_semaphore, #tpu.memory_space<semaphore_mem>>)
    %dma_start3A_55 = arith.constant 512 : i32
    %dma_start3A_56 = tpu.memref_slice %arg6[%dma_start3A_55] : memref<5120xi32, #tpu.memory_space<vmem>> -> memref<128xi32, #tpu.memory_space<vmem>>
    %dma_start3A_57 = arith.constant 0 : i32
    %dma_start3A_58 = arith.constant 0 : i32
    %dma_start3A_59 = tpu.memref_slice %arg2[%dma_start3A_57, %dma_start3A_58] : memref<10240x64xf32, #tpu.memory_space<hbm>> -> memref<10240x64xf32, #tpu.memory_space<hbm>>
    tpu.enqueue_indirect_dma source(%dma_start3A_59 : memref<10240x64xf32, #tpu.memory_space<hbm>>) target(%arg12 : memref<128x64xf32, #tpu.memory_space<vmem>>) offsets(%dma_start3A_56 : memref<128xi32, #tpu.memory_space<vmem>>) semaphore(%arg20 : memref<!tpu.dma_semaphore, #tpu.memory_space<semaphore_mem>>)
    %dma_start3A_60 = arith.constant 640 : i32
    %dma_start3A_61 = tpu.memref_slice %arg6[%dma_start3A_60] : memref<5120xi32, #tpu.memory_space<vmem>> -> memref<128xi32, #tpu.memory_space<vmem>>
    %dma_start3A_62 = arith.constant 0 : i32
    %dma_start3A_63 = arith.constant 0 : i32
    %dma_start3A_64 = tpu.memref_slice %arg2[%dma_start3A_62, %dma_start3A_63] : memref<10240x64xf32, #tpu.memory_space<hbm>> -> memref<10240x64xf32, #tpu.memory_space<hbm>>
    tpu.enqueue_indirect_dma source(%dma_start3A_64 : memref<10240x64xf32, #tpu.memory_space<hbm>>) target(%arg13 : memref<128x64xf32, #tpu.memory_space<vmem>>) offsets(%dma_start3A_61 : memref<128xi32, #tpu.memory_space<vmem>>) semaphore(%arg21 : memref<!tpu.dma_semaphore, #tpu.memory_space<semaphore_mem>>)
    %dma_start3A_65 = arith.constant 768 : i32
    %dma_start3A_66 = tpu.memref_slice %arg6[%dma_start3A_65] : memref<5120xi32, #tpu.memory_space<vmem>> -> memref<128xi32, #tpu.memory_space<vmem>>
    %dma_start3A_67 = arith.constant 0 : i32
    %dma_start3A_68 = arith.constant 0 : i32
    %dma_start3A_69 = tpu.memref_slice %arg2[%dma_start3A_67, %dma_start3A_68] : memref<10240x64xf32, #tpu.memory_space<hbm>> -> memref<10240x64xf32, #tpu.memory_space<hbm>>
    tpu.enqueue_indirect_dma source(%dma_start3A_69 : memref<10240x64xf32, #tpu.memory_space<hbm>>) target(%arg14 : memref<128x64xf32, #tpu.memory_space<vmem>>) offsets(%dma_start3A_66 : memref<128xi32, #tpu.memory_space<vmem>>) semaphore(%arg22 : memref<!tpu.dma_semaphore, #tpu.memory_space<semaphore_mem>>)
    %dma_start3A_70 = arith.constant 896 : i32
    %dma_start3A_71 = tpu.memref_slice %arg6[%dma_start3A_70] : memref<5120xi32, #tpu.memory_space<vmem>> -> memref<128xi32, #tpu.memory_space<vmem>>
    %dma_start3A_72 = arith.constant 0 : i32
    %dma_start3A_73 = arith.constant 0 : i32
    %dma_start3A_74 = tpu.memref_slice %arg2[%dma_start3A_72, %dma_start3A_73] : memref<10240x64xf32, #tpu.memory_space<hbm>> -> memref<10240x64xf32, #tpu.memory_space<hbm>>
    tpu.enqueue_indirect_dma source(%dma_start3A_74 : memref<10240x64xf32, #tpu.memory_space<hbm>>) target(%arg15 : memref<128x64xf32, #tpu.memory_space<vmem>>) offsets(%dma_start3A_71 : memref<128xi32, #tpu.memory_space<vmem>>) semaphore(%arg23 : memref<!tpu.dma_semaphore, #tpu.memory_space<semaphore_mem>>)
    %scan3A_75 = arith.constant 0 : i32
    %scan3A_76 = arith.constant 0 : i32
    %scan3A_77 = arith.constant 5 : i32
    %scan3A_78 = arith.addi %scan3A_76, %scan3A_77 : i32
    %scan3A_79 = arith.constant 1 : i32
    scf.for %scan3A_142 = %scan3A_76 to %scan3A_78 step %scan3A_79  : i32 {
      %mul3A_143 = arith.constant 8 : i32
      %mul3A_144 = arith.muli %mul3A_143, %scan3A_142 : i32
      %add3A_145 = arith.constant 0 : i32
      %add3A_146 = arith.addi %mul3A_144, %add3A_145 : i32
      %mul3A_147 = arith.constant 128 : i32
      %mul3A_148 = arith.muli %mul3A_147, %add3A_146 : i32
      %dma_wait3A = tpu.memref_slice %arg6[%mul3A_148] : memref<5120xi32, #tpu.memory_space<vmem>> -> memref<128xi32, #tpu.memory_space<vmem>>
      %dma_wait3A_149 = arith.constant 0 : i32
      %dma_wait3A_150 = arith.constant 0 : i32
      %dma_wait3A_151 = tpu.memref_slice %arg2[%dma_wait3A_149, %dma_wait3A_150] : memref<10240x64xf32, #tpu.memory_space<hbm>> -> memref<10240x64xf32, #tpu.memory_space<hbm>>
      tpu.wait_indirect_dma semaphore(%arg16 : memref<!tpu.dma_semaphore, #tpu.memory_space<semaphore_mem>>) src(%dma_wait3A_151 : memref<10240x64xf32, #tpu.memory_space<hbm>>) dst(%arg8 : memref<128x64xf32, #tpu.memory_space<vmem>>)
      %mul3A_152 = arith.constant 128 : i32
      %mul3A_153 = arith.muli %mul3A_152, %add3A_146 : i32
      "tpu.region"() ({
        %run_scoped3A = tpu.sem_alloc : memref<!tpu.dma_semaphore, #tpu.memory_space<semaphore_mem>>
        %dma_start3A_294 = tpu.memref_slice %arg7[%mul3A_153] : memref<5120xi32, #tpu.memory_space<vmem>> -> memref<128xi32, #tpu.memory_space<vmem>>
        %dma_start3A_295 = arith.constant 0 : i32
        %dma_start3A_296 = arith.constant 0 : i32
        %dma_start3A_297 = tpu.memref_slice %arg24[%dma_start3A_295, %dma_start3A_296] : memref<10240x64xf32, #tpu.memory_space<vmem_shared>> -> memref<10240x64xf32, #tpu.memory_space<vmem_shared>>
        tpu.enqueue_indirect_dma source(%arg8 : memref<128x64xf32, #tpu.memory_space<vmem>>) target(%dma_start3A_297 : memref<10240x64xf32, #tpu.memory_space<vmem_shared>>) offsets(%dma_start3A_294 : memref<128xi32, #tpu.memory_space<vmem>>) semaphore(%run_scoped3A : memref<!tpu.dma_semaphore, #tpu.memory_space<semaphore_mem>>) {add = true}
        %dma_wait3A_298 = tpu.memref_slice %arg7[%mul3A_153] : memref<5120xi32, #tpu.memory_space<vmem>> -> memref<128xi32, #tpu.memory_space<vmem>>
        %dma_wait3A_299 = arith.constant 0 : i32
        %dma_wait3A_300 = arith.constant 0 : i32
        %dma_wait3A_301 = tpu.memref_slice %arg24[%dma_wait3A_299, %dma_wait3A_300] : memref<10240x64xf32, #tpu.memory_space<vmem_shared>> -> memref<10240x64xf32, #tpu.memory_space<vmem_shared>>
        tpu.wait_indirect_dma semaphore(%run_scoped3A : memref<!tpu.dma_semaphore, #tpu.memory_space<semaphore_mem>>) src(%arg8 : memref<128x64xf32, #tpu.memory_space<vmem>>) dst(%dma_wait3A_301 : memref<10240x64xf32, #tpu.memory_space<vmem_shared>>)
        tpu.yield
      }) : () -> ()
      %add3A_154 = arith.constant 8 : i32
      %add3A_155 = arith.addi %add3A_146, %add3A_154 : i32
      %lt3A_156 = arith.constant 40 : i32
      %lt3A_157 = arith.cmpi slt, %add3A_155, %lt3A_156 : i32
      %convert_element_type3A_158 = arith.extui %lt3A_157 : i1 to i32
      %cond3A_159 = arith.constant 0 : i32
      %cond3A_160 = arith.cmpi ne, %convert_element_type3A_158, %cond3A_159 : i32
      scf.if %cond3A_160 {
        %add3A_294 = arith.constant 8 : i32
        %add3A_295 = arith.addi %add3A_146, %add3A_294 : i32
        %mul3A_296 = arith.constant 128 : i32
        %mul3A_297 = arith.muli %mul3A_296, %add3A_295 : i32
        %dma_start3A_298 = tpu.memref_slice %arg6[%mul3A_297] : memref<5120xi32, #tpu.memory_space<vmem>> -> memref<128xi32, #tpu.memory_space<vmem>>
        %dma_start3A_299 = arith.constant 0 : i32
        %dma_start3A_300 = arith.constant 0 : i32
        %dma_start3A_301 = tpu.memref_slice %arg2[%dma_start3A_299, %dma_start3A_300] : memref<10240x64xf32, #tpu.memory_space<hbm>> -> memref<10240x64xf32, #tpu.memory_space<hbm>>
        tpu.enqueue_indirect_dma source(%dma_start3A_301 : memref<10240x64xf32, #tpu.memory_space<hbm>>) target(%arg8 : memref<128x64xf32, #tpu.memory_space<vmem>>) offsets(%dma_start3A_298 : memref<128xi32, #tpu.memory_space<vmem>>) semaphore(%arg16 : memref<!tpu.dma_semaphore, #tpu.memory_space<semaphore_mem>>)
      } else {
      }
      %mul3A_161 = arith.constant 8 : i32
      %mul3A_162 = arith.muli %mul3A_161, %scan3A_142 : i32
      %add3A_163 = arith.constant 1 : i32
      %add3A_164 = arith.addi %mul3A_162, %add3A_163 : i32
      %mul3A_165 = arith.constant 128 : i32
      %mul3A_166 = arith.muli %mul3A_165, %add3A_164 : i32
      %dma_wait3A_167 = tpu.memref_slice %arg6[%mul3A_166] : memref<5120xi32, #tpu.memory_space<vmem>> -> memref<128xi32, #tpu.memory_space<vmem>>
      %dma_wait3A_168 = arith.constant 0 : i32
      %dma_wait3A_169 = arith.constant 0 : i32
      %dma_wait3A_170 = tpu.memref_slice %arg2[%dma_wait3A_168, %dma_wait3A_169] : memref<10240x64xf32, #tpu.memory_space<hbm>> -> memref<10240x64xf32, #tpu.memory_space<hbm>>
      tpu.wait_indirect_dma semaphore(%arg17 : memref<!tpu.dma_semaphore, #tpu.memory_space<semaphore_mem>>) src(%dma_wait3A_170 : memref<10240x64xf32, #tpu.memory_space<hbm>>) dst(%arg9 : memref<128x64xf32, #tpu.memory_space<vmem>>)
      %mul3A_171 = arith.constant 128 : i32
      %mul3A_172 = arith.muli %mul3A_171, %add3A_164 : i32
      "tpu.region"() ({
        %run_scoped3A = tpu.sem_alloc : memref<!tpu.dma_semaphore, #tpu.memory_space<semaphore_mem>>
        %dma_start3A_294 = tpu.memref_slice %arg7[%mul3A_172] : memref<5120xi32, #tpu.memory_space<vmem>> -> memref<128xi32, #tpu.memory_space<vmem>>
        %dma_start3A_295 = arith.constant 0 : i32
        %dma_start3A_296 = arith.constant 0 : i32
        %dma_start3A_297 = tpu.memref_slice %arg24[%dma_start3A_295, %dma_start3A_296] : memref<10240x64xf32, #tpu.memory_space<vmem_shared>> -> memref<10240x64xf32, #tpu.memory_space<vmem_shared>>
        tpu.enqueue_indirect_dma source(%arg9 : memref<128x64xf32, #tpu.memory_space<vmem>>) target(%dma_start3A_297 : memref<10240x64xf32, #tpu.memory_space<vmem_shared>>) offsets(%dma_start3A_294 : memref<128xi32, #tpu.memory_space<vmem>>) semaphore(%run_scoped3A : memref<!tpu.dma_semaphore, #tpu.memory_space<semaphore_mem>>) {add = true}
        %dma_wait3A_298 = tpu.memref_slice %arg7[%mul3A_172] : memref<5120xi32, #tpu.memory_space<vmem>> -> memref<128xi32, #tpu.memory_space<vmem>>
        %dma_wait3A_299 = arith.constant 0 : i32
        %dma_wait3A_300 = arith.constant 0 : i32
        %dma_wait3A_301 = tpu.memref_slice %arg24[%dma_wait3A_299, %dma_wait3A_300] : memref<10240x64xf32, #tpu.memory_space<vmem_shared>> -> memref<10240x64xf32, #tpu.memory_space<vmem_shared>>
        tpu.wait_indirect_dma semaphore(%run_scoped3A : memref<!tpu.dma_semaphore, #tpu.memory_space<semaphore_mem>>) src(%arg9 : memref<128x64xf32, #tpu.memory_space<vmem>>) dst(%dma_wait3A_301 : memref<10240x64xf32, #tpu.memory_space<vmem_shared>>)
        tpu.yield
      }) : () -> ()
      %add3A_173 = arith.constant 8 : i32
      %add3A_174 = arith.addi %add3A_164, %add3A_173 : i32
      %lt3A_175 = arith.constant 40 : i32
      %lt3A_176 = arith.cmpi slt, %add3A_174, %lt3A_175 : i32
      %convert_element_type3A_177 = arith.extui %lt3A_176 : i1 to i32
      %cond3A_178 = arith.constant 0 : i32
      %cond3A_179 = arith.cmpi ne, %convert_element_type3A_177, %cond3A_178 : i32
      scf.if %cond3A_179 {
        %add3A_294 = arith.constant 8 : i32
        %add3A_295 = arith.addi %add3A_164, %add3A_294 : i32
        %mul3A_296 = arith.constant 128 : i32
        %mul3A_297 = arith.muli %mul3A_296, %add3A_295 : i32
        %dma_start3A_298 = tpu.memref_slice %arg6[%mul3A_297] : memref<5120xi32, #tpu.memory_space<vmem>> -> memref<128xi32, #tpu.memory_space<vmem>>
        %dma_start3A_299 = arith.constant 0 : i32
        %dma_start3A_300 = arith.constant 0 : i32
        %dma_start3A_301 = tpu.memref_slice %arg2[%dma_start3A_299, %dma_start3A_300] : memref<10240x64xf32, #tpu.memory_space<hbm>> -> memref<10240x64xf32, #tpu.memory_space<hbm>>
        tpu.enqueue_indirect_dma source(%dma_start3A_301 : memref<10240x64xf32, #tpu.memory_space<hbm>>) target(%arg9 : memref<128x64xf32, #tpu.memory_space<vmem>>) offsets(%dma_start3A_298 : memref<128xi32, #tpu.memory_space<vmem>>) semaphore(%arg17 : memref<!tpu.dma_semaphore, #tpu.memory_space<semaphore_mem>>)
      } else {
      }
      %mul3A_180 = arith.constant 8 : i32
      %mul3A_181 = arith.muli %mul3A_180, %scan3A_142 : i32
      %add3A_182 = arith.constant 2 : i32
      %add3A_183 = arith.addi %mul3A_181, %add3A_182 : i32
      %mul3A_184 = arith.constant 128 : i32
      %mul3A_185 = arith.muli %mul3A_184, %add3A_183 : i32
      %dma_wait3A_186 = tpu.memref_slice %arg6[%mul3A_185] : memref<5120xi32, #tpu.memory_space<vmem>> -> memref<128xi32, #tpu.memory_space<vmem>>
      %dma_wait3A_187 = arith.constant 0 : i32
      %dma_wait3A_188 = arith.constant 0 : i32
      %dma_wait3A_189 = tpu.memref_slice %arg2[%dma_wait3A_187, %dma_wait3A_188] : memref<10240x64xf32, #tpu.memory_space<hbm>> -> memref<10240x64xf32, #tpu.memory_space<hbm>>
      tpu.wait_indirect_dma semaphore(%arg18 : memref<!tpu.dma_semaphore, #tpu.memory_space<semaphore_mem>>) src(%dma_wait3A_189 : memref<10240x64xf32, #tpu.memory_space<hbm>>) dst(%arg10 : memref<128x64xf32, #tpu.memory_space<vmem>>)
      %mul3A_190 = arith.constant 128 : i32
      %mul3A_191 = arith.muli %mul3A_190, %add3A_183 : i32
      "tpu.region"() ({
        %run_scoped3A = tpu.sem_alloc : memref<!tpu.dma_semaphore, #tpu.memory_space<semaphore_mem>>
        %dma_start3A_294 = tpu.memref_slice %arg7[%mul3A_191] : memref<5120xi32, #tpu.memory_space<vmem>> -> memref<128xi32, #tpu.memory_space<vmem>>
        %dma_start3A_295 = arith.constant 0 : i32
        %dma_start3A_296 = arith.constant 0 : i32
        %dma_start3A_297 = tpu.memref_slice %arg24[%dma_start3A_295, %dma_start3A_296] : memref<10240x64xf32, #tpu.memory_space<vmem_shared>> -> memref<10240x64xf32, #tpu.memory_space<vmem_shared>>
        tpu.enqueue_indirect_dma source(%arg10 : memref<128x64xf32, #tpu.memory_space<vmem>>) target(%dma_start3A_297 : memref<10240x64xf32, #tpu.memory_space<vmem_shared>>) offsets(%dma_start3A_294 : memref<128xi32, #tpu.memory_space<vmem>>) semaphore(%run_scoped3A : memref<!tpu.dma_semaphore, #tpu.memory_space<semaphore_mem>>) {add = true}
        %dma_wait3A_298 = tpu.memref_slice %arg7[%mul3A_191] : memref<5120xi32, #tpu.memory_space<vmem>> -> memref<128xi32, #tpu.memory_space<vmem>>
        %dma_wait3A_299 = arith.constant 0 : i32
        %dma_wait3A_300 = arith.constant 0 : i32
        %dma_wait3A_301 = tpu.memref_slice %arg24[%dma_wait3A_299, %dma_wait3A_300] : memref<10240x64xf32, #tpu.memory_space<vmem_shared>> -> memref<10240x64xf32, #tpu.memory_space<vmem_shared>>
        tpu.wait_indirect_dma semaphore(%run_scoped3A : memref<!tpu.dma_semaphore, #tpu.memory_space<semaphore_mem>>) src(%arg10 : memref<128x64xf32, #tpu.memory_space<vmem>>) dst(%dma_wait3A_301 : memref<10240x64xf32, #tpu.memory_space<vmem_shared>>)
        tpu.yield
      }) : () -> ()
      %add3A_192 = arith.constant 8 : i32
      %add3A_193 = arith.addi %add3A_183, %add3A_192 : i32
      %lt3A_194 = arith.constant 40 : i32
      %lt3A_195 = arith.cmpi slt, %add3A_193, %lt3A_194 : i32
      %convert_element_type3A_196 = arith.extui %lt3A_195 : i1 to i32
      %cond3A_197 = arith.constant 0 : i32
      %cond3A_198 = arith.cmpi ne, %convert_element_type3A_196, %cond3A_197 : i32
      scf.if %cond3A_198 {
        %add3A_294 = arith.constant 8 : i32
        %add3A_295 = arith.addi %add3A_183, %add3A_294 : i32
        %mul3A_296 = arith.constant 128 : i32
        %mul3A_297 = arith.muli %mul3A_296, %add3A_295 : i32
        %dma_start3A_298 = tpu.memref_slice %arg6[%mul3A_297] : memref<5120xi32, #tpu.memory_space<vmem>> -> memref<128xi32, #tpu.memory_space<vmem>>
        %dma_start3A_299 = arith.constant 0 : i32
        %dma_start3A_300 = arith.constant 0 : i32
        %dma_start3A_301 = tpu.memref_slice %arg2[%dma_start3A_299, %dma_start3A_300] : memref<10240x64xf32, #tpu.memory_space<hbm>> -> memref<10240x64xf32, #tpu.memory_space<hbm>>
        tpu.enqueue_indirect_dma source(%dma_start3A_301 : memref<10240x64xf32, #tpu.memory_space<hbm>>) target(%arg10 : memref<128x64xf32, #tpu.memory_space<vmem>>) offsets(%dma_start3A_298 : memref<128xi32, #tpu.memory_space<vmem>>) semaphore(%arg18 : memref<!tpu.dma_semaphore, #tpu.memory_space<semaphore_mem>>)
      } else {
      }
      %mul3A_199 = arith.constant 8 : i32
      %mul3A_200 = arith.muli %mul3A_199, %scan3A_142 : i32
      %add3A_201 = arith.constant 3 : i32
      %add3A_202 = arith.addi %mul3A_200, %add3A_201 : i32
      %mul3A_203 = arith.constant 128 : i32
      %mul3A_204 = arith.muli %mul3A_203, %add3A_202 : i32
      %dma_wait3A_205 = tpu.memref_slice %arg6[%mul3A_204] : memref<5120xi32, #tpu.memory_space<vmem>> -> memref<128xi32, #tpu.memory_space<vmem>>
      %dma_wait3A_206 = arith.constant 0 : i32
      %dma_wait3A_207 = arith.constant 0 : i32
      %dma_wait3A_208 = tpu.memref_slice %arg2[%dma_wait3A_206, %dma_wait3A_207] : memref<10240x64xf32, #tpu.memory_space<hbm>> -> memref<10240x64xf32, #tpu.memory_space<hbm>>
      tpu.wait_indirect_dma semaphore(%arg19 : memref<!tpu.dma_semaphore, #tpu.memory_space<semaphore_mem>>) src(%dma_wait3A_208 : memref<10240x64xf32, #tpu.memory_space<hbm>>) dst(%arg11 : memref<128x64xf32, #tpu.memory_space<vmem>>)
      %mul3A_209 = arith.constant 128 : i32
      %mul3A_210 = arith.muli %mul3A_209, %add3A_202 : i32
      "tpu.region"() ({
        %run_scoped3A = tpu.sem_alloc : memref<!tpu.dma_semaphore, #tpu.memory_space<semaphore_mem>>
        %dma_start3A_294 = tpu.memref_slice %arg7[%mul3A_210] : memref<5120xi32, #tpu.memory_space<vmem>> -> memref<128xi32, #tpu.memory_space<vmem>>
        %dma_start3A_295 = arith.constant 0 : i32
        %dma_start3A_296 = arith.constant 0 : i32
        %dma_start3A_297 = tpu.memref_slice %arg24[%dma_start3A_295, %dma_start3A_296] : memref<10240x64xf32, #tpu.memory_space<vmem_shared>> -> memref<10240x64xf32, #tpu.memory_space<vmem_shared>>
        tpu.enqueue_indirect_dma source(%arg11 : memref<128x64xf32, #tpu.memory_space<vmem>>) target(%dma_start3A_297 : memref<10240x64xf32, #tpu.memory_space<vmem_shared>>) offsets(%dma_start3A_294 : memref<128xi32, #tpu.memory_space<vmem>>) semaphore(%run_scoped3A : memref<!tpu.dma_semaphore, #tpu.memory_space<semaphore_mem>>) {add = true}
        %dma_wait3A_298 = tpu.memref_slice %arg7[%mul3A_210] : memref<5120xi32, #tpu.memory_space<vmem>> -> memref<128xi32, #tpu.memory_space<vmem>>
        %dma_wait3A_299 = arith.constant 0 : i32
        %dma_wait3A_300 = arith.constant 0 : i32
        %dma_wait3A_301 = tpu.memref_slice %arg24[%dma_wait3A_299, %dma_wait3A_300] : memref<10240x64xf32, #tpu.memory_space<vmem_shared>> -> memref<10240x64xf32, #tpu.memory_space<vmem_shared>>
        tpu.wait_indirect_dma semaphore(%run_scoped3A : memref<!tpu.dma_semaphore, #tpu.memory_space<semaphore_mem>>) src(%arg11 : memref<128x64xf32, #tpu.memory_space<vmem>>) dst(%dma_wait3A_301 : memref<10240x64xf32, #tpu.memory_space<vmem_shared>>)
        tpu.yield
      }) : () -> ()
      %add3A_211 = arith.constant 8 : i32
      %add3A_212 = arith.addi %add3A_202, %add3A_211 : i32
      %lt3A_213 = arith.constant 40 : i32
      %lt3A_214 = arith.cmpi slt, %add3A_212, %lt3A_213 : i32
      %convert_element_type3A_215 = arith.extui %lt3A_214 : i1 to i32
      %cond3A_216 = arith.constant 0 : i32
      %cond3A_217 = arith.cmpi ne, %convert_element_type3A_215, %cond3A_216 : i32
      scf.if %cond3A_217 {
        %add3A_294 = arith.constant 8 : i32
        %add3A_295 = arith.addi %add3A_202, %add3A_294 : i32
        %mul3A_296 = arith.constant 128 : i32
        %mul3A_297 = arith.muli %mul3A_296, %add3A_295 : i32
        %dma_start3A_298 = tpu.memref_slice %arg6[%mul3A_297] : memref<5120xi32, #tpu.memory_space<vmem>> -> memref<128xi32, #tpu.memory_space<vmem>>
        %dma_start3A_299 = arith.constant 0 : i32
        %dma_start3A_300 = arith.constant 0 : i32
        %dma_start3A_301 = tpu.memref_slice %arg2[%dma_start3A_299, %dma_start3A_300] : memref<10240x64xf32, #tpu.memory_space<hbm>> -> memref<10240x64xf32, #tpu.memory_space<hbm>>
        tpu.enqueue_indirect_dma source(%dma_start3A_301 : memref<10240x64xf32, #tpu.memory_space<hbm>>) target(%arg11 : memref<128x64xf32, #tpu.memory_space<vmem>>) offsets(%dma_start3A_298 : memref<128xi32, #tpu.memory_space<vmem>>) semaphore(%arg19 : memref<!tpu.dma_semaphore, #tpu.memory_space<semaphore_mem>>)
      } else {
      }
      %mul3A_218 = arith.constant 8 : i32
      %mul3A_219 = arith.muli %mul3A_218, %scan3A_142 : i32
      %add3A_220 = arith.constant 4 : i32
      %add3A_221 = arith.addi %mul3A_219, %add3A_220 : i32
      %mul3A_222 = arith.constant 128 : i32
      %mul3A_223 = arith.muli %mul3A_222, %add3A_221 : i32
      %dma_wait3A_224 = tpu.memref_slice %arg6[%mul3A_223] : memref<5120xi32, #tpu.memory_space<vmem>> -> memref<128xi32, #tpu.memory_space<vmem>>
      %dma_wait3A_225 = arith.constant 0 : i32
      %dma_wait3A_226 = arith.constant 0 : i32
      %dma_wait3A_227 = tpu.memref_slice %arg2[%dma_wait3A_225, %dma_wait3A_226] : memref<10240x64xf32, #tpu.memory_space<hbm>> -> memref<10240x64xf32, #tpu.memory_space<hbm>>
      tpu.wait_indirect_dma semaphore(%arg20 : memref<!tpu.dma_semaphore, #tpu.memory_space<semaphore_mem>>) src(%dma_wait3A_227 : memref<10240x64xf32, #tpu.memory_space<hbm>>) dst(%arg12 : memref<128x64xf32, #tpu.memory_space<vmem>>)
      %mul3A_228 = arith.constant 128 : i32
      %mul3A_229 = arith.muli %mul3A_228, %add3A_221 : i32
      "tpu.region"() ({
        %run_scoped3A = tpu.sem_alloc : memref<!tpu.dma_semaphore, #tpu.memory_space<semaphore_mem>>
        %dma_start3A_294 = tpu.memref_slice %arg7[%mul3A_229] : memref<5120xi32, #tpu.memory_space<vmem>> -> memref<128xi32, #tpu.memory_space<vmem>>
        %dma_start3A_295 = arith.constant 0 : i32
        %dma_start3A_296 = arith.constant 0 : i32
        %dma_start3A_297 = tpu.memref_slice %arg24[%dma_start3A_295, %dma_start3A_296] : memref<10240x64xf32, #tpu.memory_space<vmem_shared>> -> memref<10240x64xf32, #tpu.memory_space<vmem_shared>>
        tpu.enqueue_indirect_dma source(%arg12 : memref<128x64xf32, #tpu.memory_space<vmem>>) target(%dma_start3A_297 : memref<10240x64xf32, #tpu.memory_space<vmem_shared>>) offsets(%dma_start3A_294 : memref<128xi32, #tpu.memory_space<vmem>>) semaphore(%run_scoped3A : memref<!tpu.dma_semaphore, #tpu.memory_space<semaphore_mem>>) {add = true}
        %dma_wait3A_298 = tpu.memref_slice %arg7[%mul3A_229] : memref<5120xi32, #tpu.memory_space<vmem>> -> memref<128xi32, #tpu.memory_space<vmem>>
        %dma_wait3A_299 = arith.constant 0 : i32
        %dma_wait3A_300 = arith.constant 0 : i32
        %dma_wait3A_301 = tpu.memref_slice %arg24[%dma_wait3A_299, %dma_wait3A_300] : memref<10240x64xf32, #tpu.memory_space<vmem_shared>> -> memref<10240x64xf32, #tpu.memory_space<vmem_shared>>
        tpu.wait_indirect_dma semaphore(%run_scoped3A : memref<!tpu.dma_semaphore, #tpu.memory_space<semaphore_mem>>) src(%arg12 : memref<128x64xf32, #tpu.memory_space<vmem>>) dst(%dma_wait3A_301 : memref<10240x64xf32, #tpu.memory_space<vmem_shared>>)
        tpu.yield
      }) : () -> ()
      %add3A_230 = arith.constant 8 : i32
      %add3A_231 = arith.addi %add3A_221, %add3A_230 : i32
      %lt3A_232 = arith.constant 40 : i32
      %lt3A_233 = arith.cmpi slt, %add3A_231, %lt3A_232 : i32
      %convert_element_type3A_234 = arith.extui %lt3A_233 : i1 to i32
      %cond3A_235 = arith.constant 0 : i32
      %cond3A_236 = arith.cmpi ne, %convert_element_type3A_234, %cond3A_235 : i32
      scf.if %cond3A_236 {
        %add3A_294 = arith.constant 8 : i32
        %add3A_295 = arith.addi %add3A_221, %add3A_294 : i32
        %mul3A_296 = arith.constant 128 : i32
        %mul3A_297 = arith.muli %mul3A_296, %add3A_295 : i32
        %dma_start3A_298 = tpu.memref_slice %arg6[%mul3A_297] : memref<5120xi32, #tpu.memory_space<vmem>> -> memref<128xi32, #tpu.memory_space<vmem>>
        %dma_start3A_299 = arith.constant 0 : i32
        %dma_start3A_300 = arith.constant 0 : i32
        %dma_start3A_301 = tpu.memref_slice %arg2[%dma_start3A_299, %dma_start3A_300] : memref<10240x64xf32, #tpu.memory_space<hbm>> -> memref<10240x64xf32, #tpu.memory_space<hbm>>
        tpu.enqueue_indirect_dma source(%dma_start3A_301 : memref<10240x64xf32, #tpu.memory_space<hbm>>) target(%arg12 : memref<128x64xf32, #tpu.memory_space<vmem>>) offsets(%dma_start3A_298 : memref<128xi32, #tpu.memory_space<vmem>>) semaphore(%arg20 : memref<!tpu.dma_semaphore, #tpu.memory_space<semaphore_mem>>)
      } else {
      }
      %mul3A_237 = arith.constant 8 : i32
      %mul3A_238 = arith.muli %mul3A_237, %scan3A_142 : i32
      %add3A_239 = arith.constant 5 : i32
      %add3A_240 = arith.addi %mul3A_238, %add3A_239 : i32
      %mul3A_241 = arith.constant 128 : i32
      %mul3A_242 = arith.muli %mul3A_241, %add3A_240 : i32
      %dma_wait3A_243 = tpu.memref_slice %arg6[%mul3A_242] : memref<5120xi32, #tpu.memory_space<vmem>> -> memref<128xi32, #tpu.memory_space<vmem>>
      %dma_wait3A_244 = arith.constant 0 : i32
      %dma_wait3A_245 = arith.constant 0 : i32
      %dma_wait3A_246 = tpu.memref_slice %arg2[%dma_wait3A_244, %dma_wait3A_245] : memref<10240x64xf32, #tpu.memory_space<hbm>> -> memref<10240x64xf32, #tpu.memory_space<hbm>>
      tpu.wait_indirect_dma semaphore(%arg21 : memref<!tpu.dma_semaphore, #tpu.memory_space<semaphore_mem>>) src(%dma_wait3A_246 : memref<10240x64xf32, #tpu.memory_space<hbm>>) dst(%arg13 : memref<128x64xf32, #tpu.memory_space<vmem>>)
      %mul3A_247 = arith.constant 128 : i32
      %mul3A_248 = arith.muli %mul3A_247, %add3A_240 : i32
      "tpu.region"() ({
        %run_scoped3A = tpu.sem_alloc : memref<!tpu.dma_semaphore, #tpu.memory_space<semaphore_mem>>
        %dma_start3A_294 = tpu.memref_slice %arg7[%mul3A_248] : memref<5120xi32, #tpu.memory_space<vmem>> -> memref<128xi32, #tpu.memory_space<vmem>>
        %dma_start3A_295 = arith.constant 0 : i32
        %dma_start3A_296 = arith.constant 0 : i32
        %dma_start3A_297 = tpu.memref_slice %arg24[%dma_start3A_295, %dma_start3A_296] : memref<10240x64xf32, #tpu.memory_space<vmem_shared>> -> memref<10240x64xf32, #tpu.memory_space<vmem_shared>>
        tpu.enqueue_indirect_dma source(%arg13 : memref<128x64xf32, #tpu.memory_space<vmem>>) target(%dma_start3A_297 : memref<10240x64xf32, #tpu.memory_space<vmem_shared>>) offsets(%dma_start3A_294 : memref<128xi32, #tpu.memory_space<vmem>>) semaphore(%run_scoped3A : memref<!tpu.dma_semaphore, #tpu.memory_space<semaphore_mem>>) {add = true}
        %dma_wait3A_298 = tpu.memref_slice %arg7[%mul3A_248] : memref<5120xi32, #tpu.memory_space<vmem>> -> memref<128xi32, #tpu.memory_space<vmem>>
        %dma_wait3A_299 = arith.constant 0 : i32
        %dma_wait3A_300 = arith.constant 0 : i32
        %dma_wait3A_301 = tpu.memref_slice %arg24[%dma_wait3A_299, %dma_wait3A_300] : memref<10240x64xf32, #tpu.memory_space<vmem_shared>> -> memref<10240x64xf32, #tpu.memory_space<vmem_shared>>
        tpu.wait_indirect_dma semaphore(%run_scoped3A : memref<!tpu.dma_semaphore, #tpu.memory_space<semaphore_mem>>) src(%arg13 : memref<128x64xf32, #tpu.memory_space<vmem>>) dst(%dma_wait3A_301 : memref<10240x64xf32, #tpu.memory_space<vmem_shared>>)
        tpu.yield
      }) : () -> ()
      %add3A_249 = arith.constant 8 : i32
      %add3A_250 = arith.addi %add3A_240, %add3A_249 : i32
      %lt3A_251 = arith.constant 40 : i32
      %lt3A_252 = arith.cmpi slt, %add3A_250, %lt3A_251 : i32
      %convert_element_type3A_253 = arith.extui %lt3A_252 : i1 to i32
      %cond3A_254 = arith.constant 0 : i32
      %cond3A_255 = arith.cmpi ne, %convert_element_type3A_253, %cond3A_254 : i32
      scf.if %cond3A_255 {
        %add3A_294 = arith.constant 8 : i32
        %add3A_295 = arith.addi %add3A_240, %add3A_294 : i32
        %mul3A_296 = arith.constant 128 : i32
        %mul3A_297 = arith.muli %mul3A_296, %add3A_295 : i32
        %dma_start3A_298 = tpu.memref_slice %arg6[%mul3A_297] : memref<5120xi32, #tpu.memory_space<vmem>> -> memref<128xi32, #tpu.memory_space<vmem>>
        %dma_start3A_299 = arith.constant 0 : i32
        %dma_start3A_300 = arith.constant 0 : i32
        %dma_start3A_301 = tpu.memref_slice %arg2[%dma_start3A_299, %dma_start3A_300] : memref<10240x64xf32, #tpu.memory_space<hbm>> -> memref<10240x64xf32, #tpu.memory_space<hbm>>
        tpu.enqueue_indirect_dma source(%dma_start3A_301 : memref<10240x64xf32, #tpu.memory_space<hbm>>) target(%arg13 : memref<128x64xf32, #tpu.memory_space<vmem>>) offsets(%dma_start3A_298 : memref<128xi32, #tpu.memory_space<vmem>>) semaphore(%arg21 : memref<!tpu.dma_semaphore, #tpu.memory_space<semaphore_mem>>)
      } else {
      }
      %mul3A_256 = arith.constant 8 : i32
      %mul3A_257 = arith.muli %mul3A_256, %scan3A_142 : i32
      %add3A_258 = arith.constant 6 : i32
      %add3A_259 = arith.addi %mul3A_257, %add3A_258 : i32
      %mul3A_260 = arith.constant 128 : i32
      %mul3A_261 = arith.muli %mul3A_260, %add3A_259 : i32
      %dma_wait3A_262 = tpu.memref_slice %arg6[%mul3A_261] : memref<5120xi32, #tpu.memory_space<vmem>> -> memref<128xi32, #tpu.memory_space<vmem>>
      %dma_wait3A_263 = arith.constant 0 : i32
      %dma_wait3A_264 = arith.constant 0 : i32
      %dma_wait3A_265 = tpu.memref_slice %arg2[%dma_wait3A_263, %dma_wait3A_264] : memref<10240x64xf32, #tpu.memory_space<hbm>> -> memref<10240x64xf32, #tpu.memory_space<hbm>>
      tpu.wait_indirect_dma semaphore(%arg22 : memref<!tpu.dma_semaphore, #tpu.memory_space<semaphore_mem>>) src(%dma_wait3A_265 : memref<10240x64xf32, #tpu.memory_space<hbm>>) dst(%arg14 : memref<128x64xf32, #tpu.memory_space<vmem>>)
      %mul3A_266 = arith.constant 128 : i32
      %mul3A_267 = arith.muli %mul3A_266, %add3A_259 : i32
      "tpu.region"() ({
        %run_scoped3A = tpu.sem_alloc : memref<!tpu.dma_semaphore, #tpu.memory_space<semaphore_mem>>
        %dma_start3A_294 = tpu.memref_slice %arg7[%mul3A_267] : memref<5120xi32, #tpu.memory_space<vmem>> -> memref<128xi32, #tpu.memory_space<vmem>>
        %dma_start3A_295 = arith.constant 0 : i32
        %dma_start3A_296 = arith.constant 0 : i32
        %dma_start3A_297 = tpu.memref_slice %arg24[%dma_start3A_295, %dma_start3A_296] : memref<10240x64xf32, #tpu.memory_space<vmem_shared>> -> memref<10240x64xf32, #tpu.memory_space<vmem_shared>>
        tpu.enqueue_indirect_dma source(%arg14 : memref<128x64xf32, #tpu.memory_space<vmem>>) target(%dma_start3A_297 : memref<10240x64xf32, #tpu.memory_space<vmem_shared>>) offsets(%dma_start3A_294 : memref<128xi32, #tpu.memory_space<vmem>>) semaphore(%run_scoped3A : memref<!tpu.dma_semaphore, #tpu.memory_space<semaphore_mem>>) {add = true}
        %dma_wait3A_298 = tpu.memref_slice %arg7[%mul3A_267] : memref<5120xi32, #tpu.memory_space<vmem>> -> memref<128xi32, #tpu.memory_space<vmem>>
        %dma_wait3A_299 = arith.constant 0 : i32
        %dma_wait3A_300 = arith.constant 0 : i32
        %dma_wait3A_301 = tpu.memref_slice %arg24[%dma_wait3A_299, %dma_wait3A_300] : memref<10240x64xf32, #tpu.memory_space<vmem_shared>> -> memref<10240x64xf32, #tpu.memory_space<vmem_shared>>
        tpu.wait_indirect_dma semaphore(%run_scoped3A : memref<!tpu.dma_semaphore, #tpu.memory_space<semaphore_mem>>) src(%arg14 : memref<128x64xf32, #tpu.memory_space<vmem>>) dst(%dma_wait3A_301 : memref<10240x64xf32, #tpu.memory_space<vmem_shared>>)
        tpu.yield
      }) : () -> ()
      %add3A_268 = arith.constant 8 : i32
      %add3A_269 = arith.addi %add3A_259, %add3A_268 : i32
      %lt3A_270 = arith.constant 40 : i32
      %lt3A_271 = arith.cmpi slt, %add3A_269, %lt3A_270 : i32
      %convert_element_type3A_272 = arith.extui %lt3A_271 : i1 to i32
      %cond3A_273 = arith.constant 0 : i32
      %cond3A_274 = arith.cmpi ne, %convert_element_type3A_272, %cond3A_273 : i32
      scf.if %cond3A_274 {
        %add3A_294 = arith.constant 8 : i32
        %add3A_295 = arith.addi %add3A_259, %add3A_294 : i32
        %mul3A_296 = arith.constant 128 : i32
        %mul3A_297 = arith.muli %mul3A_296, %add3A_295 : i32
        %dma_start3A_298 = tpu.memref_slice %arg6[%mul3A_297] : memref<5120xi32, #tpu.memory_space<vmem>> -> memref<128xi32, #tpu.memory_space<vmem>>
        %dma_start3A_299 = arith.constant 0 : i32
        %dma_start3A_300 = arith.constant 0 : i32
        %dma_start3A_301 = tpu.memref_slice %arg2[%dma_start3A_299, %dma_start3A_300] : memref<10240x64xf32, #tpu.memory_space<hbm>> -> memref<10240x64xf32, #tpu.memory_space<hbm>>
        tpu.enqueue_indirect_dma source(%dma_start3A_301 : memref<10240x64xf32, #tpu.memory_space<hbm>>) target(%arg14 : memref<128x64xf32, #tpu.memory_space<vmem>>) offsets(%dma_start3A_298 : memref<128xi32, #tpu.memory_space<vmem>>) semaphore(%arg22 : memref<!tpu.dma_semaphore, #tpu.memory_space<semaphore_mem>>)
      } else {
      }
      %mul3A_275 = arith.constant 8 : i32
      %mul3A_276 = arith.muli %mul3A_275, %scan3A_142 : i32
      %add3A_277 = arith.constant 7 : i32
      %add3A_278 = arith.addi %mul3A_276, %add3A_277 : i32
      %mul3A_279 = arith.constant 128 : i32
      %mul3A_280 = arith.muli %mul3A_279, %add3A_278 : i32
      %dma_wait3A_281 = tpu.memref_slice %arg6[%mul3A_280] : memref<5120xi32, #tpu.memory_space<vmem>> -> memref<128xi32, #tpu.memory_space<vmem>>
      %dma_wait3A_282 = arith.constant 0 : i32
      %dma_wait3A_283 = arith.constant 0 : i32
      %dma_wait3A_284 = tpu.memref_slice %arg2[%dma_wait3A_282, %dma_wait3A_283] : memref<10240x64xf32, #tpu.memory_space<hbm>> -> memref<10240x64xf32, #tpu.memory_space<hbm>>
      tpu.wait_indirect_dma semaphore(%arg23 : memref<!tpu.dma_semaphore, #tpu.memory_space<semaphore_mem>>) src(%dma_wait3A_284 : memref<10240x64xf32, #tpu.memory_space<hbm>>) dst(%arg15 : memref<128x64xf32, #tpu.memory_space<vmem>>)
      %mul3A_285 = arith.constant 128 : i32
      %mul3A_286 = arith.muli %mul3A_285, %add3A_278 : i32
      "tpu.region"() ({
        %run_scoped3A = tpu.sem_alloc : memref<!tpu.dma_semaphore, #tpu.memory_space<semaphore_mem>>
        %dma_start3A_294 = tpu.memref_slice %arg7[%mul3A_286] : memref<5120xi32, #tpu.memory_space<vmem>> -> memref<128xi32, #tpu.memory_space<vmem>>
        %dma_start3A_295 = arith.constant 0 : i32
        %dma_start3A_296 = arith.constant 0 : i32
        %dma_start3A_297 = tpu.memref_slice %arg24[%dma_start3A_295, %dma_start3A_296] : memref<10240x64xf32, #tpu.memory_space<vmem_shared>> -> memref<10240x64xf32, #tpu.memory_space<vmem_shared>>
        tpu.enqueue_indirect_dma source(%arg15 : memref<128x64xf32, #tpu.memory_space<vmem>>) target(%dma_start3A_297 : memref<10240x64xf32, #tpu.memory_space<vmem_shared>>) offsets(%dma_start3A_294 : memref<128xi32, #tpu.memory_space<vmem>>) semaphore(%run_scoped3A : memref<!tpu.dma_semaphore, #tpu.memory_space<semaphore_mem>>) {add = true}
        %dma_wait3A_298 = tpu.memref_slice %arg7[%mul3A_286] : memref<5120xi32, #tpu.memory_space<vmem>> -> memref<128xi32, #tpu.memory_space<vmem>>
        %dma_wait3A_299 = arith.constant 0 : i32
        %dma_wait3A_300 = arith.constant 0 : i32
        %dma_wait3A_301 = tpu.memref_slice %arg24[%dma_wait3A_299, %dma_wait3A_300] : memref<10240x64xf32, #tpu.memory_space<vmem_shared>> -> memref<10240x64xf32, #tpu.memory_space<vmem_shared>>
        tpu.wait_indirect_dma semaphore(%run_scoped3A : memref<!tpu.dma_semaphore, #tpu.memory_space<semaphore_mem>>) src(%arg15 : memref<128x64xf32, #tpu.memory_space<vmem>>) dst(%dma_wait3A_301 : memref<10240x64xf32, #tpu.memory_space<vmem_shared>>)
        tpu.yield
      }) : () -> ()
      %add3A_287 = arith.constant 8 : i32
      %add3A_288 = arith.addi %add3A_278, %add3A_287 : i32
      %lt3A_289 = arith.constant 40 : i32
      %lt3A_290 = arith.cmpi slt, %add3A_288, %lt3A_289 : i32
      %convert_element_type3A_291 = arith.extui %lt3A_290 : i1 to i32
      %cond3A_292 = arith.constant 0 : i32
      %cond3A_293 = arith.cmpi ne, %convert_element_type3A_291, %cond3A_292 : i32
      scf.if %cond3A_293 {
        %add3A_294 = arith.constant 8 : i32
        %add3A_295 = arith.addi %add3A_278, %add3A_294 : i32
        %mul3A_296 = arith.constant 128 : i32
        %mul3A_297 = arith.muli %mul3A_296, %add3A_295 : i32
        %dma_start3A_298 = tpu.memref_slice %arg6[%mul3A_297] : memref<5120xi32, #tpu.memory_space<vmem>> -> memref<128xi32, #tpu.memory_space<vmem>>
        %dma_start3A_299 = arith.constant 0 : i32
        %dma_start3A_300 = arith.constant 0 : i32
        %dma_start3A_301 = tpu.memref_slice %arg2[%dma_start3A_299, %dma_start3A_300] : memref<10240x64xf32, #tpu.memory_space<hbm>> -> memref<10240x64xf32, #tpu.memory_space<hbm>>
        tpu.enqueue_indirect_dma source(%dma_start3A_301 : memref<10240x64xf32, #tpu.memory_space<hbm>>) target(%arg15 : memref<128x64xf32, #tpu.memory_space<vmem>>) offsets(%dma_start3A_298 : memref<128xi32, #tpu.memory_space<vmem>>) semaphore(%arg23 : memref<!tpu.dma_semaphore, #tpu.memory_space<semaphore_mem>>)
      } else {
      }
    }
    %scan3A_80 = arith.constant 5 : i32
    %barrier3A_81 = arith.constant 0 : index
    tpu.barrier barrier_id(%barrier3A_81)
    %add3A_82 = arith.constant 0 : i32
    %add3A_83 = arith.addi %mul3A_25, %add3A_82 : i32
    "tpu.region"() ({
      %run_scoped3A = tpu.sem_alloc : memref<!tpu.dma_semaphore, #tpu.memory_space<semaphore_mem>>
      %dma_start3A_142 = arith.constant 0 : i32
      %dma_start3A_143 = tpu.memref_slice %arg24[%add3A_83, %dma_start3A_142] : memref<10240x64xf32, #tpu.memory_space<vmem_shared>> -> memref<128x64xf32, #tpu.memory_space<vmem_shared>>
      %dma_start3A_144 = arith.constant 0 : i32
      %dma_start3A_145 = tpu.memref_slice %arg24[%add3A_83, %dma_start3A_144] : memref<10240x64xf32, #tpu.memory_space<vmem_shared>> -> memref<128x64xf32, #tpu.memory_space<vmem_shared>>
      tpu.enqueue_dma source(%dma_start3A_145 : memref<128x64xf32, #tpu.memory_space<vmem_shared>>) target(%arg8 : memref<128x64xf32, #tpu.memory_space<vmem>>) target_semaphore(%run_scoped3A : memref<!tpu.dma_semaphore, #tpu.memory_space<semaphore_mem>>)
      %dma_wait3A = arith.constant 0 : i32
      %dma_wait3A_146 = tpu.memref_slice %arg24[%add3A_83, %dma_wait3A] : memref<10240x64xf32, #tpu.memory_space<vmem_shared>> -> memref<128x64xf32, #tpu.memory_space<vmem_shared>>
      %dma_wait3A_147 = arith.constant 0 : i32
      %dma_wait3A_148 = tpu.memref_slice %arg24[%add3A_83, %dma_wait3A_147] : memref<10240x64xf32, #tpu.memory_space<vmem_shared>> -> memref<128x64xf32, #tpu.memory_space<vmem_shared>>
      tpu.wait_dma2 semaphore(%run_scoped3A : memref<!tpu.dma_semaphore, #tpu.memory_space<semaphore_mem>>) src(%dma_wait3A_148 : memref<128x64xf32, #tpu.memory_space<vmem_shared>>) dst(%arg8 : memref<128x64xf32, #tpu.memory_space<vmem>>)
      tpu.yield
    }) : () -> ()
    %eq3A_84 = arith.constant 0 : i32
    %eq3A_85 = arith.cmpi eq, %arg0, %eq3A_84 : i32
    %convert_element_type3A_86 = arith.extui %eq3A_85 : i1 to i32
    %cond3A_87 = arith.constant 0 : i32
    %cond3A_88 = arith.cmpi ne, %convert_element_type3A_86, %cond3A_87 : i32
    scf.if %cond3A_88 {
      %add3A_142 = arith.constant 0 : i32
      %add3A_143 = arith.addi %mul3A_25, %add3A_142 : i32
      "tpu.region"() ({
        %run_scoped3A = tpu.sem_alloc : memref<!tpu.dma_semaphore, #tpu.memory_space<semaphore_mem>>
        %dma_start3A_144 = arith.constant 0 : i32
        %dma_start3A_145 = tpu.memref_slice %arg4[%add3A_143, %dma_start3A_144] : memref<10240x64xf32, #tpu.memory_space<hbm>> -> memref<128x64xf32, #tpu.memory_space<hbm>>
        %dma_start3A_146 = arith.constant 0 : i32
        %dma_start3A_147 = tpu.memref_slice %arg4[%add3A_143, %dma_start3A_146] : memref<10240x64xf32, #tpu.memory_space<hbm>> -> memref<128x64xf32, #tpu.memory_space<hbm>>
        tpu.enqueue_dma source(%arg8 : memref<128x64xf32, #tpu.memory_space<vmem>>) target(%dma_start3A_147 : memref<128x64xf32, #tpu.memory_space<hbm>>) target_semaphore(%run_scoped3A : memref<!tpu.dma_semaphore, #tpu.memory_space<semaphore_mem>>)
        %dma_wait3A = arith.constant 0 : i32
        %dma_wait3A_148 = tpu.memref_slice %arg4[%add3A_143, %dma_wait3A] : memref<10240x64xf32, #tpu.memory_space<hbm>> -> memref<128x64xf32, #tpu.memory_space<hbm>>
        %dma_wait3A_149 = arith.constant 0 : i32
        %dma_wait3A_150 = tpu.memref_slice %arg4[%add3A_143, %dma_wait3A_149] : memref<10240x64xf32, #tpu.memory_space<hbm>> -> memref<128x64xf32, #tpu.memory_space<hbm>>
        tpu.wait_dma2 semaphore(%run_scoped3A : memref<!tpu.dma_semaphore, #tpu.memory_space<semaphore_mem>>) src(%arg8 : memref<128x64xf32, #tpu.memory_space<vmem>>) dst(%dma_wait3A_150 : memref<128x64xf32, #tpu.memory_space<hbm>>)
        tpu.yield
      }) : () -> ()
    } else {
    }
    %eq3A_89 = arith.constant 1 : i32
    %eq3A_90 = arith.cmpi eq, %arg0, %eq3A_89 : i32
    %convert_element_type3A_91 = arith.extui %eq3A_90 : i1 to i32
    %cond3A_92 = arith.constant 0 : i32
    %cond3A_93 = arith.cmpi ne, %convert_element_type3A_91, %cond3A_92 : i32
    scf.if %cond3A_93 {
      %add3A_142 = arith.constant 0 : i32
      %add3A_143 = arith.addi %mul3A_25, %add3A_142 : i32
      "tpu.region"() ({
        %run_scoped3A = tpu.sem_alloc : memref<!tpu.dma_semaphore, #tpu.memory_space<semaphore_mem>>
        %dma_start3A_144 = arith.constant 0 : i32
        %dma_start3A_145 = tpu.memref_slice %arg5[%add3A_143, %dma_start3A_144] : memref<10240x64xf32, #tpu.memory_space<hbm>> -> memref<128x64xf32, #tpu.memory_space<hbm>>
        %dma_start3A_146 = arith.constant 0 : i32
        %dma_start3A_147 = tpu.memref_slice %arg5[%add3A_143, %dma_start3A_146] : memref<10240x64xf32, #tpu.memory_space<hbm>> -> memref<128x64xf32, #tpu.memory_space<hbm>>
        tpu.enqueue_dma source(%arg8 : memref<128x64xf32, #tpu.memory_space<vmem>>) target(%dma_start3A_147 : memref<128x64xf32, #tpu.memory_space<hbm>>) target_semaphore(%run_scoped3A : memref<!tpu.dma_semaphore, #tpu.memory_space<semaphore_mem>>)
        %dma_wait3A = arith.constant 0 : i32
        %dma_wait3A_148 = tpu.memref_slice %arg5[%add3A_143, %dma_wait3A] : memref<10240x64xf32, #tpu.memory_space<hbm>> -> memref<128x64xf32, #tpu.memory_space<hbm>>
        %dma_wait3A_149 = arith.constant 0 : i32
        %dma_wait3A_150 = tpu.memref_slice %arg5[%add3A_143, %dma_wait3A_149] : memref<10240x64xf32, #tpu.memory_space<hbm>> -> memref<128x64xf32, #tpu.memory_space<hbm>>
        tpu.wait_dma2 semaphore(%run_scoped3A : memref<!tpu.dma_semaphore, #tpu.memory_space<semaphore_mem>>) src(%arg8 : memref<128x64xf32, #tpu.memory_space<vmem>>) dst(%dma_wait3A_150 : memref<128x64xf32, #tpu.memory_space<hbm>>)
        tpu.yield
      }) : () -> ()
    } else {
    }
    %add3A_94 = arith.constant 128 : i32
    %add3A_95 = arith.addi %mul3A_25, %add3A_94 : i32
    "tpu.region"() ({
      %run_scoped3A = tpu.sem_alloc : memref<!tpu.dma_semaphore, #tpu.memory_space<semaphore_mem>>
      %dma_start3A_142 = arith.constant 0 : i32
      %dma_start3A_143 = tpu.memref_slice %arg24[%add3A_95, %dma_start3A_142] : memref<10240x64xf32, #tpu.memory_space<vmem_shared>> -> memref<128x64xf32, #tpu.memory_space<vmem_shared>>
      %dma_start3A_144 = arith.constant 0 : i32
      %dma_start3A_145 = tpu.memref_slice %arg24[%add3A_95, %dma_start3A_144] : memref<10240x64xf32, #tpu.memory_space<vmem_shared>> -> memref<128x64xf32, #tpu.memory_space<vmem_shared>>
      tpu.enqueue_dma source(%dma_start3A_145 : memref<128x64xf32, #tpu.memory_space<vmem_shared>>) target(%arg8 : memref<128x64xf32, #tpu.memory_space<vmem>>) target_semaphore(%run_scoped3A : memref<!tpu.dma_semaphore, #tpu.memory_space<semaphore_mem>>)
      %dma_wait3A = arith.constant 0 : i32
      %dma_wait3A_146 = tpu.memref_slice %arg24[%add3A_95, %dma_wait3A] : memref<10240x64xf32, #tpu.memory_space<vmem_shared>> -> memref<128x64xf32, #tpu.memory_space<vmem_shared>>
      %dma_wait3A_147 = arith.constant 0 : i32
      %dma_wait3A_148 = tpu.memref_slice %arg24[%add3A_95, %dma_wait3A_147] : memref<10240x64xf32, #tpu.memory_space<vmem_shared>> -> memref<128x64xf32, #tpu.memory_space<vmem_shared>>
      tpu.wait_dma2 semaphore(%run_scoped3A : memref<!tpu.dma_semaphore, #tpu.memory_space<semaphore_mem>>) src(%dma_wait3A_148 : memref<128x64xf32, #tpu.memory_space<vmem_shared>>) dst(%arg8 : memref<128x64xf32, #tpu.memory_space<vmem>>)
      tpu.yield
    }) : () -> ()
    %eq3A_96 = arith.constant 0 : i32
    %eq3A_97 = arith.cmpi eq, %arg0, %eq3A_96 : i32
    %convert_element_type3A_98 = arith.extui %eq3A_97 : i1 to i32
    %cond3A_99 = arith.constant 0 : i32
    %cond3A_100 = arith.cmpi ne, %convert_element_type3A_98, %cond3A_99 : i32
    scf.if %cond3A_100 {
      %add3A_142 = arith.constant 128 : i32
      %add3A_143 = arith.addi %mul3A_25, %add3A_142 : i32
      "tpu.region"() ({
        %run_scoped3A = tpu.sem_alloc : memref<!tpu.dma_semaphore, #tpu.memory_space<semaphore_mem>>
        %dma_start3A_144 = arith.constant 0 : i32
        %dma_start3A_145 = tpu.memref_slice %arg4[%add3A_143, %dma_start3A_144] : memref<10240x64xf32, #tpu.memory_space<hbm>> -> memref<128x64xf32, #tpu.memory_space<hbm>>
        %dma_start3A_146 = arith.constant 0 : i32
        %dma_start3A_147 = tpu.memref_slice %arg4[%add3A_143, %dma_start3A_146] : memref<10240x64xf32, #tpu.memory_space<hbm>> -> memref<128x64xf32, #tpu.memory_space<hbm>>
        tpu.enqueue_dma source(%arg8 : memref<128x64xf32, #tpu.memory_space<vmem>>) target(%dma_start3A_147 : memref<128x64xf32, #tpu.memory_space<hbm>>) target_semaphore(%run_scoped3A : memref<!tpu.dma_semaphore, #tpu.memory_space<semaphore_mem>>)
        %dma_wait3A = arith.constant 0 : i32
        %dma_wait3A_148 = tpu.memref_slice %arg4[%add3A_143, %dma_wait3A] : memref<10240x64xf32, #tpu.memory_space<hbm>> -> memref<128x64xf32, #tpu.memory_space<hbm>>
        %dma_wait3A_149 = arith.constant 0 : i32
        %dma_wait3A_150 = tpu.memref_slice %arg4[%add3A_143, %dma_wait3A_149] : memref<10240x64xf32, #tpu.memory_space<hbm>> -> memref<128x64xf32, #tpu.memory_space<hbm>>
        tpu.wait_dma2 semaphore(%run_scoped3A : memref<!tpu.dma_semaphore, #tpu.memory_space<semaphore_mem>>) src(%arg8 : memref<128x64xf32, #tpu.memory_space<vmem>>) dst(%dma_wait3A_150 : memref<128x64xf32, #tpu.memory_space<hbm>>)
        tpu.yield
      }) : () -> ()
    } else {
    }
    %eq3A_101 = arith.constant 1 : i32
    %eq3A_102 = arith.cmpi eq, %arg0, %eq3A_101 : i32
    %convert_element_type3A_103 = arith.extui %eq3A_102 : i1 to i32
    %cond3A_104 = arith.constant 0 : i32
    %cond3A_105 = arith.cmpi ne, %convert_element_type3A_103, %cond3A_104 : i32
    scf.if %cond3A_105 {
      %add3A_142 = arith.constant 128 : i32
      %add3A_143 = arith.addi %mul3A_25, %add3A_142 : i32
      "tpu.region"() ({
        %run_scoped3A = tpu.sem_alloc : memref<!tpu.dma_semaphore, #tpu.memory_space<semaphore_mem>>
        %dma_start3A_144 = arith.constant 0 : i32
        %dma_start3A_145 = tpu.memref_slice %arg5[%add3A_143, %dma_start3A_144] : memref<10240x64xf32, #tpu.memory_space<hbm>> -> memref<128x64xf32, #tpu.memory_space<hbm>>
        %dma_start3A_146 = arith.constant 0 : i32
        %dma_start3A_147 = tpu.memref_slice %arg5[%add3A_143, %dma_start3A_146] : memref<10240x64xf32, #tpu.memory_space<hbm>> -> memref<128x64xf32, #tpu.memory_space<hbm>>
        tpu.enqueue_dma source(%arg8 : memref<128x64xf32, #tpu.memory_space<vmem>>) target(%dma_start3A_147 : memref<128x64xf32, #tpu.memory_space<hbm>>) target_semaphore(%run_scoped3A : memref<!tpu.dma_semaphore, #tpu.memory_space<semaphore_mem>>)
        %dma_wait3A = arith.constant 0 : i32
        %dma_wait3A_148 = tpu.memref_slice %arg5[%add3A_143, %dma_wait3A] : memref<10240x64xf32, #tpu.memory_space<hbm>> -> memref<128x64xf32, #tpu.memory_space<hbm>>
        %dma_wait3A_149 = arith.constant 0 : i32
        %dma_wait3A_150 = tpu.memref_slice %arg5[%add3A_143, %dma_wait3A_149] : memref<10240x64xf32, #tpu.memory_space<hbm>> -> memref<128x64xf32, #tpu.memory_space<hbm>>
        tpu.wait_dma2 semaphore(%run_scoped3A : memref<!tpu.dma_semaphore, #tpu.memory_space<semaphore_mem>>) src(%arg8 : memref<128x64xf32, #tpu.memory_space<vmem>>) dst(%dma_wait3A_150 : memref<128x64xf32, #tpu.memory_space<hbm>>)
        tpu.yield
      }) : () -> ()
    } else {
    }
    %add3A_106 = arith.constant 256 : i32
    %add3A_107 = arith.addi %mul3A_25, %add3A_106 : i32
    "tpu.region"() ({
      %run_scoped3A = tpu.sem_alloc : memref<!tpu.dma_semaphore, #tpu.memory_space<semaphore_mem>>
      %dma_start3A_142 = arith.constant 0 : i32
      %dma_start3A_143 = tpu.memref_slice %arg24[%add3A_107, %dma_start3A_142] : memref<10240x64xf32, #tpu.memory_space<vmem_shared>> -> memref<128x64xf32, #tpu.memory_space<vmem_shared>>
      %dma_start3A_144 = arith.constant 0 : i32
      %dma_start3A_145 = tpu.memref_slice %arg24[%add3A_107, %dma_start3A_144] : memref<10240x64xf32, #tpu.memory_space<vmem_shared>> -> memref<128x64xf32, #tpu.memory_space<vmem_shared>>
      tpu.enqueue_dma source(%dma_start3A_145 : memref<128x64xf32, #tpu.memory_space<vmem_shared>>) target(%arg8 : memref<128x64xf32, #tpu.memory_space<vmem>>) target_semaphore(%run_scoped3A : memref<!tpu.dma_semaphore, #tpu.memory_space<semaphore_mem>>)
      %dma_wait3A = arith.constant 0 : i32
      %dma_wait3A_146 = tpu.memref_slice %arg24[%add3A_107, %dma_wait3A] : memref<10240x64xf32, #tpu.memory_space<vmem_shared>> -> memref<128x64xf32, #tpu.memory_space<vmem_shared>>
      %dma_wait3A_147 = arith.constant 0 : i32
      %dma_wait3A_148 = tpu.memref_slice %arg24[%add3A_107, %dma_wait3A_147] : memref<10240x64xf32, #tpu.memory_space<vmem_shared>> -> memref<128x64xf32, #tpu.memory_space<vmem_shared>>
      tpu.wait_dma2 semaphore(%run_scoped3A : memref<!tpu.dma_semaphore, #tpu.memory_space<semaphore_mem>>) src(%dma_wait3A_148 : memref<128x64xf32, #tpu.memory_space<vmem_shared>>) dst(%arg8 : memref<128x64xf32, #tpu.memory_space<vmem>>)
      tpu.yield
    }) : () -> ()
    %eq3A_108 = arith.constant 0 : i32
    %eq3A_109 = arith.cmpi eq, %arg0, %eq3A_108 : i32
    %convert_element_type3A_110 = arith.extui %eq3A_109 : i1 to i32
    %cond3A_111 = arith.constant 0 : i32
    %cond3A_112 = arith.cmpi ne, %convert_element_type3A_110, %cond3A_111 : i32
    scf.if %cond3A_112 {
      %add3A_142 = arith.constant 256 : i32
      %add3A_143 = arith.addi %mul3A_25, %add3A_142 : i32
      "tpu.region"() ({
        %run_scoped3A = tpu.sem_alloc : memref<!tpu.dma_semaphore, #tpu.memory_space<semaphore_mem>>
        %dma_start3A_144 = arith.constant 0 : i32
        %dma_start3A_145 = tpu.memref_slice %arg4[%add3A_143, %dma_start3A_144] : memref<10240x64xf32, #tpu.memory_space<hbm>> -> memref<128x64xf32, #tpu.memory_space<hbm>>
        %dma_start3A_146 = arith.constant 0 : i32
        %dma_start3A_147 = tpu.memref_slice %arg4[%add3A_143, %dma_start3A_146] : memref<10240x64xf32, #tpu.memory_space<hbm>> -> memref<128x64xf32, #tpu.memory_space<hbm>>
        tpu.enqueue_dma source(%arg8 : memref<128x64xf32, #tpu.memory_space<vmem>>) target(%dma_start3A_147 : memref<128x64xf32, #tpu.memory_space<hbm>>) target_semaphore(%run_scoped3A : memref<!tpu.dma_semaphore, #tpu.memory_space<semaphore_mem>>)
        %dma_wait3A = arith.constant 0 : i32
        %dma_wait3A_148 = tpu.memref_slice %arg4[%add3A_143, %dma_wait3A] : memref<10240x64xf32, #tpu.memory_space<hbm>> -> memref<128x64xf32, #tpu.memory_space<hbm>>
        %dma_wait3A_149 = arith.constant 0 : i32
        %dma_wait3A_150 = tpu.memref_slice %arg4[%add3A_143, %dma_wait3A_149] : memref<10240x64xf32, #tpu.memory_space<hbm>> -> memref<128x64xf32, #tpu.memory_space<hbm>>
        tpu.wait_dma2 semaphore(%run_scoped3A : memref<!tpu.dma_semaphore, #tpu.memory_space<semaphore_mem>>) src(%arg8 : memref<128x64xf32, #tpu.memory_space<vmem>>) dst(%dma_wait3A_150 : memref<128x64xf32, #tpu.memory_space<hbm>>)
        tpu.yield
      }) : () -> ()
    } else {
    }
    %eq3A_113 = arith.constant 1 : i32
    %eq3A_114 = arith.cmpi eq, %arg0, %eq3A_113 : i32
    %convert_element_type3A_115 = arith.extui %eq3A_114 : i1 to i32
    %cond3A_116 = arith.constant 0 : i32
    %cond3A_117 = arith.cmpi ne, %convert_element_type3A_115, %cond3A_116 : i32
    scf.if %cond3A_117 {
      %add3A_142 = arith.constant 256 : i32
      %add3A_143 = arith.addi %mul3A_25, %add3A_142 : i32
      "tpu.region"() ({
        %run_scoped3A = tpu.sem_alloc : memref<!tpu.dma_semaphore, #tpu.memory_space<semaphore_mem>>
        %dma_start3A_144 = arith.constant 0 : i32
        %dma_start3A_145 = tpu.memref_slice %arg5[%add3A_143, %dma_start3A_144] : memref<10240x64xf32, #tpu.memory_space<hbm>> -> memref<128x64xf32, #tpu.memory_space<hbm>>
        %dma_start3A_146 = arith.constant 0 : i32
        %dma_start3A_147 = tpu.memref_slice %arg5[%add3A_143, %dma_start3A_146] : memref<10240x64xf32, #tpu.memory_space<hbm>> -> memref<128x64xf32, #tpu.memory_space<hbm>>
        tpu.enqueue_dma source(%arg8 : memref<128x64xf32, #tpu.memory_space<vmem>>) target(%dma_start3A_147 : memref<128x64xf32, #tpu.memory_space<hbm>>) target_semaphore(%run_scoped3A : memref<!tpu.dma_semaphore, #tpu.memory_space<semaphore_mem>>)
        %dma_wait3A = arith.constant 0 : i32
        %dma_wait3A_148 = tpu.memref_slice %arg5[%add3A_143, %dma_wait3A] : memref<10240x64xf32, #tpu.memory_space<hbm>> -> memref<128x64xf32, #tpu.memory_space<hbm>>
        %dma_wait3A_149 = arith.constant 0 : i32
        %dma_wait3A_150 = tpu.memref_slice %arg5[%add3A_143, %dma_wait3A_149] : memref<10240x64xf32, #tpu.memory_space<hbm>> -> memref<128x64xf32, #tpu.memory_space<hbm>>
        tpu.wait_dma2 semaphore(%run_scoped3A : memref<!tpu.dma_semaphore, #tpu.memory_space<semaphore_mem>>) src(%arg8 : memref<128x64xf32, #tpu.memory_space<vmem>>) dst(%dma_wait3A_150 : memref<128x64xf32, #tpu.memory_space<hbm>>)
        tpu.yield
      }) : () -> ()
    } else {
    }
    %add3A_118 = arith.constant 384 : i32
    %add3A_119 = arith.addi %mul3A_25, %add3A_118 : i32
    "tpu.region"() ({
      %run_scoped3A = tpu.sem_alloc : memref<!tpu.dma_semaphore, #tpu.memory_space<semaphore_mem>>
      %dma_start3A_142 = arith.constant 0 : i32
      %dma_start3A_143 = tpu.memref_slice %arg24[%add3A_119, %dma_start3A_142] : memref<10240x64xf32, #tpu.memory_space<vmem_shared>> -> memref<128x64xf32, #tpu.memory_space<vmem_shared>>
      %dma_start3A_144 = arith.constant 0 : i32
      %dma_start3A_145 = tpu.memref_slice %arg24[%add3A_119, %dma_start3A_144] : memref<10240x64xf32, #tpu.memory_space<vmem_shared>> -> memref<128x64xf32, #tpu.memory_space<vmem_shared>>
      tpu.enqueue_dma source(%dma_start3A_145 : memref<128x64xf32, #tpu.memory_space<vmem_shared>>) target(%arg8 : memref<128x64xf32, #tpu.memory_space<vmem>>) target_semaphore(%run_scoped3A : memref<!tpu.dma_semaphore, #tpu.memory_space<semaphore_mem>>)
      %dma_wait3A = arith.constant 0 : i32
      %dma_wait3A_146 = tpu.memref_slice %arg24[%add3A_119, %dma_wait3A] : memref<10240x64xf32, #tpu.memory_space<vmem_shared>> -> memref<128x64xf32, #tpu.memory_space<vmem_shared>>
      %dma_wait3A_147 = arith.constant 0 : i32
      %dma_wait3A_148 = tpu.memref_slice %arg24[%add3A_119, %dma_wait3A_147] : memref<10240x64xf32, #tpu.memory_space<vmem_shared>> -> memref<128x64xf32, #tpu.memory_space<vmem_shared>>
      tpu.wait_dma2 semaphore(%run_scoped3A : memref<!tpu.dma_semaphore, #tpu.memory_space<semaphore_mem>>) src(%dma_wait3A_148 : memref<128x64xf32, #tpu.memory_space<vmem_shared>>) dst(%arg8 : memref<128x64xf32, #tpu.memory_space<vmem>>)
      tpu.yield
    }) : () -> ()
    %eq3A_120 = arith.constant 0 : i32
    %eq3A_121 = arith.cmpi eq, %arg0, %eq3A_120 : i32
    %convert_element_type3A_122 = arith.extui %eq3A_121 : i1 to i32
    %cond3A_123 = arith.constant 0 : i32
    %cond3A_124 = arith.cmpi ne, %convert_element_type3A_122, %cond3A_123 : i32
    scf.if %cond3A_124 {
      %add3A_142 = arith.constant 384 : i32
      %add3A_143 = arith.addi %mul3A_25, %add3A_142 : i32
      "tpu.region"() ({
        %run_scoped3A = tpu.sem_alloc : memref<!tpu.dma_semaphore, #tpu.memory_space<semaphore_mem>>
        %dma_start3A_144 = arith.constant 0 : i32
        %dma_start3A_145 = tpu.memref_slice %arg4[%add3A_143, %dma_start3A_144] : memref<10240x64xf32, #tpu.memory_space<hbm>> -> memref<128x64xf32, #tpu.memory_space<hbm>>
        %dma_start3A_146 = arith.constant 0 : i32
        %dma_start3A_147 = tpu.memref_slice %arg4[%add3A_143, %dma_start3A_146] : memref<10240x64xf32, #tpu.memory_space<hbm>> -> memref<128x64xf32, #tpu.memory_space<hbm>>
        tpu.enqueue_dma source(%arg8 : memref<128x64xf32, #tpu.memory_space<vmem>>) target(%dma_start3A_147 : memref<128x64xf32, #tpu.memory_space<hbm>>) target_semaphore(%run_scoped3A : memref<!tpu.dma_semaphore, #tpu.memory_space<semaphore_mem>>)
        %dma_wait3A = arith.constant 0 : i32
        %dma_wait3A_148 = tpu.memref_slice %arg4[%add3A_143, %dma_wait3A] : memref<10240x64xf32, #tpu.memory_space<hbm>> -> memref<128x64xf32, #tpu.memory_space<hbm>>
        %dma_wait3A_149 = arith.constant 0 : i32
        %dma_wait3A_150 = tpu.memref_slice %arg4[%add3A_143, %dma_wait3A_149] : memref<10240x64xf32, #tpu.memory_space<hbm>> -> memref<128x64xf32, #tpu.memory_space<hbm>>
        tpu.wait_dma2 semaphore(%run_scoped3A : memref<!tpu.dma_semaphore, #tpu.memory_space<semaphore_mem>>) src(%arg8 : memref<128x64xf32, #tpu.memory_space<vmem>>) dst(%dma_wait3A_150 : memref<128x64xf32, #tpu.memory_space<hbm>>)
        tpu.yield
      }) : () -> ()
    } else {
    }
    %eq3A_125 = arith.constant 1 : i32
    %eq3A_126 = arith.cmpi eq, %arg0, %eq3A_125 : i32
    %convert_element_type3A_127 = arith.extui %eq3A_126 : i1 to i32
    %cond3A_128 = arith.constant 0 : i32
    %cond3A_129 = arith.cmpi ne, %convert_element_type3A_127, %cond3A_128 : i32
    scf.if %cond3A_129 {
      %add3A_142 = arith.constant 384 : i32
      %add3A_143 = arith.addi %mul3A_25, %add3A_142 : i32
      "tpu.region"() ({
        %run_scoped3A = tpu.sem_alloc : memref<!tpu.dma_semaphore, #tpu.memory_space<semaphore_mem>>
        %dma_start3A_144 = arith.constant 0 : i32
        %dma_start3A_145 = tpu.memref_slice %arg5[%add3A_143, %dma_start3A_144] : memref<10240x64xf32, #tpu.memory_space<hbm>> -> memref<128x64xf32, #tpu.memory_space<hbm>>
        %dma_start3A_146 = arith.constant 0 : i32
        %dma_start3A_147 = tpu.memref_slice %arg5[%add3A_143, %dma_start3A_146] : memref<10240x64xf32, #tpu.memory_space<hbm>> -> memref<128x64xf32, #tpu.memory_space<hbm>>
        tpu.enqueue_dma source(%arg8 : memref<128x64xf32, #tpu.memory_space<vmem>>) target(%dma_start3A_147 : memref<128x64xf32, #tpu.memory_space<hbm>>) target_semaphore(%run_scoped3A : memref<!tpu.dma_semaphore, #tpu.memory_space<semaphore_mem>>)
        %dma_wait3A = arith.constant 0 : i32
        %dma_wait3A_148 = tpu.memref_slice %arg5[%add3A_143, %dma_wait3A] : memref<10240x64xf32, #tpu.memory_space<hbm>> -> memref<128x64xf32, #tpu.memory_space<hbm>>
        %dma_wait3A_149 = arith.constant 0 : i32
        %dma_wait3A_150 = tpu.memref_slice %arg5[%add3A_143, %dma_wait3A_149] : memref<10240x64xf32, #tpu.memory_space<hbm>> -> memref<128x64xf32, #tpu.memory_space<hbm>>
        tpu.wait_dma2 semaphore(%run_scoped3A : memref<!tpu.dma_semaphore, #tpu.memory_space<semaphore_mem>>) src(%arg8 : memref<128x64xf32, #tpu.memory_space<vmem>>) dst(%dma_wait3A_150 : memref<128x64xf32, #tpu.memory_space<hbm>>)
        tpu.yield
      }) : () -> ()
    } else {
    }
    %add3A_130 = arith.constant 512 : i32
    %add3A_131 = arith.addi %mul3A_25, %add3A_130 : i32
    "tpu.region"() ({
      %run_scoped3A = tpu.sem_alloc : memref<!tpu.dma_semaphore, #tpu.memory_space<semaphore_mem>>
      %dma_start3A_142 = arith.constant 0 : i32
      %dma_start3A_143 = tpu.memref_slice %arg24[%add3A_131, %dma_start3A_142] : memref<10240x64xf32, #tpu.memory_space<vmem_shared>> -> memref<128x64xf32, #tpu.memory_space<vmem_shared>>
      %dma_start3A_144 = arith.constant 0 : i32
      %dma_start3A_145 = tpu.memref_slice %arg24[%add3A_131, %dma_start3A_144] : memref<10240x64xf32, #tpu.memory_space<vmem_shared>> -> memref<128x64xf32, #tpu.memory_space<vmem_shared>>
      tpu.enqueue_dma source(%dma_start3A_145 : memref<128x64xf32, #tpu.memory_space<vmem_shared>>) target(%arg8 : memref<128x64xf32, #tpu.memory_space<vmem>>) target_semaphore(%run_scoped3A : memref<!tpu.dma_semaphore, #tpu.memory_space<semaphore_mem>>)
      %dma_wait3A = arith.constant 0 : i32
      %dma_wait3A_146 = tpu.memref_slice %arg24[%add3A_131, %dma_wait3A] : memref<10240x64xf32, #tpu.memory_space<vmem_shared>> -> memref<128x64xf32, #tpu.memory_space<vmem_shared>>
      %dma_wait3A_147 = arith.constant 0 : i32
      %dma_wait3A_148 = tpu.memref_slice %arg24[%add3A_131, %dma_wait3A_147] : memref<10240x64xf32, #tpu.memory_space<vmem_shared>> -> memref<128x64xf32, #tpu.memory_space<vmem_shared>>
      tpu.wait_dma2 semaphore(%run_scoped3A : memref<!tpu.dma_semaphore, #tpu.memory_space<semaphore_mem>>) src(%dma_wait3A_148 : memref<128x64xf32, #tpu.memory_space<vmem_shared>>) dst(%arg8 : memref<128x64xf32, #tpu.memory_space<vmem>>)
      tpu.yield
    }) : () -> ()
    %eq3A_132 = arith.constant 0 : i32
    %eq3A_133 = arith.cmpi eq, %arg0, %eq3A_132 : i32
    %convert_element_type3A_134 = arith.extui %eq3A_133 : i1 to i32
    %cond3A_135 = arith.constant 0 : i32
    %cond3A_136 = arith.cmpi ne, %convert_element_type3A_134, %cond3A_135 : i32
    scf.if %cond3A_136 {
      %add3A_142 = arith.constant 512 : i32
      %add3A_143 = arith.addi %mul3A_25, %add3A_142 : i32
      "tpu.region"() ({
        %run_scoped3A = tpu.sem_alloc : memref<!tpu.dma_semaphore, #tpu.memory_space<semaphore_mem>>
        %dma_start3A_144 = arith.constant 0 : i32
        %dma_start3A_145 = tpu.memref_slice %arg4[%add3A_143, %dma_start3A_144] : memref<10240x64xf32, #tpu.memory_space<hbm>> -> memref<128x64xf32, #tpu.memory_space<hbm>>
        %dma_start3A_146 = arith.constant 0 : i32
        %dma_start3A_147 = tpu.memref_slice %arg4[%add3A_143, %dma_start3A_146] : memref<10240x64xf32, #tpu.memory_space<hbm>> -> memref<128x64xf32, #tpu.memory_space<hbm>>
        tpu.enqueue_dma source(%arg8 : memref<128x64xf32, #tpu.memory_space<vmem>>) target(%dma_start3A_147 : memref<128x64xf32, #tpu.memory_space<hbm>>) target_semaphore(%run_scoped3A : memref<!tpu.dma_semaphore, #tpu.memory_space<semaphore_mem>>)
        %dma_wait3A = arith.constant 0 : i32
        %dma_wait3A_148 = tpu.memref_slice %arg4[%add3A_143, %dma_wait3A] : memref<10240x64xf32, #tpu.memory_space<hbm>> -> memref<128x64xf32, #tpu.memory_space<hbm>>
        %dma_wait3A_149 = arith.constant 0 : i32
        %dma_wait3A_150 = tpu.memref_slice %arg4[%add3A_143, %dma_wait3A_149] : memref<10240x64xf32, #tpu.memory_space<hbm>> -> memref<128x64xf32, #tpu.memory_space<hbm>>
        tpu.wait_dma2 semaphore(%run_scoped3A : memref<!tpu.dma_semaphore, #tpu.memory_space<semaphore_mem>>) src(%arg8 : memref<128x64xf32, #tpu.memory_space<vmem>>) dst(%dma_wait3A_150 : memref<128x64xf32, #tpu.memory_space<hbm>>)
        tpu.yield
      }) : () -> ()
    } else {
    }
    %eq3A_137 = arith.constant 1 : i32
    %eq3A_138 = arith.cmpi eq, %arg0, %eq3A_137 : i32
    %convert_element_type3A_139 = arith.extui %eq3A_138 : i1 to i32
    %cond3A_140 = arith.constant 0 : i32
    %cond3A_141 = arith.cmpi ne, %convert_element_type3A_139, %cond3A_140 : i32
    scf.if %cond3A_141 {
      %add3A_142 = arith.constant 512 : i32
      %add3A_143 = arith.addi %mul3A_25, %add3A_142 : i32
      "tpu.region"() ({
        %run_scoped3A = tpu.sem_alloc : memref<!tpu.dma_semaphore, #tpu.memory_space<semaphore_mem>>
        %dma_start3A_144 = arith.constant 0 : i32
        %dma_start3A_145 = tpu.memref_slice %arg5[%add3A_143, %dma_start3A_144] : memref<10240x64xf32, #tpu.memory_space<hbm>> -> memref<128x64xf32, #tpu.memory_space<hbm>>
        %dma_start3A_146 = arith.constant 0 : i32
        %dma_start3A_147 = tpu.memref_slice %arg5[%add3A_143, %dma_start3A_146] : memref<10240x64xf32, #tpu.memory_space<hbm>> -> memref<128x64xf32, #tpu.memory_space<hbm>>
        tpu.enqueue_dma source(%arg8 : memref<128x64xf32, #tpu.memory_space<vmem>>) target(%dma_start3A_147 : memref<128x64xf32, #tpu.memory_space<hbm>>) target_semaphore(%run_scoped3A : memref<!tpu.dma_semaphore, #tpu.memory_space<semaphore_mem>>)
        %dma_wait3A = arith.constant 0 : i32
        %dma_wait3A_148 = tpu.memref_slice %arg5[%add3A_143, %dma_wait3A] : memref<10240x64xf32, #tpu.memory_space<hbm>> -> memref<128x64xf32, #tpu.memory_space<hbm>>
        %dma_wait3A_149 = arith.constant 0 : i32
        %dma_wait3A_150 = tpu.memref_slice %arg5[%add3A_143, %dma_wait3A_149] : memref<10240x64xf32, #tpu.memory_space<hbm>> -> memref<128x64xf32, #tpu.memory_space<hbm>>
        tpu.wait_dma2 semaphore(%run_scoped3A : memref<!tpu.dma_semaphore, #tpu.memory_space<semaphore_mem>>) src(%arg8 : memref<128x64xf32, #tpu.memory_space<vmem>>) dst(%dma_wait3A_150 : memref<128x64xf32, #tpu.memory_space<hbm>>)
        tpu.yield
      }) : () -> ()
    } else {
    }
    return
  }
}

#map = affine_map<(d0, d1) -> (0, 0)>
#map1 = affine_map<(d0, d1) -> (0)>
module attributes {stable_mosaic.version = 14 : i64} {
  func.func @_deg_body(%arg0: i32, %arg1: i32, %arg2: memref<2x160000xi32, #tpu.memory_space<hbm>>, %arg3: memref<10240xf32, #tpu.memory_space<hbm>>, %arg4: memref<10240xf32, #tpu.memory_space<hbm>>, %arg5: memref<5120xi32, #tpu.memory_space<vmem>>, %arg6: memref<10240xf32, #tpu.memory_space<vmem>>, %arg7: memref<640xf32, #tpu.memory_space<vmem>>, %arg8: memref<16x640xf32, #tpu.memory_space<vmem>>, %arg9: memref<16x10240xf32, #tpu.memory_space<vmem_shared>>) attributes {dimension_semantics = [#tpu.dimension_semantics<core_parallel>, #tpu.dimension_semantics<subcore_parallel>], iteration_bounds = array<i64: 2, 16>, scalar_prefetch = 0 : i64, scratch_operands = 5 : i64, tpu.core_type = #tpu.core_type<sc_vector_subcore>, window_params = [{transform_indices = #map}, {transform_indices = #map1}, {transform_indices = #map1}]} {
    %mul3A = arith.constant 16 : i32
    %mul3A_0 = arith.muli %arg0, %mul3A : i32
    %add3A = arith.addi %mul3A_0, %arg1 : i32
    %iota3A = tpu.iota {dimensions = array<i32: 0>} : vector<16xi32>
    %lt3A = arith.constant 31 : i32
    %lt3A_1 = arith.cmpi slt, %add3A, %lt3A : i32
    %convert_element_type3A = arith.extui %lt3A_1 : i1 to i32
    %cond3A = arith.constant 0 : i32
    %cond3A_2 = arith.cmpi ne, %convert_element_type3A, %cond3A : i32
    scf.if %cond3A_2 {
      %mul3A_39 = arith.constant 5120 : i32
      %mul3A_40 = arith.muli %add3A, %mul3A_39 : i32
      %run_scoped3A = arith.constant 1 : i32
      "tpu.region"() ({
        %run_scoped3A_41 = tpu.sem_alloc : memref<!tpu.dma_semaphore, #tpu.memory_space<semaphore_mem>>
        %dma_start3A = tpu.memref_slice %arg2[%run_scoped3A, %mul3A_40] : memref<2x160000xi32, #tpu.memory_space<hbm>> -> memref<1x5120xi32, #tpu.memory_space<hbm>>
        %dma_start3A_42 = tpu.memref_squeeze %dma_start3A : memref<1x5120xi32, #tpu.memory_space<hbm>> -> memref<5120xi32, #tpu.memory_space<hbm>>
        %dma_start3A_43 = tpu.memref_slice %arg2[%run_scoped3A, %mul3A_40] : memref<2x160000xi32, #tpu.memory_space<hbm>> -> memref<1x5120xi32, #tpu.memory_space<hbm>>
        %dma_start3A_44 = tpu.memref_squeeze %dma_start3A_43 : memref<1x5120xi32, #tpu.memory_space<hbm>> -> memref<5120xi32, #tpu.memory_space<hbm>>
        tpu.enqueue_dma source(%dma_start3A_44 : memref<5120xi32, #tpu.memory_space<hbm>>) target(%arg5 : memref<5120xi32, #tpu.memory_space<vmem>>) target_semaphore(%run_scoped3A_41 : memref<!tpu.dma_semaphore, #tpu.memory_space<semaphore_mem>>)
        %dma_wait3A = tpu.memref_slice %arg2[%run_scoped3A, %mul3A_40] : memref<2x160000xi32, #tpu.memory_space<hbm>> -> memref<1x5120xi32, #tpu.memory_space<hbm>>
        %dma_wait3A_45 = tpu.memref_squeeze %dma_wait3A : memref<1x5120xi32, #tpu.memory_space<hbm>> -> memref<5120xi32, #tpu.memory_space<hbm>>
        %dma_wait3A_46 = tpu.memref_slice %arg2[%run_scoped3A, %mul3A_40] : memref<2x160000xi32, #tpu.memory_space<hbm>> -> memref<1x5120xi32, #tpu.memory_space<hbm>>
        %dma_wait3A_47 = tpu.memref_squeeze %dma_wait3A_46 : memref<1x5120xi32, #tpu.memory_space<hbm>> -> memref<5120xi32, #tpu.memory_space<hbm>>
        tpu.wait_dma2 semaphore(%run_scoped3A_41 : memref<!tpu.dma_semaphore, #tpu.memory_space<semaphore_mem>>) src(%dma_wait3A_47 : memref<5120xi32, #tpu.memory_space<hbm>>) dst(%arg5 : memref<5120xi32, #tpu.memory_space<vmem>>)
        tpu.yield
      }) : () -> ()
    } else {
    }
    %eq3A = arith.constant 31 : i32
    %eq3A_3 = arith.cmpi eq, %add3A, %eq3A : i32
    %convert_element_type3A_4 = arith.extui %eq3A_3 : i1 to i32
    %cond3A_5 = arith.constant 0 : i32
    %cond3A_6 = arith.cmpi ne, %convert_element_type3A_4, %cond3A_5 : i32
    scf.if %cond3A_6 {
      %run_scoped3A = arith.constant 1 : i32
      "tpu.region"() ({
        %run_scoped3A_45 = tpu.sem_alloc : memref<!tpu.dma_semaphore, #tpu.memory_space<semaphore_mem>>
        %dma_start3A = arith.constant 0 : i32
        %dma_start3A_46 = tpu.memref_slice %arg5[%dma_start3A] : memref<5120xi32, #tpu.memory_space<vmem>> -> memref<1280xi32, #tpu.memory_space<vmem>>
        %dma_start3A_47 = arith.constant 158720 : i32
        %dma_start3A_48 = tpu.memref_slice %arg2[%run_scoped3A, %dma_start3A_47] : memref<2x160000xi32, #tpu.memory_space<hbm>> -> memref<1x1280xi32, #tpu.memory_space<hbm>>
        %dma_start3A_49 = tpu.memref_squeeze %dma_start3A_48 : memref<1x1280xi32, #tpu.memory_space<hbm>> -> memref<1280xi32, #tpu.memory_space<hbm>>
        %dma_start3A_50 = arith.constant 0 : i32
        %dma_start3A_51 = tpu.memref_slice %arg5[%dma_start3A_50] : memref<5120xi32, #tpu.memory_space<vmem>> -> memref<1280xi32, #tpu.memory_space<vmem>>
        %dma_start3A_52 = arith.constant 158720 : i32
        %dma_start3A_53 = tpu.memref_slice %arg2[%run_scoped3A, %dma_start3A_52] : memref<2x160000xi32, #tpu.memory_space<hbm>> -> memref<1x1280xi32, #tpu.memory_space<hbm>>
        %dma_start3A_54 = tpu.memref_squeeze %dma_start3A_53 : memref<1x1280xi32, #tpu.memory_space<hbm>> -> memref<1280xi32, #tpu.memory_space<hbm>>
        tpu.enqueue_dma source(%dma_start3A_54 : memref<1280xi32, #tpu.memory_space<hbm>>) target(%dma_start3A_51 : memref<1280xi32, #tpu.memory_space<vmem>>) target_semaphore(%run_scoped3A_45 : memref<!tpu.dma_semaphore, #tpu.memory_space<semaphore_mem>>)
        %dma_wait3A = arith.constant 0 : i32
        %dma_wait3A_55 = tpu.memref_slice %arg5[%dma_wait3A] : memref<5120xi32, #tpu.memory_space<vmem>> -> memref<1280xi32, #tpu.memory_space<vmem>>
        %dma_wait3A_56 = arith.constant 158720 : i32
        %dma_wait3A_57 = tpu.memref_slice %arg2[%run_scoped3A, %dma_wait3A_56] : memref<2x160000xi32, #tpu.memory_space<hbm>> -> memref<1x1280xi32, #tpu.memory_space<hbm>>
        %dma_wait3A_58 = tpu.memref_squeeze %dma_wait3A_57 : memref<1x1280xi32, #tpu.memory_space<hbm>> -> memref<1280xi32, #tpu.memory_space<hbm>>
        %dma_wait3A_59 = arith.constant 0 : i32
        %dma_wait3A_60 = tpu.memref_slice %arg5[%dma_wait3A_59] : memref<5120xi32, #tpu.memory_space<vmem>> -> memref<1280xi32, #tpu.memory_space<vmem>>
        %dma_wait3A_61 = arith.constant 158720 : i32
        %dma_wait3A_62 = tpu.memref_slice %arg2[%run_scoped3A, %dma_wait3A_61] : memref<2x160000xi32, #tpu.memory_space<hbm>> -> memref<1x1280xi32, #tpu.memory_space<hbm>>
        %dma_wait3A_63 = tpu.memref_squeeze %dma_wait3A_62 : memref<1x1280xi32, #tpu.memory_space<hbm>> -> memref<1280xi32, #tpu.memory_space<hbm>>
        tpu.wait_dma2 semaphore(%run_scoped3A_45 : memref<!tpu.dma_semaphore, #tpu.memory_space<semaphore_mem>>) src(%dma_wait3A_63 : memref<1280xi32, #tpu.memory_space<hbm>>) dst(%dma_wait3A_60 : memref<1280xi32, #tpu.memory_space<vmem>>)
        tpu.yield
      }) : () -> ()
      %scan3A_39 = arith.constant 0 : i32
      %scan3A_40 = arith.constant 80 : i32
      %scan3A_41 = arith.constant 240 : i32
      %scan3A_42 = arith.addi %scan3A_40, %scan3A_41 : i32
      %scan3A_43 = arith.constant 1 : i32
      scf.for %scan3A_45 = %scan3A_40 to %scan3A_42 step %scan3A_43  : i32 {
        %mul3A_46 = arith.constant 16 : i32
        %mul3A_47 = arith.muli %scan3A_45, %mul3A_46 : i32
        %add3A_48 = vector.broadcast %mul3A_47 : i32 to vector<16xi32>
        %add3A_49 = arith.addi %add3A_48, %iota3A : vector<16xi32>
        %and3A = arith.constant 127 : i32
        %and3A_50 = vector.broadcast %and3A : i32 to vector<16xi32>
        %and3A_51 = arith.andi %add3A_49, %and3A_50 : vector<16xi32>
        %add3A_52 = arith.constant 10000 : i32
        %add3A_53 = vector.broadcast %add3A_52 : i32 to vector<16xi32>
        %add3A_54 = arith.addi %add3A_53, %and3A_51 : vector<16xi32>
        %mul3A_55 = arith.constant 16 : i32
        %mul3A_56 = arith.muli %scan3A_45, %mul3A_55 : i32
        %swap3A = arith.index_cast %mul3A_56 : i32 to index
        %swap3A_57 = tpu.vector_load %arg5[%swap3A] {strides = array<i32>} : memref<5120xi32, #tpu.memory_space<vmem>>, vector<16xi32>,
        tpu.vector_store %arg5[%swap3A], %add3A_54 {strides = array<i32>} : memref<5120xi32, #tpu.memory_space<vmem>>, vector<16xi32>,
      }
      %scan3A_44 = arith.constant 240 : i32
    } else {
    }
    %broadcast_in_dim3A = arith.constant 0.000000e+00 : f32
    %broadcast_in_dim3A_7 = vector.broadcast %broadcast_in_dim3A : f32 to vector<16xf32>
    %broadcast_in_dim3A_8 = arith.constant 1.000000e+00 : f32
    %broadcast_in_dim3A_9 = vector.broadcast %broadcast_in_dim3A_8 : f32 to vector<16xf32>
    %scan3A = arith.constant 0 : i32
    %scan3A_10 = arith.constant 0 : i32
    %scan3A_11 = arith.constant 640 : i32
    %scan3A_12 = arith.addi %scan3A_10, %scan3A_11 : i32
    %scan3A_13 = arith.constant 1 : i32
    scf.for %scan3A_39 = %scan3A_10 to %scan3A_12 step %scan3A_13  : i32 {
      %mul3A_40 = arith.constant 16 : i32
      %mul3A_41 = arith.muli %scan3A_39, %mul3A_40 : i32
      %swap3A = arith.index_cast %mul3A_41 : i32 to index
      %swap3A_42 = tpu.vector_load %arg6[%swap3A] {strides = array<i32>} : memref<10240xf32, #tpu.memory_space<vmem>>, vector<16xf32>,
      tpu.vector_store %arg6[%swap3A], %broadcast_in_dim3A_7 {strides = array<i32>} : memref<10240xf32, #tpu.memory_space<vmem>>, vector<16xf32>,
    }
    %scan3A_14 = arith.constant 640 : i32
    %scan3A_15 = arith.constant 0 : i32
    %scan3A_16 = arith.constant 0 : i32
    %scan3A_17 = arith.constant 320 : i32
    %scan3A_18 = arith.addi %scan3A_16, %scan3A_17 : i32
    %scan3A_19 = arith.constant 1 : i32
    scf.for %scan3A_39 = %scan3A_16 to %scan3A_18 step %scan3A_19  : i32 {
      %mul3A_40 = arith.constant 16 : i32
      %mul3A_41 = arith.muli %scan3A_39, %mul3A_40 : i32
      %get3A = arith.index_cast %mul3A_41 : i32 to index
      %get3A_42 = tpu.vector_load %arg5[%get3A] {strides = array<i32>} : memref<5120xi32, #tpu.memory_space<vmem>>, vector<16xi32>,
      tpu.vector_store_idx %arg6[%get3A_42], %broadcast_in_dim3A_9 {add = true} : memref<10240xf32, #tpu.memory_space<vmem>>[vector<16xi32>], vector<16xf32>,
    }
    %scan3A_20 = arith.constant 320 : i32
    "tpu.region"() ({
      %run_scoped3A = tpu.sem_alloc : memref<!tpu.dma_semaphore, #tpu.memory_space<semaphore_mem>>
      %dma_start3A = arith.constant 0 : i32
      %dma_start3A_39 = tpu.memref_slice %arg9[%arg1, %dma_start3A] : memref<16x10240xf32, #tpu.memory_space<vmem_shared>> -> memref<1x10240xf32, #tpu.memory_space<vmem_shared>>
      %dma_start3A_40 = tpu.memref_squeeze %dma_start3A_39 : memref<1x10240xf32, #tpu.memory_space<vmem_shared>> -> memref<10240xf32, #tpu.memory_space<vmem_shared>>
      %dma_start3A_41 = arith.constant 0 : i32
      %dma_start3A_42 = tpu.memref_slice %arg9[%arg1, %dma_start3A_41] : memref<16x10240xf32, #tpu.memory_space<vmem_shared>> -> memref<1x10240xf32, #tpu.memory_space<vmem_shared>>
      %dma_start3A_43 = tpu.memref_squeeze %dma_start3A_42 : memref<1x10240xf32, #tpu.memory_space<vmem_shared>> -> memref<10240xf32, #tpu.memory_space<vmem_shared>>
      tpu.enqueue_dma source(%arg6 : memref<10240xf32, #tpu.memory_space<vmem>>) target(%dma_start3A_43 : memref<10240xf32, #tpu.memory_space<vmem_shared>>) target_semaphore(%run_scoped3A : memref<!tpu.dma_semaphore, #tpu.memory_space<semaphore_mem>>)
      %dma_wait3A = arith.constant 0 : i32
      %dma_wait3A_44 = tpu.memref_slice %arg9[%arg1, %dma_wait3A] : memref<16x10240xf32, #tpu.memory_space<vmem_shared>> -> memref<1x10240xf32, #tpu.memory_space<vmem_shared>>
      %dma_wait3A_45 = tpu.memref_squeeze %dma_wait3A_44 : memref<1x10240xf32, #tpu.memory_space<vmem_shared>> -> memref<10240xf32, #tpu.memory_space<vmem_shared>>
      %dma_wait3A_46 = arith.constant 0 : i32
      %dma_wait3A_47 = tpu.memref_slice %arg9[%arg1, %dma_wait3A_46] : memref<16x10240xf32, #tpu.memory_space<vmem_shared>> -> memref<1x10240xf32, #tpu.memory_space<vmem_shared>>
      %dma_wait3A_48 = tpu.memref_squeeze %dma_wait3A_47 : memref<1x10240xf32, #tpu.memory_space<vmem_shared>> -> memref<10240xf32, #tpu.memory_space<vmem_shared>>
      tpu.wait_dma2 semaphore(%run_scoped3A : memref<!tpu.dma_semaphore, #tpu.memory_space<semaphore_mem>>) src(%arg6 : memref<10240xf32, #tpu.memory_space<vmem>>) dst(%dma_wait3A_48 : memref<10240xf32, #tpu.memory_space<vmem_shared>>)
      tpu.yield
    }) : () -> ()
    %barrier3A = arith.constant 0 : index
    tpu.barrier barrier_id(%barrier3A)
    %mul3A_21 = arith.constant 640 : i32
    %mul3A_22 = arith.muli %arg1, %mul3A_21 : i32
    "tpu.region"() ({
      %run_scoped3A = tpu.sem_alloc : memref<!tpu.dma_semaphore, #tpu.memory_space<semaphore_mem>>
      %dma_start3A = arith.constant 0 : i32
      %dma_start3A_39 = tpu.memref_slice %arg9[%dma_start3A, %mul3A_22] : memref<16x10240xf32, #tpu.memory_space<vmem_shared>> -> memref<16x640xf32, #tpu.memory_space<vmem_shared>>
      %dma_start3A_40 = arith.constant 0 : i32
      %dma_start3A_41 = tpu.memref_slice %arg9[%dma_start3A_40, %mul3A_22] : memref<16x10240xf32, #tpu.memory_space<vmem_shared>> -> memref<16x640xf32, #tpu.memory_space<vmem_shared>>
      tpu.enqueue_dma source(%dma_start3A_41 : memref<16x640xf32, #tpu.memory_space<vmem_shared>>) target(%arg8 : memref<16x640xf32, #tpu.memory_space<vmem>>) target_semaphore(%run_scoped3A : memref<!tpu.dma_semaphore, #tpu.memory_space<semaphore_mem>>)
      %dma_wait3A = arith.constant 0 : i32
      %dma_wait3A_42 = tpu.memref_slice %arg9[%dma_wait3A, %mul3A_22] : memref<16x10240xf32, #tpu.memory_space<vmem_shared>> -> memref<16x640xf32, #tpu.memory_space<vmem_shared>>
      %dma_wait3A_43 = arith.constant 0 : i32
      %dma_wait3A_44 = tpu.memref_slice %arg9[%dma_wait3A_43, %mul3A_22] : memref<16x10240xf32, #tpu.memory_space<vmem_shared>> -> memref<16x640xf32, #tpu.memory_space<vmem_shared>>
      tpu.wait_dma2 semaphore(%run_scoped3A : memref<!tpu.dma_semaphore, #tpu.memory_space<semaphore_mem>>) src(%dma_wait3A_44 : memref<16x640xf32, #tpu.memory_space<vmem_shared>>) dst(%arg8 : memref<16x640xf32, #tpu.memory_space<vmem>>)
      tpu.yield
    }) : () -> ()
    %scan3A_23 = arith.constant 0 : i32
    %scan3A_24 = arith.constant 0 : i32
    %scan3A_25 = arith.constant 40 : i32
    %scan3A_26 = arith.addi %scan3A_24, %scan3A_25 : i32
    %scan3A_27 = arith.constant 1 : i32
    scf.for %scan3A_39 = %scan3A_24 to %scan3A_26 step %scan3A_27  : i32 {
      %mul3A_40 = arith.constant 16 : i32
      %mul3A_41 = arith.muli %scan3A_39, %mul3A_40 : i32
      %get3A = arith.constant 0 : i32
      %get3A_42 = arith.index_cast %get3A : i32 to index
      %get3A_43 = arith.index_cast %mul3A_41 : i32 to index
      %get3A_44 = tpu.vector_load %arg8[%get3A_42, %get3A_43] {strides = array<i32>} : memref<16x640xf32, #tpu.memory_space<vmem>>, vector<16xf32>,
      %mul3A_45 = arith.constant 16 : i32
      %mul3A_46 = arith.muli %scan3A_39, %mul3A_45 : i32
      %get3A_47 = arith.constant 1 : i32
      %get3A_48 = arith.index_cast %get3A_47 : i32 to index
      %get3A_49 = arith.index_cast %mul3A_46 : i32 to index
      %get3A_50 = tpu.vector_load %arg8[%get3A_48, %get3A_49] {strides = array<i32>} : memref<16x640xf32, #tpu.memory_space<vmem>>, vector<16xf32>,
      %add3A_51 = arith.addf %get3A_44, %get3A_50 : vector<16xf32>
      %mul3A_52 = arith.constant 16 : i32
      %mul3A_53 = arith.muli %scan3A_39, %mul3A_52 : i32
      %get3A_54 = arith.constant 2 : i32
      %get3A_55 = arith.index_cast %get3A_54 : i32 to index
      %get3A_56 = arith.index_cast %mul3A_53 : i32 to index
      %get3A_57 = tpu.vector_load %arg8[%get3A_55, %get3A_56] {strides = array<i32>} : memref<16x640xf32, #tpu.memory_space<vmem>>, vector<16xf32>,
      %add3A_58 = arith.addf %add3A_51, %get3A_57 : vector<16xf32>
      %mul3A_59 = arith.constant 16 : i32
      %mul3A_60 = arith.muli %scan3A_39, %mul3A_59 : i32
      %get3A_61 = arith.constant 3 : i32
      %get3A_62 = arith.index_cast %get3A_61 : i32 to index
      %get3A_63 = arith.index_cast %mul3A_60 : i32 to index
      %get3A_64 = tpu.vector_load %arg8[%get3A_62, %get3A_63] {strides = array<i32>} : memref<16x640xf32, #tpu.memory_space<vmem>>, vector<16xf32>,
      %add3A_65 = arith.addf %add3A_58, %get3A_64 : vector<16xf32>
      %mul3A_66 = arith.constant 16 : i32
      %mul3A_67 = arith.muli %scan3A_39, %mul3A_66 : i32
      %get3A_68 = arith.constant 4 : i32
      %get3A_69 = arith.index_cast %get3A_68 : i32 to index
      %get3A_70 = arith.index_cast %mul3A_67 : i32 to index
      %get3A_71 = tpu.vector_load %arg8[%get3A_69, %get3A_70] {strides = array<i32>} : memref<16x640xf32, #tpu.memory_space<vmem>>, vector<16xf32>,
      %add3A_72 = arith.addf %add3A_65, %get3A_71 : vector<16xf32>
      %mul3A_73 = arith.constant 16 : i32
      %mul3A_74 = arith.muli %scan3A_39, %mul3A_73 : i32
      %get3A_75 = arith.constant 5 : i32
      %get3A_76 = arith.index_cast %get3A_75 : i32 to index
      %get3A_77 = arith.index_cast %mul3A_74 : i32 to index
      %get3A_78 = tpu.vector_load %arg8[%get3A_76, %get3A_77] {strides = array<i32>} : memref<16x640xf32, #tpu.memory_space<vmem>>, vector<16xf32>,
      %add3A_79 = arith.addf %add3A_72, %get3A_78 : vector<16xf32>
      %mul3A_80 = arith.constant 16 : i32
      %mul3A_81 = arith.muli %scan3A_39, %mul3A_80 : i32
      %get3A_82 = arith.constant 6 : i32
      %get3A_83 = arith.index_cast %get3A_82 : i32 to index
      %get3A_84 = arith.index_cast %mul3A_81 : i32 to index
      %get3A_85 = tpu.vector_load %arg8[%get3A_83, %get3A_84] {strides = array<i32>} : memref<16x640xf32, #tpu.memory_space<vmem>>, vector<16xf32>,
      %add3A_86 = arith.addf %add3A_79, %get3A_85 : vector<16xf32>
      %mul3A_87 = arith.constant 16 : i32
      %mul3A_88 = arith.muli %scan3A_39, %mul3A_87 : i32
      %get3A_89 = arith.constant 7 : i32
      %get3A_90 = arith.index_cast %get3A_89 : i32 to index
      %get3A_91 = arith.index_cast %mul3A_88 : i32 to index
      %get3A_92 = tpu.vector_load %arg8[%get3A_90, %get3A_91] {strides = array<i32>} : memref<16x640xf32, #tpu.memory_space<vmem>>, vector<16xf32>,
      %add3A_93 = arith.addf %add3A_86, %get3A_92 : vector<16xf32>
      %mul3A_94 = arith.constant 16 : i32
      %mul3A_95 = arith.muli %scan3A_39, %mul3A_94 : i32
      %get3A_96 = arith.constant 8 : i32
      %get3A_97 = arith.index_cast %get3A_96 : i32 to index
      %get3A_98 = arith.index_cast %mul3A_95 : i32 to index
      %get3A_99 = tpu.vector_load %arg8[%get3A_97, %get3A_98] {strides = array<i32>} : memref<16x640xf32, #tpu.memory_space<vmem>>, vector<16xf32>,
      %add3A_100 = arith.addf %add3A_93, %get3A_99 : vector<16xf32>
      %mul3A_101 = arith.constant 16 : i32
      %mul3A_102 = arith.muli %scan3A_39, %mul3A_101 : i32
      %get3A_103 = arith.constant 9 : i32
      %get3A_104 = arith.index_cast %get3A_103 : i32 to index
      %get3A_105 = arith.index_cast %mul3A_102 : i32 to index
      %get3A_106 = tpu.vector_load %arg8[%get3A_104, %get3A_105] {strides = array<i32>} : memref<16x640xf32, #tpu.memory_space<vmem>>, vector<16xf32>,
      %add3A_107 = arith.addf %add3A_100, %get3A_106 : vector<16xf32>
      %mul3A_108 = arith.constant 16 : i32
      %mul3A_109 = arith.muli %scan3A_39, %mul3A_108 : i32
      %get3A_110 = arith.constant 10 : i32
      %get3A_111 = arith.index_cast %get3A_110 : i32 to index
      %get3A_112 = arith.index_cast %mul3A_109 : i32 to index
      %get3A_113 = tpu.vector_load %arg8[%get3A_111, %get3A_112] {strides = array<i32>} : memref<16x640xf32, #tpu.memory_space<vmem>>, vector<16xf32>,
      %add3A_114 = arith.addf %add3A_107, %get3A_113 : vector<16xf32>
      %mul3A_115 = arith.constant 16 : i32
      %mul3A_116 = arith.muli %scan3A_39, %mul3A_115 : i32
      %get3A_117 = arith.constant 11 : i32
      %get3A_118 = arith.index_cast %get3A_117 : i32 to index
      %get3A_119 = arith.index_cast %mul3A_116 : i32 to index
      %get3A_120 = tpu.vector_load %arg8[%get3A_118, %get3A_119] {strides = array<i32>} : memref<16x640xf32, #tpu.memory_space<vmem>>, vector<16xf32>,
      %add3A_121 = arith.addf %add3A_114, %get3A_120 : vector<16xf32>
      %mul3A_122 = arith.constant 16 : i32
      %mul3A_123 = arith.muli %scan3A_39, %mul3A_122 : i32
      %get3A_124 = arith.constant 12 : i32
      %get3A_125 = arith.index_cast %get3A_124 : i32 to index
      %get3A_126 = arith.index_cast %mul3A_123 : i32 to index
      %get3A_127 = tpu.vector_load %arg8[%get3A_125, %get3A_126] {strides = array<i32>} : memref<16x640xf32, #tpu.memory_space<vmem>>, vector<16xf32>,
      %add3A_128 = arith.addf %add3A_121, %get3A_127 : vector<16xf32>
      %mul3A_129 = arith.constant 16 : i32
      %mul3A_130 = arith.muli %scan3A_39, %mul3A_129 : i32
      %get3A_131 = arith.constant 13 : i32
      %get3A_132 = arith.index_cast %get3A_131 : i32 to index
      %get3A_133 = arith.index_cast %mul3A_130 : i32 to index
      %get3A_134 = tpu.vector_load %arg8[%get3A_132, %get3A_133] {strides = array<i32>} : memref<16x640xf32, #tpu.memory_space<vmem>>, vector<16xf32>,
      %add3A_135 = arith.addf %add3A_128, %get3A_134 : vector<16xf32>
      %mul3A_136 = arith.constant 16 : i32
      %mul3A_137 = arith.muli %scan3A_39, %mul3A_136 : i32
      %get3A_138 = arith.constant 14 : i32
      %get3A_139 = arith.index_cast %get3A_138 : i32 to index
      %get3A_140 = arith.index_cast %mul3A_137 : i32 to index
      %get3A_141 = tpu.vector_load %arg8[%get3A_139, %get3A_140] {strides = array<i32>} : memref<16x640xf32, #tpu.memory_space<vmem>>, vector<16xf32>,
      %add3A_142 = arith.addf %add3A_135, %get3A_141 : vector<16xf32>
      %mul3A_143 = arith.constant 16 : i32
      %mul3A_144 = arith.muli %scan3A_39, %mul3A_143 : i32
      %get3A_145 = arith.constant 15 : i32
      %get3A_146 = arith.index_cast %get3A_145 : i32 to index
      %get3A_147 = arith.index_cast %mul3A_144 : i32 to index
      %get3A_148 = tpu.vector_load %arg8[%get3A_146, %get3A_147] {strides = array<i32>} : memref<16x640xf32, #tpu.memory_space<vmem>>, vector<16xf32>,
      %add3A_149 = arith.addf %add3A_142, %get3A_148 : vector<16xf32>
      %mul3A_150 = arith.constant 16 : i32
      %mul3A_151 = arith.muli %scan3A_39, %mul3A_150 : i32
      %swap3A = arith.index_cast %mul3A_151 : i32 to index
      %swap3A_152 = tpu.vector_load %arg7[%swap3A] {strides = array<i32>} : memref<640xf32, #tpu.memory_space<vmem>>, vector<16xf32>,
      tpu.vector_store %arg7[%swap3A], %add3A_149 {strides = array<i32>} : memref<640xf32, #tpu.memory_space<vmem>>, vector<16xf32>,
    }
    %scan3A_28 = arith.constant 40 : i32
    %eq3A_29 = arith.constant 0 : i32
    %eq3A_30 = arith.cmpi eq, %arg0, %eq3A_29 : i32
    %convert_element_type3A_31 = arith.extui %eq3A_30 : i1 to i32
    %cond3A_32 = arith.constant 0 : i32
    %cond3A_33 = arith.cmpi ne, %convert_element_type3A_31, %cond3A_32 : i32
    scf.if %cond3A_33 {
      "tpu.region"() ({
        %run_scoped3A = tpu.sem_alloc : memref<!tpu.dma_semaphore, #tpu.memory_space<semaphore_mem>>
        %dma_start3A = tpu.memref_slice %arg3[%mul3A_22] : memref<10240xf32, #tpu.memory_space<hbm>> -> memref<640xf32, #tpu.memory_space<hbm>>
        %dma_start3A_39 = tpu.memref_slice %arg3[%mul3A_22] : memref<10240xf32, #tpu.memory_space<hbm>> -> memref<640xf32, #tpu.memory_space<hbm>>
        tpu.enqueue_dma source(%arg7 : memref<640xf32, #tpu.memory_space<vmem>>) target(%dma_start3A_39 : memref<640xf32, #tpu.memory_space<hbm>>) target_semaphore(%run_scoped3A : memref<!tpu.dma_semaphore, #tpu.memory_space<semaphore_mem>>)
        %dma_wait3A = tpu.memref_slice %arg3[%mul3A_22] : memref<10240xf32, #tpu.memory_space<hbm>> -> memref<640xf32, #tpu.memory_space<hbm>>
        %dma_wait3A_40 = tpu.memref_slice %arg3[%mul3A_22] : memref<10240xf32, #tpu.memory_space<hbm>> -> memref<640xf32, #tpu.memory_space<hbm>>
        tpu.wait_dma2 semaphore(%run_scoped3A : memref<!tpu.dma_semaphore, #tpu.memory_space<semaphore_mem>>) src(%arg7 : memref<640xf32, #tpu.memory_space<vmem>>) dst(%dma_wait3A_40 : memref<640xf32, #tpu.memory_space<hbm>>)
        tpu.yield
      }) : () -> ()
    } else {
    }
    %eq3A_34 = arith.constant 1 : i32
    %eq3A_35 = arith.cmpi eq, %arg0, %eq3A_34 : i32
    %convert_element_type3A_36 = arith.extui %eq3A_35 : i1 to i32
    %cond3A_37 = arith.constant 0 : i32
    %cond3A_38 = arith.cmpi ne, %convert_element_type3A_36, %cond3A_37 : i32
    scf.if %cond3A_38 {
      "tpu.region"() ({
        %run_scoped3A = tpu.sem_alloc : memref<!tpu.dma_semaphore, #tpu.memory_space<semaphore_mem>>
        %dma_start3A = tpu.memref_slice %arg4[%mul3A_22] : memref<10240xf32, #tpu.memory_space<hbm>> -> memref<640xf32, #tpu.memory_space<hbm>>
        %dma_start3A_39 = tpu.memref_slice %arg4[%mul3A_22] : memref<10240xf32, #tpu.memory_space<hbm>> -> memref<640xf32, #tpu.memory_space<hbm>>
        tpu.enqueue_dma source(%arg7 : memref<640xf32, #tpu.memory_space<vmem>>) target(%dma_start3A_39 : memref<640xf32, #tpu.memory_space<hbm>>) target_semaphore(%run_scoped3A : memref<!tpu.dma_semaphore, #tpu.memory_space<semaphore_mem>>)
        %dma_wait3A = tpu.memref_slice %arg4[%mul3A_22] : memref<10240xf32, #tpu.memory_space<hbm>> -> memref<640xf32, #tpu.memory_space<hbm>>
        %dma_wait3A_40 = tpu.memref_slice %arg4[%mul3A_22] : memref<10240xf32, #tpu.memory_space<hbm>> -> memref<640xf32, #tpu.memory_space<hbm>>
        tpu.wait_dma2 semaphore(%run_scoped3A : memref<!tpu.dma_semaphore, #tpu.memory_space<semaphore_mem>>) src(%arg7 : memref<640xf32, #tpu.memory_space<vmem>>) dst(%dma_wait3A_40 : memref<640xf32, #tpu.memory_space<hbm>>)
        tpu.yield
      }) : () -> ()
    } else {
    }
    return
  }
}

#map = affine_map<(d0, d1) -> (0, 0)>
module attributes {stable_mosaic.version = 14 : i64} {
  func.func @body(%arg0: i32, %arg1: i32, %arg2: memref<10240x128xf32, #tpu.memory_space<hbm>>, %arg3: memref<2x160000xi32, #tpu.memory_space<hbm>>, %arg4: memref<10240x128xf32, #tpu.memory_space<hbm>>, %arg5: memref<10240x128xf32, #tpu.memory_space<hbm>>, %arg6: memref<5120xi32, #tpu.memory_space<vmem>>, %arg7: memref<5120xi32, #tpu.memory_space<vmem>>, %arg8: memref<64x128xf32, #tpu.memory_space<vmem>>, %arg9: memref<64x128xf32, #tpu.memory_space<vmem>>, %arg10: memref<64x128xf32, #tpu.memory_space<vmem>>, %arg11: memref<64x128xf32, #tpu.memory_space<vmem>>, %arg12: memref<!tpu.dma_semaphore, #tpu.memory_space<semaphore_mem>>, %arg13: memref<!tpu.dma_semaphore, #tpu.memory_space<semaphore_mem>>, %arg14: memref<!tpu.dma_semaphore, #tpu.memory_space<semaphore_mem>>, %arg15: memref<!tpu.dma_semaphore, #tpu.memory_space<semaphore_mem>>, %arg16: memref<10240x128xf32, #tpu.memory_space<vmem_shared>>) attributes {dimension_semantics = [#tpu.dimension_semantics<core_parallel>, #tpu.dimension_semantics<subcore_parallel>], iteration_bounds = array<i64: 2, 16>, scalar_prefetch = 0 : i64, scratch_operands = 11 : i64, tpu.core_type = #tpu.core_type<sc_vector_subcore>, window_params = [{transform_indices = #map}, {transform_indices = #map}, {transform_indices = #map}, {transform_indices = #map}]} {
    %mul3A = arith.constant 16 : i32
    %mul3A_0 = arith.muli %arg0, %mul3A : i32
    %add3A = arith.addi %mul3A_0, %arg1 : i32
    %iota3A = tpu.iota {dimensions = array<i32: 0>} : vector<16xi32>
    %lt3A = arith.constant 31 : i32
    %lt3A_1 = arith.cmpi slt, %add3A, %lt3A : i32
    %convert_element_type3A = arith.extui %lt3A_1 : i1 to i32
    %cond3A = arith.constant 0 : i32
    %cond3A_2 = arith.cmpi ne, %convert_element_type3A, %cond3A : i32
    scf.if %cond3A_2 {
      %mul3A_192 = arith.constant 5120 : i32
      %mul3A_193 = arith.muli %add3A, %mul3A_192 : i32
      %run_scoped3A = arith.constant 0 : i32
      "tpu.region"() ({
        %run_scoped3A_194 = tpu.sem_alloc : memref<!tpu.dma_semaphore, #tpu.memory_space<semaphore_mem>>
        %dma_start3A_195 = tpu.memref_slice %arg3[%run_scoped3A, %mul3A_193] : memref<2x160000xi32, #tpu.memory_space<hbm>> -> memref<1x5120xi32, #tpu.memory_space<hbm>>
        %dma_start3A_196 = tpu.memref_squeeze %dma_start3A_195 : memref<1x5120xi32, #tpu.memory_space<hbm>> -> memref<5120xi32, #tpu.memory_space<hbm>>
        %dma_start3A_197 = tpu.memref_slice %arg3[%run_scoped3A, %mul3A_193] : memref<2x160000xi32, #tpu.memory_space<hbm>> -> memref<1x5120xi32, #tpu.memory_space<hbm>>
        %dma_start3A_198 = tpu.memref_squeeze %dma_start3A_197 : memref<1x5120xi32, #tpu.memory_space<hbm>> -> memref<5120xi32, #tpu.memory_space<hbm>>
        tpu.enqueue_dma source(%dma_start3A_198 : memref<5120xi32, #tpu.memory_space<hbm>>) target(%arg6 : memref<5120xi32, #tpu.memory_space<vmem>>) target_semaphore(%run_scoped3A_194 : memref<!tpu.dma_semaphore, #tpu.memory_space<semaphore_mem>>)
        %dma_wait3A = tpu.memref_slice %arg3[%run_scoped3A, %mul3A_193] : memref<2x160000xi32, #tpu.memory_space<hbm>> -> memref<1x5120xi32, #tpu.memory_space<hbm>>
        %dma_wait3A_199 = tpu.memref_squeeze %dma_wait3A : memref<1x5120xi32, #tpu.memory_space<hbm>> -> memref<5120xi32, #tpu.memory_space<hbm>>
        %dma_wait3A_200 = tpu.memref_slice %arg3[%run_scoped3A, %mul3A_193] : memref<2x160000xi32, #tpu.memory_space<hbm>> -> memref<1x5120xi32, #tpu.memory_space<hbm>>
        %dma_wait3A_201 = tpu.memref_squeeze %dma_wait3A_200 : memref<1x5120xi32, #tpu.memory_space<hbm>> -> memref<5120xi32, #tpu.memory_space<hbm>>
        tpu.wait_dma2 semaphore(%run_scoped3A_194 : memref<!tpu.dma_semaphore, #tpu.memory_space<semaphore_mem>>) src(%dma_wait3A_201 : memref<5120xi32, #tpu.memory_space<hbm>>) dst(%arg6 : memref<5120xi32, #tpu.memory_space<vmem>>)
        tpu.yield
      }) : () -> ()
    } else {
    }
    %eq3A = arith.constant 31 : i32
    %eq3A_3 = arith.cmpi eq, %add3A, %eq3A : i32
    %convert_element_type3A_4 = arith.extui %eq3A_3 : i1 to i32
    %cond3A_5 = arith.constant 0 : i32
    %cond3A_6 = arith.cmpi ne, %convert_element_type3A_4, %cond3A_5 : i32
    scf.if %cond3A_6 {
      %run_scoped3A = arith.constant 0 : i32
      "tpu.region"() ({
        %run_scoped3A_198 = tpu.sem_alloc : memref<!tpu.dma_semaphore, #tpu.memory_space<semaphore_mem>>
        %dma_start3A_199 = arith.constant 0 : i32
        %dma_start3A_200 = tpu.memref_slice %arg6[%dma_start3A_199] : memref<5120xi32, #tpu.memory_space<vmem>> -> memref<1280xi32, #tpu.memory_space<vmem>>
        %dma_start3A_201 = arith.constant 158720 : i32
        %dma_start3A_202 = tpu.memref_slice %arg3[%run_scoped3A, %dma_start3A_201] : memref<2x160000xi32, #tpu.memory_space<hbm>> -> memref<1x1280xi32, #tpu.memory_space<hbm>>
        %dma_start3A_203 = tpu.memref_squeeze %dma_start3A_202 : memref<1x1280xi32, #tpu.memory_space<hbm>> -> memref<1280xi32, #tpu.memory_space<hbm>>
        %dma_start3A_204 = arith.constant 0 : i32
        %dma_start3A_205 = tpu.memref_slice %arg6[%dma_start3A_204] : memref<5120xi32, #tpu.memory_space<vmem>> -> memref<1280xi32, #tpu.memory_space<vmem>>
        %dma_start3A_206 = arith.constant 158720 : i32
        %dma_start3A_207 = tpu.memref_slice %arg3[%run_scoped3A, %dma_start3A_206] : memref<2x160000xi32, #tpu.memory_space<hbm>> -> memref<1x1280xi32, #tpu.memory_space<hbm>>
        %dma_start3A_208 = tpu.memref_squeeze %dma_start3A_207 : memref<1x1280xi32, #tpu.memory_space<hbm>> -> memref<1280xi32, #tpu.memory_space<hbm>>
        tpu.enqueue_dma source(%dma_start3A_208 : memref<1280xi32, #tpu.memory_space<hbm>>) target(%dma_start3A_205 : memref<1280xi32, #tpu.memory_space<vmem>>) target_semaphore(%run_scoped3A_198 : memref<!tpu.dma_semaphore, #tpu.memory_space<semaphore_mem>>)
        %dma_wait3A = arith.constant 0 : i32
        %dma_wait3A_209 = tpu.memref_slice %arg6[%dma_wait3A] : memref<5120xi32, #tpu.memory_space<vmem>> -> memref<1280xi32, #tpu.memory_space<vmem>>
        %dma_wait3A_210 = arith.constant 158720 : i32
        %dma_wait3A_211 = tpu.memref_slice %arg3[%run_scoped3A, %dma_wait3A_210] : memref<2x160000xi32, #tpu.memory_space<hbm>> -> memref<1x1280xi32, #tpu.memory_space<hbm>>
        %dma_wait3A_212 = tpu.memref_squeeze %dma_wait3A_211 : memref<1x1280xi32, #tpu.memory_space<hbm>> -> memref<1280xi32, #tpu.memory_space<hbm>>
        %dma_wait3A_213 = arith.constant 0 : i32
        %dma_wait3A_214 = tpu.memref_slice %arg6[%dma_wait3A_213] : memref<5120xi32, #tpu.memory_space<vmem>> -> memref<1280xi32, #tpu.memory_space<vmem>>
        %dma_wait3A_215 = arith.constant 158720 : i32
        %dma_wait3A_216 = tpu.memref_slice %arg3[%run_scoped3A, %dma_wait3A_215] : memref<2x160000xi32, #tpu.memory_space<hbm>> -> memref<1x1280xi32, #tpu.memory_space<hbm>>
        %dma_wait3A_217 = tpu.memref_squeeze %dma_wait3A_216 : memref<1x1280xi32, #tpu.memory_space<hbm>> -> memref<1280xi32, #tpu.memory_space<hbm>>
        tpu.wait_dma2 semaphore(%run_scoped3A_198 : memref<!tpu.dma_semaphore, #tpu.memory_space<semaphore_mem>>) src(%dma_wait3A_217 : memref<1280xi32, #tpu.memory_space<hbm>>) dst(%dma_wait3A_214 : memref<1280xi32, #tpu.memory_space<vmem>>)
        tpu.yield
      }) : () -> ()
      %scan3A_192 = arith.constant 0 : i32
      %scan3A_193 = arith.constant 80 : i32
      %scan3A_194 = arith.constant 240 : i32
      %scan3A_195 = arith.addi %scan3A_193, %scan3A_194 : i32
      %scan3A_196 = arith.constant 1 : i32
      scf.for %scan3A_198 = %scan3A_193 to %scan3A_195 step %scan3A_196  : i32 {
        %mul3A_199 = arith.constant 16 : i32
        %mul3A_200 = arith.muli %scan3A_198, %mul3A_199 : i32
        %add3A_201 = vector.broadcast %mul3A_200 : i32 to vector<16xi32>
        %add3A_202 = arith.addi %add3A_201, %iota3A : vector<16xi32>
        %mul3A_203 = arith.constant 16 : i32
        %mul3A_204 = arith.muli %scan3A_198, %mul3A_203 : i32
        %swap3A = arith.index_cast %mul3A_204 : i32 to index
        %swap3A_205 = tpu.vector_load %arg6[%swap3A] {strides = array<i32>} : memref<5120xi32, #tpu.memory_space<vmem>>, vector<16xi32>,
        tpu.vector_store %arg6[%swap3A], %add3A_202 {strides = array<i32>} : memref<5120xi32, #tpu.memory_space<vmem>>, vector<16xi32>,
      }
      %scan3A_197 = arith.constant 240 : i32
    } else {
    }
    %iota3A_7 = tpu.iota {dimensions = array<i32: 0>} : vector<16xi32>
    %lt3A_8 = arith.constant 31 : i32
    %lt3A_9 = arith.cmpi slt, %add3A, %lt3A_8 : i32
    %convert_element_type3A_10 = arith.extui %lt3A_9 : i1 to i32
    %cond3A_11 = arith.constant 0 : i32
    %cond3A_12 = arith.cmpi ne, %convert_element_type3A_10, %cond3A_11 : i32
    scf.if %cond3A_12 {
      %mul3A_192 = arith.constant 5120 : i32
      %mul3A_193 = arith.muli %add3A, %mul3A_192 : i32
      %run_scoped3A = arith.constant 1 : i32
      "tpu.region"() ({
        %run_scoped3A_194 = tpu.sem_alloc : memref<!tpu.dma_semaphore, #tpu.memory_space<semaphore_mem>>
        %dma_start3A_195 = tpu.memref_slice %arg3[%run_scoped3A, %mul3A_193] : memref<2x160000xi32, #tpu.memory_space<hbm>> -> memref<1x5120xi32, #tpu.memory_space<hbm>>
        %dma_start3A_196 = tpu.memref_squeeze %dma_start3A_195 : memref<1x5120xi32, #tpu.memory_space<hbm>> -> memref<5120xi32, #tpu.memory_space<hbm>>
        %dma_start3A_197 = tpu.memref_slice %arg3[%run_scoped3A, %mul3A_193] : memref<2x160000xi32, #tpu.memory_space<hbm>> -> memref<1x5120xi32, #tpu.memory_space<hbm>>
        %dma_start3A_198 = tpu.memref_squeeze %dma_start3A_197 : memref<1x5120xi32, #tpu.memory_space<hbm>> -> memref<5120xi32, #tpu.memory_space<hbm>>
        tpu.enqueue_dma source(%dma_start3A_198 : memref<5120xi32, #tpu.memory_space<hbm>>) target(%arg7 : memref<5120xi32, #tpu.memory_space<vmem>>) target_semaphore(%run_scoped3A_194 : memref<!tpu.dma_semaphore, #tpu.memory_space<semaphore_mem>>)
        %dma_wait3A = tpu.memref_slice %arg3[%run_scoped3A, %mul3A_193] : memref<2x160000xi32, #tpu.memory_space<hbm>> -> memref<1x5120xi32, #tpu.memory_space<hbm>>
        %dma_wait3A_199 = tpu.memref_squeeze %dma_wait3A : memref<1x5120xi32, #tpu.memory_space<hbm>> -> memref<5120xi32, #tpu.memory_space<hbm>>
        %dma_wait3A_200 = tpu.memref_slice %arg3[%run_scoped3A, %mul3A_193] : memref<2x160000xi32, #tpu.memory_space<hbm>> -> memref<1x5120xi32, #tpu.memory_space<hbm>>
        %dma_wait3A_201 = tpu.memref_squeeze %dma_wait3A_200 : memref<1x5120xi32, #tpu.memory_space<hbm>> -> memref<5120xi32, #tpu.memory_space<hbm>>
        tpu.wait_dma2 semaphore(%run_scoped3A_194 : memref<!tpu.dma_semaphore, #tpu.memory_space<semaphore_mem>>) src(%dma_wait3A_201 : memref<5120xi32, #tpu.memory_space<hbm>>) dst(%arg7 : memref<5120xi32, #tpu.memory_space<vmem>>)
        tpu.yield
      }) : () -> ()
    } else {
    }
    %eq3A_13 = arith.constant 31 : i32
    %eq3A_14 = arith.cmpi eq, %add3A, %eq3A_13 : i32
    %convert_element_type3A_15 = arith.extui %eq3A_14 : i1 to i32
    %cond3A_16 = arith.constant 0 : i32
    %cond3A_17 = arith.cmpi ne, %convert_element_type3A_15, %cond3A_16 : i32
    scf.if %cond3A_17 {
      %run_scoped3A = arith.constant 1 : i32
      "tpu.region"() ({
        %run_scoped3A_198 = tpu.sem_alloc : memref<!tpu.dma_semaphore, #tpu.memory_space<semaphore_mem>>
        %dma_start3A_199 = arith.constant 0 : i32
        %dma_start3A_200 = tpu.memref_slice %arg7[%dma_start3A_199] : memref<5120xi32, #tpu.memory_space<vmem>> -> memref<1280xi32, #tpu.memory_space<vmem>>
        %dma_start3A_201 = arith.constant 158720 : i32
        %dma_start3A_202 = tpu.memref_slice %arg3[%run_scoped3A, %dma_start3A_201] : memref<2x160000xi32, #tpu.memory_space<hbm>> -> memref<1x1280xi32, #tpu.memory_space<hbm>>
        %dma_start3A_203 = tpu.memref_squeeze %dma_start3A_202 : memref<1x1280xi32, #tpu.memory_space<hbm>> -> memref<1280xi32, #tpu.memory_space<hbm>>
        %dma_start3A_204 = arith.constant 0 : i32
        %dma_start3A_205 = tpu.memref_slice %arg7[%dma_start3A_204] : memref<5120xi32, #tpu.memory_space<vmem>> -> memref<1280xi32, #tpu.memory_space<vmem>>
        %dma_start3A_206 = arith.constant 158720 : i32
        %dma_start3A_207 = tpu.memref_slice %arg3[%run_scoped3A, %dma_start3A_206] : memref<2x160000xi32, #tpu.memory_space<hbm>> -> memref<1x1280xi32, #tpu.memory_space<hbm>>
        %dma_start3A_208 = tpu.memref_squeeze %dma_start3A_207 : memref<1x1280xi32, #tpu.memory_space<hbm>> -> memref<1280xi32, #tpu.memory_space<hbm>>
        tpu.enqueue_dma source(%dma_start3A_208 : memref<1280xi32, #tpu.memory_space<hbm>>) target(%dma_start3A_205 : memref<1280xi32, #tpu.memory_space<vmem>>) target_semaphore(%run_scoped3A_198 : memref<!tpu.dma_semaphore, #tpu.memory_space<semaphore_mem>>)
        %dma_wait3A = arith.constant 0 : i32
        %dma_wait3A_209 = tpu.memref_slice %arg7[%dma_wait3A] : memref<5120xi32, #tpu.memory_space<vmem>> -> memref<1280xi32, #tpu.memory_space<vmem>>
        %dma_wait3A_210 = arith.constant 158720 : i32
        %dma_wait3A_211 = tpu.memref_slice %arg3[%run_scoped3A, %dma_wait3A_210] : memref<2x160000xi32, #tpu.memory_space<hbm>> -> memref<1x1280xi32, #tpu.memory_space<hbm>>
        %dma_wait3A_212 = tpu.memref_squeeze %dma_wait3A_211 : memref<1x1280xi32, #tpu.memory_space<hbm>> -> memref<1280xi32, #tpu.memory_space<hbm>>
        %dma_wait3A_213 = arith.constant 0 : i32
        %dma_wait3A_214 = tpu.memref_slice %arg7[%dma_wait3A_213] : memref<5120xi32, #tpu.memory_space<vmem>> -> memref<1280xi32, #tpu.memory_space<vmem>>
        %dma_wait3A_215 = arith.constant 158720 : i32
        %dma_wait3A_216 = tpu.memref_slice %arg3[%run_scoped3A, %dma_wait3A_215] : memref<2x160000xi32, #tpu.memory_space<hbm>> -> memref<1x1280xi32, #tpu.memory_space<hbm>>
        %dma_wait3A_217 = tpu.memref_squeeze %dma_wait3A_216 : memref<1x1280xi32, #tpu.memory_space<hbm>> -> memref<1280xi32, #tpu.memory_space<hbm>>
        tpu.wait_dma2 semaphore(%run_scoped3A_198 : memref<!tpu.dma_semaphore, #tpu.memory_space<semaphore_mem>>) src(%dma_wait3A_217 : memref<1280xi32, #tpu.memory_space<hbm>>) dst(%dma_wait3A_214 : memref<1280xi32, #tpu.memory_space<vmem>>)
        tpu.yield
      }) : () -> ()
      %scan3A_192 = arith.constant 0 : i32
      %scan3A_193 = arith.constant 80 : i32
      %scan3A_194 = arith.constant 240 : i32
      %scan3A_195 = arith.addi %scan3A_193, %scan3A_194 : i32
      %scan3A_196 = arith.constant 1 : i32
      scf.for %scan3A_198 = %scan3A_193 to %scan3A_195 step %scan3A_196  : i32 {
        %mul3A_199 = arith.constant 16 : i32
        %mul3A_200 = arith.muli %scan3A_198, %mul3A_199 : i32
        %add3A_201 = vector.broadcast %mul3A_200 : i32 to vector<16xi32>
        %add3A_202 = arith.addi %add3A_201, %iota3A_7 : vector<16xi32>
        %and3A = arith.constant 127 : i32
        %and3A_203 = vector.broadcast %and3A : i32 to vector<16xi32>
        %and3A_204 = arith.andi %add3A_202, %and3A_203 : vector<16xi32>
        %add3A_205 = arith.constant 10000 : i32
        %add3A_206 = vector.broadcast %add3A_205 : i32 to vector<16xi32>
        %add3A_207 = arith.addi %add3A_206, %and3A_204 : vector<16xi32>
        %mul3A_208 = arith.constant 16 : i32
        %mul3A_209 = arith.muli %scan3A_198, %mul3A_208 : i32
        %swap3A = arith.index_cast %mul3A_209 : i32 to index
        %swap3A_210 = tpu.vector_load %arg7[%swap3A] {strides = array<i32>} : memref<5120xi32, #tpu.memory_space<vmem>>, vector<16xi32>,
        tpu.vector_store %arg7[%swap3A], %add3A_207 {strides = array<i32>} : memref<5120xi32, #tpu.memory_space<vmem>>, vector<16xi32>,
      }
      %scan3A_197 = arith.constant 240 : i32
    } else {
    }
    %broadcast_in_dim3A = arith.constant 0.000000e+00 : f32
    %broadcast_in_dim3A_18 = vector.broadcast %broadcast_in_dim3A : f32 to vector<16xf32>
    %scan3A = arith.constant 0 : i32
    %scan3A_19 = arith.constant 0 : i32
    %scan3A_20 = arith.constant 512 : i32
    %scan3A_21 = arith.addi %scan3A_19, %scan3A_20 : i32
    %scan3A_22 = arith.constant 1 : i32
    scf.for %scan3A_192 = %scan3A_19 to %scan3A_21 step %scan3A_22  : i32 {
      %jit3A = arith.constant 8 : i32
      %div3A = arith.divsi %scan3A_192, %jit3A : i32
      %sign3A = arith.constant 0 : i32
      %sign3A_193 = arith.cmpi sgt, %scan3A_192, %sign3A : i32
      %sign3A_194 = arith.extui %sign3A_193 : i1 to i32
      %sign3A_195 = arith.constant 0 : i32
      %sign3A_196 = arith.cmpi slt, %scan3A_192, %sign3A_195 : i32
      %sign3A_197 = arith.extui %sign3A_196 : i1 to i32
      %sign3A_198 = arith.subi %sign3A_194, %sign3A_197 : i32
      %sign3A_199 = arith.constant 0 : i32
      %sign3A_200 = arith.cmpi sgt, %jit3A, %sign3A_199 : i32
      %sign3A_201 = arith.extui %sign3A_200 : i1 to i32
      %sign3A_202 = arith.constant 0 : i32
      %sign3A_203 = arith.cmpi slt, %jit3A, %sign3A_202 : i32
      %sign3A_204 = arith.extui %sign3A_203 : i1 to i32
      %sign3A_205 = arith.subi %sign3A_201, %sign3A_204 : i32
      %ne3A = arith.cmpi ne, %sign3A_198, %sign3A_205 : i32
      %rem3A = arith.remsi %scan3A_192, %jit3A : i32
      %ne3A_206 = arith.constant 0 : i32
      %ne3A_207 = arith.cmpi ne, %rem3A, %ne3A_206 : i32
      %and3A = arith.andi %ne3A, %ne3A_207 : i1
      %sub3A = arith.constant 1 : i32
      %sub3A_208 = arith.subi %div3A, %sub3A : i32
      %select_n3A = arith.select %and3A, %sub3A_208, %div3A : i32
      %jit3A_209 = arith.constant 8 : i32
      %eq3A_210 = arith.constant 0 : i32
      %eq3A_211 = arith.cmpi eq, %jit3A_209, %eq3A_210 : i32
      %jit3A_212 = arith.constant 1 : i32
      %select_n3A_213 = arith.select %eq3A_211, %jit3A_212, %jit3A_209 : i32
      %rem3A_214 = arith.remsi %scan3A_192, %select_n3A_213 : i32
      %ne3A_215 = arith.constant 0 : i32
      %ne3A_216 = arith.cmpi ne, %rem3A_214, %ne3A_215 : i32
      %lt3A_217 = arith.constant 0 : i32
      %lt3A_218 = arith.cmpi slt, %rem3A_214, %lt3A_217 : i32
      %lt3A_219 = arith.constant 0 : i32
      %lt3A_220 = arith.cmpi slt, %select_n3A_213, %lt3A_219 : i32
      %ne3A_221 = arith.xori %lt3A_218, %lt3A_220 : i1
      %and3A_222 = arith.andi %ne3A_221, %ne3A_216 : i1
      %add3A_223 = arith.addi %rem3A_214, %select_n3A_213 : i32
      %select_n3A_224 = arith.select %and3A_222, %add3A_223, %rem3A_214 : i32
      %mul3A_225 = arith.constant 16 : i32
      %mul3A_226 = arith.muli %select_n3A_224, %mul3A_225 : i32
      %swap3A = arith.index_cast %select_n3A : i32 to index
      %swap3A_227 = arith.index_cast %mul3A_226 : i32 to index
      %swap3A_228 = tpu.vector_load %arg8[%swap3A, %swap3A_227] {strides = array<i32>} : memref<64x128xf32, #tpu.memory_space<vmem>>, vector<1x16xf32>,
      %swap3A_229 = vector.shape_cast %swap3A_228 : vector<1x16xf32> to vector<16xf32>
      %swap3A_230 = vector.shape_cast %broadcast_in_dim3A_18 : vector<16xf32> to vector<1x16xf32>
      tpu.vector_store %arg8[%swap3A, %swap3A_227], %swap3A_230 {strides = array<i32>} : memref<64x128xf32, #tpu.memory_space<vmem>>, vector<1x16xf32>,
    }
    %scan3A_23 = arith.constant 512 : i32
    %mul3A_24 = arith.constant 640 : i32
    %mul3A_25 = arith.muli %arg1, %mul3A_24 : i32
    %add3A_26 = arith.constant 0 : i32
    %add3A_27 = arith.addi %mul3A_25, %add3A_26 : i32
    "tpu.region"() ({
      %run_scoped3A = tpu.sem_alloc : memref<!tpu.dma_semaphore, #tpu.memory_space<semaphore_mem>>
      %dma_start3A_192 = arith.constant 0 : i32
      %dma_start3A_193 = tpu.memref_slice %arg16[%add3A_27, %dma_start3A_192] : memref<10240x128xf32, #tpu.memory_space<vmem_shared>> -> memref<64x128xf32, #tpu.memory_space<vmem_shared>>
      %dma_start3A_194 = arith.constant 0 : i32
      %dma_start3A_195 = tpu.memref_slice %arg16[%add3A_27, %dma_start3A_194] : memref<10240x128xf32, #tpu.memory_space<vmem_shared>> -> memref<64x128xf32, #tpu.memory_space<vmem_shared>>
      tpu.enqueue_dma source(%arg8 : memref<64x128xf32, #tpu.memory_space<vmem>>) target(%dma_start3A_195 : memref<64x128xf32, #tpu.memory_space<vmem_shared>>) target_semaphore(%run_scoped3A : memref<!tpu.dma_semaphore, #tpu.memory_space<semaphore_mem>>)
      %dma_wait3A = arith.constant 0 : i32
      %dma_wait3A_196 = tpu.memref_slice %arg16[%add3A_27, %dma_wait3A] : memref<10240x128xf32, #tpu.memory_space<vmem_shared>> -> memref<64x128xf32, #tpu.memory_space<vmem_shared>>
      %dma_wait3A_197 = arith.constant 0 : i32
      %dma_wait3A_198 = tpu.memref_slice %arg16[%add3A_27, %dma_wait3A_197] : memref<10240x128xf32, #tpu.memory_space<vmem_shared>> -> memref<64x128xf32, #tpu.memory_space<vmem_shared>>
      tpu.wait_dma2 semaphore(%run_scoped3A : memref<!tpu.dma_semaphore, #tpu.memory_space<semaphore_mem>>) src(%arg8 : memref<64x128xf32, #tpu.memory_space<vmem>>) dst(%dma_wait3A_198 : memref<64x128xf32, #tpu.memory_space<vmem_shared>>)
      tpu.yield
    }) : () -> ()
    %add3A_28 = arith.constant 64 : i32
    %add3A_29 = arith.addi %mul3A_25, %add3A_28 : i32
    "tpu.region"() ({
      %run_scoped3A = tpu.sem_alloc : memref<!tpu.dma_semaphore, #tpu.memory_space<semaphore_mem>>
      %dma_start3A_192 = arith.constant 0 : i32
      %dma_start3A_193 = tpu.memref_slice %arg16[%add3A_29, %dma_start3A_192] : memref<10240x128xf32, #tpu.memory_space<vmem_shared>> -> memref<64x128xf32, #tpu.memory_space<vmem_shared>>
      %dma_start3A_194 = arith.constant 0 : i32
      %dma_start3A_195 = tpu.memref_slice %arg16[%add3A_29, %dma_start3A_194] : memref<10240x128xf32, #tpu.memory_space<vmem_shared>> -> memref<64x128xf32, #tpu.memory_space<vmem_shared>>
      tpu.enqueue_dma source(%arg8 : memref<64x128xf32, #tpu.memory_space<vmem>>) target(%dma_start3A_195 : memref<64x128xf32, #tpu.memory_space<vmem_shared>>) target_semaphore(%run_scoped3A : memref<!tpu.dma_semaphore, #tpu.memory_space<semaphore_mem>>)
      %dma_wait3A = arith.constant 0 : i32
      %dma_wait3A_196 = tpu.memref_slice %arg16[%add3A_29, %dma_wait3A] : memref<10240x128xf32, #tpu.memory_space<vmem_shared>> -> memref<64x128xf32, #tpu.memory_space<vmem_shared>>
      %dma_wait3A_197 = arith.constant 0 : i32
      %dma_wait3A_198 = tpu.memref_slice %arg16[%add3A_29, %dma_wait3A_197] : memref<10240x128xf32, #tpu.memory_space<vmem_shared>> -> memref<64x128xf32, #tpu.memory_space<vmem_shared>>
      tpu.wait_dma2 semaphore(%run_scoped3A : memref<!tpu.dma_semaphore, #tpu.memory_space<semaphore_mem>>) src(%arg8 : memref<64x128xf32, #tpu.memory_space<vmem>>) dst(%dma_wait3A_198 : memref<64x128xf32, #tpu.memory_space<vmem_shared>>)
      tpu.yield
    }) : () -> ()
    %add3A_30 = arith.constant 128 : i32
    %add3A_31 = arith.addi %mul3A_25, %add3A_30 : i32
    "tpu.region"() ({
      %run_scoped3A = tpu.sem_alloc : memref<!tpu.dma_semaphore, #tpu.memory_space<semaphore_mem>>
      %dma_start3A_192 = arith.constant 0 : i32
      %dma_start3A_193 = tpu.memref_slice %arg16[%add3A_31, %dma_start3A_192] : memref<10240x128xf32, #tpu.memory_space<vmem_shared>> -> memref<64x128xf32, #tpu.memory_space<vmem_shared>>
      %dma_start3A_194 = arith.constant 0 : i32
      %dma_start3A_195 = tpu.memref_slice %arg16[%add3A_31, %dma_start3A_194] : memref<10240x128xf32, #tpu.memory_space<vmem_shared>> -> memref<64x128xf32, #tpu.memory_space<vmem_shared>>
      tpu.enqueue_dma source(%arg8 : memref<64x128xf32, #tpu.memory_space<vmem>>) target(%dma_start3A_195 : memref<64x128xf32, #tpu.memory_space<vmem_shared>>) target_semaphore(%run_scoped3A : memref<!tpu.dma_semaphore, #tpu.memory_space<semaphore_mem>>)
      %dma_wait3A = arith.constant 0 : i32
      %dma_wait3A_196 = tpu.memref_slice %arg16[%add3A_31, %dma_wait3A] : memref<10240x128xf32, #tpu.memory_space<vmem_shared>> -> memref<64x128xf32, #tpu.memory_space<vmem_shared>>
      %dma_wait3A_197 = arith.constant 0 : i32
      %dma_wait3A_198 = tpu.memref_slice %arg16[%add3A_31, %dma_wait3A_197] : memref<10240x128xf32, #tpu.memory_space<vmem_shared>> -> memref<64x128xf32, #tpu.memory_space<vmem_shared>>
      tpu.wait_dma2 semaphore(%run_scoped3A : memref<!tpu.dma_semaphore, #tpu.memory_space<semaphore_mem>>) src(%arg8 : memref<64x128xf32, #tpu.memory_space<vmem>>) dst(%dma_wait3A_198 : memref<64x128xf32, #tpu.memory_space<vmem_shared>>)
      tpu.yield
    }) : () -> ()
    %add3A_32 = arith.constant 192 : i32
    %add3A_33 = arith.addi %mul3A_25, %add3A_32 : i32
    "tpu.region"() ({
      %run_scoped3A = tpu.sem_alloc : memref<!tpu.dma_semaphore, #tpu.memory_space<semaphore_mem>>
      %dma_start3A_192 = arith.constant 0 : i32
      %dma_start3A_193 = tpu.memref_slice %arg16[%add3A_33, %dma_start3A_192] : memref<10240x128xf32, #tpu.memory_space<vmem_shared>> -> memref<64x128xf32, #tpu.memory_space<vmem_shared>>
      %dma_start3A_194 = arith.constant 0 : i32
      %dma_start3A_195 = tpu.memref_slice %arg16[%add3A_33, %dma_start3A_194] : memref<10240x128xf32, #tpu.memory_space<vmem_shared>> -> memref<64x128xf32, #tpu.memory_space<vmem_shared>>
      tpu.enqueue_dma source(%arg8 : memref<64x128xf32, #tpu.memory_space<vmem>>) target(%dma_start3A_195 : memref<64x128xf32, #tpu.memory_space<vmem_shared>>) target_semaphore(%run_scoped3A : memref<!tpu.dma_semaphore, #tpu.memory_space<semaphore_mem>>)
      %dma_wait3A = arith.constant 0 : i32
      %dma_wait3A_196 = tpu.memref_slice %arg16[%add3A_33, %dma_wait3A] : memref<10240x128xf32, #tpu.memory_space<vmem_shared>> -> memref<64x128xf32, #tpu.memory_space<vmem_shared>>
      %dma_wait3A_197 = arith.constant 0 : i32
      %dma_wait3A_198 = tpu.memref_slice %arg16[%add3A_33, %dma_wait3A_197] : memref<10240x128xf32, #tpu.memory_space<vmem_shared>> -> memref<64x128xf32, #tpu.memory_space<vmem_shared>>
      tpu.wait_dma2 semaphore(%run_scoped3A : memref<!tpu.dma_semaphore, #tpu.memory_space<semaphore_mem>>) src(%arg8 : memref<64x128xf32, #tpu.memory_space<vmem>>) dst(%dma_wait3A_198 : memref<64x128xf32, #tpu.memory_space<vmem_shared>>)
      tpu.yield
    }) : () -> ()
    %add3A_34 = arith.constant 256 : i32
    %add3A_35 = arith.addi %mul3A_25, %add3A_34 : i32
    "tpu.region"() ({
      %run_scoped3A = tpu.sem_alloc : memref<!tpu.dma_semaphore, #tpu.memory_space<semaphore_mem>>
      %dma_start3A_192 = arith.constant 0 : i32
      %dma_start3A_193 = tpu.memref_slice %arg16[%add3A_35, %dma_start3A_192] : memref<10240x128xf32, #tpu.memory_space<vmem_shared>> -> memref<64x128xf32, #tpu.memory_space<vmem_shared>>
      %dma_start3A_194 = arith.constant 0 : i32
      %dma_start3A_195 = tpu.memref_slice %arg16[%add3A_35, %dma_start3A_194] : memref<10240x128xf32, #tpu.memory_space<vmem_shared>> -> memref<64x128xf32, #tpu.memory_space<vmem_shared>>
      tpu.enqueue_dma source(%arg8 : memref<64x128xf32, #tpu.memory_space<vmem>>) target(%dma_start3A_195 : memref<64x128xf32, #tpu.memory_space<vmem_shared>>) target_semaphore(%run_scoped3A : memref<!tpu.dma_semaphore, #tpu.memory_space<semaphore_mem>>)
      %dma_wait3A = arith.constant 0 : i32
      %dma_wait3A_196 = tpu.memref_slice %arg16[%add3A_35, %dma_wait3A] : memref<10240x128xf32, #tpu.memory_space<vmem_shared>> -> memref<64x128xf32, #tpu.memory_space<vmem_shared>>
      %dma_wait3A_197 = arith.constant 0 : i32
      %dma_wait3A_198 = tpu.memref_slice %arg16[%add3A_35, %dma_wait3A_197] : memref<10240x128xf32, #tpu.memory_space<vmem_shared>> -> memref<64x128xf32, #tpu.memory_space<vmem_shared>>
      tpu.wait_dma2 semaphore(%run_scoped3A : memref<!tpu.dma_semaphore, #tpu.memory_space<semaphore_mem>>) src(%arg8 : memref<64x128xf32, #tpu.memory_space<vmem>>) dst(%dma_wait3A_198 : memref<64x128xf32, #tpu.memory_space<vmem_shared>>)
      tpu.yield
    }) : () -> ()
    %add3A_36 = arith.constant 320 : i32
    %add3A_37 = arith.addi %mul3A_25, %add3A_36 : i32
    "tpu.region"() ({
      %run_scoped3A = tpu.sem_alloc : memref<!tpu.dma_semaphore, #tpu.memory_space<semaphore_mem>>
      %dma_start3A_192 = arith.constant 0 : i32
      %dma_start3A_193 = tpu.memref_slice %arg16[%add3A_37, %dma_start3A_192] : memref<10240x128xf32, #tpu.memory_space<vmem_shared>> -> memref<64x128xf32, #tpu.memory_space<vmem_shared>>
      %dma_start3A_194 = arith.constant 0 : i32
      %dma_start3A_195 = tpu.memref_slice %arg16[%add3A_37, %dma_start3A_194] : memref<10240x128xf32, #tpu.memory_space<vmem_shared>> -> memref<64x128xf32, #tpu.memory_space<vmem_shared>>
      tpu.enqueue_dma source(%arg8 : memref<64x128xf32, #tpu.memory_space<vmem>>) target(%dma_start3A_195 : memref<64x128xf32, #tpu.memory_space<vmem_shared>>) target_semaphore(%run_scoped3A : memref<!tpu.dma_semaphore, #tpu.memory_space<semaphore_mem>>)
      %dma_wait3A = arith.constant 0 : i32
      %dma_wait3A_196 = tpu.memref_slice %arg16[%add3A_37, %dma_wait3A] : memref<10240x128xf32, #tpu.memory_space<vmem_shared>> -> memref<64x128xf32, #tpu.memory_space<vmem_shared>>
      %dma_wait3A_197 = arith.constant 0 : i32
      %dma_wait3A_198 = tpu.memref_slice %arg16[%add3A_37, %dma_wait3A_197] : memref<10240x128xf32, #tpu.memory_space<vmem_shared>> -> memref<64x128xf32, #tpu.memory_space<vmem_shared>>
      tpu.wait_dma2 semaphore(%run_scoped3A : memref<!tpu.dma_semaphore, #tpu.memory_space<semaphore_mem>>) src(%arg8 : memref<64x128xf32, #tpu.memory_space<vmem>>) dst(%dma_wait3A_198 : memref<64x128xf32, #tpu.memory_space<vmem_shared>>)
      tpu.yield
    }) : () -> ()
    %add3A_38 = arith.constant 384 : i32
    %add3A_39 = arith.addi %mul3A_25, %add3A_38 : i32
    "tpu.region"() ({
      %run_scoped3A = tpu.sem_alloc : memref<!tpu.dma_semaphore, #tpu.memory_space<semaphore_mem>>
      %dma_start3A_192 = arith.constant 0 : i32
      %dma_start3A_193 = tpu.memref_slice %arg16[%add3A_39, %dma_start3A_192] : memref<10240x128xf32, #tpu.memory_space<vmem_shared>> -> memref<64x128xf32, #tpu.memory_space<vmem_shared>>
      %dma_start3A_194 = arith.constant 0 : i32
      %dma_start3A_195 = tpu.memref_slice %arg16[%add3A_39, %dma_start3A_194] : memref<10240x128xf32, #tpu.memory_space<vmem_shared>> -> memref<64x128xf32, #tpu.memory_space<vmem_shared>>
      tpu.enqueue_dma source(%arg8 : memref<64x128xf32, #tpu.memory_space<vmem>>) target(%dma_start3A_195 : memref<64x128xf32, #tpu.memory_space<vmem_shared>>) target_semaphore(%run_scoped3A : memref<!tpu.dma_semaphore, #tpu.memory_space<semaphore_mem>>)
      %dma_wait3A = arith.constant 0 : i32
      %dma_wait3A_196 = tpu.memref_slice %arg16[%add3A_39, %dma_wait3A] : memref<10240x128xf32, #tpu.memory_space<vmem_shared>> -> memref<64x128xf32, #tpu.memory_space<vmem_shared>>
      %dma_wait3A_197 = arith.constant 0 : i32
      %dma_wait3A_198 = tpu.memref_slice %arg16[%add3A_39, %dma_wait3A_197] : memref<10240x128xf32, #tpu.memory_space<vmem_shared>> -> memref<64x128xf32, #tpu.memory_space<vmem_shared>>
      tpu.wait_dma2 semaphore(%run_scoped3A : memref<!tpu.dma_semaphore, #tpu.memory_space<semaphore_mem>>) src(%arg8 : memref<64x128xf32, #tpu.memory_space<vmem>>) dst(%dma_wait3A_198 : memref<64x128xf32, #tpu.memory_space<vmem_shared>>)
      tpu.yield
    }) : () -> ()
    %add3A_40 = arith.constant 448 : i32
    %add3A_41 = arith.addi %mul3A_25, %add3A_40 : i32
    "tpu.region"() ({
      %run_scoped3A = tpu.sem_alloc : memref<!tpu.dma_semaphore, #tpu.memory_space<semaphore_mem>>
      %dma_start3A_192 = arith.constant 0 : i32
      %dma_start3A_193 = tpu.memref_slice %arg16[%add3A_41, %dma_start3A_192] : memref<10240x128xf32, #tpu.memory_space<vmem_shared>> -> memref<64x128xf32, #tpu.memory_space<vmem_shared>>
      %dma_start3A_194 = arith.constant 0 : i32
      %dma_start3A_195 = tpu.memref_slice %arg16[%add3A_41, %dma_start3A_194] : memref<10240x128xf32, #tpu.memory_space<vmem_shared>> -> memref<64x128xf32, #tpu.memory_space<vmem_shared>>
      tpu.enqueue_dma source(%arg8 : memref<64x128xf32, #tpu.memory_space<vmem>>) target(%dma_start3A_195 : memref<64x128xf32, #tpu.memory_space<vmem_shared>>) target_semaphore(%run_scoped3A : memref<!tpu.dma_semaphore, #tpu.memory_space<semaphore_mem>>)
      %dma_wait3A = arith.constant 0 : i32
      %dma_wait3A_196 = tpu.memref_slice %arg16[%add3A_41, %dma_wait3A] : memref<10240x128xf32, #tpu.memory_space<vmem_shared>> -> memref<64x128xf32, #tpu.memory_space<vmem_shared>>
      %dma_wait3A_197 = arith.constant 0 : i32
      %dma_wait3A_198 = tpu.memref_slice %arg16[%add3A_41, %dma_wait3A_197] : memref<10240x128xf32, #tpu.memory_space<vmem_shared>> -> memref<64x128xf32, #tpu.memory_space<vmem_shared>>
      tpu.wait_dma2 semaphore(%run_scoped3A : memref<!tpu.dma_semaphore, #tpu.memory_space<semaphore_mem>>) src(%arg8 : memref<64x128xf32, #tpu.memory_space<vmem>>) dst(%dma_wait3A_198 : memref<64x128xf32, #tpu.memory_space<vmem_shared>>)
      tpu.yield
    }) : () -> ()
    %add3A_42 = arith.constant 512 : i32
    %add3A_43 = arith.addi %mul3A_25, %add3A_42 : i32
    "tpu.region"() ({
      %run_scoped3A = tpu.sem_alloc : memref<!tpu.dma_semaphore, #tpu.memory_space<semaphore_mem>>
      %dma_start3A_192 = arith.constant 0 : i32
      %dma_start3A_193 = tpu.memref_slice %arg16[%add3A_43, %dma_start3A_192] : memref<10240x128xf32, #tpu.memory_space<vmem_shared>> -> memref<64x128xf32, #tpu.memory_space<vmem_shared>>
      %dma_start3A_194 = arith.constant 0 : i32
      %dma_start3A_195 = tpu.memref_slice %arg16[%add3A_43, %dma_start3A_194] : memref<10240x128xf32, #tpu.memory_space<vmem_shared>> -> memref<64x128xf32, #tpu.memory_space<vmem_shared>>
      tpu.enqueue_dma source(%arg8 : memref<64x128xf32, #tpu.memory_space<vmem>>) target(%dma_start3A_195 : memref<64x128xf32, #tpu.memory_space<vmem_shared>>) target_semaphore(%run_scoped3A : memref<!tpu.dma_semaphore, #tpu.memory_space<semaphore_mem>>)
      %dma_wait3A = arith.constant 0 : i32
      %dma_wait3A_196 = tpu.memref_slice %arg16[%add3A_43, %dma_wait3A] : memref<10240x128xf32, #tpu.memory_space<vmem_shared>> -> memref<64x128xf32, #tpu.memory_space<vmem_shared>>
      %dma_wait3A_197 = arith.constant 0 : i32
      %dma_wait3A_198 = tpu.memref_slice %arg16[%add3A_43, %dma_wait3A_197] : memref<10240x128xf32, #tpu.memory_space<vmem_shared>> -> memref<64x128xf32, #tpu.memory_space<vmem_shared>>
      tpu.wait_dma2 semaphore(%run_scoped3A : memref<!tpu.dma_semaphore, #tpu.memory_space<semaphore_mem>>) src(%arg8 : memref<64x128xf32, #tpu.memory_space<vmem>>) dst(%dma_wait3A_198 : memref<64x128xf32, #tpu.memory_space<vmem_shared>>)
      tpu.yield
    }) : () -> ()
    %add3A_44 = arith.constant 576 : i32
    %add3A_45 = arith.addi %mul3A_25, %add3A_44 : i32
    "tpu.region"() ({
      %run_scoped3A = tpu.sem_alloc : memref<!tpu.dma_semaphore, #tpu.memory_space<semaphore_mem>>
      %dma_start3A_192 = arith.constant 0 : i32
      %dma_start3A_193 = tpu.memref_slice %arg16[%add3A_45, %dma_start3A_192] : memref<10240x128xf32, #tpu.memory_space<vmem_shared>> -> memref<64x128xf32, #tpu.memory_space<vmem_shared>>
      %dma_start3A_194 = arith.constant 0 : i32
      %dma_start3A_195 = tpu.memref_slice %arg16[%add3A_45, %dma_start3A_194] : memref<10240x128xf32, #tpu.memory_space<vmem_shared>> -> memref<64x128xf32, #tpu.memory_space<vmem_shared>>
      tpu.enqueue_dma source(%arg8 : memref<64x128xf32, #tpu.memory_space<vmem>>) target(%dma_start3A_195 : memref<64x128xf32, #tpu.memory_space<vmem_shared>>) target_semaphore(%run_scoped3A : memref<!tpu.dma_semaphore, #tpu.memory_space<semaphore_mem>>)
      %dma_wait3A = arith.constant 0 : i32
      %dma_wait3A_196 = tpu.memref_slice %arg16[%add3A_45, %dma_wait3A] : memref<10240x128xf32, #tpu.memory_space<vmem_shared>> -> memref<64x128xf32, #tpu.memory_space<vmem_shared>>
      %dma_wait3A_197 = arith.constant 0 : i32
      %dma_wait3A_198 = tpu.memref_slice %arg16[%add3A_45, %dma_wait3A_197] : memref<10240x128xf32, #tpu.memory_space<vmem_shared>> -> memref<64x128xf32, #tpu.memory_space<vmem_shared>>
      tpu.wait_dma2 semaphore(%run_scoped3A : memref<!tpu.dma_semaphore, #tpu.memory_space<semaphore_mem>>) src(%arg8 : memref<64x128xf32, #tpu.memory_space<vmem>>) dst(%dma_wait3A_198 : memref<64x128xf32, #tpu.memory_space<vmem_shared>>)
      tpu.yield
    }) : () -> ()
    %barrier3A = arith.constant 0 : index
    tpu.barrier barrier_id(%barrier3A)
    %dma_start3A = arith.constant 0 : i32
    %dma_start3A_46 = tpu.memref_slice %arg6[%dma_start3A] : memref<5120xi32, #tpu.memory_space<vmem>> -> memref<64xi32, #tpu.memory_space<vmem>>
    %dma_start3A_47 = arith.constant 0 : i32
    %dma_start3A_48 = arith.constant 0 : i32
    %dma_start3A_49 = tpu.memref_slice %arg2[%dma_start3A_47, %dma_start3A_48] : memref<10240x128xf32, #tpu.memory_space<hbm>> -> memref<10240x128xf32, #tpu.memory_space<hbm>>
    tpu.enqueue_indirect_dma source(%dma_start3A_49 : memref<10240x128xf32, #tpu.memory_space<hbm>>) target(%arg8 : memref<64x128xf32, #tpu.memory_space<vmem>>) offsets(%dma_start3A_46 : memref<64xi32, #tpu.memory_space<vmem>>) semaphore(%arg12 : memref<!tpu.dma_semaphore, #tpu.memory_space<semaphore_mem>>)
    %dma_start3A_50 = arith.constant 64 : i32
    %dma_start3A_51 = tpu.memref_slice %arg6[%dma_start3A_50] : memref<5120xi32, #tpu.memory_space<vmem>> -> memref<64xi32, #tpu.memory_space<vmem>>
    %dma_start3A_52 = arith.constant 0 : i32
    %dma_start3A_53 = arith.constant 0 : i32
    %dma_start3A_54 = tpu.memref_slice %arg2[%dma_start3A_52, %dma_start3A_53] : memref<10240x128xf32, #tpu.memory_space<hbm>> -> memref<10240x128xf32, #tpu.memory_space<hbm>>
    tpu.enqueue_indirect_dma source(%dma_start3A_54 : memref<10240x128xf32, #tpu.memory_space<hbm>>) target(%arg9 : memref<64x128xf32, #tpu.memory_space<vmem>>) offsets(%dma_start3A_51 : memref<64xi32, #tpu.memory_space<vmem>>) semaphore(%arg13 : memref<!tpu.dma_semaphore, #tpu.memory_space<semaphore_mem>>)
    %dma_start3A_55 = arith.constant 128 : i32
    %dma_start3A_56 = tpu.memref_slice %arg6[%dma_start3A_55] : memref<5120xi32, #tpu.memory_space<vmem>> -> memref<64xi32, #tpu.memory_space<vmem>>
    %dma_start3A_57 = arith.constant 0 : i32
    %dma_start3A_58 = arith.constant 0 : i32
    %dma_start3A_59 = tpu.memref_slice %arg2[%dma_start3A_57, %dma_start3A_58] : memref<10240x128xf32, #tpu.memory_space<hbm>> -> memref<10240x128xf32, #tpu.memory_space<hbm>>
    tpu.enqueue_indirect_dma source(%dma_start3A_59 : memref<10240x128xf32, #tpu.memory_space<hbm>>) target(%arg10 : memref<64x128xf32, #tpu.memory_space<vmem>>) offsets(%dma_start3A_56 : memref<64xi32, #tpu.memory_space<vmem>>) semaphore(%arg14 : memref<!tpu.dma_semaphore, #tpu.memory_space<semaphore_mem>>)
    %dma_start3A_60 = arith.constant 192 : i32
    %dma_start3A_61 = tpu.memref_slice %arg6[%dma_start3A_60] : memref<5120xi32, #tpu.memory_space<vmem>> -> memref<64xi32, #tpu.memory_space<vmem>>
    %dma_start3A_62 = arith.constant 0 : i32
    %dma_start3A_63 = arith.constant 0 : i32
    %dma_start3A_64 = tpu.memref_slice %arg2[%dma_start3A_62, %dma_start3A_63] : memref<10240x128xf32, #tpu.memory_space<hbm>> -> memref<10240x128xf32, #tpu.memory_space<hbm>>
    tpu.enqueue_indirect_dma source(%dma_start3A_64 : memref<10240x128xf32, #tpu.memory_space<hbm>>) target(%arg11 : memref<64x128xf32, #tpu.memory_space<vmem>>) offsets(%dma_start3A_61 : memref<64xi32, #tpu.memory_space<vmem>>) semaphore(%arg15 : memref<!tpu.dma_semaphore, #tpu.memory_space<semaphore_mem>>)
    %scan3A_65 = arith.constant 0 : i32
    %scan3A_66 = arith.constant 0 : i32
    %scan3A_67 = arith.constant 20 : i32
    %scan3A_68 = arith.addi %scan3A_66, %scan3A_67 : i32
    %scan3A_69 = arith.constant 1 : i32
    scf.for %scan3A_192 = %scan3A_66 to %scan3A_68 step %scan3A_69  : i32 {
      %mul3A_193 = arith.constant 4 : i32
      %mul3A_194 = arith.muli %mul3A_193, %scan3A_192 : i32
      %add3A_195 = arith.constant 0 : i32
      %add3A_196 = arith.addi %mul3A_194, %add3A_195 : i32
      %mul3A_197 = arith.constant 64 : i32
      %mul3A_198 = arith.muli %mul3A_197, %add3A_196 : i32
      %dma_wait3A = tpu.memref_slice %arg6[%mul3A_198] : memref<5120xi32, #tpu.memory_space<vmem>> -> memref<64xi32, #tpu.memory_space<vmem>>
      %dma_wait3A_199 = arith.constant 0 : i32
      %dma_wait3A_200 = arith.constant 0 : i32
      %dma_wait3A_201 = tpu.memref_slice %arg2[%dma_wait3A_199, %dma_wait3A_200] : memref<10240x128xf32, #tpu.memory_space<hbm>> -> memref<10240x128xf32, #tpu.memory_space<hbm>>
      tpu.wait_indirect_dma semaphore(%arg12 : memref<!tpu.dma_semaphore, #tpu.memory_space<semaphore_mem>>) src(%dma_wait3A_201 : memref<10240x128xf32, #tpu.memory_space<hbm>>) dst(%arg8 : memref<64x128xf32, #tpu.memory_space<vmem>>)
      %mul3A_202 = arith.constant 64 : i32
      %mul3A_203 = arith.muli %mul3A_202, %add3A_196 : i32
      "tpu.region"() ({
        %run_scoped3A = tpu.sem_alloc : memref<!tpu.dma_semaphore, #tpu.memory_space<semaphore_mem>>
        %dma_start3A_268 = tpu.memref_slice %arg7[%mul3A_203] : memref<5120xi32, #tpu.memory_space<vmem>> -> memref<64xi32, #tpu.memory_space<vmem>>
        %dma_start3A_269 = arith.constant 0 : i32
        %dma_start3A_270 = arith.constant 0 : i32
        %dma_start3A_271 = tpu.memref_slice %arg16[%dma_start3A_269, %dma_start3A_270] : memref<10240x128xf32, #tpu.memory_space<vmem_shared>> -> memref<10240x128xf32, #tpu.memory_space<vmem_shared>>
        tpu.enqueue_indirect_dma source(%arg8 : memref<64x128xf32, #tpu.memory_space<vmem>>) target(%dma_start3A_271 : memref<10240x128xf32, #tpu.memory_space<vmem_shared>>) offsets(%dma_start3A_268 : memref<64xi32, #tpu.memory_space<vmem>>) semaphore(%run_scoped3A : memref<!tpu.dma_semaphore, #tpu.memory_space<semaphore_mem>>) {add = true}
        %dma_wait3A_272 = tpu.memref_slice %arg7[%mul3A_203] : memref<5120xi32, #tpu.memory_space<vmem>> -> memref<64xi32, #tpu.memory_space<vmem>>
        %dma_wait3A_273 = arith.constant 0 : i32
        %dma_wait3A_274 = arith.constant 0 : i32
        %dma_wait3A_275 = tpu.memref_slice %arg16[%dma_wait3A_273, %dma_wait3A_274] : memref<10240x128xf32, #tpu.memory_space<vmem_shared>> -> memref<10240x128xf32, #tpu.memory_space<vmem_shared>>
        tpu.wait_indirect_dma semaphore(%run_scoped3A : memref<!tpu.dma_semaphore, #tpu.memory_space<semaphore_mem>>) src(%arg8 : memref<64x128xf32, #tpu.memory_space<vmem>>) dst(%dma_wait3A_275 : memref<10240x128xf32, #tpu.memory_space<vmem_shared>>)
        tpu.yield
      }) : () -> ()
      %add3A_204 = arith.constant 4 : i32
      %add3A_205 = arith.addi %add3A_196, %add3A_204 : i32
      %lt3A_206 = arith.constant 80 : i32
      %lt3A_207 = arith.cmpi slt, %add3A_205, %lt3A_206 : i32
      %convert_element_type3A_208 = arith.extui %lt3A_207 : i1 to i32
      %cond3A_209 = arith.constant 0 : i32
      %cond3A_210 = arith.cmpi ne, %convert_element_type3A_208, %cond3A_209 : i32
      scf.if %cond3A_210 {
        %add3A_268 = arith.constant 4 : i32
        %add3A_269 = arith.addi %add3A_196, %add3A_268 : i32
        %mul3A_270 = arith.constant 64 : i32
        %mul3A_271 = arith.muli %mul3A_270, %add3A_269 : i32
        %dma_start3A_272 = tpu.memref_slice %arg6[%mul3A_271] : memref<5120xi32, #tpu.memory_space<vmem>> -> memref<64xi32, #tpu.memory_space<vmem>>
        %dma_start3A_273 = arith.constant 0 : i32
        %dma_start3A_274 = arith.constant 0 : i32
        %dma_start3A_275 = tpu.memref_slice %arg2[%dma_start3A_273, %dma_start3A_274] : memref<10240x128xf32, #tpu.memory_space<hbm>> -> memref<10240x128xf32, #tpu.memory_space<hbm>>
        tpu.enqueue_indirect_dma source(%dma_start3A_275 : memref<10240x128xf32, #tpu.memory_space<hbm>>) target(%arg8 : memref<64x128xf32, #tpu.memory_space<vmem>>) offsets(%dma_start3A_272 : memref<64xi32, #tpu.memory_space<vmem>>) semaphore(%arg12 : memref<!tpu.dma_semaphore, #tpu.memory_space<semaphore_mem>>)
      } else {
      }
      %mul3A_211 = arith.constant 4 : i32
      %mul3A_212 = arith.muli %mul3A_211, %scan3A_192 : i32
      %add3A_213 = arith.constant 1 : i32
      %add3A_214 = arith.addi %mul3A_212, %add3A_213 : i32
      %mul3A_215 = arith.constant 64 : i32
      %mul3A_216 = arith.muli %mul3A_215, %add3A_214 : i32
      %dma_wait3A_217 = tpu.memref_slice %arg6[%mul3A_216] : memref<5120xi32, #tpu.memory_space<vmem>> -> memref<64xi32, #tpu.memory_space<vmem>>
      %dma_wait3A_218 = arith.constant 0 : i32
      %dma_wait3A_219 = arith.constant 0 : i32
      %dma_wait3A_220 = tpu.memref_slice %arg2[%dma_wait3A_218, %dma_wait3A_219] : memref<10240x128xf32, #tpu.memory_space<hbm>> -> memref<10240x128xf32, #tpu.memory_space<hbm>>
      tpu.wait_indirect_dma semaphore(%arg13 : memref<!tpu.dma_semaphore, #tpu.memory_space<semaphore_mem>>) src(%dma_wait3A_220 : memref<10240x128xf32, #tpu.memory_space<hbm>>) dst(%arg9 : memref<64x128xf32, #tpu.memory_space<vmem>>)
      %mul3A_221 = arith.constant 64 : i32
      %mul3A_222 = arith.muli %mul3A_221, %add3A_214 : i32
      "tpu.region"() ({
        %run_scoped3A = tpu.sem_alloc : memref<!tpu.dma_semaphore, #tpu.memory_space<semaphore_mem>>
        %dma_start3A_268 = tpu.memref_slice %arg7[%mul3A_222] : memref<5120xi32, #tpu.memory_space<vmem>> -> memref<64xi32, #tpu.memory_space<vmem>>
        %dma_start3A_269 = arith.constant 0 : i32
        %dma_start3A_270 = arith.constant 0 : i32
        %dma_start3A_271 = tpu.memref_slice %arg16[%dma_start3A_269, %dma_start3A_270] : memref<10240x128xf32, #tpu.memory_space<vmem_shared>> -> memref<10240x128xf32, #tpu.memory_space<vmem_shared>>
        tpu.enqueue_indirect_dma source(%arg9 : memref<64x128xf32, #tpu.memory_space<vmem>>) target(%dma_start3A_271 : memref<10240x128xf32, #tpu.memory_space<vmem_shared>>) offsets(%dma_start3A_268 : memref<64xi32, #tpu.memory_space<vmem>>) semaphore(%run_scoped3A : memref<!tpu.dma_semaphore, #tpu.memory_space<semaphore_mem>>) {add = true}
        %dma_wait3A_272 = tpu.memref_slice %arg7[%mul3A_222] : memref<5120xi32, #tpu.memory_space<vmem>> -> memref<64xi32, #tpu.memory_space<vmem>>
        %dma_wait3A_273 = arith.constant 0 : i32
        %dma_wait3A_274 = arith.constant 0 : i32
        %dma_wait3A_275 = tpu.memref_slice %arg16[%dma_wait3A_273, %dma_wait3A_274] : memref<10240x128xf32, #tpu.memory_space<vmem_shared>> -> memref<10240x128xf32, #tpu.memory_space<vmem_shared>>
        tpu.wait_indirect_dma semaphore(%run_scoped3A : memref<!tpu.dma_semaphore, #tpu.memory_space<semaphore_mem>>) src(%arg9 : memref<64x128xf32, #tpu.memory_space<vmem>>) dst(%dma_wait3A_275 : memref<10240x128xf32, #tpu.memory_space<vmem_shared>>)
        tpu.yield
      }) : () -> ()
      %add3A_223 = arith.constant 4 : i32
      %add3A_224 = arith.addi %add3A_214, %add3A_223 : i32
      %lt3A_225 = arith.constant 80 : i32
      %lt3A_226 = arith.cmpi slt, %add3A_224, %lt3A_225 : i32
      %convert_element_type3A_227 = arith.extui %lt3A_226 : i1 to i32
      %cond3A_228 = arith.constant 0 : i32
      %cond3A_229 = arith.cmpi ne, %convert_element_type3A_227, %cond3A_228 : i32
      scf.if %cond3A_229 {
        %add3A_268 = arith.constant 4 : i32
        %add3A_269 = arith.addi %add3A_214, %add3A_268 : i32
        %mul3A_270 = arith.constant 64 : i32
        %mul3A_271 = arith.muli %mul3A_270, %add3A_269 : i32
        %dma_start3A_272 = tpu.memref_slice %arg6[%mul3A_271] : memref<5120xi32, #tpu.memory_space<vmem>> -> memref<64xi32, #tpu.memory_space<vmem>>
        %dma_start3A_273 = arith.constant 0 : i32
        %dma_start3A_274 = arith.constant 0 : i32
        %dma_start3A_275 = tpu.memref_slice %arg2[%dma_start3A_273, %dma_start3A_274] : memref<10240x128xf32, #tpu.memory_space<hbm>> -> memref<10240x128xf32, #tpu.memory_space<hbm>>
        tpu.enqueue_indirect_dma source(%dma_start3A_275 : memref<10240x128xf32, #tpu.memory_space<hbm>>) target(%arg9 : memref<64x128xf32, #tpu.memory_space<vmem>>) offsets(%dma_start3A_272 : memref<64xi32, #tpu.memory_space<vmem>>) semaphore(%arg13 : memref<!tpu.dma_semaphore, #tpu.memory_space<semaphore_mem>>)
      } else {
      }
      %mul3A_230 = arith.constant 4 : i32
      %mul3A_231 = arith.muli %mul3A_230, %scan3A_192 : i32
      %add3A_232 = arith.constant 2 : i32
      %add3A_233 = arith.addi %mul3A_231, %add3A_232 : i32
      %mul3A_234 = arith.constant 64 : i32
      %mul3A_235 = arith.muli %mul3A_234, %add3A_233 : i32
      %dma_wait3A_236 = tpu.memref_slice %arg6[%mul3A_235] : memref<5120xi32, #tpu.memory_space<vmem>> -> memref<64xi32, #tpu.memory_space<vmem>>
      %dma_wait3A_237 = arith.constant 0 : i32
      %dma_wait3A_238 = arith.constant 0 : i32
      %dma_wait3A_239 = tpu.memref_slice %arg2[%dma_wait3A_237, %dma_wait3A_238] : memref<10240x128xf32, #tpu.memory_space<hbm>> -> memref<10240x128xf32, #tpu.memory_space<hbm>>
      tpu.wait_indirect_dma semaphore(%arg14 : memref<!tpu.dma_semaphore, #tpu.memory_space<semaphore_mem>>) src(%dma_wait3A_239 : memref<10240x128xf32, #tpu.memory_space<hbm>>) dst(%arg10 : memref<64x128xf32, #tpu.memory_space<vmem>>)
      %mul3A_240 = arith.constant 64 : i32
      %mul3A_241 = arith.muli %mul3A_240, %add3A_233 : i32
      "tpu.region"() ({
        %run_scoped3A = tpu.sem_alloc : memref<!tpu.dma_semaphore, #tpu.memory_space<semaphore_mem>>
        %dma_start3A_268 = tpu.memref_slice %arg7[%mul3A_241] : memref<5120xi32, #tpu.memory_space<vmem>> -> memref<64xi32, #tpu.memory_space<vmem>>
        %dma_start3A_269 = arith.constant 0 : i32
        %dma_start3A_270 = arith.constant 0 : i32
        %dma_start3A_271 = tpu.memref_slice %arg16[%dma_start3A_269, %dma_start3A_270] : memref<10240x128xf32, #tpu.memory_space<vmem_shared>> -> memref<10240x128xf32, #tpu.memory_space<vmem_shared>>
        tpu.enqueue_indirect_dma source(%arg10 : memref<64x128xf32, #tpu.memory_space<vmem>>) target(%dma_start3A_271 : memref<10240x128xf32, #tpu.memory_space<vmem_shared>>) offsets(%dma_start3A_268 : memref<64xi32, #tpu.memory_space<vmem>>) semaphore(%run_scoped3A : memref<!tpu.dma_semaphore, #tpu.memory_space<semaphore_mem>>) {add = true}
        %dma_wait3A_272 = tpu.memref_slice %arg7[%mul3A_241] : memref<5120xi32, #tpu.memory_space<vmem>> -> memref<64xi32, #tpu.memory_space<vmem>>
        %dma_wait3A_273 = arith.constant 0 : i32
        %dma_wait3A_274 = arith.constant 0 : i32
        %dma_wait3A_275 = tpu.memref_slice %arg16[%dma_wait3A_273, %dma_wait3A_274] : memref<10240x128xf32, #tpu.memory_space<vmem_shared>> -> memref<10240x128xf32, #tpu.memory_space<vmem_shared>>
        tpu.wait_indirect_dma semaphore(%run_scoped3A : memref<!tpu.dma_semaphore, #tpu.memory_space<semaphore_mem>>) src(%arg10 : memref<64x128xf32, #tpu.memory_space<vmem>>) dst(%dma_wait3A_275 : memref<10240x128xf32, #tpu.memory_space<vmem_shared>>)
        tpu.yield
      }) : () -> ()
      %add3A_242 = arith.constant 4 : i32
      %add3A_243 = arith.addi %add3A_233, %add3A_242 : i32
      %lt3A_244 = arith.constant 80 : i32
      %lt3A_245 = arith.cmpi slt, %add3A_243, %lt3A_244 : i32
      %convert_element_type3A_246 = arith.extui %lt3A_245 : i1 to i32
      %cond3A_247 = arith.constant 0 : i32
      %cond3A_248 = arith.cmpi ne, %convert_element_type3A_246, %cond3A_247 : i32
      scf.if %cond3A_248 {
        %add3A_268 = arith.constant 4 : i32
        %add3A_269 = arith.addi %add3A_233, %add3A_268 : i32
        %mul3A_270 = arith.constant 64 : i32
        %mul3A_271 = arith.muli %mul3A_270, %add3A_269 : i32
        %dma_start3A_272 = tpu.memref_slice %arg6[%mul3A_271] : memref<5120xi32, #tpu.memory_space<vmem>> -> memref<64xi32, #tpu.memory_space<vmem>>
        %dma_start3A_273 = arith.constant 0 : i32
        %dma_start3A_274 = arith.constant 0 : i32
        %dma_start3A_275 = tpu.memref_slice %arg2[%dma_start3A_273, %dma_start3A_274] : memref<10240x128xf32, #tpu.memory_space<hbm>> -> memref<10240x128xf32, #tpu.memory_space<hbm>>
        tpu.enqueue_indirect_dma source(%dma_start3A_275 : memref<10240x128xf32, #tpu.memory_space<hbm>>) target(%arg10 : memref<64x128xf32, #tpu.memory_space<vmem>>) offsets(%dma_start3A_272 : memref<64xi32, #tpu.memory_space<vmem>>) semaphore(%arg14 : memref<!tpu.dma_semaphore, #tpu.memory_space<semaphore_mem>>)
      } else {
      }
      %mul3A_249 = arith.constant 4 : i32
      %mul3A_250 = arith.muli %mul3A_249, %scan3A_192 : i32
      %add3A_251 = arith.constant 3 : i32
      %add3A_252 = arith.addi %mul3A_250, %add3A_251 : i32
      %mul3A_253 = arith.constant 64 : i32
      %mul3A_254 = arith.muli %mul3A_253, %add3A_252 : i32
      %dma_wait3A_255 = tpu.memref_slice %arg6[%mul3A_254] : memref<5120xi32, #tpu.memory_space<vmem>> -> memref<64xi32, #tpu.memory_space<vmem>>
      %dma_wait3A_256 = arith.constant 0 : i32
      %dma_wait3A_257 = arith.constant 0 : i32
      %dma_wait3A_258 = tpu.memref_slice %arg2[%dma_wait3A_256, %dma_wait3A_257] : memref<10240x128xf32, #tpu.memory_space<hbm>> -> memref<10240x128xf32, #tpu.memory_space<hbm>>
      tpu.wait_indirect_dma semaphore(%arg15 : memref<!tpu.dma_semaphore, #tpu.memory_space<semaphore_mem>>) src(%dma_wait3A_258 : memref<10240x128xf32, #tpu.memory_space<hbm>>) dst(%arg11 : memref<64x128xf32, #tpu.memory_space<vmem>>)
      %mul3A_259 = arith.constant 64 : i32
      %mul3A_260 = arith.muli %mul3A_259, %add3A_252 : i32
      "tpu.region"() ({
        %run_scoped3A = tpu.sem_alloc : memref<!tpu.dma_semaphore, #tpu.memory_space<semaphore_mem>>
        %dma_start3A_268 = tpu.memref_slice %arg7[%mul3A_260] : memref<5120xi32, #tpu.memory_space<vmem>> -> memref<64xi32, #tpu.memory_space<vmem>>
        %dma_start3A_269 = arith.constant 0 : i32
        %dma_start3A_270 = arith.constant 0 : i32
        %dma_start3A_271 = tpu.memref_slice %arg16[%dma_start3A_269, %dma_start3A_270] : memref<10240x128xf32, #tpu.memory_space<vmem_shared>> -> memref<10240x128xf32, #tpu.memory_space<vmem_shared>>
        tpu.enqueue_indirect_dma source(%arg11 : memref<64x128xf32, #tpu.memory_space<vmem>>) target(%dma_start3A_271 : memref<10240x128xf32, #tpu.memory_space<vmem_shared>>) offsets(%dma_start3A_268 : memref<64xi32, #tpu.memory_space<vmem>>) semaphore(%run_scoped3A : memref<!tpu.dma_semaphore, #tpu.memory_space<semaphore_mem>>) {add = true}
        %dma_wait3A_272 = tpu.memref_slice %arg7[%mul3A_260] : memref<5120xi32, #tpu.memory_space<vmem>> -> memref<64xi32, #tpu.memory_space<vmem>>
        %dma_wait3A_273 = arith.constant 0 : i32
        %dma_wait3A_274 = arith.constant 0 : i32
        %dma_wait3A_275 = tpu.memref_slice %arg16[%dma_wait3A_273, %dma_wait3A_274] : memref<10240x128xf32, #tpu.memory_space<vmem_shared>> -> memref<10240x128xf32, #tpu.memory_space<vmem_shared>>
        tpu.wait_indirect_dma semaphore(%run_scoped3A : memref<!tpu.dma_semaphore, #tpu.memory_space<semaphore_mem>>) src(%arg11 : memref<64x128xf32, #tpu.memory_space<vmem>>) dst(%dma_wait3A_275 : memref<10240x128xf32, #tpu.memory_space<vmem_shared>>)
        tpu.yield
      }) : () -> ()
      %add3A_261 = arith.constant 4 : i32
      %add3A_262 = arith.addi %add3A_252, %add3A_261 : i32
      %lt3A_263 = arith.constant 80 : i32
      %lt3A_264 = arith.cmpi slt, %add3A_262, %lt3A_263 : i32
      %convert_element_type3A_265 = arith.extui %lt3A_264 : i1 to i32
      %cond3A_266 = arith.constant 0 : i32
      %cond3A_267 = arith.cmpi ne, %convert_element_type3A_265, %cond3A_266 : i32
      scf.if %cond3A_267 {
        %add3A_268 = arith.constant 4 : i32
        %add3A_269 = arith.addi %add3A_252, %add3A_268 : i32
        %mul3A_270 = arith.constant 64 : i32
        %mul3A_271 = arith.muli %mul3A_270, %add3A_269 : i32
        %dma_start3A_272 = tpu.memref_slice %arg6[%mul3A_271] : memref<5120xi32, #tpu.memory_space<vmem>> -> memref<64xi32, #tpu.memory_space<vmem>>
        %dma_start3A_273 = arith.constant 0 : i32
        %dma_start3A_274 = arith.constant 0 : i32
        %dma_start3A_275 = tpu.memref_slice %arg2[%dma_start3A_273, %dma_start3A_274] : memref<10240x128xf32, #tpu.memory_space<hbm>> -> memref<10240x128xf32, #tpu.memory_space<hbm>>
        tpu.enqueue_indirect_dma source(%dma_start3A_275 : memref<10240x128xf32, #tpu.memory_space<hbm>>) target(%arg11 : memref<64x128xf32, #tpu.memory_space<vmem>>) offsets(%dma_start3A_272 : memref<64xi32, #tpu.memory_space<vmem>>) semaphore(%arg15 : memref<!tpu.dma_semaphore, #tpu.memory_space<semaphore_mem>>)
      } else {
      }
    }
    %scan3A_70 = arith.constant 20 : i32
    %barrier3A_71 = arith.constant 0 : index
    tpu.barrier barrier_id(%barrier3A_71)
    %add3A_72 = arith.constant 0 : i32
    %add3A_73 = arith.addi %mul3A_25, %add3A_72 : i32
    "tpu.region"() ({
      %run_scoped3A = tpu.sem_alloc : memref<!tpu.dma_semaphore, #tpu.memory_space<semaphore_mem>>
      %dma_start3A_192 = arith.constant 0 : i32
      %dma_start3A_193 = tpu.memref_slice %arg16[%add3A_73, %dma_start3A_192] : memref<10240x128xf32, #tpu.memory_space<vmem_shared>> -> memref<64x128xf32, #tpu.memory_space<vmem_shared>>
      %dma_start3A_194 = arith.constant 0 : i32
      %dma_start3A_195 = tpu.memref_slice %arg16[%add3A_73, %dma_start3A_194] : memref<10240x128xf32, #tpu.memory_space<vmem_shared>> -> memref<64x128xf32, #tpu.memory_space<vmem_shared>>
      tpu.enqueue_dma source(%dma_start3A_195 : memref<64x128xf32, #tpu.memory_space<vmem_shared>>) target(%arg8 : memref<64x128xf32, #tpu.memory_space<vmem>>) target_semaphore(%run_scoped3A : memref<!tpu.dma_semaphore, #tpu.memory_space<semaphore_mem>>)
      %dma_wait3A = arith.constant 0 : i32
      %dma_wait3A_196 = tpu.memref_slice %arg16[%add3A_73, %dma_wait3A] : memref<10240x128xf32, #tpu.memory_space<vmem_shared>> -> memref<64x128xf32, #tpu.memory_space<vmem_shared>>
      %dma_wait3A_197 = arith.constant 0 : i32
      %dma_wait3A_198 = tpu.memref_slice %arg16[%add3A_73, %dma_wait3A_197] : memref<10240x128xf32, #tpu.memory_space<vmem_shared>> -> memref<64x128xf32, #tpu.memory_space<vmem_shared>>
      tpu.wait_dma2 semaphore(%run_scoped3A : memref<!tpu.dma_semaphore, #tpu.memory_space<semaphore_mem>>) src(%dma_wait3A_198 : memref<64x128xf32, #tpu.memory_space<vmem_shared>>) dst(%arg8 : memref<64x128xf32, #tpu.memory_space<vmem>>)
      tpu.yield
    }) : () -> ()
    %eq3A_74 = arith.constant 0 : i32
    %eq3A_75 = arith.cmpi eq, %arg0, %eq3A_74 : i32
    %convert_element_type3A_76 = arith.extui %eq3A_75 : i1 to i32
    %cond3A_77 = arith.constant 0 : i32
    %cond3A_78 = arith.cmpi ne, %convert_element_type3A_76, %cond3A_77 : i32
    scf.if %cond3A_78 {
      %add3A_192 = arith.constant 0 : i32
      %add3A_193 = arith.addi %mul3A_25, %add3A_192 : i32
      "tpu.region"() ({
        %run_scoped3A = tpu.sem_alloc : memref<!tpu.dma_semaphore, #tpu.memory_space<semaphore_mem>>
        %dma_start3A_194 = arith.constant 0 : i32
        %dma_start3A_195 = tpu.memref_slice %arg4[%add3A_193, %dma_start3A_194] : memref<10240x128xf32, #tpu.memory_space<hbm>> -> memref<64x128xf32, #tpu.memory_space<hbm>>
        %dma_start3A_196 = arith.constant 0 : i32
        %dma_start3A_197 = tpu.memref_slice %arg4[%add3A_193, %dma_start3A_196] : memref<10240x128xf32, #tpu.memory_space<hbm>> -> memref<64x128xf32, #tpu.memory_space<hbm>>
        tpu.enqueue_dma source(%arg8 : memref<64x128xf32, #tpu.memory_space<vmem>>) target(%dma_start3A_197 : memref<64x128xf32, #tpu.memory_space<hbm>>) target_semaphore(%run_scoped3A : memref<!tpu.dma_semaphore, #tpu.memory_space<semaphore_mem>>)
        %dma_wait3A = arith.constant 0 : i32
        %dma_wait3A_198 = tpu.memref_slice %arg4[%add3A_193, %dma_wait3A] : memref<10240x128xf32, #tpu.memory_space<hbm>> -> memref<64x128xf32, #tpu.memory_space<hbm>>
        %dma_wait3A_199 = arith.constant 0 : i32
        %dma_wait3A_200 = tpu.memref_slice %arg4[%add3A_193, %dma_wait3A_199] : memref<10240x128xf32, #tpu.memory_space<hbm>> -> memref<64x128xf32, #tpu.memory_space<hbm>>
        tpu.wait_dma2 semaphore(%run_scoped3A : memref<!tpu.dma_semaphore, #tpu.memory_space<semaphore_mem>>) src(%arg8 : memref<64x128xf32, #tpu.memory_space<vmem>>) dst(%dma_wait3A_200 : memref<64x128xf32, #tpu.memory_space<hbm>>)
        tpu.yield
      }) : () -> ()
    } else {
    }
    %eq3A_79 = arith.constant 1 : i32
    %eq3A_80 = arith.cmpi eq, %arg0, %eq3A_79 : i32
    %convert_element_type3A_81 = arith.extui %eq3A_80 : i1 to i32
    %cond3A_82 = arith.constant 0 : i32
    %cond3A_83 = arith.cmpi ne, %convert_element_type3A_81, %cond3A_82 : i32
    scf.if %cond3A_83 {
      %add3A_192 = arith.constant 0 : i32
      %add3A_193 = arith.addi %mul3A_25, %add3A_192 : i32
      "tpu.region"() ({
        %run_scoped3A = tpu.sem_alloc : memref<!tpu.dma_semaphore, #tpu.memory_space<semaphore_mem>>
        %dma_start3A_194 = arith.constant 0 : i32
        %dma_start3A_195 = tpu.memref_slice %arg5[%add3A_193, %dma_start3A_194] : memref<10240x128xf32, #tpu.memory_space<hbm>> -> memref<64x128xf32, #tpu.memory_space<hbm>>
        %dma_start3A_196 = arith.constant 0 : i32
        %dma_start3A_197 = tpu.memref_slice %arg5[%add3A_193, %dma_start3A_196] : memref<10240x128xf32, #tpu.memory_space<hbm>> -> memref<64x128xf32, #tpu.memory_space<hbm>>
        tpu.enqueue_dma source(%arg8 : memref<64x128xf32, #tpu.memory_space<vmem>>) target(%dma_start3A_197 : memref<64x128xf32, #tpu.memory_space<hbm>>) target_semaphore(%run_scoped3A : memref<!tpu.dma_semaphore, #tpu.memory_space<semaphore_mem>>)
        %dma_wait3A = arith.constant 0 : i32
        %dma_wait3A_198 = tpu.memref_slice %arg5[%add3A_193, %dma_wait3A] : memref<10240x128xf32, #tpu.memory_space<hbm>> -> memref<64x128xf32, #tpu.memory_space<hbm>>
        %dma_wait3A_199 = arith.constant 0 : i32
        %dma_wait3A_200 = tpu.memref_slice %arg5[%add3A_193, %dma_wait3A_199] : memref<10240x128xf32, #tpu.memory_space<hbm>> -> memref<64x128xf32, #tpu.memory_space<hbm>>
        tpu.wait_dma2 semaphore(%run_scoped3A : memref<!tpu.dma_semaphore, #tpu.memory_space<semaphore_mem>>) src(%arg8 : memref<64x128xf32, #tpu.memory_space<vmem>>) dst(%dma_wait3A_200 : memref<64x128xf32, #tpu.memory_space<hbm>>)
        tpu.yield
      }) : () -> ()
    } else {
    }
    %add3A_84 = arith.constant 64 : i32
    %add3A_85 = arith.addi %mul3A_25, %add3A_84 : i32
    "tpu.region"() ({
      %run_scoped3A = tpu.sem_alloc : memref<!tpu.dma_semaphore, #tpu.memory_space<semaphore_mem>>
      %dma_start3A_192 = arith.constant 0 : i32
      %dma_start3A_193 = tpu.memref_slice %arg16[%add3A_85, %dma_start3A_192] : memref<10240x128xf32, #tpu.memory_space<vmem_shared>> -> memref<64x128xf32, #tpu.memory_space<vmem_shared>>
      %dma_start3A_194 = arith.constant 0 : i32
      %dma_start3A_195 = tpu.memref_slice %arg16[%add3A_85, %dma_start3A_194] : memref<10240x128xf32, #tpu.memory_space<vmem_shared>> -> memref<64x128xf32, #tpu.memory_space<vmem_shared>>
      tpu.enqueue_dma source(%dma_start3A_195 : memref<64x128xf32, #tpu.memory_space<vmem_shared>>) target(%arg8 : memref<64x128xf32, #tpu.memory_space<vmem>>) target_semaphore(%run_scoped3A : memref<!tpu.dma_semaphore, #tpu.memory_space<semaphore_mem>>)
      %dma_wait3A = arith.constant 0 : i32
      %dma_wait3A_196 = tpu.memref_slice %arg16[%add3A_85, %dma_wait3A] : memref<10240x128xf32, #tpu.memory_space<vmem_shared>> -> memref<64x128xf32, #tpu.memory_space<vmem_shared>>
      %dma_wait3A_197 = arith.constant 0 : i32
      %dma_wait3A_198 = tpu.memref_slice %arg16[%add3A_85, %dma_wait3A_197] : memref<10240x128xf32, #tpu.memory_space<vmem_shared>> -> memref<64x128xf32, #tpu.memory_space<vmem_shared>>
      tpu.wait_dma2 semaphore(%run_scoped3A : memref<!tpu.dma_semaphore, #tpu.memory_space<semaphore_mem>>) src(%dma_wait3A_198 : memref<64x128xf32, #tpu.memory_space<vmem_shared>>) dst(%arg8 : memref<64x128xf32, #tpu.memory_space<vmem>>)
      tpu.yield
    }) : () -> ()
    %eq3A_86 = arith.constant 0 : i32
    %eq3A_87 = arith.cmpi eq, %arg0, %eq3A_86 : i32
    %convert_element_type3A_88 = arith.extui %eq3A_87 : i1 to i32
    %cond3A_89 = arith.constant 0 : i32
    %cond3A_90 = arith.cmpi ne, %convert_element_type3A_88, %cond3A_89 : i32
    scf.if %cond3A_90 {
      %add3A_192 = arith.constant 64 : i32
      %add3A_193 = arith.addi %mul3A_25, %add3A_192 : i32
      "tpu.region"() ({
        %run_scoped3A = tpu.sem_alloc : memref<!tpu.dma_semaphore, #tpu.memory_space<semaphore_mem>>
        %dma_start3A_194 = arith.constant 0 : i32
        %dma_start3A_195 = tpu.memref_slice %arg4[%add3A_193, %dma_start3A_194] : memref<10240x128xf32, #tpu.memory_space<hbm>> -> memref<64x128xf32, #tpu.memory_space<hbm>>
        %dma_start3A_196 = arith.constant 0 : i32
        %dma_start3A_197 = tpu.memref_slice %arg4[%add3A_193, %dma_start3A_196] : memref<10240x128xf32, #tpu.memory_space<hbm>> -> memref<64x128xf32, #tpu.memory_space<hbm>>
        tpu.enqueue_dma source(%arg8 : memref<64x128xf32, #tpu.memory_space<vmem>>) target(%dma_start3A_197 : memref<64x128xf32, #tpu.memory_space<hbm>>) target_semaphore(%run_scoped3A : memref<!tpu.dma_semaphore, #tpu.memory_space<semaphore_mem>>)
        %dma_wait3A = arith.constant 0 : i32
        %dma_wait3A_198 = tpu.memref_slice %arg4[%add3A_193, %dma_wait3A] : memref<10240x128xf32, #tpu.memory_space<hbm>> -> memref<64x128xf32, #tpu.memory_space<hbm>>
        %dma_wait3A_199 = arith.constant 0 : i32
        %dma_wait3A_200 = tpu.memref_slice %arg4[%add3A_193, %dma_wait3A_199] : memref<10240x128xf32, #tpu.memory_space<hbm>> -> memref<64x128xf32, #tpu.memory_space<hbm>>
        tpu.wait_dma2 semaphore(%run_scoped3A : memref<!tpu.dma_semaphore, #tpu.memory_space<semaphore_mem>>) src(%arg8 : memref<64x128xf32, #tpu.memory_space<vmem>>) dst(%dma_wait3A_200 : memref<64x128xf32, #tpu.memory_space<hbm>>)
        tpu.yield
      }) : () -> ()
    } else {
    }
    %eq3A_91 = arith.constant 1 : i32
    %eq3A_92 = arith.cmpi eq, %arg0, %eq3A_91 : i32
    %convert_element_type3A_93 = arith.extui %eq3A_92 : i1 to i32
    %cond3A_94 = arith.constant 0 : i32
    %cond3A_95 = arith.cmpi ne, %convert_element_type3A_93, %cond3A_94 : i32
    scf.if %cond3A_95 {
      %add3A_192 = arith.constant 64 : i32
      %add3A_193 = arith.addi %mul3A_25, %add3A_192 : i32
      "tpu.region"() ({
        %run_scoped3A = tpu.sem_alloc : memref<!tpu.dma_semaphore, #tpu.memory_space<semaphore_mem>>
        %dma_start3A_194 = arith.constant 0 : i32
        %dma_start3A_195 = tpu.memref_slice %arg5[%add3A_193, %dma_start3A_194] : memref<10240x128xf32, #tpu.memory_space<hbm>> -> memref<64x128xf32, #tpu.memory_space<hbm>>
        %dma_start3A_196 = arith.constant 0 : i32
        %dma_start3A_197 = tpu.memref_slice %arg5[%add3A_193, %dma_start3A_196] : memref<10240x128xf32, #tpu.memory_space<hbm>> -> memref<64x128xf32, #tpu.memory_space<hbm>>
        tpu.enqueue_dma source(%arg8 : memref<64x128xf32, #tpu.memory_space<vmem>>) target(%dma_start3A_197 : memref<64x128xf32, #tpu.memory_space<hbm>>) target_semaphore(%run_scoped3A : memref<!tpu.dma_semaphore, #tpu.memory_space<semaphore_mem>>)
        %dma_wait3A = arith.constant 0 : i32
        %dma_wait3A_198 = tpu.memref_slice %arg5[%add3A_193, %dma_wait3A] : memref<10240x128xf32, #tpu.memory_space<hbm>> -> memref<64x128xf32, #tpu.memory_space<hbm>>
        %dma_wait3A_199 = arith.constant 0 : i32
        %dma_wait3A_200 = tpu.memref_slice %arg5[%add3A_193, %dma_wait3A_199] : memref<10240x128xf32, #tpu.memory_space<hbm>> -> memref<64x128xf32, #tpu.memory_space<hbm>>
        tpu.wait_dma2 semaphore(%run_scoped3A : memref<!tpu.dma_semaphore, #tpu.memory_space<semaphore_mem>>) src(%arg8 : memref<64x128xf32, #tpu.memory_space<vmem>>) dst(%dma_wait3A_200 : memref<64x128xf32, #tpu.memory_space<hbm>>)
        tpu.yield
      }) : () -> ()
    } else {
    }
    %add3A_96 = arith.constant 128 : i32
    %add3A_97 = arith.addi %mul3A_25, %add3A_96 : i32
    "tpu.region"() ({
      %run_scoped3A = tpu.sem_alloc : memref<!tpu.dma_semaphore, #tpu.memory_space<semaphore_mem>>
      %dma_start3A_192 = arith.constant 0 : i32
      %dma_start3A_193 = tpu.memref_slice %arg16[%add3A_97, %dma_start3A_192] : memref<10240x128xf32, #tpu.memory_space<vmem_shared>> -> memref<64x128xf32, #tpu.memory_space<vmem_shared>>
      %dma_start3A_194 = arith.constant 0 : i32
      %dma_start3A_195 = tpu.memref_slice %arg16[%add3A_97, %dma_start3A_194] : memref<10240x128xf32, #tpu.memory_space<vmem_shared>> -> memref<64x128xf32, #tpu.memory_space<vmem_shared>>
      tpu.enqueue_dma source(%dma_start3A_195 : memref<64x128xf32, #tpu.memory_space<vmem_shared>>) target(%arg8 : memref<64x128xf32, #tpu.memory_space<vmem>>) target_semaphore(%run_scoped3A : memref<!tpu.dma_semaphore, #tpu.memory_space<semaphore_mem>>)
      %dma_wait3A = arith.constant 0 : i32
      %dma_wait3A_196 = tpu.memref_slice %arg16[%add3A_97, %dma_wait3A] : memref<10240x128xf32, #tpu.memory_space<vmem_shared>> -> memref<64x128xf32, #tpu.memory_space<vmem_shared>>
      %dma_wait3A_197 = arith.constant 0 : i32
      %dma_wait3A_198 = tpu.memref_slice %arg16[%add3A_97, %dma_wait3A_197] : memref<10240x128xf32, #tpu.memory_space<vmem_shared>> -> memref<64x128xf32, #tpu.memory_space<vmem_shared>>
      tpu.wait_dma2 semaphore(%run_scoped3A : memref<!tpu.dma_semaphore, #tpu.memory_space<semaphore_mem>>) src(%dma_wait3A_198 : memref<64x128xf32, #tpu.memory_space<vmem_shared>>) dst(%arg8 : memref<64x128xf32, #tpu.memory_space<vmem>>)
      tpu.yield
    }) : () -> ()
    %eq3A_98 = arith.constant 0 : i32
    %eq3A_99 = arith.cmpi eq, %arg0, %eq3A_98 : i32
    %convert_element_type3A_100 = arith.extui %eq3A_99 : i1 to i32
    %cond3A_101 = arith.constant 0 : i32
    %cond3A_102 = arith.cmpi ne, %convert_element_type3A_100, %cond3A_101 : i32
    scf.if %cond3A_102 {
      %add3A_192 = arith.constant 128 : i32
      %add3A_193 = arith.addi %mul3A_25, %add3A_192 : i32
      "tpu.region"() ({
        %run_scoped3A = tpu.sem_alloc : memref<!tpu.dma_semaphore, #tpu.memory_space<semaphore_mem>>
        %dma_start3A_194 = arith.constant 0 : i32
        %dma_start3A_195 = tpu.memref_slice %arg4[%add3A_193, %dma_start3A_194] : memref<10240x128xf32, #tpu.memory_space<hbm>> -> memref<64x128xf32, #tpu.memory_space<hbm>>
        %dma_start3A_196 = arith.constant 0 : i32
        %dma_start3A_197 = tpu.memref_slice %arg4[%add3A_193, %dma_start3A_196] : memref<10240x128xf32, #tpu.memory_space<hbm>> -> memref<64x128xf32, #tpu.memory_space<hbm>>
        tpu.enqueue_dma source(%arg8 : memref<64x128xf32, #tpu.memory_space<vmem>>) target(%dma_start3A_197 : memref<64x128xf32, #tpu.memory_space<hbm>>) target_semaphore(%run_scoped3A : memref<!tpu.dma_semaphore, #tpu.memory_space<semaphore_mem>>)
        %dma_wait3A = arith.constant 0 : i32
        %dma_wait3A_198 = tpu.memref_slice %arg4[%add3A_193, %dma_wait3A] : memref<10240x128xf32, #tpu.memory_space<hbm>> -> memref<64x128xf32, #tpu.memory_space<hbm>>
        %dma_wait3A_199 = arith.constant 0 : i32
        %dma_wait3A_200 = tpu.memref_slice %arg4[%add3A_193, %dma_wait3A_199] : memref<10240x128xf32, #tpu.memory_space<hbm>> -> memref<64x128xf32, #tpu.memory_space<hbm>>
        tpu.wait_dma2 semaphore(%run_scoped3A : memref<!tpu.dma_semaphore, #tpu.memory_space<semaphore_mem>>) src(%arg8 : memref<64x128xf32, #tpu.memory_space<vmem>>) dst(%dma_wait3A_200 : memref<64x128xf32, #tpu.memory_space<hbm>>)
        tpu.yield
      }) : () -> ()
    } else {
    }
    %eq3A_103 = arith.constant 1 : i32
    %eq3A_104 = arith.cmpi eq, %arg0, %eq3A_103 : i32
    %convert_element_type3A_105 = arith.extui %eq3A_104 : i1 to i32
    %cond3A_106 = arith.constant 0 : i32
    %cond3A_107 = arith.cmpi ne, %convert_element_type3A_105, %cond3A_106 : i32
    scf.if %cond3A_107 {
      %add3A_192 = arith.constant 128 : i32
      %add3A_193 = arith.addi %mul3A_25, %add3A_192 : i32
      "tpu.region"() ({
        %run_scoped3A = tpu.sem_alloc : memref<!tpu.dma_semaphore, #tpu.memory_space<semaphore_mem>>
        %dma_start3A_194 = arith.constant 0 : i32
        %dma_start3A_195 = tpu.memref_slice %arg5[%add3A_193, %dma_start3A_194] : memref<10240x128xf32, #tpu.memory_space<hbm>> -> memref<64x128xf32, #tpu.memory_space<hbm>>
        %dma_start3A_196 = arith.constant 0 : i32
        %dma_start3A_197 = tpu.memref_slice %arg5[%add3A_193, %dma_start3A_196] : memref<10240x128xf32, #tpu.memory_space<hbm>> -> memref<64x128xf32, #tpu.memory_space<hbm>>
        tpu.enqueue_dma source(%arg8 : memref<64x128xf32, #tpu.memory_space<vmem>>) target(%dma_start3A_197 : memref<64x128xf32, #tpu.memory_space<hbm>>) target_semaphore(%run_scoped3A : memref<!tpu.dma_semaphore, #tpu.memory_space<semaphore_mem>>)
        %dma_wait3A = arith.constant 0 : i32
        %dma_wait3A_198 = tpu.memref_slice %arg5[%add3A_193, %dma_wait3A] : memref<10240x128xf32, #tpu.memory_space<hbm>> -> memref<64x128xf32, #tpu.memory_space<hbm>>
        %dma_wait3A_199 = arith.constant 0 : i32
        %dma_wait3A_200 = tpu.memref_slice %arg5[%add3A_193, %dma_wait3A_199] : memref<10240x128xf32, #tpu.memory_space<hbm>> -> memref<64x128xf32, #tpu.memory_space<hbm>>
        tpu.wait_dma2 semaphore(%run_scoped3A : memref<!tpu.dma_semaphore, #tpu.memory_space<semaphore_mem>>) src(%arg8 : memref<64x128xf32, #tpu.memory_space<vmem>>) dst(%dma_wait3A_200 : memref<64x128xf32, #tpu.memory_space<hbm>>)
        tpu.yield
      }) : () -> ()
    } else {
    }
    %add3A_108 = arith.constant 192 : i32
    %add3A_109 = arith.addi %mul3A_25, %add3A_108 : i32
    "tpu.region"() ({
      %run_scoped3A = tpu.sem_alloc : memref<!tpu.dma_semaphore, #tpu.memory_space<semaphore_mem>>
      %dma_start3A_192 = arith.constant 0 : i32
      %dma_start3A_193 = tpu.memref_slice %arg16[%add3A_109, %dma_start3A_192] : memref<10240x128xf32, #tpu.memory_space<vmem_shared>> -> memref<64x128xf32, #tpu.memory_space<vmem_shared>>
      %dma_start3A_194 = arith.constant 0 : i32
      %dma_start3A_195 = tpu.memref_slice %arg16[%add3A_109, %dma_start3A_194] : memref<10240x128xf32, #tpu.memory_space<vmem_shared>> -> memref<64x128xf32, #tpu.memory_space<vmem_shared>>
      tpu.enqueue_dma source(%dma_start3A_195 : memref<64x128xf32, #tpu.memory_space<vmem_shared>>) target(%arg8 : memref<64x128xf32, #tpu.memory_space<vmem>>) target_semaphore(%run_scoped3A : memref<!tpu.dma_semaphore, #tpu.memory_space<semaphore_mem>>)
      %dma_wait3A = arith.constant 0 : i32
      %dma_wait3A_196 = tpu.memref_slice %arg16[%add3A_109, %dma_wait3A] : memref<10240x128xf32, #tpu.memory_space<vmem_shared>> -> memref<64x128xf32, #tpu.memory_space<vmem_shared>>
      %dma_wait3A_197 = arith.constant 0 : i32
      %dma_wait3A_198 = tpu.memref_slice %arg16[%add3A_109, %dma_wait3A_197] : memref<10240x128xf32, #tpu.memory_space<vmem_shared>> -> memref<64x128xf32, #tpu.memory_space<vmem_shared>>
      tpu.wait_dma2 semaphore(%run_scoped3A : memref<!tpu.dma_semaphore, #tpu.memory_space<semaphore_mem>>) src(%dma_wait3A_198 : memref<64x128xf32, #tpu.memory_space<vmem_shared>>) dst(%arg8 : memref<64x128xf32, #tpu.memory_space<vmem>>)
      tpu.yield
    }) : () -> ()
    %eq3A_110 = arith.constant 0 : i32
    %eq3A_111 = arith.cmpi eq, %arg0, %eq3A_110 : i32
    %convert_element_type3A_112 = arith.extui %eq3A_111 : i1 to i32
    %cond3A_113 = arith.constant 0 : i32
    %cond3A_114 = arith.cmpi ne, %convert_element_type3A_112, %cond3A_113 : i32
    scf.if %cond3A_114 {
      %add3A_192 = arith.constant 192 : i32
      %add3A_193 = arith.addi %mul3A_25, %add3A_192 : i32
      "tpu.region"() ({
        %run_scoped3A = tpu.sem_alloc : memref<!tpu.dma_semaphore, #tpu.memory_space<semaphore_mem>>
        %dma_start3A_194 = arith.constant 0 : i32
        %dma_start3A_195 = tpu.memref_slice %arg4[%add3A_193, %dma_start3A_194] : memref<10240x128xf32, #tpu.memory_space<hbm>> -> memref<64x128xf32, #tpu.memory_space<hbm>>
        %dma_start3A_196 = arith.constant 0 : i32
        %dma_start3A_197 = tpu.memref_slice %arg4[%add3A_193, %dma_start3A_196] : memref<10240x128xf32, #tpu.memory_space<hbm>> -> memref<64x128xf32, #tpu.memory_space<hbm>>
        tpu.enqueue_dma source(%arg8 : memref<64x128xf32, #tpu.memory_space<vmem>>) target(%dma_start3A_197 : memref<64x128xf32, #tpu.memory_space<hbm>>) target_semaphore(%run_scoped3A : memref<!tpu.dma_semaphore, #tpu.memory_space<semaphore_mem>>)
        %dma_wait3A = arith.constant 0 : i32
        %dma_wait3A_198 = tpu.memref_slice %arg4[%add3A_193, %dma_wait3A] : memref<10240x128xf32, #tpu.memory_space<hbm>> -> memref<64x128xf32, #tpu.memory_space<hbm>>
        %dma_wait3A_199 = arith.constant 0 : i32
        %dma_wait3A_200 = tpu.memref_slice %arg4[%add3A_193, %dma_wait3A_199] : memref<10240x128xf32, #tpu.memory_space<hbm>> -> memref<64x128xf32, #tpu.memory_space<hbm>>
        tpu.wait_dma2 semaphore(%run_scoped3A : memref<!tpu.dma_semaphore, #tpu.memory_space<semaphore_mem>>) src(%arg8 : memref<64x128xf32, #tpu.memory_space<vmem>>) dst(%dma_wait3A_200 : memref<64x128xf32, #tpu.memory_space<hbm>>)
        tpu.yield
      }) : () -> ()
    } else {
    }
    %eq3A_115 = arith.constant 1 : i32
    %eq3A_116 = arith.cmpi eq, %arg0, %eq3A_115 : i32
    %convert_element_type3A_117 = arith.extui %eq3A_116 : i1 to i32
    %cond3A_118 = arith.constant 0 : i32
    %cond3A_119 = arith.cmpi ne, %convert_element_type3A_117, %cond3A_118 : i32
    scf.if %cond3A_119 {
      %add3A_192 = arith.constant 192 : i32
      %add3A_193 = arith.addi %mul3A_25, %add3A_192 : i32
      "tpu.region"() ({
        %run_scoped3A = tpu.sem_alloc : memref<!tpu.dma_semaphore, #tpu.memory_space<semaphore_mem>>
        %dma_start3A_194 = arith.constant 0 : i32
        %dma_start3A_195 = tpu.memref_slice %arg5[%add3A_193, %dma_start3A_194] : memref<10240x128xf32, #tpu.memory_space<hbm>> -> memref<64x128xf32, #tpu.memory_space<hbm>>
        %dma_start3A_196 = arith.constant 0 : i32
        %dma_start3A_197 = tpu.memref_slice %arg5[%add3A_193, %dma_start3A_196] : memref<10240x128xf32, #tpu.memory_space<hbm>> -> memref<64x128xf32, #tpu.memory_space<hbm>>
        tpu.enqueue_dma source(%arg8 : memref<64x128xf32, #tpu.memory_space<vmem>>) target(%dma_start3A_197 : memref<64x128xf32, #tpu.memory_space<hbm>>) target_semaphore(%run_scoped3A : memref<!tpu.dma_semaphore, #tpu.memory_space<semaphore_mem>>)
        %dma_wait3A = arith.constant 0 : i32
        %dma_wait3A_198 = tpu.memref_slice %arg5[%add3A_193, %dma_wait3A] : memref<10240x128xf32, #tpu.memory_space<hbm>> -> memref<64x128xf32, #tpu.memory_space<hbm>>
        %dma_wait3A_199 = arith.constant 0 : i32
        %dma_wait3A_200 = tpu.memref_slice %arg5[%add3A_193, %dma_wait3A_199] : memref<10240x128xf32, #tpu.memory_space<hbm>> -> memref<64x128xf32, #tpu.memory_space<hbm>>
        tpu.wait_dma2 semaphore(%run_scoped3A : memref<!tpu.dma_semaphore, #tpu.memory_space<semaphore_mem>>) src(%arg8 : memref<64x128xf32, #tpu.memory_space<vmem>>) dst(%dma_wait3A_200 : memref<64x128xf32, #tpu.memory_space<hbm>>)
        tpu.yield
      }) : () -> ()
    } else {
    }
    %add3A_120 = arith.constant 256 : i32
    %add3A_121 = arith.addi %mul3A_25, %add3A_120 : i32
    "tpu.region"() ({
      %run_scoped3A = tpu.sem_alloc : memref<!tpu.dma_semaphore, #tpu.memory_space<semaphore_mem>>
      %dma_start3A_192 = arith.constant 0 : i32
      %dma_start3A_193 = tpu.memref_slice %arg16[%add3A_121, %dma_start3A_192] : memref<10240x128xf32, #tpu.memory_space<vmem_shared>> -> memref<64x128xf32, #tpu.memory_space<vmem_shared>>
      %dma_start3A_194 = arith.constant 0 : i32
      %dma_start3A_195 = tpu.memref_slice %arg16[%add3A_121, %dma_start3A_194] : memref<10240x128xf32, #tpu.memory_space<vmem_shared>> -> memref<64x128xf32, #tpu.memory_space<vmem_shared>>
      tpu.enqueue_dma source(%dma_start3A_195 : memref<64x128xf32, #tpu.memory_space<vmem_shared>>) target(%arg8 : memref<64x128xf32, #tpu.memory_space<vmem>>) target_semaphore(%run_scoped3A : memref<!tpu.dma_semaphore, #tpu.memory_space<semaphore_mem>>)
      %dma_wait3A = arith.constant 0 : i32
      %dma_wait3A_196 = tpu.memref_slice %arg16[%add3A_121, %dma_wait3A] : memref<10240x128xf32, #tpu.memory_space<vmem_shared>> -> memref<64x128xf32, #tpu.memory_space<vmem_shared>>
      %dma_wait3A_197 = arith.constant 0 : i32
      %dma_wait3A_198 = tpu.memref_slice %arg16[%add3A_121, %dma_wait3A_197] : memref<10240x128xf32, #tpu.memory_space<vmem_shared>> -> memref<64x128xf32, #tpu.memory_space<vmem_shared>>
      tpu.wait_dma2 semaphore(%run_scoped3A : memref<!tpu.dma_semaphore, #tpu.memory_space<semaphore_mem>>) src(%dma_wait3A_198 : memref<64x128xf32, #tpu.memory_space<vmem_shared>>) dst(%arg8 : memref<64x128xf32, #tpu.memory_space<vmem>>)
      tpu.yield
    }) : () -> ()
    %eq3A_122 = arith.constant 0 : i32
    %eq3A_123 = arith.cmpi eq, %arg0, %eq3A_122 : i32
    %convert_element_type3A_124 = arith.extui %eq3A_123 : i1 to i32
    %cond3A_125 = arith.constant 0 : i32
    %cond3A_126 = arith.cmpi ne, %convert_element_type3A_124, %cond3A_125 : i32
    scf.if %cond3A_126 {
      %add3A_192 = arith.constant 256 : i32
      %add3A_193 = arith.addi %mul3A_25, %add3A_192 : i32
      "tpu.region"() ({
        %run_scoped3A = tpu.sem_alloc : memref<!tpu.dma_semaphore, #tpu.memory_space<semaphore_mem>>
        %dma_start3A_194 = arith.constant 0 : i32
        %dma_start3A_195 = tpu.memref_slice %arg4[%add3A_193, %dma_start3A_194] : memref<10240x128xf32, #tpu.memory_space<hbm>> -> memref<64x128xf32, #tpu.memory_space<hbm>>
        %dma_start3A_196 = arith.constant 0 : i32
        %dma_start3A_197 = tpu.memref_slice %arg4[%add3A_193, %dma_start3A_196] : memref<10240x128xf32, #tpu.memory_space<hbm>> -> memref<64x128xf32, #tpu.memory_space<hbm>>
        tpu.enqueue_dma source(%arg8 : memref<64x128xf32, #tpu.memory_space<vmem>>) target(%dma_start3A_197 : memref<64x128xf32, #tpu.memory_space<hbm>>) target_semaphore(%run_scoped3A : memref<!tpu.dma_semaphore, #tpu.memory_space<semaphore_mem>>)
        %dma_wait3A = arith.constant 0 : i32
        %dma_wait3A_198 = tpu.memref_slice %arg4[%add3A_193, %dma_wait3A] : memref<10240x128xf32, #tpu.memory_space<hbm>> -> memref<64x128xf32, #tpu.memory_space<hbm>>
        %dma_wait3A_199 = arith.constant 0 : i32
        %dma_wait3A_200 = tpu.memref_slice %arg4[%add3A_193, %dma_wait3A_199] : memref<10240x128xf32, #tpu.memory_space<hbm>> -> memref<64x128xf32, #tpu.memory_space<hbm>>
        tpu.wait_dma2 semaphore(%run_scoped3A : memref<!tpu.dma_semaphore, #tpu.memory_space<semaphore_mem>>) src(%arg8 : memref<64x128xf32, #tpu.memory_space<vmem>>) dst(%dma_wait3A_200 : memref<64x128xf32, #tpu.memory_space<hbm>>)
        tpu.yield
      }) : () -> ()
    } else {
    }
    %eq3A_127 = arith.constant 1 : i32
    %eq3A_128 = arith.cmpi eq, %arg0, %eq3A_127 : i32
    %convert_element_type3A_129 = arith.extui %eq3A_128 : i1 to i32
    %cond3A_130 = arith.constant 0 : i32
    %cond3A_131 = arith.cmpi ne, %convert_element_type3A_129, %cond3A_130 : i32
    scf.if %cond3A_131 {
      %add3A_192 = arith.constant 256 : i32
      %add3A_193 = arith.addi %mul3A_25, %add3A_192 : i32
      "tpu.region"() ({
        %run_scoped3A = tpu.sem_alloc : memref<!tpu.dma_semaphore, #tpu.memory_space<semaphore_mem>>
        %dma_start3A_194 = arith.constant 0 : i32
        %dma_start3A_195 = tpu.memref_slice %arg5[%add3A_193, %dma_start3A_194] : memref<10240x128xf32, #tpu.memory_space<hbm>> -> memref<64x128xf32, #tpu.memory_space<hbm>>
        %dma_start3A_196 = arith.constant 0 : i32
        %dma_start3A_197 = tpu.memref_slice %arg5[%add3A_193, %dma_start3A_196] : memref<10240x128xf32, #tpu.memory_space<hbm>> -> memref<64x128xf32, #tpu.memory_space<hbm>>
        tpu.enqueue_dma source(%arg8 : memref<64x128xf32, #tpu.memory_space<vmem>>) target(%dma_start3A_197 : memref<64x128xf32, #tpu.memory_space<hbm>>) target_semaphore(%run_scoped3A : memref<!tpu.dma_semaphore, #tpu.memory_space<semaphore_mem>>)
        %dma_wait3A = arith.constant 0 : i32
        %dma_wait3A_198 = tpu.memref_slice %arg5[%add3A_193, %dma_wait3A] : memref<10240x128xf32, #tpu.memory_space<hbm>> -> memref<64x128xf32, #tpu.memory_space<hbm>>
        %dma_wait3A_199 = arith.constant 0 : i32
        %dma_wait3A_200 = tpu.memref_slice %arg5[%add3A_193, %dma_wait3A_199] : memref<10240x128xf32, #tpu.memory_space<hbm>> -> memref<64x128xf32, #tpu.memory_space<hbm>>
        tpu.wait_dma2 semaphore(%run_scoped3A : memref<!tpu.dma_semaphore, #tpu.memory_space<semaphore_mem>>) src(%arg8 : memref<64x128xf32, #tpu.memory_space<vmem>>) dst(%dma_wait3A_200 : memref<64x128xf32, #tpu.memory_space<hbm>>)
        tpu.yield
      }) : () -> ()
    } else {
    }
    %add3A_132 = arith.constant 320 : i32
    %add3A_133 = arith.addi %mul3A_25, %add3A_132 : i32
    "tpu.region"() ({
      %run_scoped3A = tpu.sem_alloc : memref<!tpu.dma_semaphore, #tpu.memory_space<semaphore_mem>>
      %dma_start3A_192 = arith.constant 0 : i32
      %dma_start3A_193 = tpu.memref_slice %arg16[%add3A_133, %dma_start3A_192] : memref<10240x128xf32, #tpu.memory_space<vmem_shared>> -> memref<64x128xf32, #tpu.memory_space<vmem_shared>>
      %dma_start3A_194 = arith.constant 0 : i32
      %dma_start3A_195 = tpu.memref_slice %arg16[%add3A_133, %dma_start3A_194] : memref<10240x128xf32, #tpu.memory_space<vmem_shared>> -> memref<64x128xf32, #tpu.memory_space<vmem_shared>>
      tpu.enqueue_dma source(%dma_start3A_195 : memref<64x128xf32, #tpu.memory_space<vmem_shared>>) target(%arg8 : memref<64x128xf32, #tpu.memory_space<vmem>>) target_semaphore(%run_scoped3A : memref<!tpu.dma_semaphore, #tpu.memory_space<semaphore_mem>>)
      %dma_wait3A = arith.constant 0 : i32
      %dma_wait3A_196 = tpu.memref_slice %arg16[%add3A_133, %dma_wait3A] : memref<10240x128xf32, #tpu.memory_space<vmem_shared>> -> memref<64x128xf32, #tpu.memory_space<vmem_shared>>
      %dma_wait3A_197 = arith.constant 0 : i32
      %dma_wait3A_198 = tpu.memref_slice %arg16[%add3A_133, %dma_wait3A_197] : memref<10240x128xf32, #tpu.memory_space<vmem_shared>> -> memref<64x128xf32, #tpu.memory_space<vmem_shared>>
      tpu.wait_dma2 semaphore(%run_scoped3A : memref<!tpu.dma_semaphore, #tpu.memory_space<semaphore_mem>>) src(%dma_wait3A_198 : memref<64x128xf32, #tpu.memory_space<vmem_shared>>) dst(%arg8 : memref<64x128xf32, #tpu.memory_space<vmem>>)
      tpu.yield
    }) : () -> ()
    %eq3A_134 = arith.constant 0 : i32
    %eq3A_135 = arith.cmpi eq, %arg0, %eq3A_134 : i32
    %convert_element_type3A_136 = arith.extui %eq3A_135 : i1 to i32
    %cond3A_137 = arith.constant 0 : i32
    %cond3A_138 = arith.cmpi ne, %convert_element_type3A_136, %cond3A_137 : i32
    scf.if %cond3A_138 {
      %add3A_192 = arith.constant 320 : i32
      %add3A_193 = arith.addi %mul3A_25, %add3A_192 : i32
      "tpu.region"() ({
        %run_scoped3A = tpu.sem_alloc : memref<!tpu.dma_semaphore, #tpu.memory_space<semaphore_mem>>
        %dma_start3A_194 = arith.constant 0 : i32
        %dma_start3A_195 = tpu.memref_slice %arg4[%add3A_193, %dma_start3A_194] : memref<10240x128xf32, #tpu.memory_space<hbm>> -> memref<64x128xf32, #tpu.memory_space<hbm>>
        %dma_start3A_196 = arith.constant 0 : i32
        %dma_start3A_197 = tpu.memref_slice %arg4[%add3A_193, %dma_start3A_196] : memref<10240x128xf32, #tpu.memory_space<hbm>> -> memref<64x128xf32, #tpu.memory_space<hbm>>
        tpu.enqueue_dma source(%arg8 : memref<64x128xf32, #tpu.memory_space<vmem>>) target(%dma_start3A_197 : memref<64x128xf32, #tpu.memory_space<hbm>>) target_semaphore(%run_scoped3A : memref<!tpu.dma_semaphore, #tpu.memory_space<semaphore_mem>>)
        %dma_wait3A = arith.constant 0 : i32
        %dma_wait3A_198 = tpu.memref_slice %arg4[%add3A_193, %dma_wait3A] : memref<10240x128xf32, #tpu.memory_space<hbm>> -> memref<64x128xf32, #tpu.memory_space<hbm>>
        %dma_wait3A_199 = arith.constant 0 : i32
        %dma_wait3A_200 = tpu.memref_slice %arg4[%add3A_193, %dma_wait3A_199] : memref<10240x128xf32, #tpu.memory_space<hbm>> -> memref<64x128xf32, #tpu.memory_space<hbm>>
        tpu.wait_dma2 semaphore(%run_scoped3A : memref<!tpu.dma_semaphore, #tpu.memory_space<semaphore_mem>>) src(%arg8 : memref<64x128xf32, #tpu.memory_space<vmem>>) dst(%dma_wait3A_200 : memref<64x128xf32, #tpu.memory_space<hbm>>)
        tpu.yield
      }) : () -> ()
    } else {
    }
    %eq3A_139 = arith.constant 1 : i32
    %eq3A_140 = arith.cmpi eq, %arg0, %eq3A_139 : i32
    %convert_element_type3A_141 = arith.extui %eq3A_140 : i1 to i32
    %cond3A_142 = arith.constant 0 : i32
    %cond3A_143 = arith.cmpi ne, %convert_element_type3A_141, %cond3A_142 : i32
    scf.if %cond3A_143 {
      %add3A_192 = arith.constant 320 : i32
      %add3A_193 = arith.addi %mul3A_25, %add3A_192 : i32
      "tpu.region"() ({
        %run_scoped3A = tpu.sem_alloc : memref<!tpu.dma_semaphore, #tpu.memory_space<semaphore_mem>>
        %dma_start3A_194 = arith.constant 0 : i32
        %dma_start3A_195 = tpu.memref_slice %arg5[%add3A_193, %dma_start3A_194] : memref<10240x128xf32, #tpu.memory_space<hbm>> -> memref<64x128xf32, #tpu.memory_space<hbm>>
        %dma_start3A_196 = arith.constant 0 : i32
        %dma_start3A_197 = tpu.memref_slice %arg5[%add3A_193, %dma_start3A_196] : memref<10240x128xf32, #tpu.memory_space<hbm>> -> memref<64x128xf32, #tpu.memory_space<hbm>>
        tpu.enqueue_dma source(%arg8 : memref<64x128xf32, #tpu.memory_space<vmem>>) target(%dma_start3A_197 : memref<64x128xf32, #tpu.memory_space<hbm>>) target_semaphore(%run_scoped3A : memref<!tpu.dma_semaphore, #tpu.memory_space<semaphore_mem>>)
        %dma_wait3A = arith.constant 0 : i32
        %dma_wait3A_198 = tpu.memref_slice %arg5[%add3A_193, %dma_wait3A] : memref<10240x128xf32, #tpu.memory_space<hbm>> -> memref<64x128xf32, #tpu.memory_space<hbm>>
        %dma_wait3A_199 = arith.constant 0 : i32
        %dma_wait3A_200 = tpu.memref_slice %arg5[%add3A_193, %dma_wait3A_199] : memref<10240x128xf32, #tpu.memory_space<hbm>> -> memref<64x128xf32, #tpu.memory_space<hbm>>
        tpu.wait_dma2 semaphore(%run_scoped3A : memref<!tpu.dma_semaphore, #tpu.memory_space<semaphore_mem>>) src(%arg8 : memref<64x128xf32, #tpu.memory_space<vmem>>) dst(%dma_wait3A_200 : memref<64x128xf32, #tpu.memory_space<hbm>>)
        tpu.yield
      }) : () -> ()
    } else {
    }
    %add3A_144 = arith.constant 384 : i32
    %add3A_145 = arith.addi %mul3A_25, %add3A_144 : i32
    "tpu.region"() ({
      %run_scoped3A = tpu.sem_alloc : memref<!tpu.dma_semaphore, #tpu.memory_space<semaphore_mem>>
      %dma_start3A_192 = arith.constant 0 : i32
      %dma_start3A_193 = tpu.memref_slice %arg16[%add3A_145, %dma_start3A_192] : memref<10240x128xf32, #tpu.memory_space<vmem_shared>> -> memref<64x128xf32, #tpu.memory_space<vmem_shared>>
      %dma_start3A_194 = arith.constant 0 : i32
      %dma_start3A_195 = tpu.memref_slice %arg16[%add3A_145, %dma_start3A_194] : memref<10240x128xf32, #tpu.memory_space<vmem_shared>> -> memref<64x128xf32, #tpu.memory_space<vmem_shared>>
      tpu.enqueue_dma source(%dma_start3A_195 : memref<64x128xf32, #tpu.memory_space<vmem_shared>>) target(%arg8 : memref<64x128xf32, #tpu.memory_space<vmem>>) target_semaphore(%run_scoped3A : memref<!tpu.dma_semaphore, #tpu.memory_space<semaphore_mem>>)
      %dma_wait3A = arith.constant 0 : i32
      %dma_wait3A_196 = tpu.memref_slice %arg16[%add3A_145, %dma_wait3A] : memref<10240x128xf32, #tpu.memory_space<vmem_shared>> -> memref<64x128xf32, #tpu.memory_space<vmem_shared>>
      %dma_wait3A_197 = arith.constant 0 : i32
      %dma_wait3A_198 = tpu.memref_slice %arg16[%add3A_145, %dma_wait3A_197] : memref<10240x128xf32, #tpu.memory_space<vmem_shared>> -> memref<64x128xf32, #tpu.memory_space<vmem_shared>>
      tpu.wait_dma2 semaphore(%run_scoped3A : memref<!tpu.dma_semaphore, #tpu.memory_space<semaphore_mem>>) src(%dma_wait3A_198 : memref<64x128xf32, #tpu.memory_space<vmem_shared>>) dst(%arg8 : memref<64x128xf32, #tpu.memory_space<vmem>>)
      tpu.yield
    }) : () -> ()
    %eq3A_146 = arith.constant 0 : i32
    %eq3A_147 = arith.cmpi eq, %arg0, %eq3A_146 : i32
    %convert_element_type3A_148 = arith.extui %eq3A_147 : i1 to i32
    %cond3A_149 = arith.constant 0 : i32
    %cond3A_150 = arith.cmpi ne, %convert_element_type3A_148, %cond3A_149 : i32
    scf.if %cond3A_150 {
      %add3A_192 = arith.constant 384 : i32
      %add3A_193 = arith.addi %mul3A_25, %add3A_192 : i32
      "tpu.region"() ({
        %run_scoped3A = tpu.sem_alloc : memref<!tpu.dma_semaphore, #tpu.memory_space<semaphore_mem>>
        %dma_start3A_194 = arith.constant 0 : i32
        %dma_start3A_195 = tpu.memref_slice %arg4[%add3A_193, %dma_start3A_194] : memref<10240x128xf32, #tpu.memory_space<hbm>> -> memref<64x128xf32, #tpu.memory_space<hbm>>
        %dma_start3A_196 = arith.constant 0 : i32
        %dma_start3A_197 = tpu.memref_slice %arg4[%add3A_193, %dma_start3A_196] : memref<10240x128xf32, #tpu.memory_space<hbm>> -> memref<64x128xf32, #tpu.memory_space<hbm>>
        tpu.enqueue_dma source(%arg8 : memref<64x128xf32, #tpu.memory_space<vmem>>) target(%dma_start3A_197 : memref<64x128xf32, #tpu.memory_space<hbm>>) target_semaphore(%run_scoped3A : memref<!tpu.dma_semaphore, #tpu.memory_space<semaphore_mem>>)
        %dma_wait3A = arith.constant 0 : i32
        %dma_wait3A_198 = tpu.memref_slice %arg4[%add3A_193, %dma_wait3A] : memref<10240x128xf32, #tpu.memory_space<hbm>> -> memref<64x128xf32, #tpu.memory_space<hbm>>
        %dma_wait3A_199 = arith.constant 0 : i32
        %dma_wait3A_200 = tpu.memref_slice %arg4[%add3A_193, %dma_wait3A_199] : memref<10240x128xf32, #tpu.memory_space<hbm>> -> memref<64x128xf32, #tpu.memory_space<hbm>>
        tpu.wait_dma2 semaphore(%run_scoped3A : memref<!tpu.dma_semaphore, #tpu.memory_space<semaphore_mem>>) src(%arg8 : memref<64x128xf32, #tpu.memory_space<vmem>>) dst(%dma_wait3A_200 : memref<64x128xf32, #tpu.memory_space<hbm>>)
        tpu.yield
      }) : () -> ()
    } else {
    }
    %eq3A_151 = arith.constant 1 : i32
    %eq3A_152 = arith.cmpi eq, %arg0, %eq3A_151 : i32
    %convert_element_type3A_153 = arith.extui %eq3A_152 : i1 to i32
    %cond3A_154 = arith.constant 0 : i32
    %cond3A_155 = arith.cmpi ne, %convert_element_type3A_153, %cond3A_154 : i32
    scf.if %cond3A_155 {
      %add3A_192 = arith.constant 384 : i32
      %add3A_193 = arith.addi %mul3A_25, %add3A_192 : i32
      "tpu.region"() ({
        %run_scoped3A = tpu.sem_alloc : memref<!tpu.dma_semaphore, #tpu.memory_space<semaphore_mem>>
        %dma_start3A_194 = arith.constant 0 : i32
        %dma_start3A_195 = tpu.memref_slice %arg5[%add3A_193, %dma_start3A_194] : memref<10240x128xf32, #tpu.memory_space<hbm>> -> memref<64x128xf32, #tpu.memory_space<hbm>>
        %dma_start3A_196 = arith.constant 0 : i32
        %dma_start3A_197 = tpu.memref_slice %arg5[%add3A_193, %dma_start3A_196] : memref<10240x128xf32, #tpu.memory_space<hbm>> -> memref<64x128xf32, #tpu.memory_space<hbm>>
        tpu.enqueue_dma source(%arg8 : memref<64x128xf32, #tpu.memory_space<vmem>>) target(%dma_start3A_197 : memref<64x128xf32, #tpu.memory_space<hbm>>) target_semaphore(%run_scoped3A : memref<!tpu.dma_semaphore, #tpu.memory_space<semaphore_mem>>)
        %dma_wait3A = arith.constant 0 : i32
        %dma_wait3A_198 = tpu.memref_slice %arg5[%add3A_193, %dma_wait3A] : memref<10240x128xf32, #tpu.memory_space<hbm>> -> memref<64x128xf32, #tpu.memory_space<hbm>>
        %dma_wait3A_199 = arith.constant 0 : i32
        %dma_wait3A_200 = tpu.memref_slice %arg5[%add3A_193, %dma_wait3A_199] : memref<10240x128xf32, #tpu.memory_space<hbm>> -> memref<64x128xf32, #tpu.memory_space<hbm>>
        tpu.wait_dma2 semaphore(%run_scoped3A : memref<!tpu.dma_semaphore, #tpu.memory_space<semaphore_mem>>) src(%arg8 : memref<64x128xf32, #tpu.memory_space<vmem>>) dst(%dma_wait3A_200 : memref<64x128xf32, #tpu.memory_space<hbm>>)
        tpu.yield
      }) : () -> ()
    } else {
    }
    %add3A_156 = arith.constant 448 : i32
    %add3A_157 = arith.addi %mul3A_25, %add3A_156 : i32
    "tpu.region"() ({
      %run_scoped3A = tpu.sem_alloc : memref<!tpu.dma_semaphore, #tpu.memory_space<semaphore_mem>>
      %dma_start3A_192 = arith.constant 0 : i32
      %dma_start3A_193 = tpu.memref_slice %arg16[%add3A_157, %dma_start3A_192] : memref<10240x128xf32, #tpu.memory_space<vmem_shared>> -> memref<64x128xf32, #tpu.memory_space<vmem_shared>>
      %dma_start3A_194 = arith.constant 0 : i32
      %dma_start3A_195 = tpu.memref_slice %arg16[%add3A_157, %dma_start3A_194] : memref<10240x128xf32, #tpu.memory_space<vmem_shared>> -> memref<64x128xf32, #tpu.memory_space<vmem_shared>>
      tpu.enqueue_dma source(%dma_start3A_195 : memref<64x128xf32, #tpu.memory_space<vmem_shared>>) target(%arg8 : memref<64x128xf32, #tpu.memory_space<vmem>>) target_semaphore(%run_scoped3A : memref<!tpu.dma_semaphore, #tpu.memory_space<semaphore_mem>>)
      %dma_wait3A = arith.constant 0 : i32
      %dma_wait3A_196 = tpu.memref_slice %arg16[%add3A_157, %dma_wait3A] : memref<10240x128xf32, #tpu.memory_space<vmem_shared>> -> memref<64x128xf32, #tpu.memory_space<vmem_shared>>
      %dma_wait3A_197 = arith.constant 0 : i32
      %dma_wait3A_198 = tpu.memref_slice %arg16[%add3A_157, %dma_wait3A_197] : memref<10240x128xf32, #tpu.memory_space<vmem_shared>> -> memref<64x128xf32, #tpu.memory_space<vmem_shared>>
      tpu.wait_dma2 semaphore(%run_scoped3A : memref<!tpu.dma_semaphore, #tpu.memory_space<semaphore_mem>>) src(%dma_wait3A_198 : memref<64x128xf32, #tpu.memory_space<vmem_shared>>) dst(%arg8 : memref<64x128xf32, #tpu.memory_space<vmem>>)
      tpu.yield
    }) : () -> ()
    %eq3A_158 = arith.constant 0 : i32
    %eq3A_159 = arith.cmpi eq, %arg0, %eq3A_158 : i32
    %convert_element_type3A_160 = arith.extui %eq3A_159 : i1 to i32
    %cond3A_161 = arith.constant 0 : i32
    %cond3A_162 = arith.cmpi ne, %convert_element_type3A_160, %cond3A_161 : i32
    scf.if %cond3A_162 {
      %add3A_192 = arith.constant 448 : i32
      %add3A_193 = arith.addi %mul3A_25, %add3A_192 : i32
      "tpu.region"() ({
        %run_scoped3A = tpu.sem_alloc : memref<!tpu.dma_semaphore, #tpu.memory_space<semaphore_mem>>
        %dma_start3A_194 = arith.constant 0 : i32
        %dma_start3A_195 = tpu.memref_slice %arg4[%add3A_193, %dma_start3A_194] : memref<10240x128xf32, #tpu.memory_space<hbm>> -> memref<64x128xf32, #tpu.memory_space<hbm>>
        %dma_start3A_196 = arith.constant 0 : i32
        %dma_start3A_197 = tpu.memref_slice %arg4[%add3A_193, %dma_start3A_196] : memref<10240x128xf32, #tpu.memory_space<hbm>> -> memref<64x128xf32, #tpu.memory_space<hbm>>
        tpu.enqueue_dma source(%arg8 : memref<64x128xf32, #tpu.memory_space<vmem>>) target(%dma_start3A_197 : memref<64x128xf32, #tpu.memory_space<hbm>>) target_semaphore(%run_scoped3A : memref<!tpu.dma_semaphore, #tpu.memory_space<semaphore_mem>>)
        %dma_wait3A = arith.constant 0 : i32
        %dma_wait3A_198 = tpu.memref_slice %arg4[%add3A_193, %dma_wait3A] : memref<10240x128xf32, #tpu.memory_space<hbm>> -> memref<64x128xf32, #tpu.memory_space<hbm>>
        %dma_wait3A_199 = arith.constant 0 : i32
        %dma_wait3A_200 = tpu.memref_slice %arg4[%add3A_193, %dma_wait3A_199] : memref<10240x128xf32, #tpu.memory_space<hbm>> -> memref<64x128xf32, #tpu.memory_space<hbm>>
        tpu.wait_dma2 semaphore(%run_scoped3A : memref<!tpu.dma_semaphore, #tpu.memory_space<semaphore_mem>>) src(%arg8 : memref<64x128xf32, #tpu.memory_space<vmem>>) dst(%dma_wait3A_200 : memref<64x128xf32, #tpu.memory_space<hbm>>)
        tpu.yield
      }) : () -> ()
    } else {
    }
    %eq3A_163 = arith.constant 1 : i32
    %eq3A_164 = arith.cmpi eq, %arg0, %eq3A_163 : i32
    %convert_element_type3A_165 = arith.extui %eq3A_164 : i1 to i32
    %cond3A_166 = arith.constant 0 : i32
    %cond3A_167 = arith.cmpi ne, %convert_element_type3A_165, %cond3A_166 : i32
    scf.if %cond3A_167 {
      %add3A_192 = arith.constant 448 : i32
      %add3A_193 = arith.addi %mul3A_25, %add3A_192 : i32
      "tpu.region"() ({
        %run_scoped3A = tpu.sem_alloc : memref<!tpu.dma_semaphore, #tpu.memory_space<semaphore_mem>>
        %dma_start3A_194 = arith.constant 0 : i32
        %dma_start3A_195 = tpu.memref_slice %arg5[%add3A_193, %dma_start3A_194] : memref<10240x128xf32, #tpu.memory_space<hbm>> -> memref<64x128xf32, #tpu.memory_space<hbm>>
        %dma_start3A_196 = arith.constant 0 : i32
        %dma_start3A_197 = tpu.memref_slice %arg5[%add3A_193, %dma_start3A_196] : memref<10240x128xf32, #tpu.memory_space<hbm>> -> memref<64x128xf32, #tpu.memory_space<hbm>>
        tpu.enqueue_dma source(%arg8 : memref<64x128xf32, #tpu.memory_space<vmem>>) target(%dma_start3A_197 : memref<64x128xf32, #tpu.memory_space<hbm>>) target_semaphore(%run_scoped3A : memref<!tpu.dma_semaphore, #tpu.memory_space<semaphore_mem>>)
        %dma_wait3A = arith.constant 0 : i32
        %dma_wait3A_198 = tpu.memref_slice %arg5[%add3A_193, %dma_wait3A] : memref<10240x128xf32, #tpu.memory_space<hbm>> -> memref<64x128xf32, #tpu.memory_space<hbm>>
        %dma_wait3A_199 = arith.constant 0 : i32
        %dma_wait3A_200 = tpu.memref_slice %arg5[%add3A_193, %dma_wait3A_199] : memref<10240x128xf32, #tpu.memory_space<hbm>> -> memref<64x128xf32, #tpu.memory_space<hbm>>
        tpu.wait_dma2 semaphore(%run_scoped3A : memref<!tpu.dma_semaphore, #tpu.memory_space<semaphore_mem>>) src(%arg8 : memref<64x128xf32, #tpu.memory_space<vmem>>) dst(%dma_wait3A_200 : memref<64x128xf32, #tpu.memory_space<hbm>>)
        tpu.yield
      }) : () -> ()
    } else {
    }
    %add3A_168 = arith.constant 512 : i32
    %add3A_169 = arith.addi %mul3A_25, %add3A_168 : i32
    "tpu.region"() ({
      %run_scoped3A = tpu.sem_alloc : memref<!tpu.dma_semaphore, #tpu.memory_space<semaphore_mem>>
      %dma_start3A_192 = arith.constant 0 : i32
      %dma_start3A_193 = tpu.memref_slice %arg16[%add3A_169, %dma_start3A_192] : memref<10240x128xf32, #tpu.memory_space<vmem_shared>> -> memref<64x128xf32, #tpu.memory_space<vmem_shared>>
      %dma_start3A_194 = arith.constant 0 : i32
      %dma_start3A_195 = tpu.memref_slice %arg16[%add3A_169, %dma_start3A_194] : memref<10240x128xf32, #tpu.memory_space<vmem_shared>> -> memref<64x128xf32, #tpu.memory_space<vmem_shared>>
      tpu.enqueue_dma source(%dma_start3A_195 : memref<64x128xf32, #tpu.memory_space<vmem_shared>>) target(%arg8 : memref<64x128xf32, #tpu.memory_space<vmem>>) target_semaphore(%run_scoped3A : memref<!tpu.dma_semaphore, #tpu.memory_space<semaphore_mem>>)
      %dma_wait3A = arith.constant 0 : i32
      %dma_wait3A_196 = tpu.memref_slice %arg16[%add3A_169, %dma_wait3A] : memref<10240x128xf32, #tpu.memory_space<vmem_shared>> -> memref<64x128xf32, #tpu.memory_space<vmem_shared>>
      %dma_wait3A_197 = arith.constant 0 : i32
      %dma_wait3A_198 = tpu.memref_slice %arg16[%add3A_169, %dma_wait3A_197] : memref<10240x128xf32, #tpu.memory_space<vmem_shared>> -> memref<64x128xf32, #tpu.memory_space<vmem_shared>>
      tpu.wait_dma2 semaphore(%run_scoped3A : memref<!tpu.dma_semaphore, #tpu.memory_space<semaphore_mem>>) src(%dma_wait3A_198 : memref<64x128xf32, #tpu.memory_space<vmem_shared>>) dst(%arg8 : memref<64x128xf32, #tpu.memory_space<vmem>>)
      tpu.yield
    }) : () -> ()
    %eq3A_170 = arith.constant 0 : i32
    %eq3A_171 = arith.cmpi eq, %arg0, %eq3A_170 : i32
    %convert_element_type3A_172 = arith.extui %eq3A_171 : i1 to i32
    %cond3A_173 = arith.constant 0 : i32
    %cond3A_174 = arith.cmpi ne, %convert_element_type3A_172, %cond3A_173 : i32
    scf.if %cond3A_174 {
      %add3A_192 = arith.constant 512 : i32
      %add3A_193 = arith.addi %mul3A_25, %add3A_192 : i32
      "tpu.region"() ({
        %run_scoped3A = tpu.sem_alloc : memref<!tpu.dma_semaphore, #tpu.memory_space<semaphore_mem>>
        %dma_start3A_194 = arith.constant 0 : i32
        %dma_start3A_195 = tpu.memref_slice %arg4[%add3A_193, %dma_start3A_194] : memref<10240x128xf32, #tpu.memory_space<hbm>> -> memref<64x128xf32, #tpu.memory_space<hbm>>
        %dma_start3A_196 = arith.constant 0 : i32
        %dma_start3A_197 = tpu.memref_slice %arg4[%add3A_193, %dma_start3A_196] : memref<10240x128xf32, #tpu.memory_space<hbm>> -> memref<64x128xf32, #tpu.memory_space<hbm>>
        tpu.enqueue_dma source(%arg8 : memref<64x128xf32, #tpu.memory_space<vmem>>) target(%dma_start3A_197 : memref<64x128xf32, #tpu.memory_space<hbm>>) target_semaphore(%run_scoped3A : memref<!tpu.dma_semaphore, #tpu.memory_space<semaphore_mem>>)
        %dma_wait3A = arith.constant 0 : i32
        %dma_wait3A_198 = tpu.memref_slice %arg4[%add3A_193, %dma_wait3A] : memref<10240x128xf32, #tpu.memory_space<hbm>> -> memref<64x128xf32, #tpu.memory_space<hbm>>
        %dma_wait3A_199 = arith.constant 0 : i32
        %dma_wait3A_200 = tpu.memref_slice %arg4[%add3A_193, %dma_wait3A_199] : memref<10240x128xf32, #tpu.memory_space<hbm>> -> memref<64x128xf32, #tpu.memory_space<hbm>>
        tpu.wait_dma2 semaphore(%run_scoped3A : memref<!tpu.dma_semaphore, #tpu.memory_space<semaphore_mem>>) src(%arg8 : memref<64x128xf32, #tpu.memory_space<vmem>>) dst(%dma_wait3A_200 : memref<64x128xf32, #tpu.memory_space<hbm>>)
        tpu.yield
      }) : () -> ()
    } else {
    }
    %eq3A_175 = arith.constant 1 : i32
    %eq3A_176 = arith.cmpi eq, %arg0, %eq3A_175 : i32
    %convert_element_type3A_177 = arith.extui %eq3A_176 : i1 to i32
    %cond3A_178 = arith.constant 0 : i32
    %cond3A_179 = arith.cmpi ne, %convert_element_type3A_177, %cond3A_178 : i32
    scf.if %cond3A_179 {
      %add3A_192 = arith.constant 512 : i32
      %add3A_193 = arith.addi %mul3A_25, %add3A_192 : i32
      "tpu.region"() ({
        %run_scoped3A = tpu.sem_alloc : memref<!tpu.dma_semaphore, #tpu.memory_space<semaphore_mem>>
        %dma_start3A_194 = arith.constant 0 : i32
        %dma_start3A_195 = tpu.memref_slice %arg5[%add3A_193, %dma_start3A_194] : memref<10240x128xf32, #tpu.memory_space<hbm>> -> memref<64x128xf32, #tpu.memory_space<hbm>>
        %dma_start3A_196 = arith.constant 0 : i32
        %dma_start3A_197 = tpu.memref_slice %arg5[%add3A_193, %dma_start3A_196] : memref<10240x128xf32, #tpu.memory_space<hbm>> -> memref<64x128xf32, #tpu.memory_space<hbm>>
        tpu.enqueue_dma source(%arg8 : memref<64x128xf32, #tpu.memory_space<vmem>>) target(%dma_start3A_197 : memref<64x128xf32, #tpu.memory_space<hbm>>) target_semaphore(%run_scoped3A : memref<!tpu.dma_semaphore, #tpu.memory_space<semaphore_mem>>)
        %dma_wait3A = arith.constant 0 : i32
        %dma_wait3A_198 = tpu.memref_slice %arg5[%add3A_193, %dma_wait3A] : memref<10240x128xf32, #tpu.memory_space<hbm>> -> memref<64x128xf32, #tpu.memory_space<hbm>>
        %dma_wait3A_199 = arith.constant 0 : i32
        %dma_wait3A_200 = tpu.memref_slice %arg5[%add3A_193, %dma_wait3A_199] : memref<10240x128xf32, #tpu.memory_space<hbm>> -> memref<64x128xf32, #tpu.memory_space<hbm>>
        tpu.wait_dma2 semaphore(%run_scoped3A : memref<!tpu.dma_semaphore, #tpu.memory_space<semaphore_mem>>) src(%arg8 : memref<64x128xf32, #tpu.memory_space<vmem>>) dst(%dma_wait3A_200 : memref<64x128xf32, #tpu.memory_space<hbm>>)
        tpu.yield
      }) : () -> ()
    } else {
    }
    %add3A_180 = arith.constant 576 : i32
    %add3A_181 = arith.addi %mul3A_25, %add3A_180 : i32
    "tpu.region"() ({
      %run_scoped3A = tpu.sem_alloc : memref<!tpu.dma_semaphore, #tpu.memory_space<semaphore_mem>>
      %dma_start3A_192 = arith.constant 0 : i32
      %dma_start3A_193 = tpu.memref_slice %arg16[%add3A_181, %dma_start3A_192] : memref<10240x128xf32, #tpu.memory_space<vmem_shared>> -> memref<64x128xf32, #tpu.memory_space<vmem_shared>>
      %dma_start3A_194 = arith.constant 0 : i32
      %dma_start3A_195 = tpu.memref_slice %arg16[%add3A_181, %dma_start3A_194] : memref<10240x128xf32, #tpu.memory_space<vmem_shared>> -> memref<64x128xf32, #tpu.memory_space<vmem_shared>>
      tpu.enqueue_dma source(%dma_start3A_195 : memref<64x128xf32, #tpu.memory_space<vmem_shared>>) target(%arg8 : memref<64x128xf32, #tpu.memory_space<vmem>>) target_semaphore(%run_scoped3A : memref<!tpu.dma_semaphore, #tpu.memory_space<semaphore_mem>>)
      %dma_wait3A = arith.constant 0 : i32
      %dma_wait3A_196 = tpu.memref_slice %arg16[%add3A_181, %dma_wait3A] : memref<10240x128xf32, #tpu.memory_space<vmem_shared>> -> memref<64x128xf32, #tpu.memory_space<vmem_shared>>
      %dma_wait3A_197 = arith.constant 0 : i32
      %dma_wait3A_198 = tpu.memref_slice %arg16[%add3A_181, %dma_wait3A_197] : memref<10240x128xf32, #tpu.memory_space<vmem_shared>> -> memref<64x128xf32, #tpu.memory_space<vmem_shared>>
      tpu.wait_dma2 semaphore(%run_scoped3A : memref<!tpu.dma_semaphore, #tpu.memory_space<semaphore_mem>>) src(%dma_wait3A_198 : memref<64x128xf32, #tpu.memory_space<vmem_shared>>) dst(%arg8 : memref<64x128xf32, #tpu.memory_space<vmem>>)
      tpu.yield
    }) : () -> ()
    %eq3A_182 = arith.constant 0 : i32
    %eq3A_183 = arith.cmpi eq, %arg0, %eq3A_182 : i32
    %convert_element_type3A_184 = arith.extui %eq3A_183 : i1 to i32
    %cond3A_185 = arith.constant 0 : i32
    %cond3A_186 = arith.cmpi ne, %convert_element_type3A_184, %cond3A_185 : i32
    scf.if %cond3A_186 {
      %add3A_192 = arith.constant 576 : i32
      %add3A_193 = arith.addi %mul3A_25, %add3A_192 : i32
      "tpu.region"() ({
        %run_scoped3A = tpu.sem_alloc : memref<!tpu.dma_semaphore, #tpu.memory_space<semaphore_mem>>
        %dma_start3A_194 = arith.constant 0 : i32
        %dma_start3A_195 = tpu.memref_slice %arg4[%add3A_193, %dma_start3A_194] : memref<10240x128xf32, #tpu.memory_space<hbm>> -> memref<64x128xf32, #tpu.memory_space<hbm>>
        %dma_start3A_196 = arith.constant 0 : i32
        %dma_start3A_197 = tpu.memref_slice %arg4[%add3A_193, %dma_start3A_196] : memref<10240x128xf32, #tpu.memory_space<hbm>> -> memref<64x128xf32, #tpu.memory_space<hbm>>
        tpu.enqueue_dma source(%arg8 : memref<64x128xf32, #tpu.memory_space<vmem>>) target(%dma_start3A_197 : memref<64x128xf32, #tpu.memory_space<hbm>>) target_semaphore(%run_scoped3A : memref<!tpu.dma_semaphore, #tpu.memory_space<semaphore_mem>>)
        %dma_wait3A = arith.constant 0 : i32
        %dma_wait3A_198 = tpu.memref_slice %arg4[%add3A_193, %dma_wait3A] : memref<10240x128xf32, #tpu.memory_space<hbm>> -> memref<64x128xf32, #tpu.memory_space<hbm>>
        %dma_wait3A_199 = arith.constant 0 : i32
        %dma_wait3A_200 = tpu.memref_slice %arg4[%add3A_193, %dma_wait3A_199] : memref<10240x128xf32, #tpu.memory_space<hbm>> -> memref<64x128xf32, #tpu.memory_space<hbm>>
        tpu.wait_dma2 semaphore(%run_scoped3A : memref<!tpu.dma_semaphore, #tpu.memory_space<semaphore_mem>>) src(%arg8 : memref<64x128xf32, #tpu.memory_space<vmem>>) dst(%dma_wait3A_200 : memref<64x128xf32, #tpu.memory_space<hbm>>)
        tpu.yield
      }) : () -> ()
    } else {
    }
    %eq3A_187 = arith.constant 1 : i32
    %eq3A_188 = arith.cmpi eq, %arg0, %eq3A_187 : i32
    %convert_element_type3A_189 = arith.extui %eq3A_188 : i1 to i32
    %cond3A_190 = arith.constant 0 : i32
    %cond3A_191 = arith.cmpi ne, %convert_element_type3A_189, %cond3A_190 : i32
    scf.if %cond3A_191 {
      %add3A_192 = arith.constant 576 : i32
      %add3A_193 = arith.addi %mul3A_25, %add3A_192 : i32
      "tpu.region"() ({
        %run_scoped3A = tpu.sem_alloc : memref<!tpu.dma_semaphore, #tpu.memory_space<semaphore_mem>>
        %dma_start3A_194 = arith.constant 0 : i32
        %dma_start3A_195 = tpu.memref_slice %arg5[%add3A_193, %dma_start3A_194] : memref<10240x128xf32, #tpu.memory_space<hbm>> -> memref<64x128xf32, #tpu.memory_space<hbm>>
        %dma_start3A_196 = arith.constant 0 : i32
        %dma_start3A_197 = tpu.memref_slice %arg5[%add3A_193, %dma_start3A_196] : memref<10240x128xf32, #tpu.memory_space<hbm>> -> memref<64x128xf32, #tpu.memory_space<hbm>>
        tpu.enqueue_dma source(%arg8 : memref<64x128xf32, #tpu.memory_space<vmem>>) target(%dma_start3A_197 : memref<64x128xf32, #tpu.memory_space<hbm>>) target_semaphore(%run_scoped3A : memref<!tpu.dma_semaphore, #tpu.memory_space<semaphore_mem>>)
        %dma_wait3A = arith.constant 0 : i32
        %dma_wait3A_198 = tpu.memref_slice %arg5[%add3A_193, %dma_wait3A] : memref<10240x128xf32, #tpu.memory_space<hbm>> -> memref<64x128xf32, #tpu.memory_space<hbm>>
        %dma_wait3A_199 = arith.constant 0 : i32
        %dma_wait3A_200 = tpu.memref_slice %arg5[%add3A_193, %dma_wait3A_199] : memref<10240x128xf32, #tpu.memory_space<hbm>> -> memref<64x128xf32, #tpu.memory_space<hbm>>
        tpu.wait_dma2 semaphore(%run_scoped3A : memref<!tpu.dma_semaphore, #tpu.memory_space<semaphore_mem>>) src(%arg8 : memref<64x128xf32, #tpu.memory_space<vmem>>) dst(%dma_wait3A_200 : memref<64x128xf32, #tpu.memory_space<hbm>>)
        tpu.yield
      }) : () -> ()
    } else {
    }
    return
  }
}

module attributes {stable_mosaic.version = 14 : i64} {
  func.func @_mm1_body(%arg0: i32, %arg1: memref<1024x256xf32, #tpu.memory_space<vmem>>, %arg2: memref<256x128xf32, #tpu.memory_space<vmem>>, %arg3: memref<1024xf32, #tpu.memory_space<vmem>>, %arg4: memref<1024xf32, #tpu.memory_space<vmem>>, %arg5: memref<1024x128xf32, #tpu.memory_space<vmem>>, %arg6: memref<1024xf32, #tpu.memory_space<vmem>>) attributes {dimension_semantics = [#tpu.dimension_semantics<arbitrary>], iteration_bounds = array<i64: 10>, scalar_prefetch = 0 : i64, scratch_operands = 0 : i64, tpu.core_type = #tpu.core_type<tc>, window_params = [{transform_indices = @transform_0, window_bounds = array<i64: 1024, 256>}, {pipeline_mode = #tpu.pipeline_mode<synchronous>, transform_indices = @transform_1, window_bounds = array<i64: 256, 128>}, {transform_indices = @transform_2, window_bounds = array<i64: 1024>}, {transform_indices = @transform_3, window_bounds = array<i64: 1024>}, {transform_indices = @transform_4, window_bounds = array<i64: 1024, 128>}, {transform_indices = @transform_5, window_bounds = array<i64: 1024>}]} {
    %get3A = arith.constant 0 : index
    %get3A_0 = vector.load %arg3[%get3A] : memref<1024xf32, #tpu.memory_space<vmem>>, vector<1024xf32>
    %get3A_1 = arith.constant 0 : index
    %get3A_2 = vector.load %arg4[%get3A_1] : memref<1024xf32, #tpu.memory_space<vmem>>, vector<1024xf32>
    %add3A = arith.addf %get3A_0, %get3A_2 : vector<1024xf32>
    %add3A_3 = arith.constant 1.000000e+00 : f32
    %add3A_4 = vector.broadcast %add3A_3 : f32 to vector<1024xf32>
    %add3A_5 = arith.addf %add3A, %add3A_4 : vector<1024xf32>
    %rsqrt3A = math.rsqrt %add3A_5 : vector<1024xf32>
    %get3A_6 = arith.constant 0 : index
    %get3A_7 = arith.constant 0 : index
    %get3A_8 = vector.load %arg1[%get3A_6, %get3A_7] : memref<1024x256xf32, #tpu.memory_space<vmem>>, vector<1024x256xf32>
    %get3A_9 = arith.constant 0 : index
    %get3A_10 = arith.constant 0 : index
    %get3A_11 = vector.load %arg2[%get3A_9, %get3A_10] : memref<256x128xf32, #tpu.memory_space<vmem>>, vector<256x128xf32>
    %dot_general3A = arith.constant dense<0.000000e+00> : vector<1024x128xf32>
    %dot_general3A_12 = tpu.matmul %get3A_8, %get3A_11, %dot_general3A {dimension_numbers = #tpu.dot_dimension_numbers<[1], [0], [0], [1], [0, 0, 1, 1], [], []>, transpose_lhs_hint = false} : vector<1024x256xf32>, vector<256x128xf32>, vector<1024x128xf32> -> vector<1024x128xf32>
    %broadcast_in_dim3A = vector.shape_cast %rsqrt3A : vector<1024xf32> to vector<1024x1xf32>
    %mul3A = vector.broadcast %broadcast_in_dim3A : vector<1024x1xf32> to vector<1024x128xf32>
    %mul3A_13 = arith.mulf %dot_general3A_12, %mul3A : vector<1024x128xf32>
    %swap3A = arith.constant 0 : index
    %swap3A_14 = arith.constant 0 : index
    %swap3A_15 = vector.load %arg5[%swap3A, %swap3A_14] : memref<1024x128xf32, #tpu.memory_space<vmem>>, vector<1024x128xf32>
    tpu.vector_store %arg5[%swap3A, %swap3A_14], %mul3A_13 {strides = array<i32>} : memref<1024x128xf32, #tpu.memory_space<vmem>>, vector<1024x128xf32>,
    %swap3A_16 = arith.constant 0 : index
    %swap3A_17 = vector.load %arg6[%swap3A_16] : memref<1024xf32, #tpu.memory_space<vmem>>, vector<1024xf32>
    tpu.vector_store %arg6[%swap3A_16], %rsqrt3A {strides = array<i32>} : memref<1024xf32, #tpu.memory_space<vmem>>, vector<1024xf32>,
    return
  }
  func.func @transform_0(%arg0: i32) -> (i32, i32) {
    %c0_i32 = arith.constant 0 : i32
    %c0_i32_0 = arith.constant 0 : i32
    return %arg0, %c0_i32 : i32, i32
  }
  func.func @transform_1(%arg0: i32) -> (i32, i32) {
    %c0_i32 = arith.constant 0 : i32
    %c0_i32_0 = arith.constant 0 : i32
    %c0_i32_1 = arith.constant 0 : i32
    return %c0_i32, %c0_i32_0 : i32, i32
  }
  func.func @transform_2(%arg0: i32) -> i32 {
    %c0_i32 = arith.constant 0 : i32
    return %arg0 : i32
  }
  func.func @transform_3(%arg0: i32) -> i32 {
    %c0_i32 = arith.constant 0 : i32
    return %arg0 : i32
  }
  func.func @transform_4(%arg0: i32) -> (i32, i32) {
    %c0_i32 = arith.constant 0 : i32
    %c0_i32_0 = arith.constant 0 : i32
    return %arg0, %c0_i32 : i32, i32
  }
  func.func @transform_5(%arg0: i32) -> i32 {
    %c0_i32 = arith.constant 0 : i32
    return %arg0 : i32
  }
}

module attributes {stable_mosaic.version = 14 : i64} {
  func.func @_mid_body(%arg0: i32, %arg1: memref<1024x128xf32, #tpu.memory_space<vmem>>, %arg2: memref<1024x128xf32, #tpu.memory_space<vmem>>, %arg3: memref<1024x128xf32, #tpu.memory_space<vmem>>, %arg4: memref<1024xf32, #tpu.memory_space<vmem>>, %arg5: memref<1x128xf32, #tpu.memory_space<vmem>>, %arg6: memref<128x64xf32, #tpu.memory_space<vmem>>, %arg7: memref<1024x64xf32, #tpu.memory_space<vmem>>) attributes {dimension_semantics = [#tpu.dimension_semantics<arbitrary>], iteration_bounds = array<i64: 10>, scalar_prefetch = 0 : i64, scratch_operands = 0 : i64, tpu.core_type = #tpu.core_type<tc>, window_params = [{transform_indices = @transform_0, window_bounds = array<i64: 1024, 128>}, {transform_indices = @transform_1, window_bounds = array<i64: 1024, 128>}, {transform_indices = @transform_2, window_bounds = array<i64: 1024, 128>}, {transform_indices = @transform_3, window_bounds = array<i64: 1024>}, {pipeline_mode = #tpu.pipeline_mode<synchronous>, transform_indices = @transform_4, window_bounds = array<i64: 1, 128>}, {pipeline_mode = #tpu.pipeline_mode<synchronous>, transform_indices = @transform_5, window_bounds = array<i64: 128, 64>}, {transform_indices = @transform_6, window_bounds = array<i64: 1024, 64>}]} {
    %get3A = arith.constant 0 : index
    %get3A_0 = vector.load %arg4[%get3A] : memref<1024xf32, #tpu.memory_space<vmem>>, vector<1024xf32>
    %get3A_1 = arith.constant 0 : index
    %get3A_2 = arith.constant 0 : index
    %get3A_3 = vector.load %arg1[%get3A_1, %get3A_2] : memref<1024x128xf32, #tpu.memory_space<vmem>>, vector<1024x128xf32>
    %get3A_4 = arith.constant 0 : index
    %get3A_5 = arith.constant 0 : index
    %get3A_6 = vector.load %arg2[%get3A_4, %get3A_5] : memref<1024x128xf32, #tpu.memory_space<vmem>>, vector<1024x128xf32>
    %add3A = arith.addf %get3A_3, %get3A_6 : vector<1024x128xf32>
    %get3A_7 = arith.constant 0 : index
    %get3A_8 = arith.constant 0 : index
    %get3A_9 = vector.load %arg3[%get3A_7, %get3A_8] : memref<1024x128xf32, #tpu.memory_space<vmem>>, vector<1024x128xf32>
    %add3A_10 = arith.addf %add3A, %get3A_9 : vector<1024x128xf32>
    %broadcast_in_dim3A = vector.shape_cast %get3A_0 : vector<1024xf32> to vector<1024x1xf32>
    %mul3A = vector.broadcast %broadcast_in_dim3A : vector<1024x1xf32> to vector<1024x128xf32>
    %mul3A_11 = arith.mulf %add3A_10, %mul3A : vector<1024x128xf32>
    %get3A_12 = arith.constant 0 : index
    %get3A_13 = arith.constant 0 : index
    %get3A_14 = vector.load %arg5[%get3A_12, %get3A_13] : memref<1x128xf32, #tpu.memory_space<vmem>>, vector<1x128xf32>
    %add3A_15 = vector.broadcast %get3A_14 : vector<1x128xf32> to vector<1024x128xf32>
    %add3A_16 = arith.addf %mul3A_11, %add3A_15 : vector<1024x128xf32>
    %max3A = arith.constant 0.000000e+00 : f32
    %max3A_17 = vector.broadcast %max3A : f32 to vector<1024x128xf32>
    %max3A_18 = arith.maximumf %add3A_16, %max3A_17 : vector<1024x128xf32>
    %get3A_19 = arith.constant 0 : index
    %get3A_20 = arith.constant 0 : index
    %get3A_21 = vector.load %arg6[%get3A_19, %get3A_20] : memref<128x64xf32, #tpu.memory_space<vmem>>, vector<128x64xf32>
    %dot_general3A = arith.constant dense<0.000000e+00> : vector<1024x64xf32>
    %dot_general3A_22 = tpu.matmul %max3A_18, %get3A_21, %dot_general3A {dimension_numbers = #tpu.dot_dimension_numbers<[1], [0], [0], [1], [0, 0, 1, 1], [], []>, transpose_lhs_hint = false} : vector<1024x128xf32>, vector<128x64xf32>, vector<1024x64xf32> -> vector<1024x64xf32>
    %broadcast_in_dim3A_23 = vector.shape_cast %get3A_0 : vector<1024xf32> to vector<1024x1xf32>
    %mul3A_24 = vector.broadcast %broadcast_in_dim3A_23 : vector<1024x1xf32> to vector<1024x64xf32>
    %mul3A_25 = arith.mulf %dot_general3A_22, %mul3A_24 : vector<1024x64xf32>
    %swap3A = arith.constant 0 : index
    %swap3A_26 = arith.constant 0 : index
    %swap3A_27 = vector.load %arg7[%swap3A, %swap3A_26] : memref<1024x64xf32, #tpu.memory_space<vmem>>, vector<1024x64xf32>
    tpu.vector_store %arg7[%swap3A, %swap3A_26], %mul3A_25 {strides = array<i32>} : memref<1024x64xf32, #tpu.memory_space<vmem>>, vector<1024x64xf32>,
    return
  }
  func.func @transform_0(%arg0: i32) -> (i32, i32) {
    %c0_i32 = arith.constant 0 : i32
    %c0_i32_0 = arith.constant 0 : i32
    return %arg0, %c0_i32 : i32, i32
  }
  func.func @transform_1(%arg0: i32) -> (i32, i32) {
    %c0_i32 = arith.constant 0 : i32
    %c0_i32_0 = arith.constant 0 : i32
    return %arg0, %c0_i32 : i32, i32
  }
  func.func @transform_2(%arg0: i32) -> (i32, i32) {
    %c0_i32 = arith.constant 0 : i32
    %c0_i32_0 = arith.constant 0 : i32
    return %arg0, %c0_i32 : i32, i32
  }
  func.func @transform_3(%arg0: i32) -> i32 {
    %c0_i32 = arith.constant 0 : i32
    return %arg0 : i32
  }
  func.func @transform_4(%arg0: i32) -> (i32, i32) {
    %c0_i32 = arith.constant 0 : i32
    %c0_i32_0 = arith.constant 0 : i32
    %c0_i32_1 = arith.constant 0 : i32
    return %c0_i32, %c0_i32_0 : i32, i32
  }
  func.func @transform_5(%arg0: i32) -> (i32, i32) {
    %c0_i32 = arith.constant 0 : i32
    %c0_i32_0 = arith.constant 0 : i32
    %c0_i32_1 = arith.constant 0 : i32
    return %c0_i32, %c0_i32_0 : i32, i32
  }
  func.func @transform_6(%arg0: i32) -> (i32, i32) {
    %c0_i32 = arith.constant 0 : i32
    %c0_i32_0 = arith.constant 0 : i32
    return %arg0, %c0_i32 : i32, i32
  }
}

module attributes {stable_mosaic.version = 14 : i64} {
  func.func @_fin_body(%arg0: i32, %arg1: memref<1024x64xf32, #tpu.memory_space<vmem>>, %arg2: memref<1024x64xf32, #tpu.memory_space<vmem>>, %arg3: memref<1024x64xf32, #tpu.memory_space<vmem>>, %arg4: memref<1024xf32, #tpu.memory_space<vmem>>, %arg5: memref<1x64xf32, #tpu.memory_space<vmem>>, %arg6: memref<1024x32xf32, #tpu.memory_space<vmem>>, %arg7: memref<1024x32xf32, #tpu.memory_space<vmem>>) attributes {dimension_semantics = [#tpu.dimension_semantics<arbitrary>], iteration_bounds = array<i64: 10>, scalar_prefetch = 0 : i64, scratch_operands = 0 : i64, tpu.core_type = #tpu.core_type<tc>, window_params = [{transform_indices = @transform_0, window_bounds = array<i64: 1024, 64>}, {transform_indices = @transform_1, window_bounds = array<i64: 1024, 64>}, {transform_indices = @transform_2, window_bounds = array<i64: 1024, 64>}, {transform_indices = @transform_3, window_bounds = array<i64: 1024>}, {pipeline_mode = #tpu.pipeline_mode<synchronous>, transform_indices = @transform_4, window_bounds = array<i64: 1, 64>}, {transform_indices = @transform_5, window_bounds = array<i64: 1024, 32>}, {transform_indices = @transform_6, window_bounds = array<i64: 1024, 32>}]} {
    %get3A = arith.constant 0 : index
    %get3A_0 = vector.load %arg4[%get3A] : memref<1024xf32, #tpu.memory_space<vmem>>, vector<1024xf32>
    %get3A_1 = arith.constant 0 : index
    %get3A_2 = arith.constant 0 : index
    %get3A_3 = vector.load %arg1[%get3A_1, %get3A_2] : memref<1024x64xf32, #tpu.memory_space<vmem>>, vector<1024x64xf32>
    %get3A_4 = arith.constant 0 : index
    %get3A_5 = arith.constant 0 : index
    %get3A_6 = vector.load %arg2[%get3A_4, %get3A_5] : memref<1024x64xf32, #tpu.memory_space<vmem>>, vector<1024x64xf32>
    %add3A = arith.addf %get3A_3, %get3A_6 : vector<1024x64xf32>
    %get3A_7 = arith.constant 0 : index
    %get3A_8 = arith.constant 0 : index
    %get3A_9 = vector.load %arg3[%get3A_7, %get3A_8] : memref<1024x64xf32, #tpu.memory_space<vmem>>, vector<1024x64xf32>
    %add3A_10 = arith.addf %add3A, %get3A_9 : vector<1024x64xf32>
    %broadcast_in_dim3A = vector.shape_cast %get3A_0 : vector<1024xf32> to vector<1024x1xf32>
    %mul3A = vector.broadcast %broadcast_in_dim3A : vector<1024x1xf32> to vector<1024x64xf32>
    %mul3A_11 = arith.mulf %add3A_10, %mul3A : vector<1024x64xf32>
    %get3A_12 = arith.constant 0 : index
    %get3A_13 = arith.constant 0 : index
    %get3A_14 = vector.load %arg5[%get3A_12, %get3A_13] : memref<1x64xf32, #tpu.memory_space<vmem>>, vector<1x64xf32>
    %add3A_15 = vector.broadcast %get3A_14 : vector<1x64xf32> to vector<1024x64xf32>
    %add3A_16 = arith.addf %mul3A_11, %add3A_15 : vector<1024x64xf32>
    %slice3A = vector.extract_strided_slice %add3A_16 {offsets = [0, 0], sizes = [1024, 32], strides = [1, 1]} : vector<1024x64xf32> to vector<1024x32xf32>
    %swap3A = arith.constant 0 : index
    %swap3A_17 = arith.constant 0 : index
    %swap3A_18 = vector.load %arg6[%swap3A, %swap3A_17] : memref<1024x32xf32, #tpu.memory_space<vmem>>, vector<1024x32xf32>
    tpu.vector_store %arg6[%swap3A, %swap3A_17], %slice3A {strides = array<i32>} : memref<1024x32xf32, #tpu.memory_space<vmem>>, vector<1024x32xf32>,
    %slice3A_19 = vector.extract_strided_slice %add3A_16 {offsets = [0, 32], sizes = [1024, 32], strides = [1, 1]} : vector<1024x64xf32> to vector<1024x32xf32>
    %swap3A_20 = arith.constant 0 : index
    %swap3A_21 = arith.constant 0 : index
    %swap3A_22 = vector.load %arg7[%swap3A_20, %swap3A_21] : memref<1024x32xf32, #tpu.memory_space<vmem>>, vector<1024x32xf32>
    tpu.vector_store %arg7[%swap3A_20, %swap3A_21], %slice3A_19 {strides = array<i32>} : memref<1024x32xf32, #tpu.memory_space<vmem>>, vector<1024x32xf32>,
    return
  }
  func.func @transform_0(%arg0: i32) -> (i32, i32) {
    %c0_i32 = arith.constant 0 : i32
    %c0_i32_0 = arith.constant 0 : i32
    return %arg0, %c0_i32 : i32, i32
  }
  func.func @transform_1(%arg0: i32) -> (i32, i32) {
    %c0_i32 = arith.constant 0 : i32
    %c0_i32_0 = arith.constant 0 : i32
    return %arg0, %c0_i32 : i32, i32
  }
  func.func @transform_2(%arg0: i32) -> (i32, i32) {
    %c0_i32 = arith.constant 0 : i32
    %c0_i32_0 = arith.constant 0 : i32
    return %arg0, %c0_i32 : i32, i32
  }
  func.func @transform_3(%arg0: i32) -> i32 {
    %c0_i32 = arith.constant 0 : i32
    return %arg0 : i32
  }
  func.func @transform_4(%arg0: i32) -> (i32, i32) {
    %c0_i32 = arith.constant 0 : i32
    %c0_i32_0 = arith.constant 0 : i32
    %c0_i32_1 = arith.constant 0 : i32
    return %c0_i32, %c0_i32_0 : i32, i32
  }
  func.func @transform_5(%arg0: i32) -> (i32, i32) {
    %c0_i32 = arith.constant 0 : i32
    %c0_i32_0 = arith.constant 0 : i32
    return %arg0, %c0_i32 : i32, i32
  }
  func.func @transform_6(%arg0: i32) -> (i32, i32) {
    %c0_i32 = arith.constant 0 : i32
    %c0_i32_0 = arith.constant 0 : i32
    return %arg0, %c0_i32 : i32, i32
  }
}

</mosaic_0001>

<sc_bundles>
// kernel: kernel.11.cloned.1.call-start
scs
__scs_entry_jumppad:
0x0: {  	(pc) =	sbr.rel $0x88, $3  }
0x1: {  	(tag) =	ssettag $0x0;
	lr =	simm.s32 $0x1  }
0x2: {  	[smem:$0x3F9B] =	sst lr;
	_ =	strace $0xD0000000  }
0x3: {  	_ = 	snop  }
0x4: {  	_ = 	snop  }
0x5: {  	_ = 	snop  }
0x6: {  	_ = 	snop  }
0x7: {  	_ = 	snop  }
__scs_overlays_trampoline_lowered:
0x8: {  	[smem:$0x3FAA] =	sst s0  }
0x9: {  	[smem:$0x3FAB] =	sst s1  }
0xa: {  	[smem:$0x3FAC] =	sst s2  }
0xb: {  	[smem:$0x3FAD] =	sst s3  }
0xc: {  	[smem:$0x3FAE] =	sst s4  }
0xd: {  	[smem:$0x3FAF] =	sst s5  }
0xe: {  	[smem:$0x3FB0] =	sst s6  }
0xf: {  	[smem:$0x3FB1] =	sst s7  }
0x10: {  	[smem:$0x3FB2] =	sst s8  }
0x11: {  	[smem:$0x3FB3] =	sst s9;
	s0 =	simm.s32 @!p0 $0x0  }
0x12: {  	s1 =	sld [smem:$0x3F99];
	s0 =	simm.s32 @p0 $0x1  }
0x13: {  	[smem:$0x3FB4] =	sst s0;
	s0 =	simm.s32 @!p1 $0x0  }
0x14: {  	s2 =	sld [smem:$0x3F98];
	s0 =	simm.s32 @p1 $0x1  }
0x15: {  	[smem:$0x3FB5] =	sst s0;
	s0 =	simm.s32 @!p2 $0x0  }
0x16: {  	s3 =	sld [smem:$0x3FDB];
	s0 =	simm.s32 @p2 $0x1  }
0x17: {  	s4 =	simm.s32 $0x1BF5;
	[smem:$0x3FB7] =	sst s0  }
0x18: {  	s0 =	sld [smem:$0x3F9A];
	_ =	swait.ge [sflag:s4], $0x0  }
0x19: {  	s7 =	sld [smem:$0x3F9B]  }
0x1a: {  	s8 =	sadd.s32 $0xFFFFE003, lr  }
0x1b: {  	s9 =	sadd.s32 $0xFFFFFEF7, lr;
	s5 =	simm.s32 $0xFFFFFFFF;
	p2 =	slt.u32 s8, $0xFFFFF086  }
0x1c: {  	p1 =	slt.u32 s9, $0xF7A;
	s5 =	simm.s32 @!p2 $0x0  }
0x1d: {  	s5 =	simm.s32 @p1 $0x1;
	p0 =	seq.s32 s7, s2  }
0x1e: {  	s7 =	smul.u32 @!p0 $0xF7A, s2;
	p2 =	seq.s32 @!p0 s5, $0x0  }
0x1f: {  	s9 =	smul.u32 $0xF7A, s1;
	s8 =	simm.s32 @!p0 $0x1BF5;
	p2 =	por !p2, p0  }
0x20: {  	[sflag:s8] =	ssyncset.s32 @!p0 $0xFFFFF086;
	s6 =	sadd.s32 @!p0 s3, s7;
	s7 =	simm.s32 @!p0 $0x108  }
0x21: {  	s3 =	sadd.s32 s3, s9;
	s6 =	sadd.s32 @!p0 $0x88, s6;
	s7 =	simm.s32 @p2 $0x1082  }
0x22: {  	[simem:s7], [sflag:s8] =	dma.local @!p0 [hbm:s6], $0xF7A  }
0x23: {  	s9 =	sor.u32 $0xD0000000, s2;
	s6 =	simm.s32 $0x108;
	_ =	swait.ge @!p0 [sflag:s8], $0x0  }
0x24: {  	s3 =	sadd.s32 $0x88, s3;
	s6 =	simm.s32 @!p1 $0x1082;
	[sflag:s4] =	ssyncset.s32 $0xFFFFF086  }
0x25: {  	[simem:s6], [sflag:s4] =	dma.local [hbm:s3], $0xF7A  }
0x26: {  	[smem:$0x3F9B] =	sst s1;
	(tag) =	ssettag s2;
	_ =	strace s9  }
0x27: {  	s1 =	sld [smem:$0x3FAB]  }
0x28: {  	s2 =	sld [smem:$0x3FAC]  }
0x29: {  	s4 =	sld [smem:$0x3FAE]  }
0x2a: {  	p0 =	seq.s32 s5, $0x0;
	s5 =	sld [smem:$0x3FAF]  }
0x2b: {  	s6 =	sld [smem:$0x3FB0]  }
0x2c: {  	s7 =	sld [smem:$0x3FB1]  }
0x2d: {  	s3 =	simm.s32 $0x108;
	s8 =	sld [smem:$0x3FB2]  }
0x2e: {  	s3 =	simm.s32 @!p0 $0x1082;
	s9 =	sld [smem:$0x3FB3]  }
0x2f: {  	lr =	sadd.s32 s0, s3;
	s0 =	sld [smem:$0x3FAA]  }
0x30: {  	s3 =	sld [smem:$0x3FAD]  }
0x31: {  	[smem:$0x3FB6] =	sst s10  }
0x32: {  	s10 =	sld [smem:$0x3FB4];
	_ =	sdelay $0x3  }
0x33: {  	p0 =	seq.s32 s10, $0x1;
	s10 =	sld [smem:$0x3FB6];
	_ =	sdelay $0x3  }
0x34: {  	[smem:$0x3FB6] =	sst s10  }
0x35: {  	s10 =	sld [smem:$0x3FB5];
	_ =	sdelay $0x3  }
0x36: {  	p1 =	seq.s32 s10, $0x1;
	s10 =	sld [smem:$0x3FB6];
	_ =	sdelay $0x3  }
0x37: {  	[smem:$0x3FB6] =	sst s10  }
0x38: {  	s10 =	sld [smem:$0x3FB7]  }
0x39: {  	_ = 	snop;
	(pc) =	sbr.ind lr, $3  }
0x3a: {  	_ = 	snop  }
0x3b: {  	_ = 	snop  }
0x3c: {  	p2 =	seq.s32 s10, $0x1;
	s10 =	sld [smem:$0x3FB6]  }
0x3d: {  	_ =	shalt  }
0x3e: {  	_ =	shalt  }
0x3f: {  	_ =	shalt  }
0x40: {  	_ =	shalt  }
0x41: {  	_ =	shalt  }
0x42: {  	_ =	shalt  }
0x43: {  	_ =	shalt  }
0x44: {  	_ =	shalt  }
0x45: {  	_ =	shalt  }
0x46: {  	_ =	shalt  }
0x47: {  	_ =	shalt  }
0x48: {  	_ =	shalt  }
0x49: {  	_ =	shalt  }
0x4a: {  	_ =	shalt  }
0x4b: {  	_ =	shalt  }
0x4c: {  	_ =	shalt  }
0x4d: {  	_ =	shalt  }
0x4e: {  	_ =	shalt  }
0x4f: {  	_ =	shalt  }
0x50: {  	_ =	shalt  }
0x51: {  	_ =	shalt  }
0x52: {  	_ =	shalt  }
0x53: {  	_ =	shalt  }
0x54: {  	_ =	shalt  }
0x55: {  	_ =	shalt  }
0x56: {  	_ =	shalt  }
0x57: {  	_ =	shalt  }
0x58: {  	_ =	shalt  }
0x59: {  	_ =	shalt  }
0x5a: {  	_ =	shalt  }
0x5b: {  	_ =	shalt  }
0x5c: {  	_ =	shalt  }
0x5d: {  	_ =	shalt  }
0x5e: {  	_ =	shalt  }
0x5f: {  	_ =	shalt  }
0x60: {  	_ =	shalt  }
0x61: {  	_ =	shalt  }
0x62: {  	_ =	shalt  }
0x63: {  	_ =	shalt  }
0x64: {  	_ =	shalt  }
0x65: {  	_ =	shalt  }
0x66: {  	_ =	shalt  }
0x67: {  	_ =	shalt  }
0x68: {  	_ =	shalt  }
0x69: {  	_ =	shalt  }
0x6a: {  	_ =	shalt  }
0x6b: {  	_ =	shalt  }
0x6c: {  	_ =	shalt  }
0x6d: {  	_ =	shalt  }
0x6e: {  	_ =	shalt  }
0x6f: {  	_ =	shalt  }
0x70: {  	_ =	shalt  }
0x71: {  	_ =	shalt  }
0x72: {  	_ =	shalt  }
0x73: {  	_ =	shalt  }
0x74: {  	_ =	shalt  }
0x75: {  	_ =	shalt  }
0x76: {  	_ =	shalt  }
0x77: {  	_ =	shalt  }
0x78: {  	_ =	shalt  }
0x79: {  	_ =	shalt  }
0x7a: {  	_ =	shalt  }
0x7b: {  	_ =	shalt  }
0x7c: {  	_ =	shalt  }
0x7d: {  	_ =	shalt  }
0x7e: {  	_ =	shalt  }
0x7f: {  	_ =	shalt  }
0x80: {  	_ =	shalt  }
0x81: {  	_ =	shalt  }
0x82: {  	_ =	shalt  }
0x83: {  	_ =	shalt  }
0x84: {  	_ =	shalt  }
0x85: {  	_ =	shalt  }
0x86: {  	_ =	shalt  }
0x87: {  	_ =	shalt  }
.Lfunc_end0:
.L_simem_size_0:
called_computation.1_lowered:
.L_overlay_start_0:
0x88: {  	s2 =	sld [smem:$0x3FD9]  }
0x89: {  	s3 =	sld [smem:$0x3FFE];
	_ =	sdelay $0x1  }
0x8a: {  	s1 =	srdreg.scid  }
0x8b: {  	s0 =	sand.u32 $0x1, s1  }
0x8c: {  	s14 =	sshll.u32 s0, $0xA;
	s2 =	sadd.s32 s3, s2  }
0x8d: {  	s2 =	sadd.s32 s2, s14  }
0x8e: {  	[smem:$0x3FC2] =	sst s2  }
0x8f: {  	_ = 	snop  }
0x90: {  	s2 =	sld [smem:$0x3FD0];
	_ =	sdelay $0x2  }
0x91: {  	s15 =	simm.s32 $0xA;
	s4 =	simm.s32 $0x10  }
0x92: {  	[smem:s4], [sflag:s15] =	dma.local [hbm:s2], $0x1  }
0x93: {  	_ =	swait.eq [sflag:s15], $0x1  }
0x94: {  	[sflag:s15] =	ssyncset.done $0x0  }
0x95: {  	[sflag:s15] =	ssyncadd.s32 $0xFFFFFFFF  }
0x96: {  	s16 =	sld [smem:$0x11];
	(tm) =	ssettm $0x1  }
0x97: {  	s17 =	sld [smem:$0x3FFB];
	_ =	sdelay $0x3  }
0x98: {  	_ =	strace s17  }
0x99: {  	s3 =	sld [smem:$0x3FFC];
	_ =	sdelay $0x3  }
0x9a: {  	_ =	strace s3  }
0x9b: {  	s3 =	sld [smem:$0x3FFD];
	_ =	sdelay $0x3  }
0x9c: {  	_ =	strace s3  }
0x9d: {  	_ =	strace $0x8FFFFFFF  }
0x9e: {  	s18 =	sld [smem:$0x3FDB];
	_ =	sdelay $0x1  }
0x9f: {  	s19 =	simm.s32 $_scs_section_size  }
0xa0: {  	s5 =	simm.s32 $_size__tile_overlayer_lowered;
	s6 =	simm.s32 $_tile_overlayer_lowered  }
0xa1: {  	s22 =	simm.s32 $0x1BFF;
	s21 =	sshll.u32 s6, $0x1;
	s3 =	sadd.s32 s19, s18  }
0xa2: {  	s7 =	simm.s32 $0x0;
	s20 =	sshll.u32 s5, $0x1;
	s5 =	sadd.s32 s21, s3  }
0xa3: {  	[timem:s7], [sflag:s22] =	dma.local [hbm:s5], s20  }
0xa4: {  	_ =	swait.ge [sflag:s22], s20  }
0xa5: {  	s4 =	ssub.s32 $0x0, s20;
	[sflag:s22] =	ssyncset.done $0x0  }
0xa6: {  	[sflag:s22] =	ssyncadd.s32 s4;
	_ =	sdelay $0x1  }
0xa7: {  	s23 =	simm.s32 $0x1B8B  }
0xa8: {  	_ =	swait.ge [sflag:s23], $0x1  }
0xa9: {  	[sflag:s23] =	ssyncset.done $0x0  }
0xaa: {  	s25 =	simm.s32 $0x1B8E;
	s24 =	sld [smem:$0x3FFE];
	[sflag:s23] =	ssyncadd.s32 $0xFFFFFFFF  }
0xab: {  	s26 =	simm.s32 $execute0_lowered;
	[smem:$0x3FD2] =	sst s25  }
0xac: {  	s5 =	sshll.u32 s26, $0x1;
	_ =	strace $0x80000049;
	[dreg:$0x1] =	wrdreg $0xFFFFFFFF  }
0xad: {  	s28 =	simm.s32 $_size_execute0_lowered;
	s3 =	sadd.s32 s3, s5;
	[dreg:$0x0] =	wrdreg $0x0  }
0xae: {  	s5 =	sshll.u32 s28, $0x1;
	[dreg:$0x2] =	wrdreg s3  }
0xaf: {  	[dreg:$0x3] =	wrdreg s5  }
0xb0: {  	[dreg:$0x4] =	wrdreg $0xC0  }
0xb1: {  	_ =	task [dreg:s7], $0x5FFFF  }
0xb2: {  	[dreg:$0x1] =	wrdreg $0xFFFFFFFF  }
0xb3: {  	[dreg:$0x0] =	wrdreg $0x60  }
0xb4: {  	[dreg:$0x2] =	wrdreg s24  }
0xb5: {  	[dreg:$0x3] =	wrdreg s16  }
0xb6: {  	[dreg:$0x4] =	wrdreg $0xA8000  }
0xb7: {  	[dreg:$0x5] =	wrdreg $0x9  }
0xb8: {  	_ =	task.clear_ibuf [dreg:s7], $0x6FFFF;
	_ =	strace $0x90000049  }
0xb9: {  	s29 =	simm.s32 $0x9;
	_ =	strace $0x8000004B  }
0xba: {  	_ =	swait.ge [sflag:s29], $0x1  }
0xbb: {  	[sflag:s29] =	ssyncadd.s32 $0xFFFFFFFF  }
0xbc: {  	_ =	strace $0x9000004B  }
0xbd: {  	_ =	sfence  }
0xbe: {  	s30 =	sld [smem:$0x0];
	_ =	sdelay $0x2  }
0xbf: {  	s31 =	sshll.u32 s1, $0xD;
	s1 =	sshrl.u32 s1, $0x2  }
0xc0: {  	s3 =	sand.u32 $0x4000, s31;
	s1 =	sadd.s32 s1, s30  }
0xc1: {  	s0 =	sor.u32 s3, s0;
	s1 =	sshll.u32 s1, $0x11  }
0xc2: {  	s0 =	sor.u32 s1, s0  }
0xc3: {  	s0 =	sadd.s32 $0x8F2B, s0  }
0xc4: {  	[sflag:s0] =	ssyncadd.remote.s32 $0x1  }
0xc5: {  	_ =	sfence.sel $0xFFFF  }
0xc6: {  	[dreg:$0x0] =	wrdreg $0xFFFFFFFF;
	(pc) =	sbr.abs _section_cstart, $3  }
0xc7: {  	[dreg:$0x1] =	wrdreg $0xFFFFFFFF  }
0xc8: {  	_ =	task.clear_ibuf [dreg:s7], $0x2FFFF;
	_ =	strace $0x9FFFFFFF  }
0xc9: {  	(tm) =	ssettm $0x7FFFFFFF  }
tec
execute0_lowered:
.L_overlay_start_1:
0x0: {  	(tag) =	ssettag $0x1  }
0x1: {  	s0 =	rddreg [dreg:$0x0];
	s1 =	srdreg.scid  }
0x2: {  	s2 =	rddreg [dreg:$0x1];
	s8 =	stileid.u32;
	s13 =	simm.s32 $0x2B600  }
0x3: {  	s31 =	simm.s32 $0x5;
	s3 =	sand.u32 $0x1, s1;
	s1 =	simm.s32 $0x0  }
0x4: {  	s7 =	smul.u32 $0x14000, s8;
	s4 =	ssub.s32 $0x2, s3;
	s6 =	sshll.u32 s3, $0x4  }
0x5: {  	[smem:$0x7FF] =	sst s1;
	p0 =	seq.s32 s3, $0x0;
	s5 =	sshrl.u32 s4, $0x1  }
0x6: {  	s24 =	sor.u32 s8, s6;
	s6 =	sor.u32 $0x2000, s7;
	s8 =	sadd.s32 $0x4000, s7  }
0x7: {  	s11 =	sadd.s32 $0x6000, s7;
	s15 =	sadd.s32 $0x8000, s7;
	s16 =	sadd.s32 $0xA000, s7  }
0x8: {  	s17 =	sadd.s32 $0xC000, s7;
	s18 =	sadd.s32 $0xE000, s7;
	s28 =	sadd.s32 $0x10000, s7  }
0x9: {  	s29 =	sadd.s32 $0x12000, s7;
	s25 =	sshrl.u32 s7, $0x3;
	s13 =	simm.s32 @!p0 $0x53600  }
0xa: {  	s4 =	ssub.s32 s4, s5;
	s9 =	sshrl.u32 s6, $0x3;
	s10 =	sshrl.u32 s8, $0x3  }
0xb: {  	s12 =	sshrl.u32 s11, $0x3;
	s14 =	sshrl.u32 s15, $0x3;
	s13 =	sadd.s32 s13, s0  }
0xc: {  	s19 =	sshrl.u32 s16, $0x3;
	s20 =	sshrl.u32 s17, $0x3;
	s3 =	sadd.s32 s13, s25  }
0xd: {  	s21 =	sshrl.u32 s18, $0x3;
	s26 =	sadd.s32 s13, s9;
	[dreg:$0x4] =	wrdreg s3  }
0xe: {  	s22 =	sshrl.u32 s28, $0x3;
	s9 =	sadd.s32 s13, s10;
	[dreg:$0x5] =	wrdreg s26  }
0xf: {  	p0 =	seq.s32 s24, $0x1F;
	s10 =	sadd.s32 s13, s12;
	[dreg:$0x6] =	wrdreg s9  }
0x10: {  	s5 =	smul.u32 $0x280, s24;
	s12 =	sadd.s32 s13, s14;
	[dreg:$0x7] =	wrdreg s10  }
0x11: {  	s14 =	sadd.s32 s13, s19;
	s19 =	sadd.s32 s13, s20;
	[dreg:$0x8] =	wrdreg s12  }
0x12: {  	s20 =	sadd.s32 s13, s21;
	s21 =	smul.u32 $0x1400, s24;
	[dreg:$0x9] =	wrdreg s14  }
0x13: {  	s25 =	sadd.s32 $0x4D80, s2;
	s30 =	smax.u32 s4, $0x1;
	[dreg:$0xa] =	wrdreg s19  }
0x14: {  	[dreg:$0xb] =	wrdreg s20;
	s10 =	sadd.s32 s13, s22;
	s22 =	sshrl.u32 s29, $0x3  }
0x15: {  	s24 =	sadd.s32 s2, s5;
	s12 =	sadd.s32 s13, s22;
	s13 =	rddreg [dreg:$0x2]  }
0x16: {  	s4 =	simm.s32 $0x4;
	_ =	strace $0x8000004A;
	[dreg:$0xc] =	wrdreg s24  }
0x17: {  	s14 =	sadd.s32 $0x3600, s0;
	s26 =	sadd.s32 $0x9BA0, s2;
	[dreg:$0xe] =	wrdreg s25  }
0x18: {  	s5 =	simm.s32 $0x0;
	s3 =	sshrl.u32 s21, $0x3;
	[dreg:$0xf] =	wrdreg s26  }
0x19: {  	s23 =	sadd.s32 s2, s3;
	s19 =	sadd.s32 s7, s13;
	s20 =	sadd.s32 s6, s13  }
0x1a: {  	s21 =	sadd.s32 s8, s13;
	s22 =	sadd.s32 s11, s13;
	s24 =	sadd.s32 s16, s13  }
0x1b: {  	s25 =	sadd.s32 s17, s13;
	s26 =	sadd.s32 s18, s13;
	s28 =	sadd.s32 s28, s13  }
0x1c: {  	s29 =	sadd.s32 s29, s13;
	s16 =	simm.s32 $0x4800;
	s18 =	simm.s32 $0x6800  }
0x1d: {  	s17 =	simm.s32 $0x8800;
	s11 =	simm.s32 $0x1;
	s2 =	simm.s32 $0x2  }
0x1e: {  	s3 =	simm.s32 $0x3;
	s0 =	sadd.s32 $0x4E20, s23;
	s23 =	sadd.s32 s15, s13  }
0x1f: {  	v0 =	vlaneseq.u32;
	v1 =	vimm.f32 $0.0e+00;
	s15 =	simm.s32 $0x40;
	[dreg:$0xd] =	wrdreg s0;
	s0 =	simm.s32 $0x2800  }
.LBB2_1:
.Ltmp0:
0x20: {  	(pc) =	sbr.rel @!p0 .LBB2_2-.Ltmp0, $1  }
0x21: {  	_ =	sdelay $0x3  }
0x22: {  	s6 =	rddreg [dreg:$0xe]  }
0x23: {  	[tilespmem:s1], [sflag:$0x5] =	stream.linear.gather [hbm4b:s6+s1], $0x500, $0x38;
	[tilespmem:$0x1E800] =	vst v63  }
0x24: {  	_ =	swait.ge [sflag:s31], $0x500  }
0x25: {  	s6 =	simm.s32 $0x500;
	[sflag:s31] =	ssyncset.done $0x0  }
0x26: {  	v2 =	vor.u32 s6, v0;
	[sflag:s31] =	ssyncadd.s32 $0xFFFFFB00  }
0x27: {  	s7 =	simm.s32 $0x510;
	[tilespmem:s6+$0x0] =	vst v2  }
.LBB2_4:
0x28: {  	p1 =	sne.s32 s7, $0x13F0  }
.Ltmp1:
0x29: {  	_ = 	snop;
	(pc) =	sbr.rel @p1 .LBB2_4-.Ltmp1, $3  }
0x2a: {  	_ =	sdelay $0x1  }
0x2b: {  	v2 =	vor.u32 s7, v0;
	s7 =	sadd.s32 $0x10, s7;
	s6 =	sadd.s32 $0x10, s6  }
0x2c: {  	[tilespmem:s6+$0x0] =	vst v2  }
0x2d: {  	s6 =	rddreg [dreg:$0xf];
	s7 =	simm.s32 $0x1400;
	s9 =	simm.s32 $0x500  }
0x2e: {  	[tilespmem:s7], [sflag:$0x5] =	stream.linear.gather [hbm4b:s6+s1], $0x500, $0x38;
	[tilespmem:$0x1E800] =	vst v63  }
0x2f: {  	v2 =	vor.u32 s9, v0;
	_ =	swait.ge [sflag:s31], $0x500  }
0x30: {  	v2 =	vand.u32 $0x7F, v2;
	[sflag:s31] =	ssyncset.done $0x0  }
0x31: {  	s6 =	simm.s32 $0x1900;
	v2 =	vadd.s32 $0x2710, v2;
	[sflag:s31] =	ssyncadd.s32 $0xFFFFFB00  }
0x32: {  	s7 =	simm.s32 $0x510;
	[tilespmem:s6+$0x0] =	vst v2  }
.LBB2_6:
0x33: {  	p1 =	sne.s32 s7, $0x13F0  }
.Ltmp2:
0x34: {  	_ = 	snop;
	(pc) =	sbr.rel @p1 .LBB2_6-.Ltmp2, $4  }
0x35: {  	v2 =	vor.u32 s7, v0  }
0x36: {  	v2 =	vand.u32 $0x7F, v2  }
0x37: {  	s6 =	sadd.s32 $0x10, s6;
	v2 =	vadd.s32 $0x2710, v2  }
0x38: {  	s7 =	sadd.s32 $0x10, s7;
	[tilespmem:s6+$0x0] =	vst v2  }
.Ltmp3:
0x39: {  	_ = 	snop;
	(pc) =	sbr.rel .LBB2_7-.Ltmp3, $1  }
0x3a: {  	_ =	sdelay $0x3  }
.LBB2_2:
0x3b: {  	s6 =	rddreg [dreg:$0xc]  }
0x3c: {  	[tilespmem:s1], [sflag:$0x5] =	stream.linear.gather [hbm4b:s6+s1], $0x1400, $0x38;
	[tilespmem:$0x1E800] =	vst v63  }
0x3d: {  	_ =	swait.ge [sflag:s31], $0x1400  }
0x3e: {  	[sflag:s31] =	ssyncset.done $0x0  }
0x3f: {  	s7 =	simm.s32 $0x1400;
	s9 =	rddreg [dreg:$0xd];
	[sflag:s31] =	ssyncadd.s32 $0xFFFFEC00  }
0x40: {  	[tilespmem:s7], [sflag:$0x5] =	stream.linear.gather [hbm4b:s9+s1], $0x1400, $0x38;
	[tilespmem:$0x1E800] =	vst v63  }
0x41: {  	_ =	swait.ge [sflag:s31], $0x1400  }
0x42: {  	[sflag:s31] =	ssyncset.done $0x0  }
0x43: {  	[sflag:s31] =	ssyncadd.s32 $0xFFFFEC00  }
.LBB2_7:
0x44: {  	s6 =	simm.s32 $0x0  }
0x45: {  	s7 =	sand.u32 $0x7E00, s6  }
0x46: {  	s8 =	sand.u32 $0x70, s6;
	s9 =	sshrl.u32 s7, $0x2  }
0x47: {  	s7 =	simm.s32 $0x40;
	s8 =	sor.u32 s8, s9  }
.LBB2_8:
0x48: {  	p1 =	sne.s32 s7, $0x7FC0  }
0x49: {  	[tilespmem:s8+$0x2800] =	vst v1;
	s6 =	sadd.s32 $0x10, s6;
	s8 =	smov.u32 s7;
	s7 =	sadd.s32 $0x40, s7  }
.Ltmp4:
0x4a: {  	(pc) =	sbr.rel @p1 .LBB2_8-.Ltmp4, $4  }
0x4b: {  	_ = 	snop  }
0x4c: {  	s8 =	sand.u32 $0x7E00, s8  }
0x4d: {  	s9 =	sand.u32 $0x70, s6;
	s8 =	sshrl.u32 s8, $0x2  }
0x4e: {  	s8 =	sor.u32 s9, s8  }
0x4f: {  	[tilespmem:s8+$0x2800] =	vst v1  }
0x50: {  	[spmem:s19] =	stream.linear.scatter [tilespmem:s0], [sflag:$0x5], $0x2000, $0x38;
	[tilespmem:$0x1E800] =	vst v63  }
0x51: {  	_ =	swait.ge [sflag:s31], $0x2000  }
0x52: {  	[sflag:s31] =	ssyncset.done $0x0  }
0x53: {  	[sflag:s31] =	ssyncadd.s32 $0xFFFFE000  }
0x54: {  	[spmem:s20] =	stream.linear.scatter [tilespmem:s0], [sflag:$0x5], $0x2000, $0x38;
	[tilespmem:$0x1E800] =	vst v63  }
0x55: {  	_ =	swait.ge [sflag:s31], $0x2000  }
0x56: {  	[sflag:s31] =	ssyncset.done $0x0  }
0x57: {  	[sflag:s31] =	ssyncadd.s32 $0xFFFFE000  }
0x58: {  	[spmem:s21] =	stream.linear.scatter [tilespmem:s0], [sflag:$0x5], $0x2000, $0x38;
	[tilespmem:$0x1E800] =	vst v63  }
0x59: {  	_ =	swait.ge [sflag:s31], $0x2000  }
0x5a: {  	[sflag:s31] =	ssyncset.done $0x0  }
0x5b: {  	[sflag:s31] =	ssyncadd.s32 $0xFFFFE000  }
0x5c: {  	[spmem:s22] =	stream.linear.scatter [tilespmem:s0], [sflag:$0x5], $0x2000, $0x38;
	[tilespmem:$0x1E800] =	vst v63  }
0x5d: {  	_ =	swait.ge [sflag:s31], $0x2000  }
0x5e: {  	[sflag:s31] =	ssyncset.done $0x0  }
0x5f: {  	[sflag:s31] =	ssyncadd.s32 $0xFFFFE000  }
0x60: {  	[spmem:s23] =	stream.linear.scatter [tilespmem:s0], [sflag:$0x5], $0x2000, $0x38;
	[tilespmem:$0x1E800] =	vst v63  }
0x61: {  	_ =	swait.ge [sflag:s31], $0x2000  }
0x62: {  	[sflag:s31] =	ssyncset.done $0x0  }
0x63: {  	[sflag:s31] =	ssyncadd.s32 $0xFFFFE000  }
0x64: {  	[spmem:s24] =	stream.linear.scatter [tilespmem:s0], [sflag:$0x5], $0x2000, $0x38;
	[tilespmem:$0x1E800] =	vst v63  }
0x65: {  	_ =	swait.ge [sflag:s31], $0x2000  }
0x66: {  	[sflag:s31] =	ssyncset.done $0x0  }
0x67: {  	[sflag:s31] =	ssyncadd.s32 $0xFFFFE000  }
0x68: {  	[spmem:s25] =	stream.linear.scatter [tilespmem:s0], [sflag:$0x5], $0x2000, $0x38;
	[tilespmem:$0x1E800] =	vst v63  }
0x69: {  	_ =	swait.ge [sflag:s31], $0x2000  }
0x6a: {  	[sflag:s31] =	ssyncset.done $0x0  }
0x6b: {  	[sflag:s31] =	ssyncadd.s32 $0xFFFFE000  }
0x6c: {  	[spmem:s26] =	stream.linear.scatter [tilespmem:s0], [sflag:$0x5], $0x2000, $0x38;
	[tilespmem:$0x1E800] =	vst v63  }
0x6d: {  	_ =	swait.ge [sflag:s31], $0x2000  }
0x6e: {  	[sflag:s31] =	ssyncset.done $0x0  }
0x6f: {  	[sflag:s31] =	ssyncadd.s32 $0xFFFFE000  }
0x70: {  	[spmem:s28] =	stream.linear.scatter [tilespmem:s0], [sflag:$0x5], $0x2000, $0x38;
	[tilespmem:$0x1E800] =	vst v63  }
0x71: {  	_ =	swait.ge [sflag:s31], $0x2000  }
0x72: {  	[sflag:s31] =	ssyncset.done $0x0  }
0x73: {  	[sflag:s31] =	ssyncadd.s32 $0xFFFFE000  }
0x74: {  	[spmem:s29] =	stream.linear.scatter [tilespmem:s0], [sflag:$0x5], $0x2000, $0x38;
	[tilespmem:$0x1E800] =	vst v63  }
0x75: {  	_ =	swait.ge [sflag:s31], $0x2000  }
0x76: {  	[sflag:s31] =	ssyncset.done $0x0  }
0x77: {  	[sflag:s31] =	ssyncadd.s32 $0xFFFFE000  }
0x78: {  	s6 =	simm.s32 $0x0;
	[bflag:$0x0] =	sbarrier.arrive $0xFFFF  }
0x79: {  	[tilespmem:s0], [sflag:$0x1] =	stream.indirect.gather [hbm4b:s14+s15], $0x80, s6, s15, $0xb8;
	[tilespmem:$0x1E800] =	vst v63  }
0x7a: {  	_ = 	snop  }
0x7b: {  	[tilespmem:s16], [sflag:$0x2] =	stream.indirect.gather [hbm4b:s14+s15], $0x80, s15, s15, $0xb8;
	[tilespmem:$0x1E800] =	vst v63  }
0x7c: {  	s7 =	simm.s32 $0x80  }
0x7d: {  	[tilespmem:s18], [sflag:$0x3] =	stream.indirect.gather [hbm4b:s14+s15], $0x80, s7, s15, $0xb8;
	[tilespmem:$0x1E800] =	vst v63  }
0x7e: {  	s8 =	simm.s32 $0xC0  }
0x7f: {  	[tilespmem:s17], [sflag:$0x4] =	stream.indirect.gather [hbm4b:s14+s15], $0x80, s8, s15, $0xb8;
	[tilespmem:$0x1E800] =	vst v63  }
0x80: {  	_ =	swait.ge [sflag:s11], $0x2000  }
0x81: {  	[sflag:s11] =	ssyncset.done $0x0  }
0x82: {  	s9 =	simm.s32 $0x1400;
	[sflag:s11] =	ssyncadd.s32 $0xFFFFE000  }
0x83: {  	[spmem:s13] =	stream.indirect.scatter.add.f32 [tilespmem:s0], [sflag:$0x5], $0x80, s9, s15, $0xb8;
	[tilespmem:$0x1E800] =	vst v63  }
0x84: {  	_ =	swait.ge [sflag:s31], $0x2000  }
0x85: {  	[sflag:s31] =	ssyncset.done $0x0  }
0x86: {  	s7 =	simm.s32 $0x100;
	[sflag:s31] =	ssyncadd.s32 $0xFFFFE000  }
0x87: {  	[tilespmem:s0], [sflag:$0x1] =	stream.indirect.gather [hbm4b:s14+s15], $0x80, s7, s15, $0xb8;
	[tilespmem:$0x1E800] =	vst v63  }
0x88: {  	_ =	swait.ge [sflag:s2], $0x2000  }
0x89: {  	[sflag:s2] =	ssyncset.done $0x0  }
0x8a: {  	s8 =	simm.s32 $0x1440;
	[sflag:s2] =	ssyncadd.s32 $0xFFFFE000  }
0x8b: {  	[spmem:s13] =	stream.indirect.scatter.add.f32 [tilespmem:s16], [sflag:$0x5], $0x80, s8, s15, $0xb8;
	[tilespmem:$0x1E800] =	vst v63  }
0x8c: {  	_ =	swait.ge [sflag:s31], $0x2000  }
0x8d: {  	[sflag:s31] =	ssyncset.done $0x0  }
0x8e: {  	s9 =	simm.s32 $0x140;
	[sflag:s31] =	ssyncadd.s32 $0xFFFFE000  }
0x8f: {  	[tilespmem:s16], [sflag:$0x2] =	stream.indirect.gather [hbm4b:s14+s15], $0x80, s9, s15, $0xb8;
	[tilespmem:$0x1E800] =	vst v63  }
0x90: {  	_ =	swait.ge [sflag:s3], $0x2000  }
0x91: {  	[sflag:s3] =	ssyncset.done $0x0  }
0x92: {  	s7 =	simm.s32 $0x1480;
	[sflag:s3] =	ssyncadd.s32 $0xFFFFE000  }
0x93: {  	[spmem:s13] =	stream.indirect.scatter.add.f32 [tilespmem:s18], [sflag:$0x5], $0x80, s7, s15, $0xb8;
	[tilespmem:$0x1E800] =	vst v63  }
0x94: {  	_ =	swait.ge [sflag:s31], $0x2000  }
0x95: {  	[sflag:s31] =	ssyncset.done $0x0  }
0x96: {  	s8 =	simm.s32 $0x180;
	[sflag:s31] =	ssyncadd.s32 $0xFFFFE000  }
0x97: {  	[tilespmem:s18], [sflag:$0x3] =	stream.indirect.gather [hbm4b:s14+s15], $0x80, s8, s15, $0xb8;
	[tilespmem:$0x1E800] =	vst v63  }
0x98: {  	_ =	swait.ge [sflag:s4], $0x2000  }
0x99: {  	[sflag:s4] =	ssyncset.done $0x0  }
0x9a: {  	s9 =	simm.s32 $0x14C0;
	[sflag:s4] =	ssyncadd.s32 $0xFFFFE000  }
0x9b: {  	[spmem:s13] =	stream.indirect.scatter.add.f32 [tilespmem:s17], [sflag:$0x5], $0x80, s9, s15, $0xb8;
	[tilespmem:$0x1E800] =	vst v63  }
0x9c: {  	_ =	swait.ge [sflag:s31], $0x2000  }
0x9d: {  	[sflag:s31] =	ssyncset.done $0x0  }
0x9e: {  	s6 =	simm.s32 $0x400;
	s7 =	simm.s32 $0x1C0;
	[sflag:s31] =	ssyncadd.s32 $0xFFFFE000  }
.LBB2_10:
0x9f: {  	[tilespmem:s17], [sflag:$0x4] =	stream.indirect.gather [hbm4b:s14+s15], $0x80, s7, s15, $0xb8;
	[tilespmem:$0x1E800] =	vst v63  }
0xa0: {  	s7 =	smov.u32 s6  }
0xa1: {  	p1 =	sne.s32 s6, $0x4800;
	s6 =	sadd.s32 $0x400, s6;
	_ =	swait.ge [sflag:s11], $0x2000  }
0xa2: {  	s7 =	sshra.s32 s7, $0x2;
	[sflag:s11] =	ssyncset.done $0x0  }
0xa3: {  	s8 =	sadd.s32 $0x1400, s7;
	[sflag:s11] =	ssyncadd.s32 $0xFFFFE000  }
0xa4: {  	[spmem:s13] =	stream.indirect.scatter.add.f32 [tilespmem:s0], [sflag:$0x5], $0x80, s8, s15, $0xb8;
	[tilespmem:$0x1E800] =	vst v63  }
0xa5: {  	_ =	swait.ge [sflag:s31], $0x2000  }
0xa6: {  	[sflag:s31] =	ssyncset.done $0x0  }
0xa7: {  	s8 =	sadd.s32 $0x100, s7;
	[sflag:s31] =	ssyncadd.s32 $0xFFFFE000  }
0xa8: {  	[tilespmem:s0], [sflag:$0x1] =	stream.indirect.gather [hbm4b:s14+s15], $0x80, s8, s15, $0xb8;
	[tilespmem:$0x1E800] =	vst v63  }
0xa9: {  	_ =	swait.ge [sflag:s2], $0x2000  }
0xaa: {  	[sflag:s2] =	ssyncset.done $0x0  }
0xab: {  	s8 =	sadd.s32 $0x1440, s7;
	[sflag:s2] =	ssyncadd.s32 $0xFFFFE000  }
0xac: {  	[spmem:s13] =	stream.indirect.scatter.add.f32 [tilespmem:s16], [sflag:$0x5], $0x80, s8, s15, $0xb8;
	[tilespmem:$0x1E800] =	vst v63  }
0xad: {  	_ =	swait.ge [sflag:s31], $0x2000  }
0xae: {  	[sflag:s31] =	ssyncset.done $0x0  }
0xaf: {  	s8 =	sadd.s32 $0x140, s7;
	[sflag:s31] =	ssyncadd.s32 $0xFFFFE000  }
0xb0: {  	[tilespmem:s16], [sflag:$0x2] =	stream.indirect.gather [hbm4b:s14+s15], $0x80, s8, s15, $0xb8;
	[tilespmem:$0x1E800] =	vst v63  }
0xb1: {  	_ =	swait.ge [sflag:s3], $0x2000  }
0xb2: {  	[sflag:s3] =	ssyncset.done $0x0  }
0xb3: {  	s8 =	sadd.s32 $0x1480, s7;
	[sflag:s3] =	ssyncadd.s32 $0xFFFFE000  }
0xb4: {  	[spmem:s13] =	stream.indirect.scatter.add.f32 [tilespmem:s18], [sflag:$0x5], $0x80, s8, s15, $0xb8;
	[tilespmem:$0x1E800] =	vst v63  }
0xb5: {  	_ =	swait.ge [sflag:s31], $0x2000  }
0xb6: {  	[sflag:s31] =	ssyncset.done $0x0  }
0xb7: {  	s8 =	sadd.s32 $0x180, s7;
	[sflag:s31] =	ssyncadd.s32 $0xFFFFE000  }
0xb8: {  	[tilespmem:s18], [sflag:$0x3] =	stream.indirect.gather [hbm4b:s14+s15], $0x80, s8, s15, $0xb8;
	[tilespmem:$0x1E800] =	vst v63  }
0xb9: {  	_ =	swait.ge [sflag:s4], $0x2000  }
0xba: {  	[sflag:s4] =	ssyncset.done $0x0  }
.Ltmp5:
0xbb: {  	s8 =	sadd.s32 $0x14C0, s7;
	[sflag:s4] =	ssyncadd.s32 $0xFFFFE000;
	(pc) =	sbr.rel @p1 .LBB2_10-.Ltmp5, $4  }
0xbc: {  	[spmem:s13] =	stream.indirect.scatter.add.f32 [tilespmem:s17], [sflag:$0x5], $0x80, s8, s15, $0xb8;
	[tilespmem:$0x1E800] =	vst v63  }
0xbd: {  	_ =	swait.ge [sflag:s31], $0x2000  }
0xbe: {  	[sflag:s31] =	ssyncset.done $0x0  }
0xbf: {  	s7 =	sadd.s32 $0x1C0, s7;
	[sflag:s31] =	ssyncadd.s32 $0xFFFFE000  }
0xc0: {  	[tilespmem:s17], [sflag:$0x4] =	stream.indirect.gather [hbm4b:s14+s15], $0x80, s7, s15, $0xb8;
	[tilespmem:$0x1E800] =	vst v63  }
0xc1: {  	_ =	swait.ge [sflag:s11], $0x2000  }
0xc2: {  	[sflag:s11] =	ssyncset.done $0x0  }
0xc3: {  	s6 =	simm.s32 $0x2700;
	[sflag:s11] =	ssyncadd.s32 $0xFFFFE000  }
0xc4: {  	[spmem:s13] =	stream.indirect.scatter.add.f32 [tilespmem:s0], [sflag:$0x5], $0x80, s6, s15, $0xb8;
	[tilespmem:$0x1E800] =	vst v63  }
0xc5: {  	_ =	swait.ge [sflag:s31], $0x2000  }
0xc6: {  	[sflag:s31] =	ssyncset.done $0x0  }
0xc7: {  	[sflag:s31] =	ssyncadd.s32 $0xFFFFE000  }
0xc8: {  	_ =	swait.ge [sflag:s2], $0x2000  }
0xc9: {  	[sflag:s2] =	ssyncset.done $0x0  }
0xca: {  	s8 =	simm.s32 $0x2740;
	[sflag:s2] =	ssyncadd.s32 $0xFFFFE000  }
0xcb: {  	[spmem:s13] =	stream.indirect.scatter.add.f32 [tilespmem:s16], [sflag:$0x5], $0x80, s8, s15, $0xb8;
	[tilespmem:$0x1E800] =	vst v63  }
0xcc: {  	_ =	swait.ge [sflag:s31], $0x2000  }
0xcd: {  	[sflag:s31] =	ssyncset.done $0x0  }
0xce: {  	[sflag:s31] =	ssyncadd.s32 $0xFFFFE000  }
0xcf: {  	_ =	swait.ge [sflag:s3], $0x2000  }
0xd0: {  	[sflag:s3] =	ssyncset.done $0x0  }
0xd1: {  	s9 =	simm.s32 $0x2780;
	[sflag:s3] =	ssyncadd.s32 $0xFFFFE000  }
0xd2: {  	[spmem:s13] =	stream.indirect.scatter.add.f32 [tilespmem:s18], [sflag:$0x5], $0x80, s9, s15, $0xb8;
	[tilespmem:$0x1E800] =	vst v63  }
0xd3: {  	_ =	swait.ge [sflag:s31], $0x2000  }
0xd4: {  	[sflag:s31] =	ssyncset.done $0x0  }
0xd5: {  	[sflag:s31] =	ssyncadd.s32 $0xFFFFE000  }
0xd6: {  	_ =	swait.ge [sflag:s4], $0x2000  }
0xd7: {  	[sflag:s4] =	ssyncset.done $0x0  }
0xd8: {  	s7 =	simm.s32 $0x27C0;
	[sflag:s4] =	ssyncadd.s32 $0xFFFFE000  }
0xd9: {  	[spmem:s13] =	stream.indirect.scatter.add.f32 [tilespmem:s17], [sflag:$0x5], $0x80, s7, s15, $0xb8;
	[tilespmem:$0x1E800] =	vst v63  }
0xda: {  	_ =	swait.ge [sflag:s31], $0x2000  }
0xdb: {  	[sflag:s31] =	ssyncset.done $0x0  }
0xdc: {  	[sflag:s31] =	ssyncadd.s32 $0xFFFFE000  }
0xdd: {  	[bflag:$0x0] =	sbarrier.arrive $0xFFFF  }
0xde: {  	[tilespmem:s0], [sflag:$0x5] =	stream.linear.gather [spmem:s19], $0x2000, $0x38;
	[tilespmem:$0x1E800] =	vst v63  }
0xdf: {  	_ =	swait.ge [sflag:s31], $0x2000  }
0xe0: {  	[sflag:s31] =	ssyncset.done $0x0  }
0xe1: {  	s8 =	rddreg [dreg:$0x4];
	[sflag:s31] =	ssyncadd.s32 $0xFFFFE000  }
0xe2: {  	[hbm4b:s8+s1] =	stream.linear.scatter [tilespmem:s0], [sflag:$0x5], $0x2000, $0x38;
	[tilespmem:$0x1E800] =	vst v63  }
0xe3: {  	_ =	swait.ge [sflag:s31], $0x2000  }
0xe4: {  	[sflag:s31] =	ssyncset.done $0x0  }
0xe5: {  	[sflag:s31] =	ssyncadd.s32 $0xFFFFE000  }
0xe6: {  	[tilespmem:s0], [sflag:$0x5] =	stream.linear.gather [spmem:s20], $0x2000, $0x38;
	[tilespmem:$0x1E800] =	vst v63  }
0xe7: {  	_ =	swait.ge [sflag:s31], $0x2000  }
0xe8: {  	[sflag:s31] =	ssyncset.done $0x0  }
0xe9: {  	s9 =	rddreg [dreg:$0x5];
	[sflag:s31] =	ssyncadd.s32 $0xFFFFE000  }
0xea: {  	[hbm4b:s9+s1] =	stream.linear.scatter [tilespmem:s0], [sflag:$0x5], $0x2000, $0x38;
	[tilespmem:$0x1E800] =	vst v63  }
0xeb: {  	_ =	swait.ge [sflag:s31], $0x2000  }
0xec: {  	[sflag:s31] =	ssyncset.done $0x0  }
0xed: {  	[sflag:s31] =	ssyncadd.s32 $0xFFFFE000  }
0xee: {  	[tilespmem:s0], [sflag:$0x5] =	stream.linear.gather [spmem:s21], $0x2000, $0x38;
	[tilespmem:$0x1E800] =	vst v63  }
0xef: {  	_ =	swait.ge [sflag:s31], $0x2000  }
0xf0: {  	[sflag:s31] =	ssyncset.done $0x0  }
0xf1: {  	s7 =	rddreg [dreg:$0x6];
	[sflag:s31] =	ssyncadd.s32 $0xFFFFE000  }
0xf2: {  	[hbm4b:s7+s1] =	stream.linear.scatter [tilespmem:s0], [sflag:$0x5], $0x2000, $0x38;
	[tilespmem:$0x1E800] =	vst v63  }
0xf3: {  	_ =	swait.ge [sflag:s31], $0x2000  }
0xf4: {  	[sflag:s31] =	ssyncset.done $0x0  }
0xf5: {  	[sflag:s31] =	ssyncadd.s32 $0xFFFFE000  }
0xf6: {  	[tilespmem:s0], [sflag:$0x5] =	stream.linear.gather [spmem:s22], $0x2000, $0x38;
	[tilespmem:$0x1E800] =	vst v63  }
0xf7: {  	_ =	swait.ge [sflag:s31], $0x2000  }
0xf8: {  	[sflag:s31] =	ssyncset.done $0x0  }
0xf9: {  	s8 =	rddreg [dreg:$0x7];
	[sflag:s31] =	ssyncadd.s32 $0xFFFFE000  }
0xfa: {  	[hbm4b:s8+s1] =	stream.linear.scatter [tilespmem:s0], [sflag:$0x5], $0x2000, $0x38;
	[tilespmem:$0x1E800] =	vst v63  }
0xfb: {  	_ =	swait.ge [sflag:s31], $0x2000  }
0xfc: {  	[sflag:s31] =	ssyncset.done $0x0  }
0xfd: {  	[sflag:s31] =	ssyncadd.s32 $0xFFFFE000  }
0xfe: {  	[tilespmem:s0], [sflag:$0x5] =	stream.linear.gather [spmem:s23], $0x2000, $0x38;
	[tilespmem:$0x1E800] =	vst v63  }
0xff: {  	_ =	swait.ge [sflag:s31], $0x2000  }
0x100: {  	[sflag:s31] =	ssyncset.done $0x0  }
0x101: {  	s9 =	rddreg [dreg:$0x8];
	[sflag:s31] =	ssyncadd.s32 $0xFFFFE000  }
0x102: {  	[hbm4b:s9+s1] =	stream.linear.scatter [tilespmem:s0], [sflag:$0x5], $0x2000, $0x38;
	[tilespmem:$0x1E800] =	vst v63  }
0x103: {  	_ =	swait.ge [sflag:s31], $0x2000  }
0x104: {  	[sflag:s31] =	ssyncset.done $0x0  }
0x105: {  	[sflag:s31] =	ssyncadd.s32 $0xFFFFE000  }
0x106: {  	[tilespmem:s0], [sflag:$0x5] =	stream.linear.gather [spmem:s24], $0x2000, $0x38;
	[tilespmem:$0x1E800] =	vst v63  }
0x107: {  	_ =	swait.ge [sflag:s31], $0x2000  }
0x108: {  	[sflag:s31] =	ssyncset.done $0x0  }
0x109: {  	s7 =	rddreg [dreg:$0x9];
	[sflag:s31] =	ssyncadd.s32 $0xFFFFE000  }
0x10a: {  	[hbm4b:s7+s1] =	stream.linear.scatter [tilespmem:s0], [sflag:$0x5], $0x2000, $0x38;
	[tilespmem:$0x1E800] =	vst v63  }
0x10b: {  	_ =	swait.ge [sflag:s31], $0x2000  }
0x10c: {  	[sflag:s31] =	ssyncset.done $0x0  }
0x10d: {  	[sflag:s31] =	ssyncadd.s32 $0xFFFFE000  }
0x10e: {  	[tilespmem:s0], [sflag:$0x5] =	stream.linear.gather [spmem:s25], $0x2000, $0x38;
	[tilespmem:$0x1E800] =	vst v63  }
0x10f: {  	_ =	swait.ge [sflag:s31], $0x2000  }
0x110: {  	[sflag:s31] =	ssyncset.done $0x0  }
0x111: {  	s8 =	rddreg [dreg:$0xa];
	[sflag:s31] =	ssyncadd.s32 $0xFFFFE000  }
0x112: {  	[hbm4b:s8+s1] =	stream.linear.scatter [tilespmem:s0], [sflag:$0x5], $0x2000, $0x38;
	[tilespmem:$0x1E800] =	vst v63  }
0x113: {  	_ =	swait.ge [sflag:s31], $0x2000  }
0x114: {  	[sflag:s31] =	ssyncset.done $0x0  }
0x115: {  	[sflag:s31] =	ssyncadd.s32 $0xFFFFE000  }
0x116: {  	[tilespmem:s0], [sflag:$0x5] =	stream.linear.gather [spmem:s26], $0x2000, $0x38;
	[tilespmem:$0x1E800] =	vst v63  }
0x117: {  	_ =	swait.ge [sflag:s31], $0x2000  }
0x118: {  	[sflag:s31] =	ssyncset.done $0x0  }
0x119: {  	s9 =	rddreg [dreg:$0xb];
	[sflag:s31] =	ssyncadd.s32 $0xFFFFE000  }
0x11a: {  	[hbm4b:s9+s1] =	stream.linear.scatter [tilespmem:s0], [sflag:$0x5], $0x2000, $0x38;
	[tilespmem:$0x1E800] =	vst v63  }
0x11b: {  	_ =	swait.ge [sflag:s31], $0x2000  }
0x11c: {  	[sflag:s31] =	ssyncset.done $0x0  }
0x11d: {  	[sflag:s31] =	ssyncadd.s32 $0xFFFFE000  }
0x11e: {  	[tilespmem:s0], [sflag:$0x5] =	stream.linear.gather [spmem:s28], $0x2000, $0x38;
	[tilespmem:$0x1E800] =	vst v63  }
0x11f: {  	_ =	swait.ge [sflag:s31], $0x2000  }
0x120: {  	[sflag:s31] =	ssyncset.done $0x0  }
0x121: {  	[sflag:s31] =	ssyncadd.s32 $0xFFFFE000  }
0x122: {  	[hbm4b:s10+s1] =	stream.linear.scatter [tilespmem:s0], [sflag:$0x5], $0x2000, $0x38;
	[tilespmem:$0x1E800] =	vst v63  }
0x123: {  	_ =	swait.ge [sflag:s31], $0x2000  }
0x124: {  	[sflag:s31] =	ssyncset.done $0x0  }
0x125: {  	[sflag:s31] =	ssyncadd.s32 $0xFFFFE000  }
0x126: {  	[tilespmem:s0], [sflag:$0x5] =	stream.linear.gather [spmem:s29], $0x2000, $0x38;
	[tilespmem:$0x1E800] =	vst v63  }
0x127: {  	s5 =	sadd.s32 $0x1, s5;
	_ =	swait.ge [sflag:s31], $0x2000  }
0x128: {  	p1 =	sne.s32 s5, s30;
	[sflag:s31] =	ssyncset.done $0x0  }
.Ltmp6:
0x129: {  	[sflag:s31] =	ssyncadd.s32 $0xFFFFE000;
	(pc) =	sbr.rel @p1 .LBB2_1-.Ltmp6, $4  }
0x12a: {  	[hbm4b:s12+s1] =	stream.linear.scatter [tilespmem:s0], [sflag:$0x5], $0x2000, $0x38;
	[tilespmem:$0x1E800] =	vst v63  }
0x12b: {  	_ =	swait.ge [sflag:s31], $0x2000  }
0x12c: {  	[sflag:s31] =	ssyncset.done $0x0  }
0x12d: {  	[sflag:s31] =	ssyncadd.s32 $0xFFFFE000  }
0x12e: {  	_ =	sfence.sel $0x180000  }
0x12f: {  	[bflag:$0x0] =	sbarrier.arrive $0xFFFF  }
0x130: {  	_ =	strace $0x9000004A  }
0x131: {  	s0 =	stileid.u32;
	[bflag:$0x2] =	sbarrier.arrive $0xFFFF  }
0x132: {  	p0 =	sne.s32 s0, $0x0;
	s0 =	rddreg [dreg:$0x3]  }
0x133: {  	s0 =	sadd.s32 @!p0 $0x100000, s0  }
0x134: {  	[sflag:s0] =	ssyncadd.tile.s32 @!p0 $0x1;
	_ =	shalt  }
.Lfunc_end2:
_tile_overlayer_lowered:
.L_overlay_start_2:
0x135: {  	(tag) =	ssettag $0x2  }
0x136: {  	s0 =	rddreg [dreg:$0x0];
	s2 =	stileid.u32  }
0x137: {  	s1 =	rddreg [dreg:$0x1];
	p0 =	sne.s32 s2, $0x0  }
0x138: {  	s3 =	rddreg [dreg:$0x2];
	[bflag:$0x3] =	sbarrier.arrive $0xFFFF;
	s2 =	simm.s32 @!p0 $0x1C05  }
0x139: {  	[timem:s3], [sflag:s2] =	dma.local @!p0 [hbm:s0], s1  }
0x13a: {  	s0 =	simm.s32 @!p0 $0x5  }
0x13b: {  	_ =	swait.ge @!p0 [sflag:s0], s1  }
0x13c: {  	s1 =	ssub.s32 @!p0 $0x0, s1;
	[sflag:s0] =	ssyncset.done @!p0 $0x0  }
0x13d: {  	[sflag:s0] =	ssyncadd.s32 @!p0 s1  }
0x13e: {  	[bflag:$0x3] =	sbarrier.arrive $0xFFFF  }
0x13f: {  	_ =	shalt  }

// kernel: kernel.14.cloned.1.call-start
scs
__scs_entry_jumppad:
0x0: {  	(pc) =	sbr.rel $0x88, $3  }
0x1: {  	(tag) =	ssettag $0x0;
	lr =	simm.s32 $0x1  }
0x2: {  	[smem:$0x3F9B] =	sst lr;
	_ =	strace $0xD0000000  }
0x3: {  	_ = 	snop  }
0x4: {  	_ = 	snop  }
0x5: {  	_ = 	snop  }
0x6: {  	_ = 	snop  }
0x7: {  	_ = 	snop  }
__scs_overlays_trampoline_lowered:
0x8: {  	[smem:$0x3FAA] =	sst s0  }
0x9: {  	[smem:$0x3FAB] =	sst s1  }
0xa: {  	[smem:$0x3FAC] =	sst s2  }
0xb: {  	[smem:$0x3FAD] =	sst s3  }
0xc: {  	[smem:$0x3FAE] =	sst s4  }
0xd: {  	[smem:$0x3FAF] =	sst s5  }
0xe: {  	[smem:$0x3FB0] =	sst s6  }
0xf: {  	[smem:$0x3FB1] =	sst s7  }
0x10: {  	[smem:$0x3FB2] =	sst s8  }
0x11: {  	[smem:$0x3FB3] =	sst s9;
	s0 =	simm.s32 @!p0 $0x0  }
0x12: {  	s1 =	sld [smem:$0x3F99];
	s0 =	simm.s32 @p0 $0x1  }
0x13: {  	[smem:$0x3FB4] =	sst s0;
	s0 =	simm.s32 @!p1 $0x0  }
0x14: {  	s2 =	sld [smem:$0x3F98];
	s0 =	simm.s32 @p1 $0x1  }
0x15: {  	[smem:$0x3FB5] =	sst s0;
	s0 =	simm.s32 @!p2 $0x0  }
0x16: {  	s3 =	sld [smem:$0x3FDB];
	s0 =	simm.s32 @p2 $0x1  }
0x17: {  	s4 =	simm.s32 $0x1BF5;
	[smem:$0x3FB7] =	sst s0  }
0x18: {  	s0 =	sld [smem:$0x3F9A];
	_ =	swait.ge [sflag:s4], $0x0  }
0x19: {  	s7 =	sld [smem:$0x3F9B]  }
0x1a: {  	s8 =	sadd.s32 $0xFFFFE003, lr  }
0x1b: {  	s9 =	sadd.s32 $0xFFFFFEF7, lr;
	s5 =	simm.s32 $0xFFFFFFFF;
	p2 =	slt.u32 s8, $0xFFFFF086  }
0x1c: {  	p1 =	slt.u32 s9, $0xF7A;
	s5 =	simm.s32 @!p2 $0x0  }
0x1d: {  	s5 =	simm.s32 @p1 $0x1;
	p0 =	seq.s32 s7, s2  }
0x1e: {  	s7 =	smul.u32 @!p0 $0xF7A, s2;
	p2 =	seq.s32 @!p0 s5, $0x0  }
0x1f: {  	s9 =	smul.u32 $0xF7A, s1;
	s8 =	simm.s32 @!p0 $0x1BF5;
	p2 =	por !p2, p0  }
0x20: {  	[sflag:s8] =	ssyncset.s32 @!p0 $0xFFFFF086;
	s6 =	sadd.s32 @!p0 s3, s7;
	s7 =	simm.s32 @!p0 $0x108  }
0x21: {  	s3 =	sadd.s32 s3, s9;
	s6 =	sadd.s32 @!p0 $0x88, s6;
	s7 =	simm.s32 @p2 $0x1082  }
0x22: {  	[simem:s7], [sflag:s8] =	dma.local @!p0 [hbm:s6], $0xF7A  }
0x23: {  	s9 =	sor.u32 $0xD0000000, s2;
	s6 =	simm.s32 $0x108;
	_ =	swait.ge @!p0 [sflag:s8], $0x0  }
0x24: {  	s3 =	sadd.s32 $0x88, s3;
	s6 =	simm.s32 @!p1 $0x1082;
	[sflag:s4] =	ssyncset.s32 $0xFFFFF086  }
0x25: {  	[simem:s6], [sflag:s4] =	dma.local [hbm:s3], $0xF7A  }
0x26: {  	[smem:$0x3F9B] =	sst s1;
	(tag) =	ssettag s2;
	_ =	strace s9  }
0x27: {  	s1 =	sld [smem:$0x3FAB]  }
0x28: {  	s2 =	sld [smem:$0x3FAC]  }
0x29: {  	s4 =	sld [smem:$0x3FAE]  }
0x2a: {  	p0 =	seq.s32 s5, $0x0;
	s5 =	sld [smem:$0x3FAF]  }
0x2b: {  	s6 =	sld [smem:$0x3FB0]  }
0x2c: {  	s7 =	sld [smem:$0x3FB1]  }
0x2d: {  	s3 =	simm.s32 $0x108;
	s8 =	sld [smem:$0x3FB2]  }
0x2e: {  	s3 =	simm.s32 @!p0 $0x1082;
	s9 =	sld [smem:$0x3FB3]  }
0x2f: {  	lr =	sadd.s32 s0, s3;
	s0 =	sld [smem:$0x3FAA]  }
0x30: {  	s3 =	sld [smem:$0x3FAD]  }
0x31: {  	[smem:$0x3FB6] =	sst s10  }
0x32: {  	s10 =	sld [smem:$0x3FB4];
	_ =	sdelay $0x3  }
0x33: {  	p0 =	seq.s32 s10, $0x1;
	s10 =	sld [smem:$0x3FB6];
	_ =	sdelay $0x3  }
0x34: {  	[smem:$0x3FB6] =	sst s10  }
0x35: {  	s10 =	sld [smem:$0x3FB5];
	_ =	sdelay $0x3  }
0x36: {  	p1 =	seq.s32 s10, $0x1;
	s10 =	sld [smem:$0x3FB6];
	_ =	sdelay $0x3  }
0x37: {  	[smem:$0x3FB6] =	sst s10  }
0x38: {  	s10 =	sld [smem:$0x3FB7]  }
0x39: {  	_ = 	snop;
	(pc) =	sbr.ind lr, $3  }
0x3a: {  	_ = 	snop  }
0x3b: {  	_ = 	snop  }
0x3c: {  	p2 =	seq.s32 s10, $0x1;
	s10 =	sld [smem:$0x3FB6]  }
0x3d: {  	_ =	shalt  }
0x3e: {  	_ =	shalt  }
0x3f: {  	_ =	shalt  }
0x40: {  	_ =	shalt  }
0x41: {  	_ =	shalt  }
0x42: {  	_ =	shalt  }
0x43: {  	_ =	shalt  }
0x44: {  	_ =	shalt  }
0x45: {  	_ =	shalt  }
0x46: {  	_ =	shalt  }
0x47: {  	_ =	shalt  }
0x48: {  	_ =	shalt  }
0x49: {  	_ =	shalt  }
0x4a: {  	_ =	shalt  }
0x4b: {  	_ =	shalt  }
0x4c: {  	_ =	shalt  }
0x4d: {  	_ =	shalt  }
0x4e: {  	_ =	shalt  }
0x4f: {  	_ =	shalt  }
0x50: {  	_ =	shalt  }
0x51: {  	_ =	shalt  }
0x52: {  	_ =	shalt  }
0x53: {  	_ =	shalt  }
0x54: {  	_ =	shalt  }
0x55: {  	_ =	shalt  }
0x56: {  	_ =	shalt  }
0x57: {  	_ =	shalt  }
0x58: {  	_ =	shalt  }
0x59: {  	_ =	shalt  }
0x5a: {  	_ =	shalt  }
0x5b: {  	_ =	shalt  }
0x5c: {  	_ =	shalt  }
0x5d: {  	_ =	shalt  }
0x5e: {  	_ =	shalt  }
0x5f: {  	_ =	shalt  }
0x60: {  	_ =	shalt  }
0x61: {  	_ =	shalt  }
0x62: {  	_ =	shalt  }
0x63: {  	_ =	shalt  }
0x64: {  	_ =	shalt  }
0x65: {  	_ =	shalt  }
0x66: {  	_ =	shalt  }
0x67: {  	_ =	shalt  }
0x68: {  	_ =	shalt  }
0x69: {  	_ =	shalt  }
0x6a: {  	_ =	shalt  }
0x6b: {  	_ =	shalt  }
0x6c: {  	_ =	shalt  }
0x6d: {  	_ =	shalt  }
0x6e: {  	_ =	shalt  }
0x6f: {  	_ =	shalt  }
0x70: {  	_ =	shalt  }
0x71: {  	_ =	shalt  }
0x72: {  	_ =	shalt  }
0x73: {  	_ =	shalt  }
0x74: {  	_ =	shalt  }
0x75: {  	_ =	shalt  }
0x76: {  	_ =	shalt  }
0x77: {  	_ =	shalt  }
0x78: {  	_ =	shalt  }
0x79: {  	_ =	shalt  }
0x7a: {  	_ =	shalt  }
0x7b: {  	_ =	shalt  }
0x7c: {  	_ =	shalt  }
0x7d: {  	_ =	shalt  }
0x7e: {  	_ =	shalt  }
0x7f: {  	_ =	shalt  }
0x80: {  	_ =	shalt  }
0x81: {  	_ =	shalt  }
0x82: {  	_ =	shalt  }
0x83: {  	_ =	shalt  }
0x84: {  	_ =	shalt  }
0x85: {  	_ =	shalt  }
0x86: {  	_ =	shalt  }
0x87: {  	_ =	shalt  }
.Lfunc_end0:
.L_simem_size_0:
called_computation.2_lowered:
.L_overlay_start_0:
0x88: {  	s2 =	sld [smem:$0x3FD9]  }
0x89: {  	s3 =	sld [smem:$0x3FFE];
	_ =	sdelay $0x1  }
0x8a: {  	s1 =	srdreg.scid  }
0x8b: {  	s0 =	sand.u32 $0x1, s1  }
0x8c: {  	s14 =	sshll.u32 s0, $0xA;
	s2 =	sadd.s32 s3, s2  }
0x8d: {  	s2 =	sadd.s32 s2, s14  }
0x8e: {  	[smem:$0x3FC2] =	sst s2  }
0x8f: {  	_ = 	snop  }
0x90: {  	s2 =	sld [smem:$0x3FD0];
	_ =	sdelay $0x2  }
0x91: {  	s15 =	simm.s32 $0xA;
	s4 =	simm.s32 $0x10  }
0x92: {  	[smem:s4], [sflag:s15] =	dma.local [hbm:s2], $0x1  }
0x93: {  	_ =	swait.eq [sflag:s15], $0x1  }
0x94: {  	[sflag:s15] =	ssyncset.done $0x0  }
0x95: {  	[sflag:s15] =	ssyncadd.s32 $0xFFFFFFFF  }
0x96: {  	s16 =	sld [smem:$0x11];
	(tm) =	ssettm $0x1  }
0x97: {  	s17 =	sld [smem:$0x3FFB];
	_ =	sdelay $0x3  }
0x98: {  	_ =	strace s17  }
0x99: {  	s3 =	sld [smem:$0x3FFC];
	_ =	sdelay $0x3  }
0x9a: {  	_ =	strace s3  }
0x9b: {  	s3 =	sld [smem:$0x3FFD];
	_ =	sdelay $0x3  }
0x9c: {  	_ =	strace s3  }
0x9d: {  	_ =	strace $0x8FFFFFFF  }
0x9e: {  	s18 =	sld [smem:$0x3FDB];
	_ =	sdelay $0x1  }
0x9f: {  	s19 =	simm.s32 $_scs_section_size  }
0xa0: {  	s5 =	simm.s32 $_size__tile_overlayer_lowered;
	s6 =	simm.s32 $_tile_overlayer_lowered  }
0xa1: {  	s22 =	simm.s32 $0x1BFF;
	s21 =	sshll.u32 s6, $0x1;
	s3 =	sadd.s32 s19, s18  }
0xa2: {  	s7 =	simm.s32 $0x0;
	s20 =	sshll.u32 s5, $0x1;
	s5 =	sadd.s32 s21, s3  }
0xa3: {  	[timem:s7], [sflag:s22] =	dma.local [hbm:s5], s20  }
0xa4: {  	_ =	swait.ge [sflag:s22], s20  }
0xa5: {  	s4 =	ssub.s32 $0x0, s20;
	[sflag:s22] =	ssyncset.done $0x0  }
0xa6: {  	[sflag:s22] =	ssyncadd.s32 s4;
	_ =	sdelay $0x1  }
0xa7: {  	s23 =	simm.s32 $0x1B8B  }
0xa8: {  	_ =	swait.ge [sflag:s23], $0x1  }
0xa9: {  	[sflag:s23] =	ssyncset.done $0x0  }
0xaa: {  	s25 =	simm.s32 $0x1B8E;
	s24 =	sld [smem:$0x3FFE];
	[sflag:s23] =	ssyncadd.s32 $0xFFFFFFFF  }
0xab: {  	s26 =	simm.s32 $execute0_lowered;
	[smem:$0x3FD2] =	sst s25  }
0xac: {  	s5 =	sshll.u32 s26, $0x1;
	_ =	strace $0x8000004C;
	[dreg:$0x1] =	wrdreg $0xFFFFFFFF  }
0xad: {  	s28 =	simm.s32 $_size_execute0_lowered;
	s3 =	sadd.s32 s3, s5;
	[dreg:$0x0] =	wrdreg $0x0  }
0xae: {  	s5 =	sshll.u32 s28, $0x1;
	[dreg:$0x2] =	wrdreg s3  }
0xaf: {  	[dreg:$0x3] =	wrdreg s5  }
0xb0: {  	[dreg:$0x4] =	wrdreg $0xC0  }
0xb1: {  	_ =	task [dreg:s7], $0x5FFFF  }
0xb2: {  	[dreg:$0x1] =	wrdreg $0xFFFFFFFF  }
0xb3: {  	[dreg:$0x0] =	wrdreg $0x60  }
0xb4: {  	[dreg:$0x2] =	wrdreg s24  }
0xb5: {  	[dreg:$0x3] =	wrdreg s16  }
0xb6: {  	[dreg:$0x4] =	wrdreg $0x128000  }
0xb7: {  	[dreg:$0x5] =	wrdreg $0x9  }
0xb8: {  	_ =	task.clear_ibuf [dreg:s7], $0x6FFFF;
	_ =	strace $0x9000004C  }
0xb9: {  	s29 =	simm.s32 $0x9;
	_ =	strace $0x8000004E  }
0xba: {  	_ =	swait.ge [sflag:s29], $0x1  }
0xbb: {  	[sflag:s29] =	ssyncadd.s32 $0xFFFFFFFF  }
0xbc: {  	_ =	strace $0x9000004E  }
0xbd: {  	_ =	sfence  }
0xbe: {  	s30 =	sld [smem:$0x0];
	_ =	sdelay $0x2  }
0xbf: {  	s31 =	sshll.u32 s1, $0xD;
	s1 =	sshrl.u32 s1, $0x2  }
0xc0: {  	s3 =	sand.u32 $0x4000, s31;
	s1 =	sadd.s32 s1, s30  }
0xc1: {  	s0 =	sor.u32 s3, s0;
	s1 =	sshll.u32 s1, $0x11  }
0xc2: {  	s0 =	sor.u32 s1, s0  }
0xc3: {  	s0 =	sadd.s32 $0x8F2B, s0  }
0xc4: {  	[sflag:s0] =	ssyncadd.remote.s32 $0x1  }
0xc5: {  	_ =	sfence.sel $0xFFFF  }
0xc6: {  	[dreg:$0x0] =	wrdreg $0xFFFFFFFF;
	(pc) =	sbr.abs _section_cstart, $3  }
0xc7: {  	[dreg:$0x1] =	wrdreg $0xFFFFFFFF  }
0xc8: {  	_ =	task.clear_ibuf [dreg:s7], $0x2FFFF;
	_ =	strace $0x9FFFFFFF  }
0xc9: {  	(tm) =	ssettm $0x7FFFFFFF  }
tec
execute0_lowered:
.L_overlay_start_1:
0x0: {  	(tag) =	ssettag $0x1  }
0x1: {  	s0 =	rddreg [dreg:$0x0]  }
0x2: {  	s2 =	rddreg [dreg:$0x1]  }
0x3: {  	s1 =	rddreg [dreg:$0x2];
	s3 =	srdreg.scid  }
0x4: {  	s11 =	stileid.u32;
	s20 =	simm.s32 $0x9;
	s31 =	simm.s32 $0xA800  }
0x5: {  	s28 =	simm.s32 $0x7;
	s29 =	simm.s32 $0x8;
	s30 =	simm.s32 $0x0  }
0x6: {  	s5 =	sand.u32 $0x1, s3;
	s3 =	simm.s32 $0x0;
	s14 =	smul.u32 $0xA000, s11  }
0x7: {  	s21 =	sadd.s32 $0x4D80, s2;
	s4 =	sshll.u32 s5, $0x4;
	[smem:$0x7FF] =	sst s3  }
0x8: {  	s8 =	ssub.s32 $0x2, s5;
	p0 =	seq.s32 s5, $0x0;
	s6 =	sor.u32 s11, s4  }
0x9: {  	_ =	strace $0x8000004D;
	s4 =	sadd.s32 $0x2B600, s0;
	s10 =	sshrl.u32 s8, $0x1  }
0xa: {  	[dreg:$0x6] =	wrdreg s21;
	s22 =	sadd.s32 $0x2000, s14;
	s23 =	sadd.s32 $0x4000, s14  }
0xb: {  	s15 =	sadd.s32 $0x6000, s14;
	s16 =	sadd.s32 $0x8000, s14;
	s7 =	smul.u32 $0x1400, s6  }
0xc: {  	s24 =	sshrl.u32 s14, $0x3;
	s21 =	simm.s32 $0x1;
	s9 =	smul.u32 $0x280, s6  }
0xd: {  	s8 =	ssub.s32 s8, s10;
	s10 =	sadd.s32 s22, s1;
	s11 =	sadd.s32 s23, s1  }
0xe: {  	s12 =	sadd.s32 s15, s1;
	s13 =	sadd.s32 s16, s1;
	s15 =	sshrl.u32 s15, $0x3  }
0xf: {  	s16 =	sshrl.u32 s16, $0x3;
	s8 =	smax.u32 s8, $0x1;
	s7 =	sshrl.u32 s7, $0x3  }
0x10: {  	s9 =	sadd.s32 s2, s9;
	[dreg:$0x8] =	wrdreg s8;
	s8 =	simm.s32 $0x10800  }
0x11: {  	[dreg:$0x4] =	wrdreg s9;
	s7 =	sadd.s32 s2, s7;
	s2 =	sadd.s32 $0x9BA0, s2  }
0x12: {  	s9 =	sadd.s32 s14, s1;
	s14 =	simm.s32 $0x53600;
	s7 =	sadd.s32 $0x4E20, s7  }
0x13: {  	[dreg:$0x7] =	wrdreg s2;
	s2 =	sshrl.u32 s23, $0x3;
	s14 =	simm.s32 @!p0 $0x3F600  }
0x14: {  	p0 =	seq.s32 s6, $0x1F;
	s23 =	simm.s32 $0x80;
	s0 =	sadd.s32 s14, s0  }
0x15: {  	[dreg:$0x5] =	wrdreg s7;
	s7 =	sshrl.u32 s22, $0x3;
	s5 =	sadd.s32 s0, s24  }
.Ltmp0:
0x16: {  	s25 =	sadd.s32 s0, s7;
	[dreg:$0x9] =	wrdreg s5;
	(pc) =	sbr.rel .LBB2_1-.Ltmp0, $4  }
0x17: {  	s6 =	simm.s32 $0xE800;
	s2 =	sadd.s32 s0, s2;
	[dreg:$0xa] =	wrdreg s25  }
0x18: {  	s22 =	simm.s32 $0x2800;
	s26 =	sadd.s32 s0, s15;
	[dreg:$0xb] =	wrdreg s2  }
0x19: {  	s0 =	sadd.s32 s0, s16;
	s24 =	simm.s32 $0x3;
	[dreg:$0xc] =	wrdreg s26  }
0x1a: {  	v0 =	vlaneseq.u32;
	v1 =	vimm.f32 $0.0e+00;
	[dreg:$0xd] =	wrdreg s0;
	s26 =	simm.s32 $0x6800;
	s25 =	simm.s32 $0x5  }
.LBB2_12:
0x1b: {  	_ =	swait.ge [sflag:s29], $0x2000  }
0x1c: {  	[sflag:s29] =	ssyncset.done $0x0  }
0x1d: {  	[sflag:s29] =	ssyncadd.s32 $0xFFFFE000  }
0x1e: {  	[spmem:s1] =	stream.indirect.scatter.add.f32 [tilespmem:s8], [sflag:$0x9], $0x40, s5, s23, $0xb8;
	[tilespmem:$0x1C800] =	vst v63  }
0x1f: {  	_ =	swait.ge [sflag:s20], $0x2000  }
0x20: {  	[sflag:s20] =	ssyncset.done $0x0  }
0x21: {  	[sflag:s20] =	ssyncadd.s32 $0xFFFFE000  }
0x22: {  	[bflag:$0x0] =	sbarrier.arrive $0xFFFF  }
0x23: {  	[tilespmem:s22], [sflag:$0x9] =	stream.linear.gather [spmem:s9], $0x2000, $0x38;
	[tilespmem:$0x1C800] =	vst v63  }
0x24: {  	_ =	swait.ge [sflag:s20], $0x2000  }
0x25: {  	[sflag:s20] =	ssyncset.done $0x0  }
0x26: {  	s0 =	rddreg [dreg:$0x9];
	[sflag:s20] =	ssyncadd.s32 $0xFFFFE000  }
0x27: {  	[hbm4b:s0+s3] =	stream.linear.scatter [tilespmem:s22], [sflag:$0x9], $0x2000, $0x38;
	[tilespmem:$0x1C800] =	vst v63  }
0x28: {  	_ =	swait.ge [sflag:s20], $0x2000  }
0x29: {  	[sflag:s20] =	ssyncset.done $0x0  }
0x2a: {  	[sflag:s20] =	ssyncadd.s32 $0xFFFFE000  }
0x2b: {  	[tilespmem:s22], [sflag:$0x9] =	stream.linear.gather [spmem:s10], $0x2000, $0x38;
	[tilespmem:$0x1C800] =	vst v63  }
0x2c: {  	_ =	swait.ge [sflag:s20], $0x2000  }
0x2d: {  	[sflag:s20] =	ssyncset.done $0x0  }
0x2e: {  	s15 =	rddreg [dreg:$0xa];
	[sflag:s20] =	ssyncadd.s32 $0xFFFFE000  }
0x2f: {  	[hbm4b:s15+s3] =	stream.linear.scatter [tilespmem:s22], [sflag:$0x9], $0x2000, $0x38;
	[tilespmem:$0x1C800] =	vst v63  }
0x30: {  	_ =	swait.ge [sflag:s20], $0x2000  }
0x31: {  	[sflag:s20] =	ssyncset.done $0x0  }
0x32: {  	[sflag:s20] =	ssyncadd.s32 $0xFFFFE000  }
0x33: {  	[tilespmem:s22], [sflag:$0x9] =	stream.linear.gather [spmem:s11], $0x2000, $0x38;
	[tilespmem:$0x1C800] =	vst v63  }
0x34: {  	_ =	swait.ge [sflag:s20], $0x2000  }
0x35: {  	[sflag:s20] =	ssyncset.done $0x0  }
0x36: {  	s16 =	rddreg [dreg:$0xb];
	[sflag:s20] =	ssyncadd.s32 $0xFFFFE000  }
0x37: {  	[hbm4b:s16+s3] =	stream.linear.scatter [tilespmem:s22], [sflag:$0x9], $0x2000, $0x38;
	[tilespmem:$0x1C800] =	vst v63  }
0x38: {  	_ =	swait.ge [sflag:s20], $0x2000  }
0x39: {  	[sflag:s20] =	ssyncset.done $0x0  }
0x3a: {  	[sflag:s20] =	ssyncadd.s32 $0xFFFFE000  }
0x3b: {  	[tilespmem:s22], [sflag:$0x9] =	stream.linear.gather [spmem:s12], $0x2000, $0x38;
	[tilespmem:$0x1C800] =	vst v63  }
0x3c: {  	_ =	swait.ge [sflag:s20], $0x2000  }
0x3d: {  	[sflag:s20] =	ssyncset.done $0x0  }
0x3e: {  	s17 =	rddreg [dreg:$0xc];
	[sflag:s20] =	ssyncadd.s32 $0xFFFFE000  }
0x3f: {  	[hbm4b:s17+s3] =	stream.linear.scatter [tilespmem:s22], [sflag:$0x9], $0x2000, $0x38;
	[tilespmem:$0x1C800] =	vst v63  }
0x40: {  	_ =	swait.ge [sflag:s20], $0x2000  }
0x41: {  	[sflag:s20] =	ssyncset.done $0x0  }
0x42: {  	[sflag:s20] =	ssyncadd.s32 $0xFFFFE000  }
0x43: {  	[tilespmem:s22], [sflag:$0x9] =	stream.linear.gather [spmem:s13], $0x2000, $0x38;
	[tilespmem:$0x1C800] =	vst v63  }
0x44: {  	_ =	swait.ge [sflag:s20], $0x2000  }
0x45: {  	[sflag:s20] =	ssyncset.done $0x0  }
0x46: {  	s18 =	rddreg [dreg:$0xd];
	[sflag:s20] =	ssyncadd.s32 $0xFFFFE000  }
0x47: {  	[hbm4b:s18+s3] =	stream.linear.scatter [tilespmem:s22], [sflag:$0x9], $0x2000, $0x38;
	[tilespmem:$0x1C800] =	vst v63  }
0x48: {  	_ =	swait.ge [sflag:s20], $0x2000  }
0x49: {  	s30 =	sadd.s32 $0x1, s30;
	s19 =	rddreg [dreg:$0x8]  }
0x4a: {  	p1 =	sne.s32 s30, s19  }
.Ltmp1:
0x4b: {  	_ = 	snop;
	(pc) =	sbr.rel @!p1 .LBB2_13-.Ltmp1, $3  }
0x4c: {  	_ =	sdelay $0x1  }
0x4d: {  	[sflag:s20] =	ssyncset.done $0x0  }
0x4e: {  	[sflag:s20] =	ssyncadd.s32 $0xFFFFE000  }
.LBB2_1:
.Ltmp2:
0x4f: {  	(pc) =	sbr.rel @!p0 .LBB2_2-.Ltmp2, $1  }
0x50: {  	_ =	sdelay $0x3  }
0x51: {  	s0 =	rddreg [dreg:$0x6]  }
0x52: {  	[tilespmem:s3], [sflag:$0x9] =	stream.linear.gather [hbm4b:s0+s3], $0x500, $0x38;
	[tilespmem:$0x1C800] =	vst v63  }
0x53: {  	_ =	swait.ge [sflag:s20], $0x500  }
0x54: {  	s0 =	simm.s32 $0x500;
	[sflag:s20] =	ssyncset.done $0x0  }
0x55: {  	v2 =	vor.u32 s0, v0;
	[sflag:s20] =	ssyncadd.s32 $0xFFFFFB00  }
0x56: {  	s2 =	simm.s32 $0x510;
	[tilespmem:s0+$0x0] =	vst v2  }
.LBB2_4:
0x57: {  	p1 =	sne.s32 s2, $0x13F0  }
.Ltmp3:
0x58: {  	_ = 	snop;
	(pc) =	sbr.rel @p1 .LBB2_4-.Ltmp3, $3  }
0x59: {  	_ =	sdelay $0x1  }
0x5a: {  	v2 =	vor.u32 s2, v0;
	s2 =	sadd.s32 $0x10, s2;
	s0 =	sadd.s32 $0x10, s0  }
0x5b: {  	[tilespmem:s0+$0x0] =	vst v2  }
0x5c: {  	s0 =	rddreg [dreg:$0x7];
	s2 =	simm.s32 $0x1400;
	s19 =	simm.s32 $0x500  }
0x5d: {  	[tilespmem:s2], [sflag:$0x9] =	stream.linear.gather [hbm4b:s0+s3], $0x500, $0x38;
	[tilespmem:$0x1C800] =	vst v63  }
0x5e: {  	v2 =	vor.u32 s19, v0;
	_ =	swait.ge [sflag:s20], $0x500  }
0x5f: {  	v2 =	vand.u32 $0x7F, v2;
	[sflag:s20] =	ssyncset.done $0x0  }
0x60: {  	s0 =	simm.s32 $0x1900;
	v2 =	vadd.s32 $0x2710, v2;
	[sflag:s20] =	ssyncadd.s32 $0xFFFFFB00  }
0x61: {  	s2 =	simm.s32 $0x510;
	[tilespmem:s0+$0x0] =	vst v2  }
.LBB2_6:
0x62: {  	p1 =	sne.s32 s2, $0x13F0  }
.Ltmp4:
0x63: {  	_ = 	snop;
	(pc) =	sbr.rel @p1 .LBB2_6-.Ltmp4, $4  }
0x64: {  	v2 =	vor.u32 s2, v0  }
0x65: {  	v2 =	vand.u32 $0x7F, v2  }
0x66: {  	s0 =	sadd.s32 $0x10, s0;
	v2 =	vadd.s32 $0x2710, v2  }
0x67: {  	s2 =	sadd.s32 $0x10, s2;
	[tilespmem:s0+$0x0] =	vst v2  }
.Ltmp5:
0x68: {  	_ = 	snop;
	(pc) =	sbr.rel .LBB2_7-.Ltmp5, $1  }
0x69: {  	_ =	sdelay $0x3  }
.LBB2_2:
0x6a: {  	s0 =	rddreg [dreg:$0x4]  }
0x6b: {  	[tilespmem:s3], [sflag:$0x9] =	stream.linear.gather [hbm4b:s0+s3], $0x1400, $0x38;
	[tilespmem:$0x1C800] =	vst v63  }
0x6c: {  	_ =	swait.ge [sflag:s20], $0x1400  }
0x6d: {  	[sflag:s20] =	ssyncset.done $0x0  }
0x6e: {  	s2 =	simm.s32 $0x1400;
	s19 =	rddreg [dreg:$0x5];
	[sflag:s20] =	ssyncadd.s32 $0xFFFFEC00  }
0x6f: {  	[tilespmem:s2], [sflag:$0x9] =	stream.linear.gather [hbm4b:s19+s3], $0x1400, $0x38;
	[tilespmem:$0x1C800] =	vst v63  }
0x70: {  	_ =	swait.ge [sflag:s20], $0x1400  }
0x71: {  	[sflag:s20] =	ssyncset.done $0x0  }
0x72: {  	[sflag:s20] =	ssyncadd.s32 $0xFFFFEC00  }
.LBB2_7:
0x73: {  	s0 =	simm.s32 $0x0  }
0x74: {  	s2 =	sand.u32 $0x7F00, s0  }
0x75: {  	s5 =	sand.u32 $0x30, s0;
	s7 =	sshrl.u32 s2, $0x2  }
0x76: {  	s2 =	simm.s32 $0x40;
	s5 =	sor.u32 s5, s7  }
.LBB2_8:
0x77: {  	p1 =	sne.s32 s2, $0x7FC0  }
0x78: {  	[tilespmem:s5+$0x2800] =	vst v1;
	s0 =	sadd.s32 $0x10, s0;
	s5 =	smov.u32 s2;
	s2 =	sadd.s32 $0x40, s2  }
.Ltmp6:
0x79: {  	(pc) =	sbr.rel @p1 .LBB2_8-.Ltmp6, $4  }
0x7a: {  	_ = 	snop  }
0x7b: {  	s5 =	sand.u32 $0x7F00, s5  }
0x7c: {  	s7 =	sand.u32 $0x30, s0;
	s5 =	sshrl.u32 s5, $0x2  }
0x7d: {  	s5 =	sor.u32 s7, s5  }
0x7e: {  	[tilespmem:s5+$0x2800] =	vst v1  }
0x7f: {  	[spmem:s9] =	stream.linear.scatter [tilespmem:s22], [sflag:$0x9], $0x2000, $0x38;
	[tilespmem:$0x1C800] =	vst v63  }
0x80: {  	_ =	swait.ge [sflag:s20], $0x2000  }
0x81: {  	[sflag:s20] =	ssyncset.done $0x0  }
0x82: {  	[sflag:s20] =	ssyncadd.s32 $0xFFFFE000  }
0x83: {  	[spmem:s10] =	stream.linear.scatter [tilespmem:s22], [sflag:$0x9], $0x2000, $0x38;
	[tilespmem:$0x1C800] =	vst v63  }
0x84: {  	_ =	swait.ge [sflag:s20], $0x2000  }
0x85: {  	[sflag:s20] =	ssyncset.done $0x0  }
0x86: {  	[sflag:s20] =	ssyncadd.s32 $0xFFFFE000  }
0x87: {  	[spmem:s11] =	stream.linear.scatter [tilespmem:s22], [sflag:$0x9], $0x2000, $0x38;
	[tilespmem:$0x1C800] =	vst v63  }
0x88: {  	_ =	swait.ge [sflag:s20], $0x2000  }
0x89: {  	[sflag:s20] =	ssyncset.done $0x0  }
0x8a: {  	[sflag:s20] =	ssyncadd.s32 $0xFFFFE000  }
0x8b: {  	[spmem:s12] =	stream.linear.scatter [tilespmem:s22], [sflag:$0x9], $0x2000, $0x38;
	[tilespmem:$0x1C800] =	vst v63  }
0x8c: {  	_ =	swait.ge [sflag:s20], $0x2000  }
0x8d: {  	[sflag:s20] =	ssyncset.done $0x0  }
0x8e: {  	[sflag:s20] =	ssyncadd.s32 $0xFFFFE000  }
0x8f: {  	[spmem:s13] =	stream.linear.scatter [tilespmem:s22], [sflag:$0x9], $0x2000, $0x38;
	[tilespmem:$0x1C800] =	vst v63  }
0x90: {  	_ =	swait.ge [sflag:s20], $0x2000  }
0x91: {  	[sflag:s20] =	ssyncset.done $0x0  }
0x92: {  	[sflag:s20] =	ssyncadd.s32 $0xFFFFE000  }
0x93: {  	s0 =	simm.s32 $0x0;
	[bflag:$0x0] =	sbarrier.arrive $0xFFFF  }
0x94: {  	[tilespmem:s22], [sflag:$0x1] =	stream.indirect.gather [hbm4b:s4+s23], $0x40, s0, s23, $0xb8;
	[tilespmem:$0x1C800] =	vst v63  }
0x95: {  	s2 =	simm.s32 $0x4800  }
0x96: {  	[tilespmem:s2], [sflag:$0x2] =	stream.indirect.gather [hbm4b:s4+s23], $0x40, s23, s23, $0xb8;
	[tilespmem:$0x1C800] =	vst v63  }
0x97: {  	s5 =	simm.s32 $0x100  }
0x98: {  	[tilespmem:s26], [sflag:$0x3] =	stream.indirect.gather [hbm4b:s4+s23], $0x40, s5, s23, $0xb8;
	[tilespmem:$0x1C800] =	vst v63  }
0x99: {  	s7 =	simm.s32 $0x180;
	s14 =	simm.s32 $0x8800  }
0x9a: {  	[tilespmem:s14], [sflag:$0x4] =	stream.indirect.gather [hbm4b:s4+s23], $0x40, s7, s23, $0xb8;
	[tilespmem:$0x1C800] =	vst v63  }
0x9b: {  	s15 =	simm.s32 $0x200  }
0x9c: {  	[tilespmem:s31], [sflag:$0x5] =	stream.indirect.gather [hbm4b:s4+s23], $0x40, s15, s23, $0xb8;
	[tilespmem:$0x1C800] =	vst v63  }
0x9d: {  	s16 =	simm.s32 $0x280;
	s17 =	simm.s32 $0xC800  }
0x9e: {  	[tilespmem:s17], [sflag:$0x6] =	stream.indirect.gather [hbm4b:s4+s23], $0x40, s16, s23, $0xb8;
	[tilespmem:$0x1C800] =	vst v63  }
0x9f: {  	s18 =	simm.s32 $0x300  }
0xa0: {  	[tilespmem:s6], [sflag:$0x7] =	stream.indirect.gather [hbm4b:s4+s23], $0x40, s18, s23, $0xb8;
	[tilespmem:$0x1C800] =	vst v63  }
0xa1: {  	s19 =	simm.s32 $0x380  }
0xa2: {  	[tilespmem:s8], [sflag:$0x8] =	stream.indirect.gather [hbm4b:s4+s23], $0x40, s19, s23, $0xb8;
	[tilespmem:$0x1C800] =	vst v63  }
.LBB2_10:
0xa3: {  	_ =	swait.ge [sflag:s21], $0x2000  }
0xa4: {  	s2 =	sshra.s32 s0, $0x2;
	[sflag:s21] =	ssyncset.done $0x0  }
0xa5: {  	s5 =	sadd.s32 $0x1400, s2;
	[sflag:s21] =	ssyncadd.s32 $0xFFFFE000  }
0xa6: {  	[spmem:s1] =	stream.indirect.scatter.add.f32 [tilespmem:s22], [sflag:$0x9], $0x40, s5, s23, $0xb8;
	[tilespmem:$0x1C800] =	vst v63  }
0xa7: {  	_ =	swait.ge [sflag:s20], $0x2000  }
0xa8: {  	p1 =	seq.s32 s0, $0x4000;
	[sflag:s20] =	ssyncset.done $0x0  }
0xa9: {  	s5 =	simm.s32 @p1 $0x2;
	[sflag:s20] =	ssyncadd.s32 $0xFFFFE000  }
0xaa: {  	s14 =	sshra.s32 @p1 s0, $0x2;
	_ =	swait.ge @p1 [sflag:s5], $0x2000  }
0xab: {  	s15 =	simm.s32 @p1 $0x80;
	s7 =	simm.s32 @p1 $0x4800;
	[sflag:s5] =	ssyncset.done @p1 $0x0  }
0xac: {  	s16 =	simm.s32 @p1 $0x9;
	[sflag:s5] =	ssyncadd.s32 @p1 $0xFFFFE000;
	s5 =	sadd.s32 @p1 $0x1480, s14  }
0xad: {  	[spmem:s1] =	stream.indirect.scatter.add.f32 @p1 [tilespmem:s7], [sflag:$0x9], $0x40, s5, s15, $0xb8;
	[tilespmem:$0x1C800] =	vst v63  }
0xae: {  	_ =	swait.ge @p1 [sflag:s16], $0x2000  }
0xaf: {  	s18 =	simm.s32 @!p1 $0x2800;
	s5 =	sshra.s32 @!p1 s0, $0x2;
	[sflag:s16] =	ssyncset.done @p1 $0x0  }
0xb0: {  	s7 =	simm.s32 @!p1 $0x80;
	s17 =	sadd.s32 @!p1 $0x400, s5;
	[sflag:s16] =	ssyncadd.s32 @p1 $0xFFFFE000  }
0xb1: {  	[tilespmem:s18], [sflag:$0x1] =	stream.indirect.gather @!p1 [hbm4b:s4+s7], $0x40, s17, s7, $0xb8;
	[tilespmem:$0x1C800] =	vst v63  }
0xb2: {  	s17 =	simm.s32 @!p1 $0x2  }
0xb3: {  	_ =	swait.ge @!p1 [sflag:s17], $0x2000  }
0xb4: {  	[sflag:s17] =	ssyncset.done @!p1 $0x0  }
0xb5: {  	s18 =	simm.s32 @!p1 $0x4800;
	[sflag:s17] =	ssyncadd.s32 @!p1 $0xFFFFE000;
	s17 =	sadd.s32 @!p1 $0x1480, s5  }
0xb6: {  	[spmem:s1] =	stream.indirect.scatter.add.f32 @!p1 [tilespmem:s18], [sflag:$0x9], $0x40, s17, s7, $0xb8;
	[tilespmem:$0x1C800] =	vst v63  }
0xb7: {  	s17 =	simm.s32 @!p1 $0x9  }
0xb8: {  	_ =	swait.ge @!p1 [sflag:s17], $0x2000  }
0xb9: {  	[sflag:s17] =	ssyncset.done @!p1 $0x0  }
0xba: {  	s19 =	sadd.s32 @!p1 $0x480, s5;
	[sflag:s17] =	ssyncadd.s32 @!p1 $0xFFFFE000  }
0xbb: {  	[tilespmem:s18], [sflag:$0x2] =	stream.indirect.gather @!p1 [hbm4b:s4+s7], $0x40, s19, s7, $0xb8;
	[tilespmem:$0x1C800] =	vst v63  }
0xbc: {  	_ =	swait.ge [sflag:s24], $0x2000  }
0xbd: {  	[sflag:s24] =	ssyncset.done $0x0  }
0xbe: {  	s19 =	sadd.s32 $0x1500, s2;
	[sflag:s24] =	ssyncadd.s32 $0xFFFFE000  }
0xbf: {  	[spmem:s1] =	stream.indirect.scatter.add.f32 [tilespmem:s26], [sflag:$0x9], $0x40, s19, s23, $0xb8;
	[tilespmem:$0x1C800] =	vst v63  }
0xc0: {  	_ =	swait.ge [sflag:s20], $0x2000  }
0xc1: {  	[sflag:s20] =	ssyncset.done $0x0  }
0xc2: {  	s18 =	simm.s32 @p1 $0x4;
	[sflag:s20] =	ssyncadd.s32 $0xFFFFE000  }
0xc3: {  	_ =	swait.ge @p1 [sflag:s18], $0x2000  }
0xc4: {  	[sflag:s18] =	ssyncset.done @p1 $0x0  }
0xc5: {  	s19 =	simm.s32 @p1 $0x8800;
	[sflag:s18] =	ssyncadd.s32 @p1 $0xFFFFE000;
	s18 =	sadd.s32 @p1 $0x1580, s14  }
0xc6: {  	[spmem:s1] =	stream.indirect.scatter.add.f32 @p1 [tilespmem:s19], [sflag:$0x9], $0x40, s18, s15, $0xb8;
	[tilespmem:$0x1C800] =	vst v63  }
0xc7: {  	_ =	swait.ge @p1 [sflag:s16], $0x2000  }
0xc8: {  	[sflag:s16] =	ssyncset.done @p1 $0x0  }
0xc9: {  	s18 =	sadd.s32 @!p1 $0x500, s5;
	s19 =	simm.s32 @!p1 $0x6800;
	[sflag:s16] =	ssyncadd.s32 @p1 $0xFFFFE000  }
0xca: {  	[tilespmem:s19], [sflag:$0x3] =	stream.indirect.gather @!p1 [hbm4b:s4+s7], $0x40, s18, s7, $0xb8;
	[tilespmem:$0x1C800] =	vst v63  }
0xcb: {  	s18 =	simm.s32 @!p1 $0x4  }
0xcc: {  	_ =	swait.ge @!p1 [sflag:s18], $0x2000  }
0xcd: {  	[sflag:s18] =	ssyncset.done @!p1 $0x0  }
0xce: {  	s19 =	simm.s32 @!p1 $0x8800;
	[sflag:s18] =	ssyncadd.s32 @!p1 $0xFFFFE000;
	s18 =	sadd.s32 @!p1 $0x1580, s5  }
0xcf: {  	[spmem:s1] =	stream.indirect.scatter.add.f32 @!p1 [tilespmem:s19], [sflag:$0x9], $0x40, s18, s7, $0xb8;
	[tilespmem:$0x1C800] =	vst v63  }
0xd0: {  	_ =	swait.ge @!p1 [sflag:s17], $0x2000  }
0xd1: {  	[sflag:s17] =	ssyncset.done @!p1 $0x0  }
0xd2: {  	s18 =	sadd.s32 @!p1 $0x580, s5;
	[sflag:s17] =	ssyncadd.s32 @!p1 $0xFFFFE000  }
0xd3: {  	[tilespmem:s19], [sflag:$0x4] =	stream.indirect.gather @!p1 [hbm4b:s4+s7], $0x40, s18, s7, $0xb8;
	[tilespmem:$0x1C800] =	vst v63  }
0xd4: {  	_ =	swait.ge [sflag:s25], $0x2000  }
0xd5: {  	[sflag:s25] =	ssyncset.done $0x0  }
0xd6: {  	s19 =	sadd.s32 $0x1600, s2;
	[sflag:s25] =	ssyncadd.s32 $0xFFFFE000  }
0xd7: {  	[spmem:s1] =	stream.indirect.scatter.add.f32 [tilespmem:s31], [sflag:$0x9], $0x40, s19, s23, $0xb8;
	[tilespmem:$0x1C800] =	vst v63  }
0xd8: {  	_ =	swait.ge [sflag:s20], $0x2000  }
0xd9: {  	[sflag:s20] =	ssyncset.done $0x0  }
0xda: {  	s18 =	simm.s32 @p1 $0x6;
	[sflag:s20] =	ssyncadd.s32 $0xFFFFE000  }
0xdb: {  	_ =	swait.ge @p1 [sflag:s18], $0x2000  }
0xdc: {  	[sflag:s18] =	ssyncset.done @p1 $0x0  }
0xdd: {  	s14 =	sadd.s32 @p1 $0x1680, s14;
	[sflag:s18] =	ssyncadd.s32 @p1 $0xFFFFE000;
	s18 =	simm.s32 @p1 $0xC800  }
0xde: {  	[spmem:s1] =	stream.indirect.scatter.add.f32 @p1 [tilespmem:s18], [sflag:$0x9], $0x40, s14, s15, $0xb8;
	[tilespmem:$0x1C800] =	vst v63  }
0xdf: {  	_ =	swait.ge @p1 [sflag:s16], $0x2000  }
0xe0: {  	[sflag:s16] =	ssyncset.done @p1 $0x0  }
0xe1: {  	s14 =	sadd.s32 @!p1 $0x600, s5;
	s15 =	simm.s32 @!p1 $0xA800;
	[sflag:s16] =	ssyncadd.s32 @p1 $0xFFFFE000  }
0xe2: {  	[tilespmem:s15], [sflag:$0x5] =	stream.indirect.gather @!p1 [hbm4b:s4+s7], $0x40, s14, s7, $0xb8;
	[tilespmem:$0x1C800] =	vst v63  }
0xe3: {  	s14 =	simm.s32 @!p1 $0x6  }
0xe4: {  	_ =	swait.ge @!p1 [sflag:s14], $0x2000  }
0xe5: {  	[sflag:s14] =	ssyncset.done @!p1 $0x0  }
0xe6: {  	s15 =	simm.s32 @!p1 $0xC800;
	[sflag:s14] =	ssyncadd.s32 @!p1 $0xFFFFE000;
	s14 =	sadd.s32 @!p1 $0x1680, s5  }
0xe7: {  	[spmem:s1] =	stream.indirect.scatter.add.f32 @!p1 [tilespmem:s15], [sflag:$0x9], $0x40, s14, s7, $0xb8;
	[tilespmem:$0x1C800] =	vst v63  }
0xe8: {  	_ =	swait.ge @!p1 [sflag:s17], $0x2000  }
0xe9: {  	[sflag:s17] =	ssyncset.done @!p1 $0x0  }
0xea: {  	s5 =	sadd.s32 @!p1 $0x680, s5;
	[sflag:s17] =	ssyncadd.s32 @!p1 $0xFFFFE000  }
0xeb: {  	[tilespmem:s15], [sflag:$0x6] =	stream.indirect.gather @!p1 [hbm4b:s4+s7], $0x40, s5, s7, $0xb8;
	[tilespmem:$0x1C800] =	vst v63  }
0xec: {  	_ =	swait.ge [sflag:s28], $0x2000  }
0xed: {  	[sflag:s28] =	ssyncset.done $0x0  }
.Ltmp7:
0xee: {  	s19 =	sadd.s32 $0x1700, s2;
	[sflag:s28] =	ssyncadd.s32 $0xFFFFE000;
	(pc) =	sbr.rel @p1 .LBB2_12-.Ltmp7, $4  }
0xef: {  	[spmem:s1] =	stream.indirect.scatter.add.f32 [tilespmem:s6], [sflag:$0x9], $0x40, s19, s23, $0xb8;
	[tilespmem:$0x1C800] =	vst v63  }
0xf0: {  	_ =	swait.ge [sflag:s20], $0x2000  }
0xf1: {  	[sflag:s20] =	ssyncset.done $0x0  }
0xf2: {  	s5 =	sadd.s32 $0x1780, s2;
	[sflag:s20] =	ssyncadd.s32 $0xFFFFE000  }
0xf3: {  	s7 =	sadd.s32 $0x700, s2  }
0xf4: {  	[tilespmem:s6], [sflag:$0x7] =	stream.indirect.gather [hbm4b:s4+s23], $0x40, s7, s23, $0xb8;
	[tilespmem:$0x1C800] =	vst v63  }
0xf5: {  	_ =	swait.ge [sflag:s29], $0x2000  }
0xf6: {  	[sflag:s29] =	ssyncset.done $0x0  }
0xf7: {  	[sflag:s29] =	ssyncadd.s32 $0xFFFFE000  }
0xf8: {  	[spmem:s1] =	stream.indirect.scatter.add.f32 [tilespmem:s8], [sflag:$0x9], $0x40, s5, s23, $0xb8;
	[tilespmem:$0x1C800] =	vst v63  }
.Ltmp8:
0xf9: {  	_ = 	snop;
	(pc) =	sbr.rel .LBB2_10-.Ltmp8, $4  }
0xfa: {  	_ =	swait.ge [sflag:s20], $0x2000  }
0xfb: {  	[sflag:s20] =	ssyncset.done $0x0  }
0xfc: {  	s19 =	sadd.s32 $0x780, s2;
	s0 =	sadd.s32 $0x1000, s0;
	[sflag:s20] =	ssyncadd.s32 $0xFFFFE000  }
0xfd: {  	[tilespmem:s8], [sflag:$0x8] =	stream.indirect.gather [hbm4b:s4+s23], $0x40, s19, s23, $0xb8;
	[tilespmem:$0x1C800] =	vst v63  }
.LBB2_13:
0xfe: {  	_ =	sfence.sel $0x180000  }
0xff: {  	[bflag:$0x0] =	sbarrier.arrive $0xFFFF  }
0x100: {  	_ =	strace $0x9000004D  }
0x101: {  	s0 =	stileid.u32;
	[bflag:$0x2] =	sbarrier.arrive $0xFFFF  }
0x102: {  	p0 =	sne.s32 s0, $0x0;
	s0 =	rddreg [dreg:$0x3]  }
0x103: {  	s0 =	sadd.s32 @!p0 $0x100000, s0  }
0x104: {  	[sflag:s0] =	ssyncadd.tile.s32 @!p0 $0x1;
	_ =	shalt  }
.Lfunc_end2:
_tile_overlayer_lowered:
.L_overlay_start_2:
0x105: {  	(tag) =	ssettag $0x2  }
0x106: {  	s0 =	rddreg [dreg:$0x0];
	s2 =	stileid.u32  }
0x107: {  	s1 =	rddreg [dreg:$0x1];
	p0 =	sne.s32 s2, $0x0  }
0x108: {  	s3 =	rddreg [dreg:$0x2];
	[bflag:$0x3] =	sbarrier.arrive $0xFFFF;
	s2 =	simm.s32 @!p0 $0x1C09  }
0x109: {  	[timem:s3], [sflag:s2] =	dma.local @!p0 [hbm:s0], s1  }
0x10a: {  	s0 =	simm.s32 @!p0 $0x9  }
0x10b: {  	_ =	swait.ge @!p0 [sflag:s0], s1  }
0x10c: {  	s1 =	ssub.s32 @!p0 $0x0, s1;
	[sflag:s0] =	ssyncset.done @!p0 $0x0  }
0x10d: {  	[sflag:s0] =	ssyncadd.s32 @!p0 s1  }
0x10e: {  	[bflag:$0x3] =	sbarrier.arrive $0xFFFF  }
0x10f: {  	_ =	shalt  }

// kernel: kernel.8.cloned.1.call-start
scs
__scs_entry_jumppad:
0x0: {  	(pc) =	sbr.rel $0x88, $3  }
0x1: {  	(tag) =	ssettag $0x0;
	lr =	simm.s32 $0x1  }
0x2: {  	[smem:$0x3F9B] =	sst lr;
	_ =	strace $0xD0000000  }
0x3: {  	_ = 	snop  }
0x4: {  	_ = 	snop  }
0x5: {  	_ = 	snop  }
0x6: {  	_ = 	snop  }
0x7: {  	_ = 	snop  }
__scs_overlays_trampoline_lowered:
0x8: {  	[smem:$0x3FAA] =	sst s0  }
0x9: {  	[smem:$0x3FAB] =	sst s1  }
0xa: {  	[smem:$0x3FAC] =	sst s2  }
0xb: {  	[smem:$0x3FAD] =	sst s3  }
0xc: {  	[smem:$0x3FAE] =	sst s4  }
0xd: {  	[smem:$0x3FAF] =	sst s5  }
0xe: {  	[smem:$0x3FB0] =	sst s6  }
0xf: {  	[smem:$0x3FB1] =	sst s7  }
0x10: {  	[smem:$0x3FB2] =	sst s8  }
0x11: {  	[smem:$0x3FB3] =	sst s9;
	s0 =	simm.s32 @!p0 $0x0  }
0x12: {  	s1 =	sld [smem:$0x3F99];
	s0 =	simm.s32 @p0 $0x1  }
0x13: {  	[smem:$0x3FB4] =	sst s0;
	s0 =	simm.s32 @!p1 $0x0  }
0x14: {  	s2 =	sld [smem:$0x3F98];
	s0 =	simm.s32 @p1 $0x1  }
0x15: {  	[smem:$0x3FB5] =	sst s0;
	s0 =	simm.s32 @!p2 $0x0  }
0x16: {  	s3 =	sld [smem:$0x3FDB];
	s0 =	simm.s32 @p2 $0x1  }
0x17: {  	s4 =	simm.s32 $0x1BF5;
	[smem:$0x3FB7] =	sst s0  }
0x18: {  	s0 =	sld [smem:$0x3F9A];
	_ =	swait.ge [sflag:s4], $0x0  }
0x19: {  	s7 =	sld [smem:$0x3F9B]  }
0x1a: {  	s8 =	sadd.s32 $0xFFFFE003, lr  }
0x1b: {  	s9 =	sadd.s32 $0xFFFFFEF7, lr;
	s5 =	simm.s32 $0xFFFFFFFF;
	p2 =	slt.u32 s8, $0xFFFFF086  }
0x1c: {  	p1 =	slt.u32 s9, $0xF7A;
	s5 =	simm.s32 @!p2 $0x0  }
0x1d: {  	s5 =	simm.s32 @p1 $0x1;
	p0 =	seq.s32 s7, s2  }
0x1e: {  	s7 =	smul.u32 @!p0 $0xF7A, s2;
	p2 =	seq.s32 @!p0 s5, $0x0  }
0x1f: {  	s9 =	smul.u32 $0xF7A, s1;
	s8 =	simm.s32 @!p0 $0x1BF5;
	p2 =	por !p2, p0  }
0x20: {  	[sflag:s8] =	ssyncset.s32 @!p0 $0xFFFFF086;
	s6 =	sadd.s32 @!p0 s3, s7;
	s7 =	simm.s32 @!p0 $0x108  }
0x21: {  	s3 =	sadd.s32 s3, s9;
	s6 =	sadd.s32 @!p0 $0x88, s6;
	s7 =	simm.s32 @p2 $0x1082  }
0x22: {  	[simem:s7], [sflag:s8] =	dma.local @!p0 [hbm:s6], $0xF7A  }
0x23: {  	s9 =	sor.u32 $0xD0000000, s2;
	s6 =	simm.s32 $0x108;
	_ =	swait.ge @!p0 [sflag:s8], $0x0  }
0x24: {  	s3 =	sadd.s32 $0x88, s3;
	s6 =	simm.s32 @!p1 $0x1082;
	[sflag:s4] =	ssyncset.s32 $0xFFFFF086  }
0x25: {  	[simem:s6], [sflag:s4] =	dma.local [hbm:s3], $0xF7A  }
0x26: {  	[smem:$0x3F9B] =	sst s1;
	(tag) =	ssettag s2;
	_ =	strace s9  }
0x27: {  	s1 =	sld [smem:$0x3FAB]  }
0x28: {  	s2 =	sld [smem:$0x3FAC]  }
0x29: {  	s4 =	sld [smem:$0x3FAE]  }
0x2a: {  	p0 =	seq.s32 s5, $0x0;
	s5 =	sld [smem:$0x3FAF]  }
0x2b: {  	s6 =	sld [smem:$0x3FB0]  }
0x2c: {  	s7 =	sld [smem:$0x3FB1]  }
0x2d: {  	s3 =	simm.s32 $0x108;
	s8 =	sld [smem:$0x3FB2]  }
0x2e: {  	s3 =	simm.s32 @!p0 $0x1082;
	s9 =	sld [smem:$0x3FB3]  }
0x2f: {  	lr =	sadd.s32 s0, s3;
	s0 =	sld [smem:$0x3FAA]  }
0x30: {  	s3 =	sld [smem:$0x3FAD]  }
0x31: {  	[smem:$0x3FB6] =	sst s10  }
0x32: {  	s10 =	sld [smem:$0x3FB4];
	_ =	sdelay $0x3  }
0x33: {  	p0 =	seq.s32 s10, $0x1;
	s10 =	sld [smem:$0x3FB6];
	_ =	sdelay $0x3  }
0x34: {  	[smem:$0x3FB6] =	sst s10  }
0x35: {  	s10 =	sld [smem:$0x3FB5];
	_ =	sdelay $0x3  }
0x36: {  	p1 =	seq.s32 s10, $0x1;
	s10 =	sld [smem:$0x3FB6];
	_ =	sdelay $0x3  }
0x37: {  	[smem:$0x3FB6] =	sst s10  }
0x38: {  	s10 =	sld [smem:$0x3FB7]  }
0x39: {  	_ = 	snop;
	(pc) =	sbr.ind lr, $3  }
0x3a: {  	_ = 	snop  }
0x3b: {  	_ = 	snop  }
0x3c: {  	p2 =	seq.s32 s10, $0x1;
	s10 =	sld [smem:$0x3FB6]  }
0x3d: {  	_ =	shalt  }
0x3e: {  	_ =	shalt  }
0x3f: {  	_ =	shalt  }
0x40: {  	_ =	shalt  }
0x41: {  	_ =	shalt  }
0x42: {  	_ =	shalt  }
0x43: {  	_ =	shalt  }
0x44: {  	_ =	shalt  }
0x45: {  	_ =	shalt  }
0x46: {  	_ =	shalt  }
0x47: {  	_ =	shalt  }
0x48: {  	_ =	shalt  }
0x49: {  	_ =	shalt  }
0x4a: {  	_ =	shalt  }
0x4b: {  	_ =	shalt  }
0x4c: {  	_ =	shalt  }
0x4d: {  	_ =	shalt  }
0x4e: {  	_ =	shalt  }
0x4f: {  	_ =	shalt  }
0x50: {  	_ =	shalt  }
0x51: {  	_ =	shalt  }
0x52: {  	_ =	shalt  }
0x53: {  	_ =	shalt  }
0x54: {  	_ =	shalt  }
0x55: {  	_ =	shalt  }
0x56: {  	_ =	shalt  }
0x57: {  	_ =	shalt  }
0x58: {  	_ =	shalt  }
0x59: {  	_ =	shalt  }
0x5a: {  	_ =	shalt  }
0x5b: {  	_ =	shalt  }
0x5c: {  	_ =	shalt  }
0x5d: {  	_ =	shalt  }
0x5e: {  	_ =	shalt  }
0x5f: {  	_ =	shalt  }
0x60: {  	_ =	shalt  }
0x61: {  	_ =	shalt  }
0x62: {  	_ =	shalt  }
0x63: {  	_ =	shalt  }
0x64: {  	_ =	shalt  }
0x65: {  	_ =	shalt  }
0x66: {  	_ =	shalt  }
0x67: {  	_ =	shalt  }
0x68: {  	_ =	shalt  }
0x69: {  	_ =	shalt  }
0x6a: {  	_ =	shalt  }
0x6b: {  	_ =	shalt  }
0x6c: {  	_ =	shalt  }
0x6d: {  	_ =	shalt  }
0x6e: {  	_ =	shalt  }
0x6f: {  	_ =	shalt  }
0x70: {  	_ =	shalt  }
0x71: {  	_ =	shalt  }
0x72: {  	_ =	shalt  }
0x73: {  	_ =	shalt  }
0x74: {  	_ =	shalt  }
0x75: {  	_ =	shalt  }
0x76: {  	_ =	shalt  }
0x77: {  	_ =	shalt  }
0x78: {  	_ =	shalt  }
0x79: {  	_ =	shalt  }
0x7a: {  	_ =	shalt  }
0x7b: {  	_ =	shalt  }
0x7c: {  	_ =	shalt  }
0x7d: {  	_ =	shalt  }
0x7e: {  	_ =	shalt  }
0x7f: {  	_ =	shalt  }
0x80: {  	_ =	shalt  }
0x81: {  	_ =	shalt  }
0x82: {  	_ =	shalt  }
0x83: {  	_ =	shalt  }
0x84: {  	_ =	shalt  }
0x85: {  	_ =	shalt  }
0x86: {  	_ =	shalt  }
0x87: {  	_ =	shalt  }
.Lfunc_end0:
.L_simem_size_0:
called_computation_lowered:
.L_overlay_start_0:
0x88: {  	s2 =	sld [smem:$0x3FD9]  }
0x89: {  	s3 =	sld [smem:$0x3FFE];
	_ =	sdelay $0x1  }
0x8a: {  	s1 =	srdreg.scid  }
0x8b: {  	s0 =	sand.u32 $0x1, s1  }
0x8c: {  	s14 =	sshll.u32 s0, $0xA;
	s2 =	sadd.s32 s3, s2  }
0x8d: {  	s2 =	sadd.s32 s2, s14  }
0x8e: {  	[smem:$0x3FC2] =	sst s2  }
0x8f: {  	_ = 	snop  }
0x90: {  	s2 =	sld [smem:$0x3FD0];
	_ =	sdelay $0x2  }
0x91: {  	s4 =	simm.s32 $0xA;
	s5 =	simm.s32 $0x10;
	s15 =	sld [smem:$0x3FC8]  }
0x92: {  	[smem:s5], [sflag:s4] =	dma.local [hbm:s2], $0x1  }
0x93: {  	_ =	swait.eq [sflag:s4], $0x1  }
0x94: {  	[sflag:s4] =	ssyncset.done $0x0  }
0x95: {  	[sflag:s4] =	ssyncadd.s32 $0xFFFFFFFF  }
0x96: {  	s16 =	sld [smem:$0x10];
	(tm) =	ssettm $0x1  }
0x97: {  	s17 =	sld [smem:$0x3FFB];
	_ =	sdelay $0x3  }
0x98: {  	_ =	strace s17  }
0x99: {  	s4 =	sld [smem:$0x3FFC];
	_ =	sdelay $0x3  }
0x9a: {  	_ =	strace s4  }
0x9b: {  	s4 =	sld [smem:$0x3FFD];
	_ =	sdelay $0x3  }
0x9c: {  	_ =	strace s4  }
0x9d: {  	_ =	strace $0x8FFFFFFF  }
0x9e: {  	s18 =	sld [smem:$0x3FDB];
	_ =	sdelay $0x1  }
0x9f: {  	s19 =	simm.s32 $_scs_section_size  }
0xa0: {  	s6 =	simm.s32 $_size__tile_overlayer_lowered;
	s7 =	simm.s32 $_tile_overlayer_lowered  }
0xa1: {  	s22 =	simm.s32 $0x1BFF;
	s21 =	sshll.u32 s7, $0x1;
	s4 =	sadd.s32 s19, s18  }
0xa2: {  	s8 =	simm.s32 $0x0;
	s20 =	sshll.u32 s6, $0x1;
	s6 =	sadd.s32 s21, s4  }
0xa3: {  	[timem:s8], [sflag:s22] =	dma.local [hbm:s6], s20  }
0xa4: {  	_ =	swait.ge [sflag:s22], s20  }
0xa5: {  	s5 =	ssub.s32 $0x0, s20;
	[sflag:s22] =	ssyncset.done $0x0  }
0xa6: {  	[sflag:s22] =	ssyncadd.s32 s5;
	_ =	sdelay $0x1  }
0xa7: {  	s23 =	simm.s32 $0x1B8B  }
0xa8: {  	_ =	swait.ge [sflag:s23], $0x1  }
0xa9: {  	[sflag:s23] =	ssyncset.done $0x0  }
0xaa: {  	s25 =	simm.s32 $0x1B8E;
	s24 =	sld [smem:$0x3FFE];
	[sflag:s23] =	ssyncadd.s32 $0xFFFFFFFF  }
0xab: {  	s26 =	simm.s32 $execute0_lowered;
	[smem:$0x3FD2] =	sst s25  }
0xac: {  	s6 =	sshll.u32 s26, $0x1;
	_ =	strace $0x80000046;
	[dreg:$0x1] =	wrdreg $0xFFFFFFFF  }
0xad: {  	s28 =	simm.s32 $_size_execute0_lowered;
	s4 =	sadd.s32 s4, s6;
	[dreg:$0x0] =	wrdreg $0x0  }
0xae: {  	s6 =	sshll.u32 s28, $0x1;
	[dreg:$0x2] =	wrdreg s4  }
0xaf: {  	[dreg:$0x3] =	wrdreg s6  }
0xb0: {  	[dreg:$0x4] =	wrdreg $0xC0  }
0xb1: {  	_ =	task [dreg:s8], $0x5FFFF  }
0xb2: {  	[dreg:$0x1] =	wrdreg $0xFFFFFFFF  }
0xb3: {  	[dreg:$0x0] =	wrdreg $0x60  }
0xb4: {  	[dreg:$0x2] =	wrdreg s15  }
0xb5: {  	[dreg:$0x3] =	wrdreg s16  }
0xb6: {  	[dreg:$0x4] =	wrdreg s24  }
0xb7: {  	[dreg:$0x5] =	wrdreg $0x66800  }
0xb8: {  	[dreg:$0x6] =	wrdreg $0x9  }
0xb9: {  	_ =	task.clear_ibuf [dreg:s8], $0x7FFFF;
	_ =	strace $0x90000046  }
0xba: {  	s29 =	simm.s32 $0x9;
	_ =	strace $0x80000048  }
0xbb: {  	_ =	swait.ge [sflag:s29], $0x1  }
0xbc: {  	[sflag:s29] =	ssyncadd.s32 $0xFFFFFFFF  }
0xbd: {  	_ =	strace $0x90000048  }
0xbe: {  	_ =	sfence  }
0xbf: {  	s30 =	sld [smem:$0x0];
	_ =	sdelay $0x2  }
0xc0: {  	s31 =	sshll.u32 s1, $0xD;
	s1 =	sshrl.u32 s1, $0x2  }
0xc1: {  	s3 =	sand.u32 $0x4000, s31;
	s1 =	sadd.s32 s1, s30  }
0xc2: {  	s0 =	sor.u32 s3, s0;
	s1 =	sshll.u32 s1, $0x11  }
0xc3: {  	s0 =	sor.u32 s1, s0  }
0xc4: {  	s0 =	sadd.s32 $0x8F2B, s0  }
0xc5: {  	[sflag:s0] =	ssyncadd.remote.s32 $0x1  }
0xc6: {  	_ =	sfence.sel $0xFFFF  }
0xc7: {  	[dreg:$0x0] =	wrdreg $0xFFFFFFFF;
	(pc) =	sbr.abs _section_cstart, $3  }
0xc8: {  	[dreg:$0x1] =	wrdreg $0xFFFFFFFF  }
0xc9: {  	_ =	task.clear_ibuf [dreg:s8], $0x2FFFF;
	_ =	strace $0x9FFFFFFF  }
0xca: {  	(tm) =	ssettm $0x7FFFFFFF  }
0xcb: {  	_ =	shalt  }
tec
execute0_lowered:
.L_overlay_start_1:
0x0: {  	(tag) =	ssettag $0x1  }
0x1: {  	s4 =	rddreg [dreg:$0x0]  }
0x2: {  	s8 =	rddreg [dreg:$0x1]  }
0x3: {  	s0 =	srdreg.scid;
	s3 =	rddreg [dreg:$0x2]  }
0x4: {  	s6 =	rddreg [dreg:$0x3];
	s1 =	stileid.u32;
	s2 =	simm.s32 $0x0  }
0x5: {  	s15 =	simm.s32 $0x3E80;
	s5 =	sand.u32 $0x1, s0;
	s0 =	rddreg [dreg:$0x4]  }
0x6: {  	s16 =	simm.s32 $0x3C00;
	s17 =	simm.s32 $0x0;
	[smem:$0x7FF] =	sst s2  }
0x7: {  	s11 =	sshrl.u32 s1, $0x3;
	s13 =	sadd.s32 $0x3600, s3;
	s31 =	smul.u32 $0x5000, s1  }
0x8: {  	s30 =	sshll.u32 s1, $0x7;
	s14 =	smul.u32 $0x50, s1;
	s7 =	sshll.u32 s5, $0x4  }
0x9: {  	_ =	strace $0x80000047;
	s10 =	ssub.s32 $0x2, s5;
	s11 =	smul.u32 $0x50000, s11  }
0xa: {  	p0 =	seq.s32 s5, $0x1;
	s9 =	sor.u32 s1, s7;
	s12 =	sshrl.u32 s10, $0x1  }
0xb: {  	s8 =	smov.u32 @p0 s13;
	s13 =	simm.s32 $0x400;
	s7 =	smul.u32 $0x500, s9  }
0xc: {  	s10 =	ssub.s32 s10, s12;
	s11 =	sshrl.u32 s11, $0x2;
	s12 =	sshrl.u32 s31, $0x2  }
0xd: {  	s8 =	sadd.s32 s8, s14;
	p0 =	seq.s32 s9, $0x1F;
	s9 =	simm.s32 $0x80  }
0xe: {  	s14 =	simm.s32 $0x14000;
	s11 =	sadd.s32 s11, s6;
	s7 =	sadd.s32 s7, s4  }
0xf: {  	s6 =	sadd.s32 s12, s6;
	s3 =	sadd.s32 $0x10, s7;
	s7 =	sand.u32 $0x380, s30  }
0x10: {  	s12 =	simm.s32 $0x1400;
	s4 =	sadd.s32 $0x9B10, s4;
	s5 =	sadd.s32 s7, s11  }
0x11: {  	v0 =	vlaneseq.u32;
	v1 =	vimm.f32 $0.0e+00;
	v2 =	vimm.f32 $1.000000000e+00;
	s7 =	smax.u32 s10, $0x1;
	s10 =	simm.s32 $0x100;
	s11 =	simm.s32 $0x1  }
.LBB2_1:
.Ltmp0:
0x12: {  	(pc) =	sbr.rel @!p0 .LBB2_2-.Ltmp0, $1  }
0x13: {  	_ =	sdelay $0x3  }
0x14: {  	[tilespmem:s2], [sflag:$0x1] =	stream.strided.gather [hbm4b:s4+s9], $0x500, s10, s9, $0x38;
	[tilespmem:$0x8E80] =	vst v63  }
0x15: {  	s18 =	simm.s32 $0x500  }
0x16: {  	_ =	swait.ge [sflag:s11], $0x500;
	v3 =	vor.u32 s18, v0  }
0x17: {  	[sflag:s11] =	ssyncset.done $0x0;
	v3 =	vand.u32 $0x7F, v3  }
0x18: {  	[sflag:s11] =	ssyncadd.s32 $0xFFFFFB00;
	v3 =	vadd.s32 $0x2710, v3  }
0x19: {  	s19 =	simm.s32 $0x510;
	[tilespmem:s18+$0x0] =	vst v3  }
.LBB2_4:
0x1a: {  	p1 =	sne.s32 s19, $0x13F0  }
.Ltmp1:
0x1b: {  	_ = 	snop;
	(pc) =	sbr.rel @p1 .LBB2_4-.Ltmp1, $4  }
0x1c: {  	v3 =	vor.u32 s19, v0  }
0x1d: {  	v3 =	vand.u32 $0x7F, v3  }
0x1e: {  	s18 =	sadd.s32 $0x10, s18;
	v3 =	vadd.s32 $0x2710, v3  }
0x1f: {  	s19 =	sadd.s32 $0x10, s19;
	[tilespmem:s18+$0x0] =	vst v3  }
.Ltmp2:
0x20: {  	_ = 	snop;
	(pc) =	sbr.rel .LBB2_5-.Ltmp2, $1  }
0x21: {  	_ =	sdelay $0x3  }
.LBB2_2:
0x22: {  	[tilespmem:s2], [sflag:$0x1] =	stream.strided.gather [hbm4b:s3+s9], $0x1400, s10, s9, $0x38;
	[tilespmem:$0x8E80] =	vst v63  }
0x23: {  	_ =	swait.ge [sflag:s11], $0x1400  }
0x24: {  	[sflag:s11] =	ssyncset.done $0x0  }
0x25: {  	[sflag:s11] =	ssyncadd.s32 $0xFFFFEC00  }
.LBB2_5:
0x26: {  	s18 =	simm.s32 $0x40;
	s19 =	simm.s32 $0x0  }
.LBB2_6:
0x27: {  	p1 =	sne.s32 s18, $0x9FC0;
	[tilespmem:s19+$0x1400] =	vst v1;
	s19 =	smov.u32 s18;
	s18 =	sadd.s32 $0x40, s18  }
.Ltmp3:
0x28: {  	(pc) =	sbr.rel @p1 .LBB2_6-.Ltmp3, $2  }
0x29: {  	_ =	sdelay $0x2  }
0x2a: {  	s19 =	sshra.s32 s19, $0x2  }
0x2b: {  	[tilespmem:s19+$0x1400] =	vst v1;
	s19 =	simm.s32 $0x0;
	s18 =	simm.s32 $0x40  }
.LBB2_8:
0x2c: {  	p1 =	sne.s32 s18, $0x4FC0;
	v3 =	vld [tilespmem:s19+$0x0];
	_ =	sdelay $0x3  }
.Ltmp4:
0x2d: {  	(pc) =	sbr.rel @p1 .LBB2_8-.Ltmp4, $2  }
0x2e: {  	_ =	sdelay $0x2  }
0x2f: {  	s19 =	sshra.s32 s18, $0x2;
	s18 =	sadd.s32 $0x40, s18;
	[tilespmem:v3+s12+$0x0] =	vst.idx.add.f32.msk $0xffff, v2  }
0x30: {  	v3 =	vld [tilespmem:s19+$0x0];
	_ =	sdelay $0x7  }
0x31: {  	[tilespmem:v3+s12+$0x0] =	vst.idx.add.f32.msk $0xffff, v2  }
0x32: {  	[spmem:s5] =	stream.strided.scatter [tilespmem:s12], [sflag:$0x1], $0x2800, s13, s9, $0x38;
	[tilespmem:$0x8E80] =	vst v63  }
0x33: {  	_ =	swait.ge [sflag:s11], $0x2800  }
0x34: {  	[sflag:s11] =	ssyncset.done $0x0  }
0x35: {  	[sflag:s11] =	ssyncadd.s32 $0xFFFFD800  }
0x36: {  	[bflag:$0x0] =	sbarrier.arrive $0xFFFF  }
0x37: {  	[tilespmem:s15], [sflag:$0x1] =	stream.strided.gather [spmem:s6], $0x2800, s14, s12, $0x38;
	[tilespmem:$0x8E80] =	vst v63  }
0x38: {  	s18 =	simm.s32 $0x0;
	_ =	swait.ge [sflag:s11], $0x2800  }
0x39: {  	s30 =	sand.u32 $0x70, s18;
	s18 =	sand.u32 $0x1C00, s18;
	[sflag:s11] =	ssyncset.done $0x0  }
0x3a: {  	s18 =	sor.u32 s30, s18;
	[sflag:s11] =	ssyncadd.s32 $0xFFFFD800  }
0x3b: {  	v3 =	vld [tilespmem:s18+$0x3F00]  }
0x3c: {  	v4 =	vld [tilespmem:s18+$0x3E80];
	_ =	sdelay $0x1  }
0x3d: {  	v5 =	vld [tilespmem:s18+$0x3F80];
	_ =	sdelay $0x1  }
0x3e: {  	v6 =	vld [tilespmem:s18+$0x4000]  }
0x3f: {  	v3 =	vadd.f32 v3, v4  }
0x40: {  	v52 =	vld [tilespmem:s18+$0x4080]  }
0x41: {  	v3 =	vadd.f32 v5, v3  }
0x42: {  	v53 =	vld [tilespmem:s18+$0x4100]  }
0x43: {  	v3 =	vadd.f32 v6, v3  }
0x44: {  	v54 =	vld [tilespmem:s18+$0x4180]  }
0x45: {  	v3 =	vadd.f32 v52, v3  }
0x46: {  	v55 =	vld [tilespmem:s18+$0x4200]  }
0x47: {  	v3 =	vadd.f32 v53, v3  }
0x48: {  	v56 =	vld [tilespmem:s18+$0x5280]  }
0x49: {  	v3 =	vadd.f32 v54, v3  }
0x4a: {  	v57 =	vld [tilespmem:s18+$0x5300]  }
0x4b: {  	v3 =	vadd.f32 v55, v3  }
0x4c: {  	v58 =	vld [tilespmem:s18+$0x5380]  }
0x4d: {  	v3 =	vadd.f32 v56, v3  }
0x4e: {  	v59 =	vld [tilespmem:s18+$0x5400]  }
0x4f: {  	v3 =	vadd.f32 v57, v3  }
0x50: {  	v60 =	vld [tilespmem:s18+$0x5480]  }
0x51: {  	v3 =	vadd.f32 v58, v3  }
0x52: {  	v61 =	vld [tilespmem:s18+$0x5500]  }
0x53: {  	v3 =	vadd.f32 v59, v3  }
0x54: {  	v62 =	vld [tilespmem:s18+$0x5580]  }
0x55: {  	v3 =	vadd.f32 v60, v3  }
0x56: {  	v63 =	vld [tilespmem:s18+$0x5600]  }
0x57: {  	v3 =	vadd.f32 v61, v3;
	_ =	sdelay $0x1  }
0x58: {  	v3 =	vadd.f32 v62, v3;
	_ =	sdelay $0x1  }
0x59: {  	s31 =	simm.s32 $0x10;
	s20 =	simm.s32 $0x80;
	v3 =	vadd.f32 v63, v3  }
0x5a: {  	s19 =	sand.u32 $0x70, s31;
	s21 =	sand.u32 $0x1C00, s20;
	s18 =	simm.s32 $0x3C00  }
0x5b: {  	s19 =	sor.u32 s19, s21;
	s21 =	simm.s32 $0x20;
	[tilespmem:s18+$0x0] =	vst v3  }
.LBB2_10:
0x5c: {  	p1 =	sne.s32 s21, $0x270;
	v3 =	vld [tilespmem:s19+$0x3F00]  }
0x5d: {  	v4 =	vld [tilespmem:s19+$0x3E80];
	_ =	sdelay $0x1  }
0x5e: {  	v5 =	vld [tilespmem:s19+$0x3F80];
	_ =	sdelay $0x1  }
0x5f: {  	v6 =	vld [tilespmem:s19+$0x4000]  }
0x60: {  	v3 =	vadd.f32 v3, v4  }
0x61: {  	v4 =	vld [tilespmem:s19+$0x4080]  }
0x62: {  	v3 =	vadd.f32 v5, v3  }
0x63: {  	v5 =	vld [tilespmem:s19+$0x4100]  }
0x64: {  	v3 =	vadd.f32 v6, v3  }
0x65: {  	v6 =	vld [tilespmem:s19+$0x4180]  }
0x66: {  	v3 =	vadd.f32 v4, v3  }
0x67: {  	v4 =	vld [tilespmem:s19+$0x4200]  }
0x68: {  	v3 =	vadd.f32 v5, v3  }
0x69: {  	v5 =	vld [tilespmem:s19+$0x5280]  }
0x6a: {  	v3 =	vadd.f32 v6, v3  }
0x6b: {  	v6 =	vld [tilespmem:s19+$0x5300]  }
0x6c: {  	v3 =	vadd.f32 v4, v3  }
0x6d: {  	v4 =	vld [tilespmem:s19+$0x5380]  }
0x6e: {  	v3 =	vadd.f32 v5, v3  }
0x6f: {  	v5 =	vld [tilespmem:s19+$0x5400]  }
0x70: {  	v3 =	vadd.f32 v6, v3  }
0x71: {  	v6 =	vld [tilespmem:s19+$0x5480]  }
0x72: {  	v3 =	vadd.f32 v4, v3  }
0x73: {  	v4 =	vld [tilespmem:s19+$0x5500]  }
0x74: {  	v3 =	vadd.f32 v5, v3  }
0x75: {  	v5 =	vld [tilespmem:s19+$0x5580]  }
0x76: {  	v3 =	vadd.f32 v6, v3  }
0x77: {  	v6 =	vld [tilespmem:s19+$0x5600]  }
0x78: {  	v3 =	vadd.f32 v4, v3;
	_ =	sdelay $0x1  }
.Ltmp5:
0x79: {  	v3 =	vadd.f32 v5, v3;
	(pc) =	sbr.rel @p1 .LBB2_10-.Ltmp5, $4  }
0x7a: {  	_ = 	snop  }
0x7b: {  	s20 =	sadd.s32 $0x80, s20;
	v3 =	vadd.f32 v6, v3  }
0x7c: {  	s18 =	sadd.s32 $0x10, s18;
	s22 =	sand.u32 $0x1C00, s20;
	s19 =	sand.u32 $0x70, s21  }
0x7d: {  	s21 =	sadd.s32 $0x10, s21;
	s19 =	sor.u32 s19, s22;
	[tilespmem:s18+$0x0] =	vst v3  }
0x7e: {  	v3 =	vld [tilespmem:s19+$0x3F00]  }
0x7f: {  	v4 =	vld [tilespmem:s19+$0x3E80];
	_ =	sdelay $0x1  }
0x80: {  	v5 =	vld [tilespmem:s19+$0x3F80];
	_ =	sdelay $0x1  }
0x81: {  	v6 =	vld [tilespmem:s19+$0x4000]  }
0x82: {  	v3 =	vadd.f32 v3, v4  }
0x83: {  	v52 =	vld [tilespmem:s19+$0x4080]  }
0x84: {  	v3 =	vadd.f32 v5, v3  }
0x85: {  	v53 =	vld [tilespmem:s19+$0x4100]  }
0x86: {  	v3 =	vadd.f32 v6, v3  }
0x87: {  	v54 =	vld [tilespmem:s19+$0x4180]  }
0x88: {  	v3 =	vadd.f32 v52, v3  }
0x89: {  	v55 =	vld [tilespmem:s19+$0x4200]  }
0x8a: {  	v3 =	vadd.f32 v53, v3  }
0x8b: {  	v56 =	vld [tilespmem:s19+$0x5280]  }
0x8c: {  	v3 =	vadd.f32 v54, v3  }
0x8d: {  	v57 =	vld [tilespmem:s19+$0x5300]  }
0x8e: {  	v3 =	vadd.f32 v55, v3  }
0x8f: {  	v58 =	vld [tilespmem:s19+$0x5380]  }
0x90: {  	v3 =	vadd.f32 v56, v3  }
0x91: {  	v59 =	vld [tilespmem:s19+$0x5400]  }
0x92: {  	v3 =	vadd.f32 v57, v3  }
0x93: {  	v60 =	vld [tilespmem:s19+$0x5480]  }
0x94: {  	v3 =	vadd.f32 v58, v3  }
0x95: {  	v61 =	vld [tilespmem:s19+$0x5500]  }
0x96: {  	v3 =	vadd.f32 v59, v3  }
0x97: {  	v62 =	vld [tilespmem:s19+$0x5580]  }
0x98: {  	v3 =	vadd.f32 v60, v3  }
0x99: {  	v63 =	vld [tilespmem:s19+$0x5600]  }
0x9a: {  	v3 =	vadd.f32 v61, v3;
	_ =	sdelay $0x1  }
0x9b: {  	v3 =	vadd.f32 v62, v3;
	_ =	sdelay $0x1  }
0x9c: {  	s17 =	sadd.s32 $0x1, s17;
	v3 =	vadd.f32 v63, v3  }
0x9d: {  	s18 =	sadd.s32 $0x10, s18;
	p1 =	sne.s32 s17, s7  }
.Ltmp6:
0x9e: {  	[tilespmem:s18+$0x0] =	vst v3;
	(pc) =	sbr.rel @p1 .LBB2_1-.Ltmp6, $4  }
0x9f: {  	[hbm4b:s8+s2] =	stream.linear.scatter [tilespmem:s16], [sflag:$0x1], $0x280, $0x38;
	[tilespmem:$0x8E80] =	vst v63  }
0xa0: {  	_ =	swait.ge [sflag:s11], $0x280  }
0xa1: {  	[sflag:s11] =	ssyncset.done $0x0  }
0xa2: {  	[sflag:s11] =	ssyncadd.s32 $0xFFFFFD80  }
0xa3: {  	_ =	sfence.sel $0x180000  }
0xa4: {  	[bflag:$0x0] =	sbarrier.arrive $0xFFFF  }
0xa5: {  	p0 =	sne.s32 s1, $0x0;
	_ =	strace $0x90000047  }
0xa6: {  	s0 =	sadd.s32 @!p0 $0x100000, s0;
	[bflag:$0x2] =	sbarrier.arrive $0xFFFF  }
0xa7: {  	[sflag:s0] =	ssyncadd.tile.s32 @!p0 $0x1;
	_ =	shalt  }
.Lfunc_end2:
_tile_overlayer_lowered:
.L_overlay_start_2:
0xa8: {  	(tag) =	ssettag $0x2  }
0xa9: {  	s0 =	rddreg [dreg:$0x0];
	s2 =	stileid.u32  }
0xaa: {  	s1 =	rddreg [dreg:$0x1];
	p0 =	sne.s32 s2, $0x0  }
0xab: {  	s3 =	rddreg [dreg:$0x2];
	[bflag:$0x3] =	sbarrier.arrive $0xFFFF;
	s2 =	simm.s32 @!p0 $0x1C01  }
0xac: {  	[timem:s3], [sflag:s2] =	dma.local @!p0 [hbm:s0], s1  }
0xad: {  	s0 =	simm.s32 @!p0 $0x1  }
0xae: {  	_ =	swait.ge @!p0 [sflag:s0], s1  }
0xaf: {  	s1 =	ssub.s32 @!p0 $0x0, s1;
	[sflag:s0] =	ssyncset.done @!p0 $0x0  }
0xb0: {  	[sflag:s0] =	ssyncadd.s32 @!p0 s1  }
0xb1: {  	[bflag:$0x3] =	sbarrier.arrive $0xFFFF  }
0xb2: {  	_ =	shalt  }

</sc_bundles>
